<compile_context>
chip_gen: v7x
topology: tpu7x:2x2x1
jax: 0.10.2.dev20260603
libtpu: 0.0.44.dev20260713+nightly
codegen_flags: <defaults>
</compile_context>

<pallas_src>
import functools

import jax
import jax.numpy as jnp
from jax import lax
from jax.experimental import pallas as pl
from jax.experimental.pallas import tpu as pltpu
from jax.experimental.pallas import tpu_sc as plsc

N = 10000
E = 320000
D_IN = 128
D_H = 256
N_CLS = 40

NP = 10240
K = 128
NC = 2
NS = 16
NW = NC * NS
CPW = 80
NCHUNK = NW * CPW
EP = NCHUNK * K
RT = NP // NS

NBUF = 2
NRING = 4

_mesh = plsc.VectorSubcoreMesh(core_axis_name="c", subcore_axis_name="s")


def _sc_degrees(src2d, dst2d, zeros_np):

    @functools.partial(
        pl.kernel,
        out_type=jax.ShapeDtypeStruct((NC, 2 * NP), jnp.float32),
        mesh=_mesh,
        scratch_types=[
            pltpu.VMEM((CPW, K), jnp.int32),
            pltpu.VMEM((CPW, K), jnp.int32),
            pltpu.VMEM((K,), jnp.float32),
            pltpu.VMEM_SHARED((NP,), jnp.float32),
            pltpu.VMEM_SHARED((NP,), jnp.float32),
        ],
    )
    def deg_kernel(src_hbm, dst_hbm, zeros_hbm, out_hbm,
                   src_v, dst_v, ones_v, do_sh, di_sh):
        cid = lax.axis_index("c")
        sid = lax.axis_index("s")
        wid = sid * NC + cid
        for i in range(K // 16):
            ones_v[pl.ds(i * 16, 16)] = jnp.ones((16,), jnp.float32)
        r0 = sid * RT
        pltpu.sync_copy(zeros_hbm.at[pl.ds(r0, RT)], do_sh.at[pl.ds(r0, RT)])
        pltpu.sync_copy(zeros_hbm.at[pl.ds(r0, RT)], di_sh.at[pl.ds(r0, RT)])
        base = wid * CPW
        pltpu.sync_copy(src_hbm.at[pl.ds(base, CPW)], src_v)
        pltpu.sync_copy(dst_hbm.at[pl.ds(base, CPW)], dst_v)
        plsc.subcore_barrier()

        def body(j, carry):
            pltpu.sync_copy(ones_v, do_sh.at[src_v.at[j]], add=True)
            pltpu.sync_copy(ones_v, di_sh.at[dst_v.at[j]], add=True)
            return carry

        lax.fori_loop(0, CPW, body, 0)
        plsc.subcore_barrier()
        pltpu.sync_copy(do_sh.at[pl.ds(r0, RT)],
                        out_hbm.at[cid, pl.ds(r0, RT)])
        pltpu.sync_copy(di_sh.at[pl.ds(r0, RT)],
                        out_hbm.at[cid, pl.ds(NP + r0, RT)])

    return deg_kernel(src2d, dst2d, zeros_np)


def _sc_aggregate(t, src2d, dst2d, zeros_nd, c0):
    D = t.shape[1]
    c1 = NCHUNK // NS - c0
    assert c0 % NRING == 0 and c1 % NRING == 0 and c1 >= NRING

    @functools.partial(
        pl.kernel,
        out_type=jax.ShapeDtypeStruct((NC, NP, D), jnp.float32),
        mesh=_mesh,
        compiler_params=pltpu.CompilerParams(use_tc_tiling_on_sc=False),
        scratch_types=[
            pltpu.VMEM((NRING, K), jnp.int32),
            pltpu.VMEM((max(c0, c1), K), jnp.int32),
            pltpu.VMEM((NBUF, K, D), jnp.float32),
            pltpu.VMEM_SHARED((NP, D), jnp.float32),
        ] + [pltpu.SemaphoreType.DMA] * (NBUF + NRING),
    )
    def agg_kernel(t_hbm, src_hbm, dst_hbm, zeros_hbm, out_hbm,
                   sring, dst_v, rows_v, acc_sh, *sems):
        gs = sems[:NBUF]
        isem = sems[NBUF:]
        cid = lax.axis_index("c")
        sid = lax.axis_index("s")
        r0 = sid * RT
        pltpu.sync_copy(zeros_hbm.at[pl.ds(r0, RT)], acc_sh.at[pl.ds(r0, RT)])
        ct = jnp.where(cid == 0, c0, c1)
        base = jnp.where(cid == 0, sid * c0, NS * c0 + sid * c1)

        @pl.when(cid == 0)
        def _():
            pltpu.sync_copy(dst_hbm.at[pl.ds(sid * c0, c0)],
                            dst_v.at[pl.ds(0, c0)])

        @pl.when(cid == 1)
        def _():
            pltpu.sync_copy(dst_hbm.at[pl.ds(NS * c0 + sid * c1, c1)],
                            dst_v.at[pl.ds(0, c1)])

        for r in range(NRING):
            pltpu.async_copy(src_hbm.at[base + r], sring.at[r], isem[r])
        plsc.subcore_barrier()

        for m in range(NBUF):
            pltpu.make_async_copy(src_hbm.at[base + m], sring.at[m],
                                  isem[m]).wait()
            pltpu.async_copy(t_hbm.at[sring.at[m]], rows_v.at[m], gs[m])

        def body(i, carry):
            j0 = i * NRING
            for s in range(NRING):
                j = j0 + s
                rb = s % NBUF
                pltpu.make_async_copy(t_hbm.at[sring.at[s]],
                                      rows_v.at[rb], gs[rb]).wait()
                pltpu.sync_copy(rows_v.at[rb], acc_sh.at[dst_v.at[j]],
                                add=True)

                @pl.when(j + NBUF < ct)
                def _(s=s, j=j, rb=rb):
                    rn = (s + NBUF) % NRING
                    pltpu.make_async_copy(src_hbm.at[base + j + NBUF],
                                          sring.at[rn], isem[rn]).wait()
                    pltpu.async_copy(t_hbm.at[sring.at[rn]],
                                     rows_v.at[rb], gs[rb])

                @pl.when(j + NRING < ct)
                def _(s=s, j=j):
                    pltpu.async_copy(src_hbm.at[base + j + NRING],
                                     sring.at[s], isem[s])
            return carry

        lax.fori_loop(0, ct // NRING, body, 0)
        plsc.subcore_barrier()
        pltpu.sync_copy(acc_sh.at[pl.ds(r0, RT)],
                        out_hbm.at[cid, pl.ds(r0, RT)])

    return agg_kernel(t, src2d, dst2d, zeros_nd)


def _tc_prescale(x, deg4):

    def body(x_ref, deg_ref, t_ref, ns_ref, nd_ref):
        d = deg_ref[...]
        d_out = d[0, :N] + d[2, :N]
        d_in = d[1, :N] + d[3, :N]
        ns = jnp.where(d_out > 0, lax.rsqrt(jnp.maximum(d_out, 1e-12)), 0.0)
        nd = jnp.where(d_in > 0, lax.rsqrt(jnp.maximum(d_in, 1e-12)), 0.0)
        t_ref[:N, :] = x_ref[...] * ns[:, None]
        t_ref[N:, :] = jnp.zeros((NP - N, D_IN), jnp.float32)
        ns_ref[:N, :] = ns[:, None]
        ns_ref[N:, :] = jnp.zeros((NP - N, 1), jnp.float32)
        nd_ref[:N, :] = nd[:, None]
        nd_ref[N:, :] = jnp.zeros((NP - N, 1), jnp.float32)

    return pl.pallas_call(
        body,
        out_shape=[
            jax.ShapeDtypeStruct((NP, D_IN), jnp.float32),
            jax.ShapeDtypeStruct((NP, 1), jnp.float32),
            jax.ShapeDtypeStruct((NP, 1), jnp.float32),
        ],
    )(x, deg4)


_BR = 1024


def _tc_dense(u, ns, nd, W1, b1, W2):

    def body(u_ref, ns_ref, nd_ref, w1_ref, b1_ref, w2_ref, z_ref):
        agg = (u_ref[0] + u_ref[1]) * nd_ref[...]
        h = jnp.dot(agg, w1_ref[...], preferred_element_type=jnp.float32)
        h = jnp.maximum(h + b1_ref[...], 0.0) * ns_ref[...]
        z_ref[...] = jnp.dot(h, w2_ref[...],
                             preferred_element_type=jnp.float32)

    return pl.pallas_call(
        body,
        grid=(NP // _BR,),
        in_specs=[
            pl.BlockSpec((NC, _BR, D_IN), lambda i: (0, i, 0)),
            pl.BlockSpec((_BR, 1), lambda i: (i, 0)),
            pl.BlockSpec((_BR, 1), lambda i: (i, 0)),
            pl.BlockSpec((D_IN, D_H), lambda i: (0, 0)),
            pl.BlockSpec((1, D_H), lambda i: (0, 0)),
            pl.BlockSpec((D_H, N_CLS), lambda i: (0, 0)),
        ],
        out_specs=pl.BlockSpec((_BR, N_CLS), lambda i: (i, 0)),
        out_shape=jax.ShapeDtypeStruct((NP, N_CLS), jnp.float32),
    )(u, ns, nd, W1, b1, W2)


def _tc_final(v, nd, b2):

    def body(v_ref, nd_ref, b2_ref, o_ref):
        o_ref[...] = (v_ref[0] + v_ref[1]) * nd_ref[...] + b2_ref[...]

    BR = 1000
    return pl.pallas_call(
        body,
        grid=(N // BR,),
        in_specs=[
            pl.BlockSpec((NC, BR, N_CLS), lambda i: (0, i, 0)),
            pl.BlockSpec((BR, 1), lambda i: (i, 0)),
            pl.BlockSpec((1, N_CLS), lambda i: (0, 0)),
        ],
        out_specs=pl.BlockSpec((BR, N_CLS), lambda i: (i, 0)),
        out_shape=jax.ShapeDtypeStruct((N, N_CLS), jnp.float32),
    )(v, nd, b2)


def kernel(x, edge_index, W1, b1, W2, b2):
    pad = jnp.full((2, EP - E), N, dtype=jnp.int32)
    ei = jnp.concatenate([edge_index, pad], axis=1)
    src2d = ei[0].reshape(NCHUNK, K)
    dst2d = ei[1].reshape(NCHUNK, K)
    zeros1 = jnp.zeros((NP,), jnp.float32)
    zeros_din = jnp.zeros((NP, D_IN), jnp.float32)
    zeros_cls = jnp.zeros((NP, N_CLS), jnp.float32)

    deg = _sc_degrees(src2d, dst2d, zeros1)
    deg4 = deg.reshape(NC * 2, NP)
    t, ns, nd = _tc_prescale(x, deg4)
    u = _sc_aggregate(t, src2d, dst2d, zeros_din, 120)
    z = _tc_dense(u, ns, nd, W1, b1.reshape(1, D_H), W2)
    v = _sc_aggregate(z, src2d, dst2d, zeros_cls, 112)
    return _tc_final(v, nd, b2.reshape(1, N_CLS))

# --- scband reference (transcript-rebuilt; emitter-appended) ---
"""Pipeline reference for scband-net-26740466385314 (READ-ONLY COPY).

The authoritative reference and input builder live on the scoring server;
editing this copy changes nothing except your own understanding.
"""

import jax, jax.numpy as jnp
import numpy as np

N = 10000
E = 320000
D_IN = 128
D_H = 256
N_CLS = 40


def setup_inputs(seed: int = 0) -> dict:
    key = jax.random.key(seed)
    k1, k2, k3, k4 = jax.random.split(key, 4)
    x = jax.random.normal(k1, (N, D_IN), dtype=jnp.float32)
    edge_index = jax.random.randint(k2, (2, E), 0, N, dtype=jnp.int32)
    W1 = jax.random.normal(k3, (D_IN, D_H), dtype=jnp.float32) * (1.0 / np.sqrt(D_IN))
    b1 = jnp.zeros((D_H,), dtype=jnp.float32)
    W2 = jax.random.normal(k4, (D_H, N_CLS), dtype=jnp.float32) * (1.0 / np.sqrt(D_H))
    b2 = jnp.zeros((N_CLS,), dtype=jnp.float32)
    return {"x": x, "edge_index": edge_index, "W1": W1, "b1": b1, "W2": W2, "b2": b2}


def _graph_conv(h, src, dst, norm_src, norm_dst, W, b):
    # DGL GraphConv with norm='both': D^{-1/2} A D^{-1/2} X W + b
    h = h * norm_src[:, None]
    h = h @ W
    msg = jnp.take(h, src, axis=0)
    agg = jax.ops.segment_sum(msg, dst, num_segments=N)
    agg = agg * norm_dst[:, None]
    return agg + b


def reference(x, edge_index, W1, b1, W2, b2):
    src = edge_index[0]
    dst = edge_index[1]
    ones = jnp.ones((src.shape[0],), dtype=jnp.float32)
    deg_out = jax.ops.segment_sum(ones, src, num_segments=N)
    deg_in = jax.ops.segment_sum(ones, dst, num_segments=N)
    norm_src = jnp.where(deg_out > 0, jax.lax.rsqrt(jnp.maximum(deg_out, 1e-12)), 0.0)
    norm_dst = jnp.where(deg_in > 0, jax.lax.rsqrt(jnp.maximum(deg_in, 1e-12)), 0.0)
    h = _graph_conv(x, src, dst, norm_src, norm_dst, W1, b1)
    h = jax.nn.relu(h)
    h = _graph_conv(h, src, dst, norm_src, norm_dst, W2, b2)
    return h

if __name__ == "__main__":
    import jax
    _d = setup_inputs()
    print(jax.jit(kernel)(*tuple(_d.values())))

</pallas_src>

<mosaic_0001>
#map = affine_map<(d0, d1) -> (0, 0)>
#map1 = affine_map<(d0, d1) -> (0, 0, 0)>
module attributes {stable_mosaic.version = 14 : i64} {
  func.func @agg_kernel(%arg0: i32, %arg1: i32, %arg2: memref<10240x40xf32, #tpu.memory_space<hbm>>, %arg3: memref<2560x128xi32, #tpu.memory_space<hbm>>, %arg4: memref<2560x128xi32, #tpu.memory_space<hbm>>, %arg5: memref<10240x40xf32, #tpu.memory_space<hbm>>, %arg6: memref<2x10240x40xf32, #tpu.memory_space<hbm>>, %arg7: memref<4x128xi32, #tpu.memory_space<vmem>>, %arg8: memref<112x128xi32, #tpu.memory_space<vmem>>, %arg9: memref<2x128x40xf32, #tpu.memory_space<vmem>>, %arg10: memref<10240x40xf32, #tpu.memory_space<vmem_shared>>, %arg11: memref<!tpu.dma_semaphore, #tpu.memory_space<semaphore_mem>>, %arg12: memref<!tpu.dma_semaphore, #tpu.memory_space<semaphore_mem>>, %arg13: memref<!tpu.dma_semaphore, #tpu.memory_space<semaphore_mem>>, %arg14: memref<!tpu.dma_semaphore, #tpu.memory_space<semaphore_mem>>, %arg15: memref<!tpu.dma_semaphore, #tpu.memory_space<semaphore_mem>>, %arg16: memref<!tpu.dma_semaphore, #tpu.memory_space<semaphore_mem>>) attributes {dimension_semantics = [#tpu.dimension_semantics<core_parallel>, #tpu.dimension_semantics<subcore_parallel>], iteration_bounds = array<i64: 2, 16>, scalar_prefetch = 0 : i64, scratch_operands = 10 : i64, tpu.core_type = #tpu.core_type<sc_vector_subcore>, window_params = [{transform_indices = #map}, {transform_indices = #map}, {transform_indices = #map}, {transform_indices = #map}, {transform_indices = #map1}]} {
    %mul3A = arith.constant 640 : i32
    %mul3A_0 = arith.muli %arg1, %mul3A : i32
    "tpu.region"() ({
      %run_scoped3A = tpu.sem_alloc : memref<!tpu.dma_semaphore, #tpu.memory_space<semaphore_mem>>
      %dma_start3A_159 = arith.constant 0 : i32
      %dma_start3A_160 = tpu.memref_slice %arg10[%mul3A_0, %dma_start3A_159] : memref<10240x40xf32, #tpu.memory_space<vmem_shared>> -> memref<640x40xf32, #tpu.memory_space<vmem_shared>>
      %dma_start3A_161 = arith.constant 0 : i32
      %dma_start3A_162 = tpu.memref_slice %arg5[%mul3A_0, %dma_start3A_161] : memref<10240x40xf32, #tpu.memory_space<hbm>> -> memref<640x40xf32, #tpu.memory_space<hbm>>
      tpu.enqueue_dma source(%dma_start3A_162 : memref<640x40xf32, #tpu.memory_space<hbm>>) target(%dma_start3A_160 : memref<640x40xf32, #tpu.memory_space<vmem_shared>>) target_semaphore(%run_scoped3A : memref<!tpu.dma_semaphore, #tpu.memory_space<semaphore_mem>>)
      %dma_wait3A_163 = arith.constant 0 : i32
      %dma_wait3A_164 = tpu.memref_slice %arg10[%mul3A_0, %dma_wait3A_163] : memref<10240x40xf32, #tpu.memory_space<vmem_shared>> -> memref<640x40xf32, #tpu.memory_space<vmem_shared>>
      %dma_wait3A_165 = arith.constant 0 : i32
      %dma_wait3A_166 = tpu.memref_slice %arg5[%mul3A_0, %dma_wait3A_165] : memref<10240x40xf32, #tpu.memory_space<hbm>> -> memref<640x40xf32, #tpu.memory_space<hbm>>
      tpu.wait_dma2 semaphore(%run_scoped3A : memref<!tpu.dma_semaphore, #tpu.memory_space<semaphore_mem>>) src(%dma_wait3A_166 : memref<640x40xf32, #tpu.memory_space<hbm>>) dst(%dma_wait3A_164 : memref<640x40xf32, #tpu.memory_space<vmem_shared>>)
      tpu.yield
    }) : () -> ()
    %eq3A = arith.constant 0 : i32
    %eq3A_1 = arith.cmpi eq, %arg0, %eq3A : i32
    %jit3A = arith.constant 112 : i32
    %jit3A_2 = arith.constant 48 : i32
    %select_n3A = arith.select %eq3A_1, %jit3A, %jit3A_2 : i32
    %eq3A_3 = arith.constant 0 : i32
    %eq3A_4 = arith.cmpi eq, %arg0, %eq3A_3 : i32
    %mul3A_5 = arith.constant 112 : i32
    %mul3A_6 = arith.muli %arg1, %mul3A_5 : i32
    %mul3A_7 = arith.constant 48 : i32
    %mul3A_8 = arith.muli %arg1, %mul3A_7 : i32
    %add3A = arith.constant 1792 : i32
    %add3A_9 = arith.addi %add3A, %mul3A_8 : i32
    %select_n3A_10 = arith.select %eq3A_4, %mul3A_6, %add3A_9 : i32
    %eq3A_11 = arith.constant 0 : i32
    %eq3A_12 = arith.cmpi eq, %arg0, %eq3A_11 : i32
    %convert_element_type3A = arith.extui %eq3A_12 : i1 to i32
    %cond3A = arith.constant 0 : i32
    %cond3A_13 = arith.cmpi ne, %convert_element_type3A, %cond3A : i32
    scf.if %cond3A_13 {
      %mul3A_159 = arith.constant 112 : i32
      %mul3A_160 = arith.muli %arg1, %mul3A_159 : i32
      "tpu.region"() ({
        %run_scoped3A = tpu.sem_alloc : memref<!tpu.dma_semaphore, #tpu.memory_space<semaphore_mem>>
        %dma_start3A_161 = arith.constant 0 : i32
        %dma_start3A_162 = arith.constant 0 : i32
        %dma_start3A_163 = tpu.memref_slice %arg8[%dma_start3A_161, %dma_start3A_162] : memref<112x128xi32, #tpu.memory_space<vmem>> -> memref<112x128xi32, #tpu.memory_space<vmem>>
        %dma_start3A_164 = arith.constant 0 : i32
        %dma_start3A_165 = tpu.memref_slice %arg4[%mul3A_160, %dma_start3A_164] : memref<2560x128xi32, #tpu.memory_space<hbm>> -> memref<112x128xi32, #tpu.memory_space<hbm>>
        %dma_start3A_166 = arith.constant 0 : i32
        %dma_start3A_167 = arith.constant 0 : i32
        %dma_start3A_168 = tpu.memref_slice %arg8[%dma_start3A_166, %dma_start3A_167] : memref<112x128xi32, #tpu.memory_space<vmem>> -> memref<112x128xi32, #tpu.memory_space<vmem>>
        %dma_start3A_169 = arith.constant 0 : i32
        %dma_start3A_170 = tpu.memref_slice %arg4[%mul3A_160, %dma_start3A_169] : memref<2560x128xi32, #tpu.memory_space<hbm>> -> memref<112x128xi32, #tpu.memory_space<hbm>>
        tpu.enqueue_dma source(%dma_start3A_170 : memref<112x128xi32, #tpu.memory_space<hbm>>) target(%dma_start3A_168 : memref<112x128xi32, #tpu.memory_space<vmem>>) target_semaphore(%run_scoped3A : memref<!tpu.dma_semaphore, #tpu.memory_space<semaphore_mem>>)
        %dma_wait3A_171 = arith.constant 0 : i32
        %dma_wait3A_172 = arith.constant 0 : i32
        %dma_wait3A_173 = tpu.memref_slice %arg8[%dma_wait3A_171, %dma_wait3A_172] : memref<112x128xi32, #tpu.memory_space<vmem>> -> memref<112x128xi32, #tpu.memory_space<vmem>>
        %dma_wait3A_174 = arith.constant 0 : i32
        %dma_wait3A_175 = tpu.memref_slice %arg4[%mul3A_160, %dma_wait3A_174] : memref<2560x128xi32, #tpu.memory_space<hbm>> -> memref<112x128xi32, #tpu.memory_space<hbm>>
        %dma_wait3A_176 = arith.constant 0 : i32
        %dma_wait3A_177 = arith.constant 0 : i32
        %dma_wait3A_178 = tpu.memref_slice %arg8[%dma_wait3A_176, %dma_wait3A_177] : memref<112x128xi32, #tpu.memory_space<vmem>> -> memref<112x128xi32, #tpu.memory_space<vmem>>
        %dma_wait3A_179 = arith.constant 0 : i32
        %dma_wait3A_180 = tpu.memref_slice %arg4[%mul3A_160, %dma_wait3A_179] : memref<2560x128xi32, #tpu.memory_space<hbm>> -> memref<112x128xi32, #tpu.memory_space<hbm>>
        tpu.wait_dma2 semaphore(%run_scoped3A : memref<!tpu.dma_semaphore, #tpu.memory_space<semaphore_mem>>) src(%dma_wait3A_180 : memref<112x128xi32, #tpu.memory_space<hbm>>) dst(%dma_wait3A_178 : memref<112x128xi32, #tpu.memory_space<vmem>>)
        tpu.yield
      }) : () -> ()
    } else {
    }
    %eq3A_14 = arith.constant 1 : i32
    %eq3A_15 = arith.cmpi eq, %arg0, %eq3A_14 : i32
    %convert_element_type3A_16 = arith.extui %eq3A_15 : i1 to i32
    %cond3A_17 = arith.constant 0 : i32
    %cond3A_18 = arith.cmpi ne, %convert_element_type3A_16, %cond3A_17 : i32
    scf.if %cond3A_18 {
      %mul3A_159 = arith.constant 48 : i32
      %mul3A_160 = arith.muli %arg1, %mul3A_159 : i32
      %add3A_161 = arith.constant 1792 : i32
      %add3A_162 = arith.addi %add3A_161, %mul3A_160 : i32
      "tpu.region"() ({
        %run_scoped3A = tpu.sem_alloc : memref<!tpu.dma_semaphore, #tpu.memory_space<semaphore_mem>>
        %dma_start3A_163 = arith.constant 0 : i32
        %dma_start3A_164 = arith.constant 0 : i32
        %dma_start3A_165 = tpu.memref_slice %arg8[%dma_start3A_163, %dma_start3A_164] : memref<112x128xi32, #tpu.memory_space<vmem>> -> memref<48x128xi32, #tpu.memory_space<vmem>>
        %dma_start3A_166 = arith.constant 0 : i32
        %dma_start3A_167 = tpu.memref_slice %arg4[%add3A_162, %dma_start3A_166] : memref<2560x128xi32, #tpu.memory_space<hbm>> -> memref<48x128xi32, #tpu.memory_space<hbm>>
        %dma_start3A_168 = arith.constant 0 : i32
        %dma_start3A_169 = arith.constant 0 : i32
        %dma_start3A_170 = tpu.memref_slice %arg8[%dma_start3A_168, %dma_start3A_169] : memref<112x128xi32, #tpu.memory_space<vmem>> -> memref<48x128xi32, #tpu.memory_space<vmem>>
        %dma_start3A_171 = arith.constant 0 : i32
        %dma_start3A_172 = tpu.memref_slice %arg4[%add3A_162, %dma_start3A_171] : memref<2560x128xi32, #tpu.memory_space<hbm>> -> memref<48x128xi32, #tpu.memory_space<hbm>>
        tpu.enqueue_dma source(%dma_start3A_172 : memref<48x128xi32, #tpu.memory_space<hbm>>) target(%dma_start3A_170 : memref<48x128xi32, #tpu.memory_space<vmem>>) target_semaphore(%run_scoped3A : memref<!tpu.dma_semaphore, #tpu.memory_space<semaphore_mem>>)
        %dma_wait3A_173 = arith.constant 0 : i32
        %dma_wait3A_174 = arith.constant 0 : i32
        %dma_wait3A_175 = tpu.memref_slice %arg8[%dma_wait3A_173, %dma_wait3A_174] : memref<112x128xi32, #tpu.memory_space<vmem>> -> memref<48x128xi32, #tpu.memory_space<vmem>>
        %dma_wait3A_176 = arith.constant 0 : i32
        %dma_wait3A_177 = tpu.memref_slice %arg4[%add3A_162, %dma_wait3A_176] : memref<2560x128xi32, #tpu.memory_space<hbm>> -> memref<48x128xi32, #tpu.memory_space<hbm>>
        %dma_wait3A_178 = arith.constant 0 : i32
        %dma_wait3A_179 = arith.constant 0 : i32
        %dma_wait3A_180 = tpu.memref_slice %arg8[%dma_wait3A_178, %dma_wait3A_179] : memref<112x128xi32, #tpu.memory_space<vmem>> -> memref<48x128xi32, #tpu.memory_space<vmem>>
        %dma_wait3A_181 = arith.constant 0 : i32
        %dma_wait3A_182 = tpu.memref_slice %arg4[%add3A_162, %dma_wait3A_181] : memref<2560x128xi32, #tpu.memory_space<hbm>> -> memref<48x128xi32, #tpu.memory_space<hbm>>
        tpu.wait_dma2 semaphore(%run_scoped3A : memref<!tpu.dma_semaphore, #tpu.memory_space<semaphore_mem>>) src(%dma_wait3A_182 : memref<48x128xi32, #tpu.memory_space<hbm>>) dst(%dma_wait3A_180 : memref<48x128xi32, #tpu.memory_space<vmem>>)
        tpu.yield
      }) : () -> ()
    } else {
    }
    %add3A_19 = arith.constant 0 : i32
    %add3A_20 = arith.addi %select_n3A_10, %add3A_19 : i32
    %dma_start3A = arith.constant 0 : i32
    %dma_start3A_21 = arith.constant 0 : i32
    %dma_start3A_22 = tpu.memref_slice %arg7[%dma_start3A, %dma_start3A_21] : memref<4x128xi32, #tpu.memory_space<vmem>> -> memref<1x128xi32, #tpu.memory_space<vmem>>
    %dma_start3A_23 = tpu.memref_squeeze %dma_start3A_22 : memref<1x128xi32, #tpu.memory_space<vmem>> -> memref<128xi32, #tpu.memory_space<vmem>>
    %dma_start3A_24 = arith.constant 0 : i32
    %dma_start3A_25 = tpu.memref_slice %arg3[%add3A_20, %dma_start3A_24] : memref<2560x128xi32, #tpu.memory_space<hbm>> -> memref<1x128xi32, #tpu.memory_space<hbm>>
    %dma_start3A_26 = tpu.memref_squeeze %dma_start3A_25 : memref<1x128xi32, #tpu.memory_space<hbm>> -> memref<128xi32, #tpu.memory_space<hbm>>
    %dma_start3A_27 = arith.constant 0 : i32
    %dma_start3A_28 = tpu.memref_slice %arg7[%dma_start3A, %dma_start3A_27] : memref<4x128xi32, #tpu.memory_space<vmem>> -> memref<1x128xi32, #tpu.memory_space<vmem>>
    %dma_start3A_29 = tpu.memref_squeeze %dma_start3A_28 : memref<1x128xi32, #tpu.memory_space<vmem>> -> memref<128xi32, #tpu.memory_space<vmem>>
    %dma_start3A_30 = arith.constant 0 : i32
    %dma_start3A_31 = tpu.memref_slice %arg3[%add3A_20, %dma_start3A_30] : memref<2560x128xi32, #tpu.memory_space<hbm>> -> memref<1x128xi32, #tpu.memory_space<hbm>>
    %dma_start3A_32 = tpu.memref_squeeze %dma_start3A_31 : memref<1x128xi32, #tpu.memory_space<hbm>> -> memref<128xi32, #tpu.memory_space<hbm>>
    tpu.enqueue_dma source(%dma_start3A_32 : memref<128xi32, #tpu.memory_space<hbm>>) target(%dma_start3A_29 : memref<128xi32, #tpu.memory_space<vmem>>) target_semaphore(%arg13 : memref<!tpu.dma_semaphore, #tpu.memory_space<semaphore_mem>>)
    %add3A_33 = arith.constant 1 : i32
    %add3A_34 = arith.addi %select_n3A_10, %add3A_33 : i32
    %dma_start3A_35 = arith.constant 1 : i32
    %dma_start3A_36 = arith.constant 0 : i32
    %dma_start3A_37 = tpu.memref_slice %arg7[%dma_start3A_35, %dma_start3A_36] : memref<4x128xi32, #tpu.memory_space<vmem>> -> memref<1x128xi32, #tpu.memory_space<vmem>>
    %dma_start3A_38 = tpu.memref_squeeze %dma_start3A_37 : memref<1x128xi32, #tpu.memory_space<vmem>> -> memref<128xi32, #tpu.memory_space<vmem>>
    %dma_start3A_39 = arith.constant 0 : i32
    %dma_start3A_40 = tpu.memref_slice %arg3[%add3A_34, %dma_start3A_39] : memref<2560x128xi32, #tpu.memory_space<hbm>> -> memref<1x128xi32, #tpu.memory_space<hbm>>
    %dma_start3A_41 = tpu.memref_squeeze %dma_start3A_40 : memref<1x128xi32, #tpu.memory_space<hbm>> -> memref<128xi32, #tpu.memory_space<hbm>>
    %dma_start3A_42 = arith.constant 0 : i32
    %dma_start3A_43 = tpu.memref_slice %arg7[%dma_start3A_35, %dma_start3A_42] : memref<4x128xi32, #tpu.memory_space<vmem>> -> memref<1x128xi32, #tpu.memory_space<vmem>>
    %dma_start3A_44 = tpu.memref_squeeze %dma_start3A_43 : memref<1x128xi32, #tpu.memory_space<vmem>> -> memref<128xi32, #tpu.memory_space<vmem>>
    %dma_start3A_45 = arith.constant 0 : i32
    %dma_start3A_46 = tpu.memref_slice %arg3[%add3A_34, %dma_start3A_45] : memref<2560x128xi32, #tpu.memory_space<hbm>> -> memref<1x128xi32, #tpu.memory_space<hbm>>
    %dma_start3A_47 = tpu.memref_squeeze %dma_start3A_46 : memref<1x128xi32, #tpu.memory_space<hbm>> -> memref<128xi32, #tpu.memory_space<hbm>>
    tpu.enqueue_dma source(%dma_start3A_47 : memref<128xi32, #tpu.memory_space<hbm>>) target(%dma_start3A_44 : memref<128xi32, #tpu.memory_space<vmem>>) target_semaphore(%arg14 : memref<!tpu.dma_semaphore, #tpu.memory_space<semaphore_mem>>)
    %add3A_48 = arith.constant 2 : i32
    %add3A_49 = arith.addi %select_n3A_10, %add3A_48 : i32
    %dma_start3A_50 = arith.constant 2 : i32
    %dma_start3A_51 = arith.constant 0 : i32
    %dma_start3A_52 = tpu.memref_slice %arg7[%dma_start3A_50, %dma_start3A_51] : memref<4x128xi32, #tpu.memory_space<vmem>> -> memref<1x128xi32, #tpu.memory_space<vmem>>
    %dma_start3A_53 = tpu.memref_squeeze %dma_start3A_52 : memref<1x128xi32, #tpu.memory_space<vmem>> -> memref<128xi32, #tpu.memory_space<vmem>>
    %dma_start3A_54 = arith.constant 0 : i32
    %dma_start3A_55 = tpu.memref_slice %arg3[%add3A_49, %dma_start3A_54] : memref<2560x128xi32, #tpu.memory_space<hbm>> -> memref<1x128xi32, #tpu.memory_space<hbm>>
    %dma_start3A_56 = tpu.memref_squeeze %dma_start3A_55 : memref<1x128xi32, #tpu.memory_space<hbm>> -> memref<128xi32, #tpu.memory_space<hbm>>
    %dma_start3A_57 = arith.constant 0 : i32
    %dma_start3A_58 = tpu.memref_slice %arg7[%dma_start3A_50, %dma_start3A_57] : memref<4x128xi32, #tpu.memory_space<vmem>> -> memref<1x128xi32, #tpu.memory_space<vmem>>
    %dma_start3A_59 = tpu.memref_squeeze %dma_start3A_58 : memref<1x128xi32, #tpu.memory_space<vmem>> -> memref<128xi32, #tpu.memory_space<vmem>>
    %dma_start3A_60 = arith.constant 0 : i32
    %dma_start3A_61 = tpu.memref_slice %arg3[%add3A_49, %dma_start3A_60] : memref<2560x128xi32, #tpu.memory_space<hbm>> -> memref<1x128xi32, #tpu.memory_space<hbm>>
    %dma_start3A_62 = tpu.memref_squeeze %dma_start3A_61 : memref<1x128xi32, #tpu.memory_space<hbm>> -> memref<128xi32, #tpu.memory_space<hbm>>
    tpu.enqueue_dma source(%dma_start3A_62 : memref<128xi32, #tpu.memory_space<hbm>>) target(%dma_start3A_59 : memref<128xi32, #tpu.memory_space<vmem>>) target_semaphore(%arg15 : memref<!tpu.dma_semaphore, #tpu.memory_space<semaphore_mem>>)
    %add3A_63 = arith.constant 3 : i32
    %add3A_64 = arith.addi %select_n3A_10, %add3A_63 : i32
    %dma_start3A_65 = arith.constant 3 : i32
    %dma_start3A_66 = arith.constant 0 : i32
    %dma_start3A_67 = tpu.memref_slice %arg7[%dma_start3A_65, %dma_start3A_66] : memref<4x128xi32, #tpu.memory_space<vmem>> -> memref<1x128xi32, #tpu.memory_space<vmem>>
    %dma_start3A_68 = tpu.memref_squeeze %dma_start3A_67 : memref<1x128xi32, #tpu.memory_space<vmem>> -> memref<128xi32, #tpu.memory_space<vmem>>
    %dma_start3A_69 = arith.constant 0 : i32
    %dma_start3A_70 = tpu.memref_slice %arg3[%add3A_64, %dma_start3A_69] : memref<2560x128xi32, #tpu.memory_space<hbm>> -> memref<1x128xi32, #tpu.memory_space<hbm>>
    %dma_start3A_71 = tpu.memref_squeeze %dma_start3A_70 : memref<1x128xi32, #tpu.memory_space<hbm>> -> memref<128xi32, #tpu.memory_space<hbm>>
    %dma_start3A_72 = arith.constant 0 : i32
    %dma_start3A_73 = tpu.memref_slice %arg7[%dma_start3A_65, %dma_start3A_72] : memref<4x128xi32, #tpu.memory_space<vmem>> -> memref<1x128xi32, #tpu.memory_space<vmem>>
    %dma_start3A_74 = tpu.memref_squeeze %dma_start3A_73 : memref<1x128xi32, #tpu.memory_space<vmem>> -> memref<128xi32, #tpu.memory_space<vmem>>
    %dma_start3A_75 = arith.constant 0 : i32
    %dma_start3A_76 = tpu.memref_slice %arg3[%add3A_64, %dma_start3A_75] : memref<2560x128xi32, #tpu.memory_space<hbm>> -> memref<1x128xi32, #tpu.memory_space<hbm>>
    %dma_start3A_77 = tpu.memref_squeeze %dma_start3A_76 : memref<1x128xi32, #tpu.memory_space<hbm>> -> memref<128xi32, #tpu.memory_space<hbm>>
    tpu.enqueue_dma source(%dma_start3A_77 : memref<128xi32, #tpu.memory_space<hbm>>) target(%dma_start3A_74 : memref<128xi32, #tpu.memory_space<vmem>>) target_semaphore(%arg16 : memref<!tpu.dma_semaphore, #tpu.memory_space<semaphore_mem>>)
    %barrier3A = arith.constant 0 : index
    tpu.barrier barrier_id(%barrier3A)
    %add3A_78 = arith.constant 0 : i32
    %add3A_79 = arith.addi %select_n3A_10, %add3A_78 : i32
    %dma_wait3A = arith.constant 0 : i32
    %dma_wait3A_80 = arith.constant 0 : i32
    %dma_wait3A_81 = tpu.memref_slice %arg7[%dma_wait3A, %dma_wait3A_80] : memref<4x128xi32, #tpu.memory_space<vmem>> -> memref<1x128xi32, #tpu.memory_space<vmem>>
    %dma_wait3A_82 = tpu.memref_squeeze %dma_wait3A_81 : memref<1x128xi32, #tpu.memory_space<vmem>> -> memref<128xi32, #tpu.memory_space<vmem>>
    %dma_wait3A_83 = arith.constant 0 : i32
    %dma_wait3A_84 = tpu.memref_slice %arg3[%add3A_79, %dma_wait3A_83] : memref<2560x128xi32, #tpu.memory_space<hbm>> -> memref<1x128xi32, #tpu.memory_space<hbm>>
    %dma_wait3A_85 = tpu.memref_squeeze %dma_wait3A_84 : memref<1x128xi32, #tpu.memory_space<hbm>> -> memref<128xi32, #tpu.memory_space<hbm>>
    %dma_wait3A_86 = arith.constant 0 : i32
    %dma_wait3A_87 = tpu.memref_slice %arg7[%dma_wait3A, %dma_wait3A_86] : memref<4x128xi32, #tpu.memory_space<vmem>> -> memref<1x128xi32, #tpu.memory_space<vmem>>
    %dma_wait3A_88 = tpu.memref_squeeze %dma_wait3A_87 : memref<1x128xi32, #tpu.memory_space<vmem>> -> memref<128xi32, #tpu.memory_space<vmem>>
    %dma_wait3A_89 = arith.constant 0 : i32
    %dma_wait3A_90 = tpu.memref_slice %arg3[%add3A_79, %dma_wait3A_89] : memref<2560x128xi32, #tpu.memory_space<hbm>> -> memref<1x128xi32, #tpu.memory_space<hbm>>
    %dma_wait3A_91 = tpu.memref_squeeze %dma_wait3A_90 : memref<1x128xi32, #tpu.memory_space<hbm>> -> memref<128xi32, #tpu.memory_space<hbm>>
    tpu.wait_dma2 semaphore(%arg13 : memref<!tpu.dma_semaphore, #tpu.memory_space<semaphore_mem>>) src(%dma_wait3A_91 : memref<128xi32, #tpu.memory_space<hbm>>) dst(%dma_wait3A_88 : memref<128xi32, #tpu.memory_space<vmem>>)
    %dma_start3A_92 = arith.constant 0 : i32
    %dma_start3A_93 = arith.constant 0 : i32
    %dma_start3A_94 = arith.constant 0 : i32
    %dma_start3A_95 = arith.constant 0 : i32
    %dma_start3A_96 = tpu.memref_slice %arg9[%dma_start3A_93, %dma_start3A_94, %dma_start3A_95] : memref<2x128x40xf32, #tpu.memory_space<vmem>> -> memref<1x128x40xf32, #tpu.memory_space<vmem>>
    %dma_start3A_97 = tpu.memref_squeeze %dma_start3A_96 : memref<1x128x40xf32, #tpu.memory_space<vmem>> -> memref<128x40xf32, #tpu.memory_space<vmem>>
    %dma_start3A_98 = arith.constant 0 : i32
    %dma_start3A_99 = tpu.memref_slice %arg7[%dma_start3A_92, %dma_start3A_98] : memref<4x128xi32, #tpu.memory_space<vmem>> -> memref<1x128xi32, #tpu.memory_space<vmem>>
    %dma_start3A_100 = tpu.memref_squeeze %dma_start3A_99 : memref<1x128xi32, #tpu.memory_space<vmem>> -> memref<128xi32, #tpu.memory_space<vmem>>
    %dma_start3A_101 = arith.constant 0 : i32
    %dma_start3A_102 = arith.constant 0 : i32
    %dma_start3A_103 = tpu.memref_slice %arg2[%dma_start3A_101, %dma_start3A_102] : memref<10240x40xf32, #tpu.memory_space<hbm>> -> memref<10240x40xf32, #tpu.memory_space<hbm>>
    tpu.enqueue_indirect_dma source(%dma_start3A_103 : memref<10240x40xf32, #tpu.memory_space<hbm>>) target(%dma_start3A_97 : memref<128x40xf32, #tpu.memory_space<vmem>>) offsets(%dma_start3A_100 : memref<128xi32, #tpu.memory_space<vmem>>) semaphore(%arg11 : memref<!tpu.dma_semaphore, #tpu.memory_space<semaphore_mem>>)
    %add3A_104 = arith.constant 1 : i32
    %add3A_105 = arith.addi %select_n3A_10, %add3A_104 : i32
    %dma_wait3A_106 = arith.constant 1 : i32
    %dma_wait3A_107 = arith.constant 0 : i32
    %dma_wait3A_108 = tpu.memref_slice %arg7[%dma_wait3A_106, %dma_wait3A_107] : memref<4x128xi32, #tpu.memory_space<vmem>> -> memref<1x128xi32, #tpu.memory_space<vmem>>
    %dma_wait3A_109 = tpu.memref_squeeze %dma_wait3A_108 : memref<1x128xi32, #tpu.memory_space<vmem>> -> memref<128xi32, #tpu.memory_space<vmem>>
    %dma_wait3A_110 = arith.constant 0 : i32
    %dma_wait3A_111 = tpu.memref_slice %arg3[%add3A_105, %dma_wait3A_110] : memref<2560x128xi32, #tpu.memory_space<hbm>> -> memref<1x128xi32, #tpu.memory_space<hbm>>
    %dma_wait3A_112 = tpu.memref_squeeze %dma_wait3A_111 : memref<1x128xi32, #tpu.memory_space<hbm>> -> memref<128xi32, #tpu.memory_space<hbm>>
    %dma_wait3A_113 = arith.constant 0 : i32
    %dma_wait3A_114 = tpu.memref_slice %arg7[%dma_wait3A_106, %dma_wait3A_113] : memref<4x128xi32, #tpu.memory_space<vmem>> -> memref<1x128xi32, #tpu.memory_space<vmem>>
    %dma_wait3A_115 = tpu.memref_squeeze %dma_wait3A_114 : memref<1x128xi32, #tpu.memory_space<vmem>> -> memref<128xi32, #tpu.memory_space<vmem>>
    %dma_wait3A_116 = arith.constant 0 : i32
    %dma_wait3A_117 = tpu.memref_slice %arg3[%add3A_105, %dma_wait3A_116] : memref<2560x128xi32, #tpu.memory_space<hbm>> -> memref<1x128xi32, #tpu.memory_space<hbm>>
    %dma_wait3A_118 = tpu.memref_squeeze %dma_wait3A_117 : memref<1x128xi32, #tpu.memory_space<hbm>> -> memref<128xi32, #tpu.memory_space<hbm>>
    tpu.wait_dma2 semaphore(%arg14 : memref<!tpu.dma_semaphore, #tpu.memory_space<semaphore_mem>>) src(%dma_wait3A_118 : memref<128xi32, #tpu.memory_space<hbm>>) dst(%dma_wait3A_115 : memref<128xi32, #tpu.memory_space<vmem>>)
    %dma_start3A_119 = arith.constant 1 : i32
    %dma_start3A_120 = arith.constant 1 : i32
    %dma_start3A_121 = arith.constant 0 : i32
    %dma_start3A_122 = arith.constant 0 : i32
    %dma_start3A_123 = tpu.memref_slice %arg9[%dma_start3A_120, %dma_start3A_121, %dma_start3A_122] : memref<2x128x40xf32, #tpu.memory_space<vmem>> -> memref<1x128x40xf32, #tpu.memory_space<vmem>>
    %dma_start3A_124 = tpu.memref_squeeze %dma_start3A_123 : memref<1x128x40xf32, #tpu.memory_space<vmem>> -> memref<128x40xf32, #tpu.memory_space<vmem>>
    %dma_start3A_125 = arith.constant 0 : i32
    %dma_start3A_126 = tpu.memref_slice %arg7[%dma_start3A_119, %dma_start3A_125] : memref<4x128xi32, #tpu.memory_space<vmem>> -> memref<1x128xi32, #tpu.memory_space<vmem>>
    %dma_start3A_127 = tpu.memref_squeeze %dma_start3A_126 : memref<1x128xi32, #tpu.memory_space<vmem>> -> memref<128xi32, #tpu.memory_space<vmem>>
    %dma_start3A_128 = arith.constant 0 : i32
    %dma_start3A_129 = arith.constant 0 : i32
    %dma_start3A_130 = tpu.memref_slice %arg2[%dma_start3A_128, %dma_start3A_129] : memref<10240x40xf32, #tpu.memory_space<hbm>> -> memref<10240x40xf32, #tpu.memory_space<hbm>>
    tpu.enqueue_indirect_dma source(%dma_start3A_130 : memref<10240x40xf32, #tpu.memory_space<hbm>>) target(%dma_start3A_124 : memref<128x40xf32, #tpu.memory_space<vmem>>) offsets(%dma_start3A_127 : memref<128xi32, #tpu.memory_space<vmem>>) semaphore(%arg12 : memref<!tpu.dma_semaphore, #tpu.memory_space<semaphore_mem>>)
    %jit3A_131 = arith.constant 4 : i32
    %div3A = arith.divsi %select_n3A, %jit3A_131 : i32
    %sign3A = arith.constant 0 : i32
    %sign3A_132 = arith.cmpi sgt, %select_n3A, %sign3A : i32
    %sign3A_133 = arith.extui %sign3A_132 : i1 to i32
    %sign3A_134 = arith.constant 0 : i32
    %sign3A_135 = arith.cmpi slt, %select_n3A, %sign3A_134 : i32
    %sign3A_136 = arith.extui %sign3A_135 : i1 to i32
    %sign3A_137 = arith.subi %sign3A_133, %sign3A_136 : i32
    %sign3A_138 = arith.constant 0 : i32
    %sign3A_139 = arith.cmpi sgt, %jit3A_131, %sign3A_138 : i32
    %sign3A_140 = arith.extui %sign3A_139 : i1 to i32
    %sign3A_141 = arith.constant 0 : i32
    %sign3A_142 = arith.cmpi slt, %jit3A_131, %sign3A_141 : i32
    %sign3A_143 = arith.extui %sign3A_142 : i1 to i32
    %sign3A_144 = arith.subi %sign3A_140, %sign3A_143 : i32
    %ne3A = arith.cmpi ne, %sign3A_137, %sign3A_144 : i32
    %rem3A = arith.remsi %select_n3A, %jit3A_131 : i32
    %ne3A_145 = arith.constant 0 : i32
    %ne3A_146 = arith.cmpi ne, %rem3A, %ne3A_145 : i32
    %and3A = arith.andi %ne3A, %ne3A_146 : i1
    %sub3A = arith.constant 1 : i32
    %sub3A_147 = arith.subi %div3A, %sub3A : i32
    %select_n3A_148 = arith.select %and3A, %sub3A_147, %div3A : i32
    %while3A = arith.constant 0 : i32
    %while3A_149 = arith.constant 0 : i32
    %while3A_150 = arith.subi %select_n3A_148, %while3A_149 : i32
    %while3A_151 = arith.addi %while3A_149, %while3A_150 : i32
    %while3A_152 = arith.constant 1 : i32
    %while3A_153 = arith.divsi %while3A_150, %while3A_152 : i32
    %while3A_154 = arith.muli %while3A_153, %while3A_152 : i32
    %while3A_155 = arith.addi %while3A_149, %while3A_154 : i32
    %while3A_156 = arith.constant 1 : i32
    scf.for %while3A_159 = %while3A_149 to %while3A_155 step %while3A_156  : i32 {
      %mul3A_160 = arith.constant 4 : i32
      %mul3A_161 = arith.muli %while3A_159, %mul3A_160 : i32
      %add3A_162 = arith.constant 0 : i32
      %add3A_163 = arith.addi %mul3A_161, %add3A_162 : i32
      %dma_wait3A_164 = arith.constant 0 : i32
      %dma_wait3A_165 = arith.constant 0 : i32
      %dma_wait3A_166 = arith.constant 0 : i32
      %dma_wait3A_167 = arith.constant 0 : i32
      %dma_wait3A_168 = tpu.memref_slice %arg9[%dma_wait3A_165, %dma_wait3A_166, %dma_wait3A_167] : memref<2x128x40xf32, #tpu.memory_space<vmem>> -> memref<1x128x40xf32, #tpu.memory_space<vmem>>
      %dma_wait3A_169 = tpu.memref_squeeze %dma_wait3A_168 : memref<1x128x40xf32, #tpu.memory_space<vmem>> -> memref<128x40xf32, #tpu.memory_space<vmem>>
      %dma_wait3A_170 = arith.constant 0 : i32
      %dma_wait3A_171 = tpu.memref_slice %arg7[%dma_wait3A_164, %dma_wait3A_170] : memref<4x128xi32, #tpu.memory_space<vmem>> -> memref<1x128xi32, #tpu.memory_space<vmem>>
      %dma_wait3A_172 = tpu.memref_squeeze %dma_wait3A_171 : memref<1x128xi32, #tpu.memory_space<vmem>> -> memref<128xi32, #tpu.memory_space<vmem>>
      %dma_wait3A_173 = arith.constant 0 : i32
      %dma_wait3A_174 = arith.constant 0 : i32
      %dma_wait3A_175 = tpu.memref_slice %arg2[%dma_wait3A_173, %dma_wait3A_174] : memref<10240x40xf32, #tpu.memory_space<hbm>> -> memref<10240x40xf32, #tpu.memory_space<hbm>>
      tpu.wait_indirect_dma semaphore(%arg11 : memref<!tpu.dma_semaphore, #tpu.memory_space<semaphore_mem>>) src(%dma_wait3A_175 : memref<10240x40xf32, #tpu.memory_space<hbm>>) dst(%dma_wait3A_169 : memref<128x40xf32, #tpu.memory_space<vmem>>)
      %run_scoped3A = arith.constant 0 : i32
      "tpu.region"() ({
        %run_scoped3A_268 = tpu.sem_alloc : memref<!tpu.dma_semaphore, #tpu.memory_space<semaphore_mem>>
        %dma_start3A_269 = arith.constant 0 : i32
        %dma_start3A_270 = arith.constant 0 : i32
        %dma_start3A_271 = tpu.memref_slice %arg9[%run_scoped3A, %dma_start3A_269, %dma_start3A_270] : memref<2x128x40xf32, #tpu.memory_space<vmem>> -> memref<1x128x40xf32, #tpu.memory_space<vmem>>
        %dma_start3A_272 = tpu.memref_squeeze %dma_start3A_271 : memref<1x128x40xf32, #tpu.memory_space<vmem>> -> memref<128x40xf32, #tpu.memory_space<vmem>>
        %dma_start3A_273 = arith.constant 0 : i32
        %dma_start3A_274 = tpu.memref_slice %arg8[%add3A_163, %dma_start3A_273] : memref<112x128xi32, #tpu.memory_space<vmem>> -> memref<1x128xi32, #tpu.memory_space<vmem>>
        %dma_start3A_275 = tpu.memref_squeeze %dma_start3A_274 : memref<1x128xi32, #tpu.memory_space<vmem>> -> memref<128xi32, #tpu.memory_space<vmem>>
        %dma_start3A_276 = arith.constant 0 : i32
        %dma_start3A_277 = arith.constant 0 : i32
        %dma_start3A_278 = tpu.memref_slice %arg10[%dma_start3A_276, %dma_start3A_277] : memref<10240x40xf32, #tpu.memory_space<vmem_shared>> -> memref<10240x40xf32, #tpu.memory_space<vmem_shared>>
        tpu.enqueue_indirect_dma source(%dma_start3A_272 : memref<128x40xf32, #tpu.memory_space<vmem>>) target(%dma_start3A_278 : memref<10240x40xf32, #tpu.memory_space<vmem_shared>>) offsets(%dma_start3A_275 : memref<128xi32, #tpu.memory_space<vmem>>) semaphore(%run_scoped3A_268 : memref<!tpu.dma_semaphore, #tpu.memory_space<semaphore_mem>>) {add = true}
        %dma_wait3A_279 = arith.constant 0 : i32
        %dma_wait3A_280 = arith.constant 0 : i32
        %dma_wait3A_281 = tpu.memref_slice %arg9[%run_scoped3A, %dma_wait3A_279, %dma_wait3A_280] : memref<2x128x40xf32, #tpu.memory_space<vmem>> -> memref<1x128x40xf32, #tpu.memory_space<vmem>>
        %dma_wait3A_282 = tpu.memref_squeeze %dma_wait3A_281 : memref<1x128x40xf32, #tpu.memory_space<vmem>> -> memref<128x40xf32, #tpu.memory_space<vmem>>
        %dma_wait3A_283 = arith.constant 0 : i32
        %dma_wait3A_284 = tpu.memref_slice %arg8[%add3A_163, %dma_wait3A_283] : memref<112x128xi32, #tpu.memory_space<vmem>> -> memref<1x128xi32, #tpu.memory_space<vmem>>
        %dma_wait3A_285 = tpu.memref_squeeze %dma_wait3A_284 : memref<1x128xi32, #tpu.memory_space<vmem>> -> memref<128xi32, #tpu.memory_space<vmem>>
        %dma_wait3A_286 = arith.constant 0 : i32
        %dma_wait3A_287 = arith.constant 0 : i32
        %dma_wait3A_288 = tpu.memref_slice %arg10[%dma_wait3A_286, %dma_wait3A_287] : memref<10240x40xf32, #tpu.memory_space<vmem_shared>> -> memref<10240x40xf32, #tpu.memory_space<vmem_shared>>
        tpu.wait_indirect_dma semaphore(%run_scoped3A_268 : memref<!tpu.dma_semaphore, #tpu.memory_space<semaphore_mem>>) src(%dma_wait3A_282 : memref<128x40xf32, #tpu.memory_space<vmem>>) dst(%dma_wait3A_288 : memref<10240x40xf32, #tpu.memory_space<vmem_shared>>)
        tpu.yield
      }) : () -> ()
      %add3A_176 = arith.constant 2 : i32
      %add3A_177 = arith.addi %add3A_163, %add3A_176 : i32
      %lt3A = arith.cmpi slt, %add3A_177, %select_n3A : i32
      %convert_element_type3A_178 = arith.extui %lt3A : i1 to i32
      %cond3A_179 = arith.constant 0 : i32
      %cond3A_180 = arith.cmpi ne, %convert_element_type3A_178, %cond3A_179 : i32
      scf.if %cond3A_180 {
        %add3A_268 = arith.addi %select_n3A_10, %add3A_163 : i32
        %add3A_269 = arith.constant 2 : i32
        %add3A_270 = arith.addi %add3A_268, %add3A_269 : i32
        %dma_wait3A_271 = arith.constant 2 : i32
        %dma_wait3A_272 = arith.constant 0 : i32
        %dma_wait3A_273 = tpu.memref_slice %arg7[%dma_wait3A_271, %dma_wait3A_272] : memref<4x128xi32, #tpu.memory_space<vmem>> -> memref<1x128xi32, #tpu.memory_space<vmem>>
        %dma_wait3A_274 = tpu.memref_squeeze %dma_wait3A_273 : memref<1x128xi32, #tpu.memory_space<vmem>> -> memref<128xi32, #tpu.memory_space<vmem>>
        %dma_wait3A_275 = arith.constant 0 : i32
        %dma_wait3A_276 = tpu.memref_slice %arg3[%add3A_270, %dma_wait3A_275] : memref<2560x128xi32, #tpu.memory_space<hbm>> -> memref<1x128xi32, #tpu.memory_space<hbm>>
        %dma_wait3A_277 = tpu.memref_squeeze %dma_wait3A_276 : memref<1x128xi32, #tpu.memory_space<hbm>> -> memref<128xi32, #tpu.memory_space<hbm>>
        %dma_wait3A_278 = arith.constant 0 : i32
        %dma_wait3A_279 = tpu.memref_slice %arg7[%dma_wait3A_271, %dma_wait3A_278] : memref<4x128xi32, #tpu.memory_space<vmem>> -> memref<1x128xi32, #tpu.memory_space<vmem>>
        %dma_wait3A_280 = tpu.memref_squeeze %dma_wait3A_279 : memref<1x128xi32, #tpu.memory_space<vmem>> -> memref<128xi32, #tpu.memory_space<vmem>>
        %dma_wait3A_281 = arith.constant 0 : i32
        %dma_wait3A_282 = tpu.memref_slice %arg3[%add3A_270, %dma_wait3A_281] : memref<2560x128xi32, #tpu.memory_space<hbm>> -> memref<1x128xi32, #tpu.memory_space<hbm>>
        %dma_wait3A_283 = tpu.memref_squeeze %dma_wait3A_282 : memref<1x128xi32, #tpu.memory_space<hbm>> -> memref<128xi32, #tpu.memory_space<hbm>>
        tpu.wait_dma2 semaphore(%arg15 : memref<!tpu.dma_semaphore, #tpu.memory_space<semaphore_mem>>) src(%dma_wait3A_283 : memref<128xi32, #tpu.memory_space<hbm>>) dst(%dma_wait3A_280 : memref<128xi32, #tpu.memory_space<vmem>>)
        %dma_start3A_284 = arith.constant 2 : i32
        %dma_start3A_285 = arith.constant 0 : i32
        %dma_start3A_286 = arith.constant 0 : i32
        %dma_start3A_287 = arith.constant 0 : i32
        %dma_start3A_288 = tpu.memref_slice %arg9[%dma_start3A_285, %dma_start3A_286, %dma_start3A_287] : memref<2x128x40xf32, #tpu.memory_space<vmem>> -> memref<1x128x40xf32, #tpu.memory_space<vmem>>
        %dma_start3A_289 = tpu.memref_squeeze %dma_start3A_288 : memref<1x128x40xf32, #tpu.memory_space<vmem>> -> memref<128x40xf32, #tpu.memory_space<vmem>>
        %dma_start3A_290 = arith.constant 0 : i32
        %dma_start3A_291 = tpu.memref_slice %arg7[%dma_start3A_284, %dma_start3A_290] : memref<4x128xi32, #tpu.memory_space<vmem>> -> memref<1x128xi32, #tpu.memory_space<vmem>>
        %dma_start3A_292 = tpu.memref_squeeze %dma_start3A_291 : memref<1x128xi32, #tpu.memory_space<vmem>> -> memref<128xi32, #tpu.memory_space<vmem>>
        %dma_start3A_293 = arith.constant 0 : i32
        %dma_start3A_294 = arith.constant 0 : i32
        %dma_start3A_295 = tpu.memref_slice %arg2[%dma_start3A_293, %dma_start3A_294] : memref<10240x40xf32, #tpu.memory_space<hbm>> -> memref<10240x40xf32, #tpu.memory_space<hbm>>
        tpu.enqueue_indirect_dma source(%dma_start3A_295 : memref<10240x40xf32, #tpu.memory_space<hbm>>) target(%dma_start3A_289 : memref<128x40xf32, #tpu.memory_space<vmem>>) offsets(%dma_start3A_292 : memref<128xi32, #tpu.memory_space<vmem>>) semaphore(%arg11 : memref<!tpu.dma_semaphore, #tpu.memory_space<semaphore_mem>>)
      } else {
      }
      %add3A_181 = arith.constant 4 : i32
      %add3A_182 = arith.addi %add3A_163, %add3A_181 : i32
      %lt3A_183 = arith.cmpi slt, %add3A_182, %select_n3A : i32
      %convert_element_type3A_184 = arith.extui %lt3A_183 : i1 to i32
      %cond3A_185 = arith.constant 0 : i32
      %cond3A_186 = arith.cmpi ne, %convert_element_type3A_184, %cond3A_185 : i32
      scf.if %cond3A_186 {
        %add3A_268 = arith.addi %select_n3A_10, %add3A_163 : i32
        %add3A_269 = arith.constant 4 : i32
        %add3A_270 = arith.addi %add3A_268, %add3A_269 : i32
        %dma_start3A_271 = arith.constant 0 : i32
        %dma_start3A_272 = arith.constant 0 : i32
        %dma_start3A_273 = tpu.memref_slice %arg7[%dma_start3A_271, %dma_start3A_272] : memref<4x128xi32, #tpu.memory_space<vmem>> -> memref<1x128xi32, #tpu.memory_space<vmem>>
        %dma_start3A_274 = tpu.memref_squeeze %dma_start3A_273 : memref<1x128xi32, #tpu.memory_space<vmem>> -> memref<128xi32, #tpu.memory_space<vmem>>
        %dma_start3A_275 = arith.constant 0 : i32
        %dma_start3A_276 = tpu.memref_slice %arg3[%add3A_270, %dma_start3A_275] : memref<2560x128xi32, #tpu.memory_space<hbm>> -> memref<1x128xi32, #tpu.memory_space<hbm>>
        %dma_start3A_277 = tpu.memref_squeeze %dma_start3A_276 : memref<1x128xi32, #tpu.memory_space<hbm>> -> memref<128xi32, #tpu.memory_space<hbm>>
        %dma_start3A_278 = arith.constant 0 : i32
        %dma_start3A_279 = tpu.memref_slice %arg7[%dma_start3A_271, %dma_start3A_278] : memref<4x128xi32, #tpu.memory_space<vmem>> -> memref<1x128xi32, #tpu.memory_space<vmem>>
        %dma_start3A_280 = tpu.memref_squeeze %dma_start3A_279 : memref<1x128xi32, #tpu.memory_space<vmem>> -> memref<128xi32, #tpu.memory_space<vmem>>
        %dma_start3A_281 = arith.constant 0 : i32
        %dma_start3A_282 = tpu.memref_slice %arg3[%add3A_270, %dma_start3A_281] : memref<2560x128xi32, #tpu.memory_space<hbm>> -> memref<1x128xi32, #tpu.memory_space<hbm>>
        %dma_start3A_283 = tpu.memref_squeeze %dma_start3A_282 : memref<1x128xi32, #tpu.memory_space<hbm>> -> memref<128xi32, #tpu.memory_space<hbm>>
        tpu.enqueue_dma source(%dma_start3A_283 : memref<128xi32, #tpu.memory_space<hbm>>) target(%dma_start3A_280 : memref<128xi32, #tpu.memory_space<vmem>>) target_semaphore(%arg13 : memref<!tpu.dma_semaphore, #tpu.memory_space<semaphore_mem>>)
      } else {
      }
      %add3A_187 = arith.constant 1 : i32
      %add3A_188 = arith.addi %mul3A_161, %add3A_187 : i32
      %dma_wait3A_189 = arith.constant 1 : i32
      %dma_wait3A_190 = arith.constant 1 : i32
      %dma_wait3A_191 = arith.constant 0 : i32
      %dma_wait3A_192 = arith.constant 0 : i32
      %dma_wait3A_193 = tpu.memref_slice %arg9[%dma_wait3A_190, %dma_wait3A_191, %dma_wait3A_192] : memref<2x128x40xf32, #tpu.memory_space<vmem>> -> memref<1x128x40xf32, #tpu.memory_space<vmem>>
      %dma_wait3A_194 = tpu.memref_squeeze %dma_wait3A_193 : memref<1x128x40xf32, #tpu.memory_space<vmem>> -> memref<128x40xf32, #tpu.memory_space<vmem>>
      %dma_wait3A_195 = arith.constant 0 : i32
      %dma_wait3A_196 = tpu.memref_slice %arg7[%dma_wait3A_189, %dma_wait3A_195] : memref<4x128xi32, #tpu.memory_space<vmem>> -> memref<1x128xi32, #tpu.memory_space<vmem>>
      %dma_wait3A_197 = tpu.memref_squeeze %dma_wait3A_196 : memref<1x128xi32, #tpu.memory_space<vmem>> -> memref<128xi32, #tpu.memory_space<vmem>>
      %dma_wait3A_198 = arith.constant 0 : i32
      %dma_wait3A_199 = arith.constant 0 : i32
      %dma_wait3A_200 = tpu.memref_slice %arg2[%dma_wait3A_198, %dma_wait3A_199] : memref<10240x40xf32, #tpu.memory_space<hbm>> -> memref<10240x40xf32, #tpu.memory_space<hbm>>
      tpu.wait_indirect_dma semaphore(%arg12 : memref<!tpu.dma_semaphore, #tpu.memory_space<semaphore_mem>>) src(%dma_wait3A_200 : memref<10240x40xf32, #tpu.memory_space<hbm>>) dst(%dma_wait3A_194 : memref<128x40xf32, #tpu.memory_space<vmem>>)
      %run_scoped3A_201 = arith.constant 1 : i32
      "tpu.region"() ({
        %run_scoped3A_268 = tpu.sem_alloc : memref<!tpu.dma_semaphore, #tpu.memory_space<semaphore_mem>>
        %dma_start3A_269 = arith.constant 0 : i32
        %dma_start3A_270 = arith.constant 0 : i32
        %dma_start3A_271 = tpu.memref_slice %arg9[%run_scoped3A_201, %dma_start3A_269, %dma_start3A_270] : memref<2x128x40xf32, #tpu.memory_space<vmem>> -> memref<1x128x40xf32, #tpu.memory_space<vmem>>
        %dma_start3A_272 = tpu.memref_squeeze %dma_start3A_271 : memref<1x128x40xf32, #tpu.memory_space<vmem>> -> memref<128x40xf32, #tpu.memory_space<vmem>>
        %dma_start3A_273 = arith.constant 0 : i32
        %dma_start3A_274 = tpu.memref_slice %arg8[%add3A_188, %dma_start3A_273] : memref<112x128xi32, #tpu.memory_space<vmem>> -> memref<1x128xi32, #tpu.memory_space<vmem>>
        %dma_start3A_275 = tpu.memref_squeeze %dma_start3A_274 : memref<1x128xi32, #tpu.memory_space<vmem>> -> memref<128xi32, #tpu.memory_space<vmem>>
        %dma_start3A_276 = arith.constant 0 : i32
        %dma_start3A_277 = arith.constant 0 : i32
        %dma_start3A_278 = tpu.memref_slice %arg10[%dma_start3A_276, %dma_start3A_277] : memref<10240x40xf32, #tpu.memory_space<vmem_shared>> -> memref<10240x40xf32, #tpu.memory_space<vmem_shared>>
        tpu.enqueue_indirect_dma source(%dma_start3A_272 : memref<128x40xf32, #tpu.memory_space<vmem>>) target(%dma_start3A_278 : memref<10240x40xf32, #tpu.memory_space<vmem_shared>>) offsets(%dma_start3A_275 : memref<128xi32, #tpu.memory_space<vmem>>) semaphore(%run_scoped3A_268 : memref<!tpu.dma_semaphore, #tpu.memory_space<semaphore_mem>>) {add = true}
        %dma_wait3A_279 = arith.constant 0 : i32
        %dma_wait3A_280 = arith.constant 0 : i32
        %dma_wait3A_281 = tpu.memref_slice %arg9[%run_scoped3A_201, %dma_wait3A_279, %dma_wait3A_280] : memref<2x128x40xf32, #tpu.memory_space<vmem>> -> memref<1x128x40xf32, #tpu.memory_space<vmem>>
        %dma_wait3A_282 = tpu.memref_squeeze %dma_wait3A_281 : memref<1x128x40xf32, #tpu.memory_space<vmem>> -> memref<128x40xf32, #tpu.memory_space<vmem>>
        %dma_wait3A_283 = arith.constant 0 : i32
        %dma_wait3A_284 = tpu.memref_slice %arg8[%add3A_188, %dma_wait3A_283] : memref<112x128xi32, #tpu.memory_space<vmem>> -> memref<1x128xi32, #tpu.memory_space<vmem>>
        %dma_wait3A_285 = tpu.memref_squeeze %dma_wait3A_284 : memref<1x128xi32, #tpu.memory_space<vmem>> -> memref<128xi32, #tpu.memory_space<vmem>>
        %dma_wait3A_286 = arith.constant 0 : i32
        %dma_wait3A_287 = arith.constant 0 : i32
        %dma_wait3A_288 = tpu.memref_slice %arg10[%dma_wait3A_286, %dma_wait3A_287] : memref<10240x40xf32, #tpu.memory_space<vmem_shared>> -> memref<10240x40xf32, #tpu.memory_space<vmem_shared>>
        tpu.wait_indirect_dma semaphore(%run_scoped3A_268 : memref<!tpu.dma_semaphore, #tpu.memory_space<semaphore_mem>>) src(%dma_wait3A_282 : memref<128x40xf32, #tpu.memory_space<vmem>>) dst(%dma_wait3A_288 : memref<10240x40xf32, #tpu.memory_space<vmem_shared>>)
        tpu.yield
      }) : () -> ()
      %add3A_202 = arith.constant 2 : i32
      %add3A_203 = arith.addi %add3A_188, %add3A_202 : i32
      %lt3A_204 = arith.cmpi slt, %add3A_203, %select_n3A : i32
      %convert_element_type3A_205 = arith.extui %lt3A_204 : i1 to i32
      %cond3A_206 = arith.constant 0 : i32
      %cond3A_207 = arith.cmpi ne, %convert_element_type3A_205, %cond3A_206 : i32
      scf.if %cond3A_207 {
        %add3A_268 = arith.addi %select_n3A_10, %add3A_188 : i32
        %add3A_269 = arith.constant 2 : i32
        %add3A_270 = arith.addi %add3A_268, %add3A_269 : i32
        %dma_wait3A_271 = arith.constant 3 : i32
        %dma_wait3A_272 = arith.constant 0 : i32
        %dma_wait3A_273 = tpu.memref_slice %arg7[%dma_wait3A_271, %dma_wait3A_272] : memref<4x128xi32, #tpu.memory_space<vmem>> -> memref<1x128xi32, #tpu.memory_space<vmem>>
        %dma_wait3A_274 = tpu.memref_squeeze %dma_wait3A_273 : memref<1x128xi32, #tpu.memory_space<vmem>> -> memref<128xi32, #tpu.memory_space<vmem>>
        %dma_wait3A_275 = arith.constant 0 : i32
        %dma_wait3A_276 = tpu.memref_slice %arg3[%add3A_270, %dma_wait3A_275] : memref<2560x128xi32, #tpu.memory_space<hbm>> -> memref<1x128xi32, #tpu.memory_space<hbm>>
        %dma_wait3A_277 = tpu.memref_squeeze %dma_wait3A_276 : memref<1x128xi32, #tpu.memory_space<hbm>> -> memref<128xi32, #tpu.memory_space<hbm>>
        %dma_wait3A_278 = arith.constant 0 : i32
        %dma_wait3A_279 = tpu.memref_slice %arg7[%dma_wait3A_271, %dma_wait3A_278] : memref<4x128xi32, #tpu.memory_space<vmem>> -> memref<1x128xi32, #tpu.memory_space<vmem>>
        %dma_wait3A_280 = tpu.memref_squeeze %dma_wait3A_279 : memref<1x128xi32, #tpu.memory_space<vmem>> -> memref<128xi32, #tpu.memory_space<vmem>>
        %dma_wait3A_281 = arith.constant 0 : i32
        %dma_wait3A_282 = tpu.memref_slice %arg3[%add3A_270, %dma_wait3A_281] : memref<2560x128xi32, #tpu.memory_space<hbm>> -> memref<1x128xi32, #tpu.memory_space<hbm>>
        %dma_wait3A_283 = tpu.memref_squeeze %dma_wait3A_282 : memref<1x128xi32, #tpu.memory_space<hbm>> -> memref<128xi32, #tpu.memory_space<hbm>>
        tpu.wait_dma2 semaphore(%arg16 : memref<!tpu.dma_semaphore, #tpu.memory_space<semaphore_mem>>) src(%dma_wait3A_283 : memref<128xi32, #tpu.memory_space<hbm>>) dst(%dma_wait3A_280 : memref<128xi32, #tpu.memory_space<vmem>>)
        %dma_start3A_284 = arith.constant 3 : i32
        %dma_start3A_285 = arith.constant 1 : i32
        %dma_start3A_286 = arith.constant 0 : i32
        %dma_start3A_287 = arith.constant 0 : i32
        %dma_start3A_288 = tpu.memref_slice %arg9[%dma_start3A_285, %dma_start3A_286, %dma_start3A_287] : memref<2x128x40xf32, #tpu.memory_space<vmem>> -> memref<1x128x40xf32, #tpu.memory_space<vmem>>
        %dma_start3A_289 = tpu.memref_squeeze %dma_start3A_288 : memref<1x128x40xf32, #tpu.memory_space<vmem>> -> memref<128x40xf32, #tpu.memory_space<vmem>>
        %dma_start3A_290 = arith.constant 0 : i32
        %dma_start3A_291 = tpu.memref_slice %arg7[%dma_start3A_284, %dma_start3A_290] : memref<4x128xi32, #tpu.memory_space<vmem>> -> memref<1x128xi32, #tpu.memory_space<vmem>>
        %dma_start3A_292 = tpu.memref_squeeze %dma_start3A_291 : memref<1x128xi32, #tpu.memory_space<vmem>> -> memref<128xi32, #tpu.memory_space<vmem>>
        %dma_start3A_293 = arith.constant 0 : i32
        %dma_start3A_294 = arith.constant 0 : i32
        %dma_start3A_295 = tpu.memref_slice %arg2[%dma_start3A_293, %dma_start3A_294] : memref<10240x40xf32, #tpu.memory_space<hbm>> -> memref<10240x40xf32, #tpu.memory_space<hbm>>
        tpu.enqueue_indirect_dma source(%dma_start3A_295 : memref<10240x40xf32, #tpu.memory_space<hbm>>) target(%dma_start3A_289 : memref<128x40xf32, #tpu.memory_space<vmem>>) offsets(%dma_start3A_292 : memref<128xi32, #tpu.memory_space<vmem>>) semaphore(%arg12 : memref<!tpu.dma_semaphore, #tpu.memory_space<semaphore_mem>>)
      } else {
      }
      %add3A_208 = arith.constant 4 : i32
      %add3A_209 = arith.addi %add3A_188, %add3A_208 : i32
      %lt3A_210 = arith.cmpi slt, %add3A_209, %select_n3A : i32
      %convert_element_type3A_211 = arith.extui %lt3A_210 : i1 to i32
      %cond3A_212 = arith.constant 0 : i32
      %cond3A_213 = arith.cmpi ne, %convert_element_type3A_211, %cond3A_212 : i32
      scf.if %cond3A_213 {
        %add3A_268 = arith.addi %select_n3A_10, %add3A_188 : i32
        %add3A_269 = arith.constant 4 : i32
        %add3A_270 = arith.addi %add3A_268, %add3A_269 : i32
        %dma_start3A_271 = arith.constant 1 : i32
        %dma_start3A_272 = arith.constant 0 : i32
        %dma_start3A_273 = tpu.memref_slice %arg7[%dma_start3A_271, %dma_start3A_272] : memref<4x128xi32, #tpu.memory_space<vmem>> -> memref<1x128xi32, #tpu.memory_space<vmem>>
        %dma_start3A_274 = tpu.memref_squeeze %dma_start3A_273 : memref<1x128xi32, #tpu.memory_space<vmem>> -> memref<128xi32, #tpu.memory_space<vmem>>
        %dma_start3A_275 = arith.constant 0 : i32
        %dma_start3A_276 = tpu.memref_slice %arg3[%add3A_270, %dma_start3A_275] : memref<2560x128xi32, #tpu.memory_space<hbm>> -> memref<1x128xi32, #tpu.memory_space<hbm>>
        %dma_start3A_277 = tpu.memref_squeeze %dma_start3A_276 : memref<1x128xi32, #tpu.memory_space<hbm>> -> memref<128xi32, #tpu.memory_space<hbm>>
        %dma_start3A_278 = arith.constant 0 : i32
        %dma_start3A_279 = tpu.memref_slice %arg7[%dma_start3A_271, %dma_start3A_278] : memref<4x128xi32, #tpu.memory_space<vmem>> -> memref<1x128xi32, #tpu.memory_space<vmem>>
        %dma_start3A_280 = tpu.memref_squeeze %dma_start3A_279 : memref<1x128xi32, #tpu.memory_space<vmem>> -> memref<128xi32, #tpu.memory_space<vmem>>
        %dma_start3A_281 = arith.constant 0 : i32
        %dma_start3A_282 = tpu.memref_slice %arg3[%add3A_270, %dma_start3A_281] : memref<2560x128xi32, #tpu.memory_space<hbm>> -> memref<1x128xi32, #tpu.memory_space<hbm>>
        %dma_start3A_283 = tpu.memref_squeeze %dma_start3A_282 : memref<1x128xi32, #tpu.memory_space<hbm>> -> memref<128xi32, #tpu.memory_space<hbm>>
        tpu.enqueue_dma source(%dma_start3A_283 : memref<128xi32, #tpu.memory_space<hbm>>) target(%dma_start3A_280 : memref<128xi32, #tpu.memory_space<vmem>>) target_semaphore(%arg14 : memref<!tpu.dma_semaphore, #tpu.memory_space<semaphore_mem>>)
      } else {
      }
      %add3A_214 = arith.constant 2 : i32
      %add3A_215 = arith.addi %mul3A_161, %add3A_214 : i32
      %dma_wait3A_216 = arith.constant 2 : i32
      %dma_wait3A_217 = arith.constant 0 : i32
      %dma_wait3A_218 = arith.constant 0 : i32
      %dma_wait3A_219 = arith.constant 0 : i32
      %dma_wait3A_220 = tpu.memref_slice %arg9[%dma_wait3A_217, %dma_wait3A_218, %dma_wait3A_219] : memref<2x128x40xf32, #tpu.memory_space<vmem>> -> memref<1x128x40xf32, #tpu.memory_space<vmem>>
      %dma_wait3A_221 = tpu.memref_squeeze %dma_wait3A_220 : memref<1x128x40xf32, #tpu.memory_space<vmem>> -> memref<128x40xf32, #tpu.memory_space<vmem>>
      %dma_wait3A_222 = arith.constant 0 : i32
      %dma_wait3A_223 = tpu.memref_slice %arg7[%dma_wait3A_216, %dma_wait3A_222] : memref<4x128xi32, #tpu.memory_space<vmem>> -> memref<1x128xi32, #tpu.memory_space<vmem>>
      %dma_wait3A_224 = tpu.memref_squeeze %dma_wait3A_223 : memref<1x128xi32, #tpu.memory_space<vmem>> -> memref<128xi32, #tpu.memory_space<vmem>>
      %dma_wait3A_225 = arith.constant 0 : i32
      %dma_wait3A_226 = arith.constant 0 : i32
      %dma_wait3A_227 = tpu.memref_slice %arg2[%dma_wait3A_225, %dma_wait3A_226] : memref<10240x40xf32, #tpu.memory_space<hbm>> -> memref<10240x40xf32, #tpu.memory_space<hbm>>
      tpu.wait_indirect_dma semaphore(%arg11 : memref<!tpu.dma_semaphore, #tpu.memory_space<semaphore_mem>>) src(%dma_wait3A_227 : memref<10240x40xf32, #tpu.memory_space<hbm>>) dst(%dma_wait3A_221 : memref<128x40xf32, #tpu.memory_space<vmem>>)
      %run_scoped3A_228 = arith.constant 0 : i32
      "tpu.region"() ({
        %run_scoped3A_268 = tpu.sem_alloc : memref<!tpu.dma_semaphore, #tpu.memory_space<semaphore_mem>>
        %dma_start3A_269 = arith.constant 0 : i32
        %dma_start3A_270 = arith.constant 0 : i32
        %dma_start3A_271 = tpu.memref_slice %arg9[%run_scoped3A_228, %dma_start3A_269, %dma_start3A_270] : memref<2x128x40xf32, #tpu.memory_space<vmem>> -> memref<1x128x40xf32, #tpu.memory_space<vmem>>
        %dma_start3A_272 = tpu.memref_squeeze %dma_start3A_271 : memref<1x128x40xf32, #tpu.memory_space<vmem>> -> memref<128x40xf32, #tpu.memory_space<vmem>>
        %dma_start3A_273 = arith.constant 0 : i32
        %dma_start3A_274 = tpu.memref_slice %arg8[%add3A_215, %dma_start3A_273] : memref<112x128xi32, #tpu.memory_space<vmem>> -> memref<1x128xi32, #tpu.memory_space<vmem>>
        %dma_start3A_275 = tpu.memref_squeeze %dma_start3A_274 : memref<1x128xi32, #tpu.memory_space<vmem>> -> memref<128xi32, #tpu.memory_space<vmem>>
        %dma_start3A_276 = arith.constant 0 : i32
        %dma_start3A_277 = arith.constant 0 : i32
        %dma_start3A_278 = tpu.memref_slice %arg10[%dma_start3A_276, %dma_start3A_277] : memref<10240x40xf32, #tpu.memory_space<vmem_shared>> -> memref<10240x40xf32, #tpu.memory_space<vmem_shared>>
        tpu.enqueue_indirect_dma source(%dma_start3A_272 : memref<128x40xf32, #tpu.memory_space<vmem>>) target(%dma_start3A_278 : memref<10240x40xf32, #tpu.memory_space<vmem_shared>>) offsets(%dma_start3A_275 : memref<128xi32, #tpu.memory_space<vmem>>) semaphore(%run_scoped3A_268 : memref<!tpu.dma_semaphore, #tpu.memory_space<semaphore_mem>>) {add = true}
        %dma_wait3A_279 = arith.constant 0 : i32
        %dma_wait3A_280 = arith.constant 0 : i32
        %dma_wait3A_281 = tpu.memref_slice %arg9[%run_scoped3A_228, %dma_wait3A_279, %dma_wait3A_280] : memref<2x128x40xf32, #tpu.memory_space<vmem>> -> memref<1x128x40xf32, #tpu.memory_space<vmem>>
        %dma_wait3A_282 = tpu.memref_squeeze %dma_wait3A_281 : memref<1x128x40xf32, #tpu.memory_space<vmem>> -> memref<128x40xf32, #tpu.memory_space<vmem>>
        %dma_wait3A_283 = arith.constant 0 : i32
        %dma_wait3A_284 = tpu.memref_slice %arg8[%add3A_215, %dma_wait3A_283] : memref<112x128xi32, #tpu.memory_space<vmem>> -> memref<1x128xi32, #tpu.memory_space<vmem>>
        %dma_wait3A_285 = tpu.memref_squeeze %dma_wait3A_284 : memref<1x128xi32, #tpu.memory_space<vmem>> -> memref<128xi32, #tpu.memory_space<vmem>>
        %dma_wait3A_286 = arith.constant 0 : i32
        %dma_wait3A_287 = arith.constant 0 : i32
        %dma_wait3A_288 = tpu.memref_slice %arg10[%dma_wait3A_286, %dma_wait3A_287] : memref<10240x40xf32, #tpu.memory_space<vmem_shared>> -> memref<10240x40xf32, #tpu.memory_space<vmem_shared>>
        tpu.wait_indirect_dma semaphore(%run_scoped3A_268 : memref<!tpu.dma_semaphore, #tpu.memory_space<semaphore_mem>>) src(%dma_wait3A_282 : memref<128x40xf32, #tpu.memory_space<vmem>>) dst(%dma_wait3A_288 : memref<10240x40xf32, #tpu.memory_space<vmem_shared>>)
        tpu.yield
      }) : () -> ()
      %add3A_229 = arith.constant 2 : i32
      %add3A_230 = arith.addi %add3A_215, %add3A_229 : i32
      %lt3A_231 = arith.cmpi slt, %add3A_230, %select_n3A : i32
      %convert_element_type3A_232 = arith.extui %lt3A_231 : i1 to i32
      %cond3A_233 = arith.constant 0 : i32
      %cond3A_234 = arith.cmpi ne, %convert_element_type3A_232, %cond3A_233 : i32
      scf.if %cond3A_234 {
        %add3A_268 = arith.addi %select_n3A_10, %add3A_215 : i32
        %add3A_269 = arith.constant 2 : i32
        %add3A_270 = arith.addi %add3A_268, %add3A_269 : i32
        %dma_wait3A_271 = arith.constant 0 : i32
        %dma_wait3A_272 = arith.constant 0 : i32
        %dma_wait3A_273 = tpu.memref_slice %arg7[%dma_wait3A_271, %dma_wait3A_272] : memref<4x128xi32, #tpu.memory_space<vmem>> -> memref<1x128xi32, #tpu.memory_space<vmem>>
        %dma_wait3A_274 = tpu.memref_squeeze %dma_wait3A_273 : memref<1x128xi32, #tpu.memory_space<vmem>> -> memref<128xi32, #tpu.memory_space<vmem>>
        %dma_wait3A_275 = arith.constant 0 : i32
        %dma_wait3A_276 = tpu.memref_slice %arg3[%add3A_270, %dma_wait3A_275] : memref<2560x128xi32, #tpu.memory_space<hbm>> -> memref<1x128xi32, #tpu.memory_space<hbm>>
        %dma_wait3A_277 = tpu.memref_squeeze %dma_wait3A_276 : memref<1x128xi32, #tpu.memory_space<hbm>> -> memref<128xi32, #tpu.memory_space<hbm>>
        %dma_wait3A_278 = arith.constant 0 : i32
        %dma_wait3A_279 = tpu.memref_slice %arg7[%dma_wait3A_271, %dma_wait3A_278] : memref<4x128xi32, #tpu.memory_space<vmem>> -> memref<1x128xi32, #tpu.memory_space<vmem>>
        %dma_wait3A_280 = tpu.memref_squeeze %dma_wait3A_279 : memref<1x128xi32, #tpu.memory_space<vmem>> -> memref<128xi32, #tpu.memory_space<vmem>>
        %dma_wait3A_281 = arith.constant 0 : i32
        %dma_wait3A_282 = tpu.memref_slice %arg3[%add3A_270, %dma_wait3A_281] : memref<2560x128xi32, #tpu.memory_space<hbm>> -> memref<1x128xi32, #tpu.memory_space<hbm>>
        %dma_wait3A_283 = tpu.memref_squeeze %dma_wait3A_282 : memref<1x128xi32, #tpu.memory_space<hbm>> -> memref<128xi32, #tpu.memory_space<hbm>>
        tpu.wait_dma2 semaphore(%arg13 : memref<!tpu.dma_semaphore, #tpu.memory_space<semaphore_mem>>) src(%dma_wait3A_283 : memref<128xi32, #tpu.memory_space<hbm>>) dst(%dma_wait3A_280 : memref<128xi32, #tpu.memory_space<vmem>>)
        %dma_start3A_284 = arith.constant 0 : i32
        %dma_start3A_285 = arith.constant 0 : i32
        %dma_start3A_286 = arith.constant 0 : i32
        %dma_start3A_287 = arith.constant 0 : i32
        %dma_start3A_288 = tpu.memref_slice %arg9[%dma_start3A_285, %dma_start3A_286, %dma_start3A_287] : memref<2x128x40xf32, #tpu.memory_space<vmem>> -> memref<1x128x40xf32, #tpu.memory_space<vmem>>
        %dma_start3A_289 = tpu.memref_squeeze %dma_start3A_288 : memref<1x128x40xf32, #tpu.memory_space<vmem>> -> memref<128x40xf32, #tpu.memory_space<vmem>>
        %dma_start3A_290 = arith.constant 0 : i32
        %dma_start3A_291 = tpu.memref_slice %arg7[%dma_start3A_284, %dma_start3A_290] : memref<4x128xi32, #tpu.memory_space<vmem>> -> memref<1x128xi32, #tpu.memory_space<vmem>>
        %dma_start3A_292 = tpu.memref_squeeze %dma_start3A_291 : memref<1x128xi32, #tpu.memory_space<vmem>> -> memref<128xi32, #tpu.memory_space<vmem>>
        %dma_start3A_293 = arith.constant 0 : i32
        %dma_start3A_294 = arith.constant 0 : i32
        %dma_start3A_295 = tpu.memref_slice %arg2[%dma_start3A_293, %dma_start3A_294] : memref<10240x40xf32, #tpu.memory_space<hbm>> -> memref<10240x40xf32, #tpu.memory_space<hbm>>
        tpu.enqueue_indirect_dma source(%dma_start3A_295 : memref<10240x40xf32, #tpu.memory_space<hbm>>) target(%dma_start3A_289 : memref<128x40xf32, #tpu.memory_space<vmem>>) offsets(%dma_start3A_292 : memref<128xi32, #tpu.memory_space<vmem>>) semaphore(%arg11 : memref<!tpu.dma_semaphore, #tpu.memory_space<semaphore_mem>>)
      } else {
      }
      %add3A_235 = arith.constant 4 : i32
      %add3A_236 = arith.addi %add3A_215, %add3A_235 : i32
      %lt3A_237 = arith.cmpi slt, %add3A_236, %select_n3A : i32
      %convert_element_type3A_238 = arith.extui %lt3A_237 : i1 to i32
      %cond3A_239 = arith.constant 0 : i32
      %cond3A_240 = arith.cmpi ne, %convert_element_type3A_238, %cond3A_239 : i32
      scf.if %cond3A_240 {
        %add3A_268 = arith.addi %select_n3A_10, %add3A_215 : i32
        %add3A_269 = arith.constant 4 : i32
        %add3A_270 = arith.addi %add3A_268, %add3A_269 : i32
        %dma_start3A_271 = arith.constant 2 : i32
        %dma_start3A_272 = arith.constant 0 : i32
        %dma_start3A_273 = tpu.memref_slice %arg7[%dma_start3A_271, %dma_start3A_272] : memref<4x128xi32, #tpu.memory_space<vmem>> -> memref<1x128xi32, #tpu.memory_space<vmem>>
        %dma_start3A_274 = tpu.memref_squeeze %dma_start3A_273 : memref<1x128xi32, #tpu.memory_space<vmem>> -> memref<128xi32, #tpu.memory_space<vmem>>
        %dma_start3A_275 = arith.constant 0 : i32
        %dma_start3A_276 = tpu.memref_slice %arg3[%add3A_270, %dma_start3A_275] : memref<2560x128xi32, #tpu.memory_space<hbm>> -> memref<1x128xi32, #tpu.memory_space<hbm>>
        %dma_start3A_277 = tpu.memref_squeeze %dma_start3A_276 : memref<1x128xi32, #tpu.memory_space<hbm>> -> memref<128xi32, #tpu.memory_space<hbm>>
        %dma_start3A_278 = arith.constant 0 : i32
        %dma_start3A_279 = tpu.memref_slice %arg7[%dma_start3A_271, %dma_start3A_278] : memref<4x128xi32, #tpu.memory_space<vmem>> -> memref<1x128xi32, #tpu.memory_space<vmem>>
        %dma_start3A_280 = tpu.memref_squeeze %dma_start3A_279 : memref<1x128xi32, #tpu.memory_space<vmem>> -> memref<128xi32, #tpu.memory_space<vmem>>
        %dma_start3A_281 = arith.constant 0 : i32
        %dma_start3A_282 = tpu.memref_slice %arg3[%add3A_270, %dma_start3A_281] : memref<2560x128xi32, #tpu.memory_space<hbm>> -> memref<1x128xi32, #tpu.memory_space<hbm>>
        %dma_start3A_283 = tpu.memref_squeeze %dma_start3A_282 : memref<1x128xi32, #tpu.memory_space<hbm>> -> memref<128xi32, #tpu.memory_space<hbm>>
        tpu.enqueue_dma source(%dma_start3A_283 : memref<128xi32, #tpu.memory_space<hbm>>) target(%dma_start3A_280 : memref<128xi32, #tpu.memory_space<vmem>>) target_semaphore(%arg15 : memref<!tpu.dma_semaphore, #tpu.memory_space<semaphore_mem>>)
      } else {
      }
      %add3A_241 = arith.constant 3 : i32
      %add3A_242 = arith.addi %mul3A_161, %add3A_241 : i32
      %dma_wait3A_243 = arith.constant 3 : i32
      %dma_wait3A_244 = arith.constant 1 : i32
      %dma_wait3A_245 = arith.constant 0 : i32
      %dma_wait3A_246 = arith.constant 0 : i32
      %dma_wait3A_247 = tpu.memref_slice %arg9[%dma_wait3A_244, %dma_wait3A_245, %dma_wait3A_246] : memref<2x128x40xf32, #tpu.memory_space<vmem>> -> memref<1x128x40xf32, #tpu.memory_space<vmem>>
      %dma_wait3A_248 = tpu.memref_squeeze %dma_wait3A_247 : memref<1x128x40xf32, #tpu.memory_space<vmem>> -> memref<128x40xf32, #tpu.memory_space<vmem>>
      %dma_wait3A_249 = arith.constant 0 : i32
      %dma_wait3A_250 = tpu.memref_slice %arg7[%dma_wait3A_243, %dma_wait3A_249] : memref<4x128xi32, #tpu.memory_space<vmem>> -> memref<1x128xi32, #tpu.memory_space<vmem>>
      %dma_wait3A_251 = tpu.memref_squeeze %dma_wait3A_250 : memref<1x128xi32, #tpu.memory_space<vmem>> -> memref<128xi32, #tpu.memory_space<vmem>>
      %dma_wait3A_252 = arith.constant 0 : i32
      %dma_wait3A_253 = arith.constant 0 : i32
      %dma_wait3A_254 = tpu.memref_slice %arg2[%dma_wait3A_252, %dma_wait3A_253] : memref<10240x40xf32, #tpu.memory_space<hbm>> -> memref<10240x40xf32, #tpu.memory_space<hbm>>
      tpu.wait_indirect_dma semaphore(%arg12 : memref<!tpu.dma_semaphore, #tpu.memory_space<semaphore_mem>>) src(%dma_wait3A_254 : memref<10240x40xf32, #tpu.memory_space<hbm>>) dst(%dma_wait3A_248 : memref<128x40xf32, #tpu.memory_space<vmem>>)
      %run_scoped3A_255 = arith.constant 1 : i32
      "tpu.region"() ({
        %run_scoped3A_268 = tpu.sem_alloc : memref<!tpu.dma_semaphore, #tpu.memory_space<semaphore_mem>>
        %dma_start3A_269 = arith.constant 0 : i32
        %dma_start3A_270 = arith.constant 0 : i32
        %dma_start3A_271 = tpu.memref_slice %arg9[%run_scoped3A_255, %dma_start3A_269, %dma_start3A_270] : memref<2x128x40xf32, #tpu.memory_space<vmem>> -> memref<1x128x40xf32, #tpu.memory_space<vmem>>
        %dma_start3A_272 = tpu.memref_squeeze %dma_start3A_271 : memref<1x128x40xf32, #tpu.memory_space<vmem>> -> memref<128x40xf32, #tpu.memory_space<vmem>>
        %dma_start3A_273 = arith.constant 0 : i32
        %dma_start3A_274 = tpu.memref_slice %arg8[%add3A_242, %dma_start3A_273] : memref<112x128xi32, #tpu.memory_space<vmem>> -> memref<1x128xi32, #tpu.memory_space<vmem>>
        %dma_start3A_275 = tpu.memref_squeeze %dma_start3A_274 : memref<1x128xi32, #tpu.memory_space<vmem>> -> memref<128xi32, #tpu.memory_space<vmem>>
        %dma_start3A_276 = arith.constant 0 : i32
        %dma_start3A_277 = arith.constant 0 : i32
        %dma_start3A_278 = tpu.memref_slice %arg10[%dma_start3A_276, %dma_start3A_277] : memref<10240x40xf32, #tpu.memory_space<vmem_shared>> -> memref<10240x40xf32, #tpu.memory_space<vmem_shared>>
        tpu.enqueue_indirect_dma source(%dma_start3A_272 : memref<128x40xf32, #tpu.memory_space<vmem>>) target(%dma_start3A_278 : memref<10240x40xf32, #tpu.memory_space<vmem_shared>>) offsets(%dma_start3A_275 : memref<128xi32, #tpu.memory_space<vmem>>) semaphore(%run_scoped3A_268 : memref<!tpu.dma_semaphore, #tpu.memory_space<semaphore_mem>>) {add = true}
        %dma_wait3A_279 = arith.constant 0 : i32
        %dma_wait3A_280 = arith.constant 0 : i32
        %dma_wait3A_281 = tpu.memref_slice %arg9[%run_scoped3A_255, %dma_wait3A_279, %dma_wait3A_280] : memref<2x128x40xf32, #tpu.memory_space<vmem>> -> memref<1x128x40xf32, #tpu.memory_space<vmem>>
        %dma_wait3A_282 = tpu.memref_squeeze %dma_wait3A_281 : memref<1x128x40xf32, #tpu.memory_space<vmem>> -> memref<128x40xf32, #tpu.memory_space<vmem>>
        %dma_wait3A_283 = arith.constant 0 : i32
        %dma_wait3A_284 = tpu.memref_slice %arg8[%add3A_242, %dma_wait3A_283] : memref<112x128xi32, #tpu.memory_space<vmem>> -> memref<1x128xi32, #tpu.memory_space<vmem>>
        %dma_wait3A_285 = tpu.memref_squeeze %dma_wait3A_284 : memref<1x128xi32, #tpu.memory_space<vmem>> -> memref<128xi32, #tpu.memory_space<vmem>>
        %dma_wait3A_286 = arith.constant 0 : i32
        %dma_wait3A_287 = arith.constant 0 : i32
        %dma_wait3A_288 = tpu.memref_slice %arg10[%dma_wait3A_286, %dma_wait3A_287] : memref<10240x40xf32, #tpu.memory_space<vmem_shared>> -> memref<10240x40xf32, #tpu.memory_space<vmem_shared>>
        tpu.wait_indirect_dma semaphore(%run_scoped3A_268 : memref<!tpu.dma_semaphore, #tpu.memory_space<semaphore_mem>>) src(%dma_wait3A_282 : memref<128x40xf32, #tpu.memory_space<vmem>>) dst(%dma_wait3A_288 : memref<10240x40xf32, #tpu.memory_space<vmem_shared>>)
        tpu.yield
      }) : () -> ()
      %add3A_256 = arith.constant 2 : i32
      %add3A_257 = arith.addi %add3A_242, %add3A_256 : i32
      %lt3A_258 = arith.cmpi slt, %add3A_257, %select_n3A : i32
      %convert_element_type3A_259 = arith.extui %lt3A_258 : i1 to i32
      %cond3A_260 = arith.constant 0 : i32
      %cond3A_261 = arith.cmpi ne, %convert_element_type3A_259, %cond3A_260 : i32
      scf.if %cond3A_261 {
        %add3A_268 = arith.addi %select_n3A_10, %add3A_242 : i32
        %add3A_269 = arith.constant 2 : i32
        %add3A_270 = arith.addi %add3A_268, %add3A_269 : i32
        %dma_wait3A_271 = arith.constant 1 : i32
        %dma_wait3A_272 = arith.constant 0 : i32
        %dma_wait3A_273 = tpu.memref_slice %arg7[%dma_wait3A_271, %dma_wait3A_272] : memref<4x128xi32, #tpu.memory_space<vmem>> -> memref<1x128xi32, #tpu.memory_space<vmem>>
        %dma_wait3A_274 = tpu.memref_squeeze %dma_wait3A_273 : memref<1x128xi32, #tpu.memory_space<vmem>> -> memref<128xi32, #tpu.memory_space<vmem>>
        %dma_wait3A_275 = arith.constant 0 : i32
        %dma_wait3A_276 = tpu.memref_slice %arg3[%add3A_270, %dma_wait3A_275] : memref<2560x128xi32, #tpu.memory_space<hbm>> -> memref<1x128xi32, #tpu.memory_space<hbm>>
        %dma_wait3A_277 = tpu.memref_squeeze %dma_wait3A_276 : memref<1x128xi32, #tpu.memory_space<hbm>> -> memref<128xi32, #tpu.memory_space<hbm>>
        %dma_wait3A_278 = arith.constant 0 : i32
        %dma_wait3A_279 = tpu.memref_slice %arg7[%dma_wait3A_271, %dma_wait3A_278] : memref<4x128xi32, #tpu.memory_space<vmem>> -> memref<1x128xi32, #tpu.memory_space<vmem>>
        %dma_wait3A_280 = tpu.memref_squeeze %dma_wait3A_279 : memref<1x128xi32, #tpu.memory_space<vmem>> -> memref<128xi32, #tpu.memory_space<vmem>>
        %dma_wait3A_281 = arith.constant 0 : i32
        %dma_wait3A_282 = tpu.memref_slice %arg3[%add3A_270, %dma_wait3A_281] : memref<2560x128xi32, #tpu.memory_space<hbm>> -> memref<1x128xi32, #tpu.memory_space<hbm>>
        %dma_wait3A_283 = tpu.memref_squeeze %dma_wait3A_282 : memref<1x128xi32, #tpu.memory_space<hbm>> -> memref<128xi32, #tpu.memory_space<hbm>>
        tpu.wait_dma2 semaphore(%arg14 : memref<!tpu.dma_semaphore, #tpu.memory_space<semaphore_mem>>) src(%dma_wait3A_283 : memref<128xi32, #tpu.memory_space<hbm>>) dst(%dma_wait3A_280 : memref<128xi32, #tpu.memory_space<vmem>>)
        %dma_start3A_284 = arith.constant 1 : i32
        %dma_start3A_285 = arith.constant 1 : i32
        %dma_start3A_286 = arith.constant 0 : i32
        %dma_start3A_287 = arith.constant 0 : i32
        %dma_start3A_288 = tpu.memref_slice %arg9[%dma_start3A_285, %dma_start3A_286, %dma_start3A_287] : memref<2x128x40xf32, #tpu.memory_space<vmem>> -> memref<1x128x40xf32, #tpu.memory_space<vmem>>
        %dma_start3A_289 = tpu.memref_squeeze %dma_start3A_288 : memref<1x128x40xf32, #tpu.memory_space<vmem>> -> memref<128x40xf32, #tpu.memory_space<vmem>>
        %dma_start3A_290 = arith.constant 0 : i32
        %dma_start3A_291 = tpu.memref_slice %arg7[%dma_start3A_284, %dma_start3A_290] : memref<4x128xi32, #tpu.memory_space<vmem>> -> memref<1x128xi32, #tpu.memory_space<vmem>>
        %dma_start3A_292 = tpu.memref_squeeze %dma_start3A_291 : memref<1x128xi32, #tpu.memory_space<vmem>> -> memref<128xi32, #tpu.memory_space<vmem>>
        %dma_start3A_293 = arith.constant 0 : i32
        %dma_start3A_294 = arith.constant 0 : i32
        %dma_start3A_295 = tpu.memref_slice %arg2[%dma_start3A_293, %dma_start3A_294] : memref<10240x40xf32, #tpu.memory_space<hbm>> -> memref<10240x40xf32, #tpu.memory_space<hbm>>
        tpu.enqueue_indirect_dma source(%dma_start3A_295 : memref<10240x40xf32, #tpu.memory_space<hbm>>) target(%dma_start3A_289 : memref<128x40xf32, #tpu.memory_space<vmem>>) offsets(%dma_start3A_292 : memref<128xi32, #tpu.memory_space<vmem>>) semaphore(%arg12 : memref<!tpu.dma_semaphore, #tpu.memory_space<semaphore_mem>>)
      } else {
      }
      %add3A_262 = arith.constant 4 : i32
      %add3A_263 = arith.addi %add3A_242, %add3A_262 : i32
      %lt3A_264 = arith.cmpi slt, %add3A_263, %select_n3A : i32
      %convert_element_type3A_265 = arith.extui %lt3A_264 : i1 to i32
      %cond3A_266 = arith.constant 0 : i32
      %cond3A_267 = arith.cmpi ne, %convert_element_type3A_265, %cond3A_266 : i32
      scf.if %cond3A_267 {
        %add3A_268 = arith.addi %select_n3A_10, %add3A_242 : i32
        %add3A_269 = arith.constant 4 : i32
        %add3A_270 = arith.addi %add3A_268, %add3A_269 : i32
        %dma_start3A_271 = arith.constant 3 : i32
        %dma_start3A_272 = arith.constant 0 : i32
        %dma_start3A_273 = tpu.memref_slice %arg7[%dma_start3A_271, %dma_start3A_272] : memref<4x128xi32, #tpu.memory_space<vmem>> -> memref<1x128xi32, #tpu.memory_space<vmem>>
        %dma_start3A_274 = tpu.memref_squeeze %dma_start3A_273 : memref<1x128xi32, #tpu.memory_space<vmem>> -> memref<128xi32, #tpu.memory_space<vmem>>
        %dma_start3A_275 = arith.constant 0 : i32
        %dma_start3A_276 = tpu.memref_slice %arg3[%add3A_270, %dma_start3A_275] : memref<2560x128xi32, #tpu.memory_space<hbm>> -> memref<1x128xi32, #tpu.memory_space<hbm>>
        %dma_start3A_277 = tpu.memref_squeeze %dma_start3A_276 : memref<1x128xi32, #tpu.memory_space<hbm>> -> memref<128xi32, #tpu.memory_space<hbm>>
        %dma_start3A_278 = arith.constant 0 : i32
        %dma_start3A_279 = tpu.memref_slice %arg7[%dma_start3A_271, %dma_start3A_278] : memref<4x128xi32, #tpu.memory_space<vmem>> -> memref<1x128xi32, #tpu.memory_space<vmem>>
        %dma_start3A_280 = tpu.memref_squeeze %dma_start3A_279 : memref<1x128xi32, #tpu.memory_space<vmem>> -> memref<128xi32, #tpu.memory_space<vmem>>
        %dma_start3A_281 = arith.constant 0 : i32
        %dma_start3A_282 = tpu.memref_slice %arg3[%add3A_270, %dma_start3A_281] : memref<2560x128xi32, #tpu.memory_space<hbm>> -> memref<1x128xi32, #tpu.memory_space<hbm>>
        %dma_start3A_283 = tpu.memref_squeeze %dma_start3A_282 : memref<1x128xi32, #tpu.memory_space<hbm>> -> memref<128xi32, #tpu.memory_space<hbm>>
        tpu.enqueue_dma source(%dma_start3A_283 : memref<128xi32, #tpu.memory_space<hbm>>) target(%dma_start3A_280 : memref<128xi32, #tpu.memory_space<vmem>>) target_semaphore(%arg16 : memref<!tpu.dma_semaphore, #tpu.memory_space<semaphore_mem>>)
      } else {
      }
    }
    %while3A_157 = arith.constant 1 : i32
    scf.for %while3A_159 = %while3A_155 to %while3A_151 step %while3A_157  : i32 {
      %mul3A_160 = arith.constant 4 : i32
      %mul3A_161 = arith.muli %while3A_159, %mul3A_160 : i32
      %add3A_162 = arith.constant 0 : i32
      %add3A_163 = arith.addi %mul3A_161, %add3A_162 : i32
      %dma_wait3A_164 = arith.constant 0 : i32
      %dma_wait3A_165 = arith.constant 0 : i32
      %dma_wait3A_166 = arith.constant 0 : i32
      %dma_wait3A_167 = arith.constant 0 : i32
      %dma_wait3A_168 = tpu.memref_slice %arg9[%dma_wait3A_165, %dma_wait3A_166, %dma_wait3A_167] : memref<2x128x40xf32, #tpu.memory_space<vmem>> -> memref<1x128x40xf32, #tpu.memory_space<vmem>>
      %dma_wait3A_169 = tpu.memref_squeeze %dma_wait3A_168 : memref<1x128x40xf32, #tpu.memory_space<vmem>> -> memref<128x40xf32, #tpu.memory_space<vmem>>
      %dma_wait3A_170 = arith.constant 0 : i32
      %dma_wait3A_171 = tpu.memref_slice %arg7[%dma_wait3A_164, %dma_wait3A_170] : memref<4x128xi32, #tpu.memory_space<vmem>> -> memref<1x128xi32, #tpu.memory_space<vmem>>
      %dma_wait3A_172 = tpu.memref_squeeze %dma_wait3A_171 : memref<1x128xi32, #tpu.memory_space<vmem>> -> memref<128xi32, #tpu.memory_space<vmem>>
      %dma_wait3A_173 = arith.constant 0 : i32
      %dma_wait3A_174 = arith.constant 0 : i32
      %dma_wait3A_175 = tpu.memref_slice %arg2[%dma_wait3A_173, %dma_wait3A_174] : memref<10240x40xf32, #tpu.memory_space<hbm>> -> memref<10240x40xf32, #tpu.memory_space<hbm>>
      tpu.wait_indirect_dma semaphore(%arg11 : memref<!tpu.dma_semaphore, #tpu.memory_space<semaphore_mem>>) src(%dma_wait3A_175 : memref<10240x40xf32, #tpu.memory_space<hbm>>) dst(%dma_wait3A_169 : memref<128x40xf32, #tpu.memory_space<vmem>>)
      %run_scoped3A = arith.constant 0 : i32
      "tpu.region"() ({
        %run_scoped3A_268 = tpu.sem_alloc : memref<!tpu.dma_semaphore, #tpu.memory_space<semaphore_mem>>
        %dma_start3A_269 = arith.constant 0 : i32
        %dma_start3A_270 = arith.constant 0 : i32
        %dma_start3A_271 = tpu.memref_slice %arg9[%run_scoped3A, %dma_start3A_269, %dma_start3A_270] : memref<2x128x40xf32, #tpu.memory_space<vmem>> -> memref<1x128x40xf32, #tpu.memory_space<vmem>>
        %dma_start3A_272 = tpu.memref_squeeze %dma_start3A_271 : memref<1x128x40xf32, #tpu.memory_space<vmem>> -> memref<128x40xf32, #tpu.memory_space<vmem>>
        %dma_start3A_273 = arith.constant 0 : i32
        %dma_start3A_274 = tpu.memref_slice %arg8[%add3A_163, %dma_start3A_273] : memref<112x128xi32, #tpu.memory_space<vmem>> -> memref<1x128xi32, #tpu.memory_space<vmem>>
        %dma_start3A_275 = tpu.memref_squeeze %dma_start3A_274 : memref<1x128xi32, #tpu.memory_space<vmem>> -> memref<128xi32, #tpu.memory_space<vmem>>
        %dma_start3A_276 = arith.constant 0 : i32
        %dma_start3A_277 = arith.constant 0 : i32
        %dma_start3A_278 = tpu.memref_slice %arg10[%dma_start3A_276, %dma_start3A_277] : memref<10240x40xf32, #tpu.memory_space<vmem_shared>> -> memref<10240x40xf32, #tpu.memory_space<vmem_shared>>
        tpu.enqueue_indirect_dma source(%dma_start3A_272 : memref<128x40xf32, #tpu.memory_space<vmem>>) target(%dma_start3A_278 : memref<10240x40xf32, #tpu.memory_space<vmem_shared>>) offsets(%dma_start3A_275 : memref<128xi32, #tpu.memory_space<vmem>>) semaphore(%run_scoped3A_268 : memref<!tpu.dma_semaphore, #tpu.memory_space<semaphore_mem>>) {add = true}
        %dma_wait3A_279 = arith.constant 0 : i32
        %dma_wait3A_280 = arith.constant 0 : i32
        %dma_wait3A_281 = tpu.memref_slice %arg9[%run_scoped3A, %dma_wait3A_279, %dma_wait3A_280] : memref<2x128x40xf32, #tpu.memory_space<vmem>> -> memref<1x128x40xf32, #tpu.memory_space<vmem>>
        %dma_wait3A_282 = tpu.memref_squeeze %dma_wait3A_281 : memref<1x128x40xf32, #tpu.memory_space<vmem>> -> memref<128x40xf32, #tpu.memory_space<vmem>>
        %dma_wait3A_283 = arith.constant 0 : i32
        %dma_wait3A_284 = tpu.memref_slice %arg8[%add3A_163, %dma_wait3A_283] : memref<112x128xi32, #tpu.memory_space<vmem>> -> memref<1x128xi32, #tpu.memory_space<vmem>>
        %dma_wait3A_285 = tpu.memref_squeeze %dma_wait3A_284 : memref<1x128xi32, #tpu.memory_space<vmem>> -> memref<128xi32, #tpu.memory_space<vmem>>
        %dma_wait3A_286 = arith.constant 0 : i32
        %dma_wait3A_287 = arith.constant 0 : i32
        %dma_wait3A_288 = tpu.memref_slice %arg10[%dma_wait3A_286, %dma_wait3A_287] : memref<10240x40xf32, #tpu.memory_space<vmem_shared>> -> memref<10240x40xf32, #tpu.memory_space<vmem_shared>>
        tpu.wait_indirect_dma semaphore(%run_scoped3A_268 : memref<!tpu.dma_semaphore, #tpu.memory_space<semaphore_mem>>) src(%dma_wait3A_282 : memref<128x40xf32, #tpu.memory_space<vmem>>) dst(%dma_wait3A_288 : memref<10240x40xf32, #tpu.memory_space<vmem_shared>>)
        tpu.yield
      }) : () -> ()
      %add3A_176 = arith.constant 2 : i32
      %add3A_177 = arith.addi %add3A_163, %add3A_176 : i32
      %lt3A = arith.cmpi slt, %add3A_177, %select_n3A : i32
      %convert_element_type3A_178 = arith.extui %lt3A : i1 to i32
      %cond3A_179 = arith.constant 0 : i32
      %cond3A_180 = arith.cmpi ne, %convert_element_type3A_178, %cond3A_179 : i32
      scf.if %cond3A_180 {
        %add3A_268 = arith.addi %select_n3A_10, %add3A_163 : i32
        %add3A_269 = arith.constant 2 : i32
        %add3A_270 = arith.addi %add3A_268, %add3A_269 : i32
        %dma_wait3A_271 = arith.constant 2 : i32
        %dma_wait3A_272 = arith.constant 0 : i32
        %dma_wait3A_273 = tpu.memref_slice %arg7[%dma_wait3A_271, %dma_wait3A_272] : memref<4x128xi32, #tpu.memory_space<vmem>> -> memref<1x128xi32, #tpu.memory_space<vmem>>
        %dma_wait3A_274 = tpu.memref_squeeze %dma_wait3A_273 : memref<1x128xi32, #tpu.memory_space<vmem>> -> memref<128xi32, #tpu.memory_space<vmem>>
        %dma_wait3A_275 = arith.constant 0 : i32
        %dma_wait3A_276 = tpu.memref_slice %arg3[%add3A_270, %dma_wait3A_275] : memref<2560x128xi32, #tpu.memory_space<hbm>> -> memref<1x128xi32, #tpu.memory_space<hbm>>
        %dma_wait3A_277 = tpu.memref_squeeze %dma_wait3A_276 : memref<1x128xi32, #tpu.memory_space<hbm>> -> memref<128xi32, #tpu.memory_space<hbm>>
        %dma_wait3A_278 = arith.constant 0 : i32
        %dma_wait3A_279 = tpu.memref_slice %arg7[%dma_wait3A_271, %dma_wait3A_278] : memref<4x128xi32, #tpu.memory_space<vmem>> -> memref<1x128xi32, #tpu.memory_space<vmem>>
        %dma_wait3A_280 = tpu.memref_squeeze %dma_wait3A_279 : memref<1x128xi32, #tpu.memory_space<vmem>> -> memref<128xi32, #tpu.memory_space<vmem>>
        %dma_wait3A_281 = arith.constant 0 : i32
        %dma_wait3A_282 = tpu.memref_slice %arg3[%add3A_270, %dma_wait3A_281] : memref<2560x128xi32, #tpu.memory_space<hbm>> -> memref<1x128xi32, #tpu.memory_space<hbm>>
        %dma_wait3A_283 = tpu.memref_squeeze %dma_wait3A_282 : memref<1x128xi32, #tpu.memory_space<hbm>> -> memref<128xi32, #tpu.memory_space<hbm>>
        tpu.wait_dma2 semaphore(%arg15 : memref<!tpu.dma_semaphore, #tpu.memory_space<semaphore_mem>>) src(%dma_wait3A_283 : memref<128xi32, #tpu.memory_space<hbm>>) dst(%dma_wait3A_280 : memref<128xi32, #tpu.memory_space<vmem>>)
        %dma_start3A_284 = arith.constant 2 : i32
        %dma_start3A_285 = arith.constant 0 : i32
        %dma_start3A_286 = arith.constant 0 : i32
        %dma_start3A_287 = arith.constant 0 : i32
        %dma_start3A_288 = tpu.memref_slice %arg9[%dma_start3A_285, %dma_start3A_286, %dma_start3A_287] : memref<2x128x40xf32, #tpu.memory_space<vmem>> -> memref<1x128x40xf32, #tpu.memory_space<vmem>>
        %dma_start3A_289 = tpu.memref_squeeze %dma_start3A_288 : memref<1x128x40xf32, #tpu.memory_space<vmem>> -> memref<128x40xf32, #tpu.memory_space<vmem>>
        %dma_start3A_290 = arith.constant 0 : i32
        %dma_start3A_291 = tpu.memref_slice %arg7[%dma_start3A_284, %dma_start3A_290] : memref<4x128xi32, #tpu.memory_space<vmem>> -> memref<1x128xi32, #tpu.memory_space<vmem>>
        %dma_start3A_292 = tpu.memref_squeeze %dma_start3A_291 : memref<1x128xi32, #tpu.memory_space<vmem>> -> memref<128xi32, #tpu.memory_space<vmem>>
        %dma_start3A_293 = arith.constant 0 : i32
        %dma_start3A_294 = arith.constant 0 : i32
        %dma_start3A_295 = tpu.memref_slice %arg2[%dma_start3A_293, %dma_start3A_294] : memref<10240x40xf32, #tpu.memory_space<hbm>> -> memref<10240x40xf32, #tpu.memory_space<hbm>>
        tpu.enqueue_indirect_dma source(%dma_start3A_295 : memref<10240x40xf32, #tpu.memory_space<hbm>>) target(%dma_start3A_289 : memref<128x40xf32, #tpu.memory_space<vmem>>) offsets(%dma_start3A_292 : memref<128xi32, #tpu.memory_space<vmem>>) semaphore(%arg11 : memref<!tpu.dma_semaphore, #tpu.memory_space<semaphore_mem>>)
      } else {
      }
      %add3A_181 = arith.constant 4 : i32
      %add3A_182 = arith.addi %add3A_163, %add3A_181 : i32
      %lt3A_183 = arith.cmpi slt, %add3A_182, %select_n3A : i32
      %convert_element_type3A_184 = arith.extui %lt3A_183 : i1 to i32
      %cond3A_185 = arith.constant 0 : i32
      %cond3A_186 = arith.cmpi ne, %convert_element_type3A_184, %cond3A_185 : i32
      scf.if %cond3A_186 {
        %add3A_268 = arith.addi %select_n3A_10, %add3A_163 : i32
        %add3A_269 = arith.constant 4 : i32
        %add3A_270 = arith.addi %add3A_268, %add3A_269 : i32
        %dma_start3A_271 = arith.constant 0 : i32
        %dma_start3A_272 = arith.constant 0 : i32
        %dma_start3A_273 = tpu.memref_slice %arg7[%dma_start3A_271, %dma_start3A_272] : memref<4x128xi32, #tpu.memory_space<vmem>> -> memref<1x128xi32, #tpu.memory_space<vmem>>
        %dma_start3A_274 = tpu.memref_squeeze %dma_start3A_273 : memref<1x128xi32, #tpu.memory_space<vmem>> -> memref<128xi32, #tpu.memory_space<vmem>>
        %dma_start3A_275 = arith.constant 0 : i32
        %dma_start3A_276 = tpu.memref_slice %arg3[%add3A_270, %dma_start3A_275] : memref<2560x128xi32, #tpu.memory_space<hbm>> -> memref<1x128xi32, #tpu.memory_space<hbm>>
        %dma_start3A_277 = tpu.memref_squeeze %dma_start3A_276 : memref<1x128xi32, #tpu.memory_space<hbm>> -> memref<128xi32, #tpu.memory_space<hbm>>
        %dma_start3A_278 = arith.constant 0 : i32
        %dma_start3A_279 = tpu.memref_slice %arg7[%dma_start3A_271, %dma_start3A_278] : memref<4x128xi32, #tpu.memory_space<vmem>> -> memref<1x128xi32, #tpu.memory_space<vmem>>
        %dma_start3A_280 = tpu.memref_squeeze %dma_start3A_279 : memref<1x128xi32, #tpu.memory_space<vmem>> -> memref<128xi32, #tpu.memory_space<vmem>>
        %dma_start3A_281 = arith.constant 0 : i32
        %dma_start3A_282 = tpu.memref_slice %arg3[%add3A_270, %dma_start3A_281] : memref<2560x128xi32, #tpu.memory_space<hbm>> -> memref<1x128xi32, #tpu.memory_space<hbm>>
        %dma_start3A_283 = tpu.memref_squeeze %dma_start3A_282 : memref<1x128xi32, #tpu.memory_space<hbm>> -> memref<128xi32, #tpu.memory_space<hbm>>
        tpu.enqueue_dma source(%dma_start3A_283 : memref<128xi32, #tpu.memory_space<hbm>>) target(%dma_start3A_280 : memref<128xi32, #tpu.memory_space<vmem>>) target_semaphore(%arg13 : memref<!tpu.dma_semaphore, #tpu.memory_space<semaphore_mem>>)
      } else {
      }
      %add3A_187 = arith.constant 1 : i32
      %add3A_188 = arith.addi %mul3A_161, %add3A_187 : i32
      %dma_wait3A_189 = arith.constant 1 : i32
      %dma_wait3A_190 = arith.constant 1 : i32
      %dma_wait3A_191 = arith.constant 0 : i32
      %dma_wait3A_192 = arith.constant 0 : i32
      %dma_wait3A_193 = tpu.memref_slice %arg9[%dma_wait3A_190, %dma_wait3A_191, %dma_wait3A_192] : memref<2x128x40xf32, #tpu.memory_space<vmem>> -> memref<1x128x40xf32, #tpu.memory_space<vmem>>
      %dma_wait3A_194 = tpu.memref_squeeze %dma_wait3A_193 : memref<1x128x40xf32, #tpu.memory_space<vmem>> -> memref<128x40xf32, #tpu.memory_space<vmem>>
      %dma_wait3A_195 = arith.constant 0 : i32
      %dma_wait3A_196 = tpu.memref_slice %arg7[%dma_wait3A_189, %dma_wait3A_195] : memref<4x128xi32, #tpu.memory_space<vmem>> -> memref<1x128xi32, #tpu.memory_space<vmem>>
      %dma_wait3A_197 = tpu.memref_squeeze %dma_wait3A_196 : memref<1x128xi32, #tpu.memory_space<vmem>> -> memref<128xi32, #tpu.memory_space<vmem>>
      %dma_wait3A_198 = arith.constant 0 : i32
      %dma_wait3A_199 = arith.constant 0 : i32
      %dma_wait3A_200 = tpu.memref_slice %arg2[%dma_wait3A_198, %dma_wait3A_199] : memref<10240x40xf32, #tpu.memory_space<hbm>> -> memref<10240x40xf32, #tpu.memory_space<hbm>>
      tpu.wait_indirect_dma semaphore(%arg12 : memref<!tpu.dma_semaphore, #tpu.memory_space<semaphore_mem>>) src(%dma_wait3A_200 : memref<10240x40xf32, #tpu.memory_space<hbm>>) dst(%dma_wait3A_194 : memref<128x40xf32, #tpu.memory_space<vmem>>)
      %run_scoped3A_201 = arith.constant 1 : i32
      "tpu.region"() ({
        %run_scoped3A_268 = tpu.sem_alloc : memref<!tpu.dma_semaphore, #tpu.memory_space<semaphore_mem>>
        %dma_start3A_269 = arith.constant 0 : i32
        %dma_start3A_270 = arith.constant 0 : i32
        %dma_start3A_271 = tpu.memref_slice %arg9[%run_scoped3A_201, %dma_start3A_269, %dma_start3A_270] : memref<2x128x40xf32, #tpu.memory_space<vmem>> -> memref<1x128x40xf32, #tpu.memory_space<vmem>>
        %dma_start3A_272 = tpu.memref_squeeze %dma_start3A_271 : memref<1x128x40xf32, #tpu.memory_space<vmem>> -> memref<128x40xf32, #tpu.memory_space<vmem>>
        %dma_start3A_273 = arith.constant 0 : i32
        %dma_start3A_274 = tpu.memref_slice %arg8[%add3A_188, %dma_start3A_273] : memref<112x128xi32, #tpu.memory_space<vmem>> -> memref<1x128xi32, #tpu.memory_space<vmem>>
        %dma_start3A_275 = tpu.memref_squeeze %dma_start3A_274 : memref<1x128xi32, #tpu.memory_space<vmem>> -> memref<128xi32, #tpu.memory_space<vmem>>
        %dma_start3A_276 = arith.constant 0 : i32
        %dma_start3A_277 = arith.constant 0 : i32
        %dma_start3A_278 = tpu.memref_slice %arg10[%dma_start3A_276, %dma_start3A_277] : memref<10240x40xf32, #tpu.memory_space<vmem_shared>> -> memref<10240x40xf32, #tpu.memory_space<vmem_shared>>
        tpu.enqueue_indirect_dma source(%dma_start3A_272 : memref<128x40xf32, #tpu.memory_space<vmem>>) target(%dma_start3A_278 : memref<10240x40xf32, #tpu.memory_space<vmem_shared>>) offsets(%dma_start3A_275 : memref<128xi32, #tpu.memory_space<vmem>>) semaphore(%run_scoped3A_268 : memref<!tpu.dma_semaphore, #tpu.memory_space<semaphore_mem>>) {add = true}
        %dma_wait3A_279 = arith.constant 0 : i32
        %dma_wait3A_280 = arith.constant 0 : i32
        %dma_wait3A_281 = tpu.memref_slice %arg9[%run_scoped3A_201, %dma_wait3A_279, %dma_wait3A_280] : memref<2x128x40xf32, #tpu.memory_space<vmem>> -> memref<1x128x40xf32, #tpu.memory_space<vmem>>
        %dma_wait3A_282 = tpu.memref_squeeze %dma_wait3A_281 : memref<1x128x40xf32, #tpu.memory_space<vmem>> -> memref<128x40xf32, #tpu.memory_space<vmem>>
        %dma_wait3A_283 = arith.constant 0 : i32
        %dma_wait3A_284 = tpu.memref_slice %arg8[%add3A_188, %dma_wait3A_283] : memref<112x128xi32, #tpu.memory_space<vmem>> -> memref<1x128xi32, #tpu.memory_space<vmem>>
        %dma_wait3A_285 = tpu.memref_squeeze %dma_wait3A_284 : memref<1x128xi32, #tpu.memory_space<vmem>> -> memref<128xi32, #tpu.memory_space<vmem>>
        %dma_wait3A_286 = arith.constant 0 : i32
        %dma_wait3A_287 = arith.constant 0 : i32
        %dma_wait3A_288 = tpu.memref_slice %arg10[%dma_wait3A_286, %dma_wait3A_287] : memref<10240x40xf32, #tpu.memory_space<vmem_shared>> -> memref<10240x40xf32, #tpu.memory_space<vmem_shared>>
        tpu.wait_indirect_dma semaphore(%run_scoped3A_268 : memref<!tpu.dma_semaphore, #tpu.memory_space<semaphore_mem>>) src(%dma_wait3A_282 : memref<128x40xf32, #tpu.memory_space<vmem>>) dst(%dma_wait3A_288 : memref<10240x40xf32, #tpu.memory_space<vmem_shared>>)
        tpu.yield
      }) : () -> ()
      %add3A_202 = arith.constant 2 : i32
      %add3A_203 = arith.addi %add3A_188, %add3A_202 : i32
      %lt3A_204 = arith.cmpi slt, %add3A_203, %select_n3A : i32
      %convert_element_type3A_205 = arith.extui %lt3A_204 : i1 to i32
      %cond3A_206 = arith.constant 0 : i32
      %cond3A_207 = arith.cmpi ne, %convert_element_type3A_205, %cond3A_206 : i32
      scf.if %cond3A_207 {
        %add3A_268 = arith.addi %select_n3A_10, %add3A_188 : i32
        %add3A_269 = arith.constant 2 : i32
        %add3A_270 = arith.addi %add3A_268, %add3A_269 : i32
        %dma_wait3A_271 = arith.constant 3 : i32
        %dma_wait3A_272 = arith.constant 0 : i32
        %dma_wait3A_273 = tpu.memref_slice %arg7[%dma_wait3A_271, %dma_wait3A_272] : memref<4x128xi32, #tpu.memory_space<vmem>> -> memref<1x128xi32, #tpu.memory_space<vmem>>
        %dma_wait3A_274 = tpu.memref_squeeze %dma_wait3A_273 : memref<1x128xi32, #tpu.memory_space<vmem>> -> memref<128xi32, #tpu.memory_space<vmem>>
        %dma_wait3A_275 = arith.constant 0 : i32
        %dma_wait3A_276 = tpu.memref_slice %arg3[%add3A_270, %dma_wait3A_275] : memref<2560x128xi32, #tpu.memory_space<hbm>> -> memref<1x128xi32, #tpu.memory_space<hbm>>
        %dma_wait3A_277 = tpu.memref_squeeze %dma_wait3A_276 : memref<1x128xi32, #tpu.memory_space<hbm>> -> memref<128xi32, #tpu.memory_space<hbm>>
        %dma_wait3A_278 = arith.constant 0 : i32
        %dma_wait3A_279 = tpu.memref_slice %arg7[%dma_wait3A_271, %dma_wait3A_278] : memref<4x128xi32, #tpu.memory_space<vmem>> -> memref<1x128xi32, #tpu.memory_space<vmem>>
        %dma_wait3A_280 = tpu.memref_squeeze %dma_wait3A_279 : memref<1x128xi32, #tpu.memory_space<vmem>> -> memref<128xi32, #tpu.memory_space<vmem>>
        %dma_wait3A_281 = arith.constant 0 : i32
        %dma_wait3A_282 = tpu.memref_slice %arg3[%add3A_270, %dma_wait3A_281] : memref<2560x128xi32, #tpu.memory_space<hbm>> -> memref<1x128xi32, #tpu.memory_space<hbm>>
        %dma_wait3A_283 = tpu.memref_squeeze %dma_wait3A_282 : memref<1x128xi32, #tpu.memory_space<hbm>> -> memref<128xi32, #tpu.memory_space<hbm>>
        tpu.wait_dma2 semaphore(%arg16 : memref<!tpu.dma_semaphore, #tpu.memory_space<semaphore_mem>>) src(%dma_wait3A_283 : memref<128xi32, #tpu.memory_space<hbm>>) dst(%dma_wait3A_280 : memref<128xi32, #tpu.memory_space<vmem>>)
        %dma_start3A_284 = arith.constant 3 : i32
        %dma_start3A_285 = arith.constant 1 : i32
        %dma_start3A_286 = arith.constant 0 : i32
        %dma_start3A_287 = arith.constant 0 : i32
        %dma_start3A_288 = tpu.memref_slice %arg9[%dma_start3A_285, %dma_start3A_286, %dma_start3A_287] : memref<2x128x40xf32, #tpu.memory_space<vmem>> -> memref<1x128x40xf32, #tpu.memory_space<vmem>>
        %dma_start3A_289 = tpu.memref_squeeze %dma_start3A_288 : memref<1x128x40xf32, #tpu.memory_space<vmem>> -> memref<128x40xf32, #tpu.memory_space<vmem>>
        %dma_start3A_290 = arith.constant 0 : i32
        %dma_start3A_291 = tpu.memref_slice %arg7[%dma_start3A_284, %dma_start3A_290] : memref<4x128xi32, #tpu.memory_space<vmem>> -> memref<1x128xi32, #tpu.memory_space<vmem>>
        %dma_start3A_292 = tpu.memref_squeeze %dma_start3A_291 : memref<1x128xi32, #tpu.memory_space<vmem>> -> memref<128xi32, #tpu.memory_space<vmem>>
        %dma_start3A_293 = arith.constant 0 : i32
        %dma_start3A_294 = arith.constant 0 : i32
        %dma_start3A_295 = tpu.memref_slice %arg2[%dma_start3A_293, %dma_start3A_294] : memref<10240x40xf32, #tpu.memory_space<hbm>> -> memref<10240x40xf32, #tpu.memory_space<hbm>>
        tpu.enqueue_indirect_dma source(%dma_start3A_295 : memref<10240x40xf32, #tpu.memory_space<hbm>>) target(%dma_start3A_289 : memref<128x40xf32, #tpu.memory_space<vmem>>) offsets(%dma_start3A_292 : memref<128xi32, #tpu.memory_space<vmem>>) semaphore(%arg12 : memref<!tpu.dma_semaphore, #tpu.memory_space<semaphore_mem>>)
      } else {
      }
      %add3A_208 = arith.constant 4 : i32
      %add3A_209 = arith.addi %add3A_188, %add3A_208 : i32
      %lt3A_210 = arith.cmpi slt, %add3A_209, %select_n3A : i32
      %convert_element_type3A_211 = arith.extui %lt3A_210 : i1 to i32
      %cond3A_212 = arith.constant 0 : i32
      %cond3A_213 = arith.cmpi ne, %convert_element_type3A_211, %cond3A_212 : i32
      scf.if %cond3A_213 {
        %add3A_268 = arith.addi %select_n3A_10, %add3A_188 : i32
        %add3A_269 = arith.constant 4 : i32
        %add3A_270 = arith.addi %add3A_268, %add3A_269 : i32
        %dma_start3A_271 = arith.constant 1 : i32
        %dma_start3A_272 = arith.constant 0 : i32
        %dma_start3A_273 = tpu.memref_slice %arg7[%dma_start3A_271, %dma_start3A_272] : memref<4x128xi32, #tpu.memory_space<vmem>> -> memref<1x128xi32, #tpu.memory_space<vmem>>
        %dma_start3A_274 = tpu.memref_squeeze %dma_start3A_273 : memref<1x128xi32, #tpu.memory_space<vmem>> -> memref<128xi32, #tpu.memory_space<vmem>>
        %dma_start3A_275 = arith.constant 0 : i32
        %dma_start3A_276 = tpu.memref_slice %arg3[%add3A_270, %dma_start3A_275] : memref<2560x128xi32, #tpu.memory_space<hbm>> -> memref<1x128xi32, #tpu.memory_space<hbm>>
        %dma_start3A_277 = tpu.memref_squeeze %dma_start3A_276 : memref<1x128xi32, #tpu.memory_space<hbm>> -> memref<128xi32, #tpu.memory_space<hbm>>
        %dma_start3A_278 = arith.constant 0 : i32
        %dma_start3A_279 = tpu.memref_slice %arg7[%dma_start3A_271, %dma_start3A_278] : memref<4x128xi32, #tpu.memory_space<vmem>> -> memref<1x128xi32, #tpu.memory_space<vmem>>
        %dma_start3A_280 = tpu.memref_squeeze %dma_start3A_279 : memref<1x128xi32, #tpu.memory_space<vmem>> -> memref<128xi32, #tpu.memory_space<vmem>>
        %dma_start3A_281 = arith.constant 0 : i32
        %dma_start3A_282 = tpu.memref_slice %arg3[%add3A_270, %dma_start3A_281] : memref<2560x128xi32, #tpu.memory_space<hbm>> -> memref<1x128xi32, #tpu.memory_space<hbm>>
        %dma_start3A_283 = tpu.memref_squeeze %dma_start3A_282 : memref<1x128xi32, #tpu.memory_space<hbm>> -> memref<128xi32, #tpu.memory_space<hbm>>
        tpu.enqueue_dma source(%dma_start3A_283 : memref<128xi32, #tpu.memory_space<hbm>>) target(%dma_start3A_280 : memref<128xi32, #tpu.memory_space<vmem>>) target_semaphore(%arg14 : memref<!tpu.dma_semaphore, #tpu.memory_space<semaphore_mem>>)
      } else {
      }
      %add3A_214 = arith.constant 2 : i32
      %add3A_215 = arith.addi %mul3A_161, %add3A_214 : i32
      %dma_wait3A_216 = arith.constant 2 : i32
      %dma_wait3A_217 = arith.constant 0 : i32
      %dma_wait3A_218 = arith.constant 0 : i32
      %dma_wait3A_219 = arith.constant 0 : i32
      %dma_wait3A_220 = tpu.memref_slice %arg9[%dma_wait3A_217, %dma_wait3A_218, %dma_wait3A_219] : memref<2x128x40xf32, #tpu.memory_space<vmem>> -> memref<1x128x40xf32, #tpu.memory_space<vmem>>
      %dma_wait3A_221 = tpu.memref_squeeze %dma_wait3A_220 : memref<1x128x40xf32, #tpu.memory_space<vmem>> -> memref<128x40xf32, #tpu.memory_space<vmem>>
      %dma_wait3A_222 = arith.constant 0 : i32
      %dma_wait3A_223 = tpu.memref_slice %arg7[%dma_wait3A_216, %dma_wait3A_222] : memref<4x128xi32, #tpu.memory_space<vmem>> -> memref<1x128xi32, #tpu.memory_space<vmem>>
      %dma_wait3A_224 = tpu.memref_squeeze %dma_wait3A_223 : memref<1x128xi32, #tpu.memory_space<vmem>> -> memref<128xi32, #tpu.memory_space<vmem>>
      %dma_wait3A_225 = arith.constant 0 : i32
      %dma_wait3A_226 = arith.constant 0 : i32
      %dma_wait3A_227 = tpu.memref_slice %arg2[%dma_wait3A_225, %dma_wait3A_226] : memref<10240x40xf32, #tpu.memory_space<hbm>> -> memref<10240x40xf32, #tpu.memory_space<hbm>>
      tpu.wait_indirect_dma semaphore(%arg11 : memref<!tpu.dma_semaphore, #tpu.memory_space<semaphore_mem>>) src(%dma_wait3A_227 : memref<10240x40xf32, #tpu.memory_space<hbm>>) dst(%dma_wait3A_221 : memref<128x40xf32, #tpu.memory_space<vmem>>)
      %run_scoped3A_228 = arith.constant 0 : i32
      "tpu.region"() ({
        %run_scoped3A_268 = tpu.sem_alloc : memref<!tpu.dma_semaphore, #tpu.memory_space<semaphore_mem>>
        %dma_start3A_269 = arith.constant 0 : i32
        %dma_start3A_270 = arith.constant 0 : i32
        %dma_start3A_271 = tpu.memref_slice %arg9[%run_scoped3A_228, %dma_start3A_269, %dma_start3A_270] : memref<2x128x40xf32, #tpu.memory_space<vmem>> -> memref<1x128x40xf32, #tpu.memory_space<vmem>>
        %dma_start3A_272 = tpu.memref_squeeze %dma_start3A_271 : memref<1x128x40xf32, #tpu.memory_space<vmem>> -> memref<128x40xf32, #tpu.memory_space<vmem>>
        %dma_start3A_273 = arith.constant 0 : i32
        %dma_start3A_274 = tpu.memref_slice %arg8[%add3A_215, %dma_start3A_273] : memref<112x128xi32, #tpu.memory_space<vmem>> -> memref<1x128xi32, #tpu.memory_space<vmem>>
        %dma_start3A_275 = tpu.memref_squeeze %dma_start3A_274 : memref<1x128xi32, #tpu.memory_space<vmem>> -> memref<128xi32, #tpu.memory_space<vmem>>
        %dma_start3A_276 = arith.constant 0 : i32
        %dma_start3A_277 = arith.constant 0 : i32
        %dma_start3A_278 = tpu.memref_slice %arg10[%dma_start3A_276, %dma_start3A_277] : memref<10240x40xf32, #tpu.memory_space<vmem_shared>> -> memref<10240x40xf32, #tpu.memory_space<vmem_shared>>
        tpu.enqueue_indirect_dma source(%dma_start3A_272 : memref<128x40xf32, #tpu.memory_space<vmem>>) target(%dma_start3A_278 : memref<10240x40xf32, #tpu.memory_space<vmem_shared>>) offsets(%dma_start3A_275 : memref<128xi32, #tpu.memory_space<vmem>>) semaphore(%run_scoped3A_268 : memref<!tpu.dma_semaphore, #tpu.memory_space<semaphore_mem>>) {add = true}
        %dma_wait3A_279 = arith.constant 0 : i32
        %dma_wait3A_280 = arith.constant 0 : i32
        %dma_wait3A_281 = tpu.memref_slice %arg9[%run_scoped3A_228, %dma_wait3A_279, %dma_wait3A_280] : memref<2x128x40xf32, #tpu.memory_space<vmem>> -> memref<1x128x40xf32, #tpu.memory_space<vmem>>
        %dma_wait3A_282 = tpu.memref_squeeze %dma_wait3A_281 : memref<1x128x40xf32, #tpu.memory_space<vmem>> -> memref<128x40xf32, #tpu.memory_space<vmem>>
        %dma_wait3A_283 = arith.constant 0 : i32
        %dma_wait3A_284 = tpu.memref_slice %arg8[%add3A_215, %dma_wait3A_283] : memref<112x128xi32, #tpu.memory_space<vmem>> -> memref<1x128xi32, #tpu.memory_space<vmem>>
        %dma_wait3A_285 = tpu.memref_squeeze %dma_wait3A_284 : memref<1x128xi32, #tpu.memory_space<vmem>> -> memref<128xi32, #tpu.memory_space<vmem>>
        %dma_wait3A_286 = arith.constant 0 : i32
        %dma_wait3A_287 = arith.constant 0 : i32
        %dma_wait3A_288 = tpu.memref_slice %arg10[%dma_wait3A_286, %dma_wait3A_287] : memref<10240x40xf32, #tpu.memory_space<vmem_shared>> -> memref<10240x40xf32, #tpu.memory_space<vmem_shared>>
        tpu.wait_indirect_dma semaphore(%run_scoped3A_268 : memref<!tpu.dma_semaphore, #tpu.memory_space<semaphore_mem>>) src(%dma_wait3A_282 : memref<128x40xf32, #tpu.memory_space<vmem>>) dst(%dma_wait3A_288 : memref<10240x40xf32, #tpu.memory_space<vmem_shared>>)
        tpu.yield
      }) : () -> ()
      %add3A_229 = arith.constant 2 : i32
      %add3A_230 = arith.addi %add3A_215, %add3A_229 : i32
      %lt3A_231 = arith.cmpi slt, %add3A_230, %select_n3A : i32
      %convert_element_type3A_232 = arith.extui %lt3A_231 : i1 to i32
      %cond3A_233 = arith.constant 0 : i32
      %cond3A_234 = arith.cmpi ne, %convert_element_type3A_232, %cond3A_233 : i32
      scf.if %cond3A_234 {
        %add3A_268 = arith.addi %select_n3A_10, %add3A_215 : i32
        %add3A_269 = arith.constant 2 : i32
        %add3A_270 = arith.addi %add3A_268, %add3A_269 : i32
        %dma_wait3A_271 = arith.constant 0 : i32
        %dma_wait3A_272 = arith.constant 0 : i32
        %dma_wait3A_273 = tpu.memref_slice %arg7[%dma_wait3A_271, %dma_wait3A_272] : memref<4x128xi32, #tpu.memory_space<vmem>> -> memref<1x128xi32, #tpu.memory_space<vmem>>
        %dma_wait3A_274 = tpu.memref_squeeze %dma_wait3A_273 : memref<1x128xi32, #tpu.memory_space<vmem>> -> memref<128xi32, #tpu.memory_space<vmem>>
        %dma_wait3A_275 = arith.constant 0 : i32
        %dma_wait3A_276 = tpu.memref_slice %arg3[%add3A_270, %dma_wait3A_275] : memref<2560x128xi32, #tpu.memory_space<hbm>> -> memref<1x128xi32, #tpu.memory_space<hbm>>
        %dma_wait3A_277 = tpu.memref_squeeze %dma_wait3A_276 : memref<1x128xi32, #tpu.memory_space<hbm>> -> memref<128xi32, #tpu.memory_space<hbm>>
        %dma_wait3A_278 = arith.constant 0 : i32
        %dma_wait3A_279 = tpu.memref_slice %arg7[%dma_wait3A_271, %dma_wait3A_278] : memref<4x128xi32, #tpu.memory_space<vmem>> -> memref<1x128xi32, #tpu.memory_space<vmem>>
        %dma_wait3A_280 = tpu.memref_squeeze %dma_wait3A_279 : memref<1x128xi32, #tpu.memory_space<vmem>> -> memref<128xi32, #tpu.memory_space<vmem>>
        %dma_wait3A_281 = arith.constant 0 : i32
        %dma_wait3A_282 = tpu.memref_slice %arg3[%add3A_270, %dma_wait3A_281] : memref<2560x128xi32, #tpu.memory_space<hbm>> -> memref<1x128xi32, #tpu.memory_space<hbm>>
        %dma_wait3A_283 = tpu.memref_squeeze %dma_wait3A_282 : memref<1x128xi32, #tpu.memory_space<hbm>> -> memref<128xi32, #tpu.memory_space<hbm>>
        tpu.wait_dma2 semaphore(%arg13 : memref<!tpu.dma_semaphore, #tpu.memory_space<semaphore_mem>>) src(%dma_wait3A_283 : memref<128xi32, #tpu.memory_space<hbm>>) dst(%dma_wait3A_280 : memref<128xi32, #tpu.memory_space<vmem>>)
        %dma_start3A_284 = arith.constant 0 : i32
        %dma_start3A_285 = arith.constant 0 : i32
        %dma_start3A_286 = arith.constant 0 : i32
        %dma_start3A_287 = arith.constant 0 : i32
        %dma_start3A_288 = tpu.memref_slice %arg9[%dma_start3A_285, %dma_start3A_286, %dma_start3A_287] : memref<2x128x40xf32, #tpu.memory_space<vmem>> -> memref<1x128x40xf32, #tpu.memory_space<vmem>>
        %dma_start3A_289 = tpu.memref_squeeze %dma_start3A_288 : memref<1x128x40xf32, #tpu.memory_space<vmem>> -> memref<128x40xf32, #tpu.memory_space<vmem>>
        %dma_start3A_290 = arith.constant 0 : i32
        %dma_start3A_291 = tpu.memref_slice %arg7[%dma_start3A_284, %dma_start3A_290] : memref<4x128xi32, #tpu.memory_space<vmem>> -> memref<1x128xi32, #tpu.memory_space<vmem>>
        %dma_start3A_292 = tpu.memref_squeeze %dma_start3A_291 : memref<1x128xi32, #tpu.memory_space<vmem>> -> memref<128xi32, #tpu.memory_space<vmem>>
        %dma_start3A_293 = arith.constant 0 : i32
        %dma_start3A_294 = arith.constant 0 : i32
        %dma_start3A_295 = tpu.memref_slice %arg2[%dma_start3A_293, %dma_start3A_294] : memref<10240x40xf32, #tpu.memory_space<hbm>> -> memref<10240x40xf32, #tpu.memory_space<hbm>>
        tpu.enqueue_indirect_dma source(%dma_start3A_295 : memref<10240x40xf32, #tpu.memory_space<hbm>>) target(%dma_start3A_289 : memref<128x40xf32, #tpu.memory_space<vmem>>) offsets(%dma_start3A_292 : memref<128xi32, #tpu.memory_space<vmem>>) semaphore(%arg11 : memref<!tpu.dma_semaphore, #tpu.memory_space<semaphore_mem>>)
      } else {
      }
      %add3A_235 = arith.constant 4 : i32
      %add3A_236 = arith.addi %add3A_215, %add3A_235 : i32
      %lt3A_237 = arith.cmpi slt, %add3A_236, %select_n3A : i32
      %convert_element_type3A_238 = arith.extui %lt3A_237 : i1 to i32
      %cond3A_239 = arith.constant 0 : i32
      %cond3A_240 = arith.cmpi ne, %convert_element_type3A_238, %cond3A_239 : i32
      scf.if %cond3A_240 {
        %add3A_268 = arith.addi %select_n3A_10, %add3A_215 : i32
        %add3A_269 = arith.constant 4 : i32
        %add3A_270 = arith.addi %add3A_268, %add3A_269 : i32
        %dma_start3A_271 = arith.constant 2 : i32
        %dma_start3A_272 = arith.constant 0 : i32
        %dma_start3A_273 = tpu.memref_slice %arg7[%dma_start3A_271, %dma_start3A_272] : memref<4x128xi32, #tpu.memory_space<vmem>> -> memref<1x128xi32, #tpu.memory_space<vmem>>
        %dma_start3A_274 = tpu.memref_squeeze %dma_start3A_273 : memref<1x128xi32, #tpu.memory_space<vmem>> -> memref<128xi32, #tpu.memory_space<vmem>>
        %dma_start3A_275 = arith.constant 0 : i32
        %dma_start3A_276 = tpu.memref_slice %arg3[%add3A_270, %dma_start3A_275] : memref<2560x128xi32, #tpu.memory_space<hbm>> -> memref<1x128xi32, #tpu.memory_space<hbm>>
        %dma_start3A_277 = tpu.memref_squeeze %dma_start3A_276 : memref<1x128xi32, #tpu.memory_space<hbm>> -> memref<128xi32, #tpu.memory_space<hbm>>
        %dma_start3A_278 = arith.constant 0 : i32
        %dma_start3A_279 = tpu.memref_slice %arg7[%dma_start3A_271, %dma_start3A_278] : memref<4x128xi32, #tpu.memory_space<vmem>> -> memref<1x128xi32, #tpu.memory_space<vmem>>
        %dma_start3A_280 = tpu.memref_squeeze %dma_start3A_279 : memref<1x128xi32, #tpu.memory_space<vmem>> -> memref<128xi32, #tpu.memory_space<vmem>>
        %dma_start3A_281 = arith.constant 0 : i32
        %dma_start3A_282 = tpu.memref_slice %arg3[%add3A_270, %dma_start3A_281] : memref<2560x128xi32, #tpu.memory_space<hbm>> -> memref<1x128xi32, #tpu.memory_space<hbm>>
        %dma_start3A_283 = tpu.memref_squeeze %dma_start3A_282 : memref<1x128xi32, #tpu.memory_space<hbm>> -> memref<128xi32, #tpu.memory_space<hbm>>
        tpu.enqueue_dma source(%dma_start3A_283 : memref<128xi32, #tpu.memory_space<hbm>>) target(%dma_start3A_280 : memref<128xi32, #tpu.memory_space<vmem>>) target_semaphore(%arg15 : memref<!tpu.dma_semaphore, #tpu.memory_space<semaphore_mem>>)
      } else {
      }
      %add3A_241 = arith.constant 3 : i32
      %add3A_242 = arith.addi %mul3A_161, %add3A_241 : i32
      %dma_wait3A_243 = arith.constant 3 : i32
      %dma_wait3A_244 = arith.constant 1 : i32
      %dma_wait3A_245 = arith.constant 0 : i32
      %dma_wait3A_246 = arith.constant 0 : i32
      %dma_wait3A_247 = tpu.memref_slice %arg9[%dma_wait3A_244, %dma_wait3A_245, %dma_wait3A_246] : memref<2x128x40xf32, #tpu.memory_space<vmem>> -> memref<1x128x40xf32, #tpu.memory_space<vmem>>
      %dma_wait3A_248 = tpu.memref_squeeze %dma_wait3A_247 : memref<1x128x40xf32, #tpu.memory_space<vmem>> -> memref<128x40xf32, #tpu.memory_space<vmem>>
      %dma_wait3A_249 = arith.constant 0 : i32
      %dma_wait3A_250 = tpu.memref_slice %arg7[%dma_wait3A_243, %dma_wait3A_249] : memref<4x128xi32, #tpu.memory_space<vmem>> -> memref<1x128xi32, #tpu.memory_space<vmem>>
      %dma_wait3A_251 = tpu.memref_squeeze %dma_wait3A_250 : memref<1x128xi32, #tpu.memory_space<vmem>> -> memref<128xi32, #tpu.memory_space<vmem>>
      %dma_wait3A_252 = arith.constant 0 : i32
      %dma_wait3A_253 = arith.constant 0 : i32
      %dma_wait3A_254 = tpu.memref_slice %arg2[%dma_wait3A_252, %dma_wait3A_253] : memref<10240x40xf32, #tpu.memory_space<hbm>> -> memref<10240x40xf32, #tpu.memory_space<hbm>>
      tpu.wait_indirect_dma semaphore(%arg12 : memref<!tpu.dma_semaphore, #tpu.memory_space<semaphore_mem>>) src(%dma_wait3A_254 : memref<10240x40xf32, #tpu.memory_space<hbm>>) dst(%dma_wait3A_248 : memref<128x40xf32, #tpu.memory_space<vmem>>)
      %run_scoped3A_255 = arith.constant 1 : i32
      "tpu.region"() ({
        %run_scoped3A_268 = tpu.sem_alloc : memref<!tpu.dma_semaphore, #tpu.memory_space<semaphore_mem>>
        %dma_start3A_269 = arith.constant 0 : i32
        %dma_start3A_270 = arith.constant 0 : i32
        %dma_start3A_271 = tpu.memref_slice %arg9[%run_scoped3A_255, %dma_start3A_269, %dma_start3A_270] : memref<2x128x40xf32, #tpu.memory_space<vmem>> -> memref<1x128x40xf32, #tpu.memory_space<vmem>>
        %dma_start3A_272 = tpu.memref_squeeze %dma_start3A_271 : memref<1x128x40xf32, #tpu.memory_space<vmem>> -> memref<128x40xf32, #tpu.memory_space<vmem>>
        %dma_start3A_273 = arith.constant 0 : i32
        %dma_start3A_274 = tpu.memref_slice %arg8[%add3A_242, %dma_start3A_273] : memref<112x128xi32, #tpu.memory_space<vmem>> -> memref<1x128xi32, #tpu.memory_space<vmem>>
        %dma_start3A_275 = tpu.memref_squeeze %dma_start3A_274 : memref<1x128xi32, #tpu.memory_space<vmem>> -> memref<128xi32, #tpu.memory_space<vmem>>
        %dma_start3A_276 = arith.constant 0 : i32
        %dma_start3A_277 = arith.constant 0 : i32
        %dma_start3A_278 = tpu.memref_slice %arg10[%dma_start3A_276, %dma_start3A_277] : memref<10240x40xf32, #tpu.memory_space<vmem_shared>> -> memref<10240x40xf32, #tpu.memory_space<vmem_shared>>
        tpu.enqueue_indirect_dma source(%dma_start3A_272 : memref<128x40xf32, #tpu.memory_space<vmem>>) target(%dma_start3A_278 : memref<10240x40xf32, #tpu.memory_space<vmem_shared>>) offsets(%dma_start3A_275 : memref<128xi32, #tpu.memory_space<vmem>>) semaphore(%run_scoped3A_268 : memref<!tpu.dma_semaphore, #tpu.memory_space<semaphore_mem>>) {add = true}
        %dma_wait3A_279 = arith.constant 0 : i32
        %dma_wait3A_280 = arith.constant 0 : i32
        %dma_wait3A_281 = tpu.memref_slice %arg9[%run_scoped3A_255, %dma_wait3A_279, %dma_wait3A_280] : memref<2x128x40xf32, #tpu.memory_space<vmem>> -> memref<1x128x40xf32, #tpu.memory_space<vmem>>
        %dma_wait3A_282 = tpu.memref_squeeze %dma_wait3A_281 : memref<1x128x40xf32, #tpu.memory_space<vmem>> -> memref<128x40xf32, #tpu.memory_space<vmem>>
        %dma_wait3A_283 = arith.constant 0 : i32
        %dma_wait3A_284 = tpu.memref_slice %arg8[%add3A_242, %dma_wait3A_283] : memref<112x128xi32, #tpu.memory_space<vmem>> -> memref<1x128xi32, #tpu.memory_space<vmem>>
        %dma_wait3A_285 = tpu.memref_squeeze %dma_wait3A_284 : memref<1x128xi32, #tpu.memory_space<vmem>> -> memref<128xi32, #tpu.memory_space<vmem>>
        %dma_wait3A_286 = arith.constant 0 : i32
        %dma_wait3A_287 = arith.constant 0 : i32
        %dma_wait3A_288 = tpu.memref_slice %arg10[%dma_wait3A_286, %dma_wait3A_287] : memref<10240x40xf32, #tpu.memory_space<vmem_shared>> -> memref<10240x40xf32, #tpu.memory_space<vmem_shared>>
        tpu.wait_indirect_dma semaphore(%run_scoped3A_268 : memref<!tpu.dma_semaphore, #tpu.memory_space<semaphore_mem>>) src(%dma_wait3A_282 : memref<128x40xf32, #tpu.memory_space<vmem>>) dst(%dma_wait3A_288 : memref<10240x40xf32, #tpu.memory_space<vmem_shared>>)
        tpu.yield
      }) : () -> ()
      %add3A_256 = arith.constant 2 : i32
      %add3A_257 = arith.addi %add3A_242, %add3A_256 : i32
      %lt3A_258 = arith.cmpi slt, %add3A_257, %select_n3A : i32
      %convert_element_type3A_259 = arith.extui %lt3A_258 : i1 to i32
      %cond3A_260 = arith.constant 0 : i32
      %cond3A_261 = arith.cmpi ne, %convert_element_type3A_259, %cond3A_260 : i32
      scf.if %cond3A_261 {
        %add3A_268 = arith.addi %select_n3A_10, %add3A_242 : i32
        %add3A_269 = arith.constant 2 : i32
        %add3A_270 = arith.addi %add3A_268, %add3A_269 : i32
        %dma_wait3A_271 = arith.constant 1 : i32
        %dma_wait3A_272 = arith.constant 0 : i32
        %dma_wait3A_273 = tpu.memref_slice %arg7[%dma_wait3A_271, %dma_wait3A_272] : memref<4x128xi32, #tpu.memory_space<vmem>> -> memref<1x128xi32, #tpu.memory_space<vmem>>
        %dma_wait3A_274 = tpu.memref_squeeze %dma_wait3A_273 : memref<1x128xi32, #tpu.memory_space<vmem>> -> memref<128xi32, #tpu.memory_space<vmem>>
        %dma_wait3A_275 = arith.constant 0 : i32
        %dma_wait3A_276 = tpu.memref_slice %arg3[%add3A_270, %dma_wait3A_275] : memref<2560x128xi32, #tpu.memory_space<hbm>> -> memref<1x128xi32, #tpu.memory_space<hbm>>
        %dma_wait3A_277 = tpu.memref_squeeze %dma_wait3A_276 : memref<1x128xi32, #tpu.memory_space<hbm>> -> memref<128xi32, #tpu.memory_space<hbm>>
        %dma_wait3A_278 = arith.constant 0 : i32
        %dma_wait3A_279 = tpu.memref_slice %arg7[%dma_wait3A_271, %dma_wait3A_278] : memref<4x128xi32, #tpu.memory_space<vmem>> -> memref<1x128xi32, #tpu.memory_space<vmem>>
        %dma_wait3A_280 = tpu.memref_squeeze %dma_wait3A_279 : memref<1x128xi32, #tpu.memory_space<vmem>> -> memref<128xi32, #tpu.memory_space<vmem>>
        %dma_wait3A_281 = arith.constant 0 : i32
        %dma_wait3A_282 = tpu.memref_slice %arg3[%add3A_270, %dma_wait3A_281] : memref<2560x128xi32, #tpu.memory_space<hbm>> -> memref<1x128xi32, #tpu.memory_space<hbm>>
        %dma_wait3A_283 = tpu.memref_squeeze %dma_wait3A_282 : memref<1x128xi32, #tpu.memory_space<hbm>> -> memref<128xi32, #tpu.memory_space<hbm>>
        tpu.wait_dma2 semaphore(%arg14 : memref<!tpu.dma_semaphore, #tpu.memory_space<semaphore_mem>>) src(%dma_wait3A_283 : memref<128xi32, #tpu.memory_space<hbm>>) dst(%dma_wait3A_280 : memref<128xi32, #tpu.memory_space<vmem>>)
        %dma_start3A_284 = arith.constant 1 : i32
        %dma_start3A_285 = arith.constant 1 : i32
        %dma_start3A_286 = arith.constant 0 : i32
        %dma_start3A_287 = arith.constant 0 : i32
        %dma_start3A_288 = tpu.memref_slice %arg9[%dma_start3A_285, %dma_start3A_286, %dma_start3A_287] : memref<2x128x40xf32, #tpu.memory_space<vmem>> -> memref<1x128x40xf32, #tpu.memory_space<vmem>>
        %dma_start3A_289 = tpu.memref_squeeze %dma_start3A_288 : memref<1x128x40xf32, #tpu.memory_space<vmem>> -> memref<128x40xf32, #tpu.memory_space<vmem>>
        %dma_start3A_290 = arith.constant 0 : i32
        %dma_start3A_291 = tpu.memref_slice %arg7[%dma_start3A_284, %dma_start3A_290] : memref<4x128xi32, #tpu.memory_space<vmem>> -> memref<1x128xi32, #tpu.memory_space<vmem>>
        %dma_start3A_292 = tpu.memref_squeeze %dma_start3A_291 : memref<1x128xi32, #tpu.memory_space<vmem>> -> memref<128xi32, #tpu.memory_space<vmem>>
        %dma_start3A_293 = arith.constant 0 : i32
        %dma_start3A_294 = arith.constant 0 : i32
        %dma_start3A_295 = tpu.memref_slice %arg2[%dma_start3A_293, %dma_start3A_294] : memref<10240x40xf32, #tpu.memory_space<hbm>> -> memref<10240x40xf32, #tpu.memory_space<hbm>>
        tpu.enqueue_indirect_dma source(%dma_start3A_295 : memref<10240x40xf32, #tpu.memory_space<hbm>>) target(%dma_start3A_289 : memref<128x40xf32, #tpu.memory_space<vmem>>) offsets(%dma_start3A_292 : memref<128xi32, #tpu.memory_space<vmem>>) semaphore(%arg12 : memref<!tpu.dma_semaphore, #tpu.memory_space<semaphore_mem>>)
      } else {
      }
      %add3A_262 = arith.constant 4 : i32
      %add3A_263 = arith.addi %add3A_242, %add3A_262 : i32
      %lt3A_264 = arith.cmpi slt, %add3A_263, %select_n3A : i32
      %convert_element_type3A_265 = arith.extui %lt3A_264 : i1 to i32
      %cond3A_266 = arith.constant 0 : i32
      %cond3A_267 = arith.cmpi ne, %convert_element_type3A_265, %cond3A_266 : i32
      scf.if %cond3A_267 {
        %add3A_268 = arith.addi %select_n3A_10, %add3A_242 : i32
        %add3A_269 = arith.constant 4 : i32
        %add3A_270 = arith.addi %add3A_268, %add3A_269 : i32
        %dma_start3A_271 = arith.constant 3 : i32
        %dma_start3A_272 = arith.constant 0 : i32
        %dma_start3A_273 = tpu.memref_slice %arg7[%dma_start3A_271, %dma_start3A_272] : memref<4x128xi32, #tpu.memory_space<vmem>> -> memref<1x128xi32, #tpu.memory_space<vmem>>
        %dma_start3A_274 = tpu.memref_squeeze %dma_start3A_273 : memref<1x128xi32, #tpu.memory_space<vmem>> -> memref<128xi32, #tpu.memory_space<vmem>>
        %dma_start3A_275 = arith.constant 0 : i32
        %dma_start3A_276 = tpu.memref_slice %arg3[%add3A_270, %dma_start3A_275] : memref<2560x128xi32, #tpu.memory_space<hbm>> -> memref<1x128xi32, #tpu.memory_space<hbm>>
        %dma_start3A_277 = tpu.memref_squeeze %dma_start3A_276 : memref<1x128xi32, #tpu.memory_space<hbm>> -> memref<128xi32, #tpu.memory_space<hbm>>
        %dma_start3A_278 = arith.constant 0 : i32
        %dma_start3A_279 = tpu.memref_slice %arg7[%dma_start3A_271, %dma_start3A_278] : memref<4x128xi32, #tpu.memory_space<vmem>> -> memref<1x128xi32, #tpu.memory_space<vmem>>
        %dma_start3A_280 = tpu.memref_squeeze %dma_start3A_279 : memref<1x128xi32, #tpu.memory_space<vmem>> -> memref<128xi32, #tpu.memory_space<vmem>>
        %dma_start3A_281 = arith.constant 0 : i32
        %dma_start3A_282 = tpu.memref_slice %arg3[%add3A_270, %dma_start3A_281] : memref<2560x128xi32, #tpu.memory_space<hbm>> -> memref<1x128xi32, #tpu.memory_space<hbm>>
        %dma_start3A_283 = tpu.memref_squeeze %dma_start3A_282 : memref<1x128xi32, #tpu.memory_space<hbm>> -> memref<128xi32, #tpu.memory_space<hbm>>
        tpu.enqueue_dma source(%dma_start3A_283 : memref<128xi32, #tpu.memory_space<hbm>>) target(%dma_start3A_280 : memref<128xi32, #tpu.memory_space<vmem>>) target_semaphore(%arg16 : memref<!tpu.dma_semaphore, #tpu.memory_space<semaphore_mem>>)
      } else {
      }
    }
    %barrier3A_158 = arith.constant 0 : index
    tpu.barrier barrier_id(%barrier3A_158)
    "tpu.region"() ({
      %run_scoped3A = tpu.sem_alloc : memref<!tpu.dma_semaphore, #tpu.memory_space<semaphore_mem>>
      %dma_start3A_159 = arith.constant 0 : i32
      %dma_start3A_160 = tpu.memref_slice %arg6[%arg0, %mul3A_0, %dma_start3A_159] : memref<2x10240x40xf32, #tpu.memory_space<hbm>> -> memref<1x640x40xf32, #tpu.memory_space<hbm>>
      %dma_start3A_161 = tpu.memref_squeeze %dma_start3A_160 : memref<1x640x40xf32, #tpu.memory_space<hbm>> -> memref<640x40xf32, #tpu.memory_space<hbm>>
      %dma_start3A_162 = arith.constant 0 : i32
      %dma_start3A_163 = tpu.memref_slice %arg10[%mul3A_0, %dma_start3A_162] : memref<10240x40xf32, #tpu.memory_space<vmem_shared>> -> memref<640x40xf32, #tpu.memory_space<vmem_shared>>
      tpu.enqueue_dma source(%dma_start3A_163 : memref<640x40xf32, #tpu.memory_space<vmem_shared>>) target(%dma_start3A_161 : memref<640x40xf32, #tpu.memory_space<hbm>>) target_semaphore(%run_scoped3A : memref<!tpu.dma_semaphore, #tpu.memory_space<semaphore_mem>>)
      %dma_wait3A_164 = arith.constant 0 : i32
      %dma_wait3A_165 = tpu.memref_slice %arg6[%arg0, %mul3A_0, %dma_wait3A_164] : memref<2x10240x40xf32, #tpu.memory_space<hbm>> -> memref<1x640x40xf32, #tpu.memory_space<hbm>>
      %dma_wait3A_166 = tpu.memref_squeeze %dma_wait3A_165 : memref<1x640x40xf32, #tpu.memory_space<hbm>> -> memref<640x40xf32, #tpu.memory_space<hbm>>
      %dma_wait3A_167 = arith.constant 0 : i32
      %dma_wait3A_168 = tpu.memref_slice %arg10[%mul3A_0, %dma_wait3A_167] : memref<10240x40xf32, #tpu.memory_space<vmem_shared>> -> memref<640x40xf32, #tpu.memory_space<vmem_shared>>
      tpu.wait_dma2 semaphore(%run_scoped3A : memref<!tpu.dma_semaphore, #tpu.memory_space<semaphore_mem>>) src(%dma_wait3A_168 : memref<640x40xf32, #tpu.memory_space<vmem_shared>>) dst(%dma_wait3A_166 : memref<640x40xf32, #tpu.memory_space<hbm>>)
      tpu.yield
    }) : () -> ()
    return
  }
}

#map = affine_map<(d0, d1) -> (0, 0)>
#map1 = affine_map<(d0, d1) -> (0, 0, 0)>
module attributes {stable_mosaic.version = 14 : i64} {
  func.func @agg_kernel(%arg0: i32, %arg1: i32, %arg2: memref<10240x128xf32, #tpu.memory_space<hbm>>, %arg3: memref<2560x128xi32, #tpu.memory_space<hbm>>, %arg4: memref<2560x128xi32, #tpu.memory_space<hbm>>, %arg5: memref<10240x128xf32, #tpu.memory_space<hbm>>, %arg6: memref<2x10240x128xf32, #tpu.memory_space<hbm>>, %arg7: memref<4x128xi32, #tpu.memory_space<vmem>>, %arg8: memref<120x128xi32, #tpu.memory_space<vmem>>, %arg9: memref<2x128x128xf32, #tpu.memory_space<vmem>>, %arg10: memref<10240x128xf32, #tpu.memory_space<vmem_shared>>, %arg11: memref<!tpu.dma_semaphore, #tpu.memory_space<semaphore_mem>>, %arg12: memref<!tpu.dma_semaphore, #tpu.memory_space<semaphore_mem>>, %arg13: memref<!tpu.dma_semaphore, #tpu.memory_space<semaphore_mem>>, %arg14: memref<!tpu.dma_semaphore, #tpu.memory_space<semaphore_mem>>, %arg15: memref<!tpu.dma_semaphore, #tpu.memory_space<semaphore_mem>>, %arg16: memref<!tpu.dma_semaphore, #tpu.memory_space<semaphore_mem>>) attributes {dimension_semantics = [#tpu.dimension_semantics<core_parallel>, #tpu.dimension_semantics<subcore_parallel>], iteration_bounds = array<i64: 2, 16>, scalar_prefetch = 0 : i64, scratch_operands = 10 : i64, tpu.core_type = #tpu.core_type<sc_vector_subcore>, window_params = [{transform_indices = #map}, {transform_indices = #map}, {transform_indices = #map}, {transform_indices = #map}, {transform_indices = #map1}]} {
    %mul3A = arith.constant 640 : i32
    %mul3A_0 = arith.muli %arg1, %mul3A : i32
    "tpu.region"() ({
      %run_scoped3A = tpu.sem_alloc : memref<!tpu.dma_semaphore, #tpu.memory_space<semaphore_mem>>
      %dma_start3A_159 = arith.constant 0 : i32
      %dma_start3A_160 = tpu.memref_slice %arg10[%mul3A_0, %dma_start3A_159] : memref<10240x128xf32, #tpu.memory_space<vmem_shared>> -> memref<640x128xf32, #tpu.memory_space<vmem_shared>>
      %dma_start3A_161 = arith.constant 0 : i32
      %dma_start3A_162 = tpu.memref_slice %arg5[%mul3A_0, %dma_start3A_161] : memref<10240x128xf32, #tpu.memory_space<hbm>> -> memref<640x128xf32, #tpu.memory_space<hbm>>
      tpu.enqueue_dma source(%dma_start3A_162 : memref<640x128xf32, #tpu.memory_space<hbm>>) target(%dma_start3A_160 : memref<640x128xf32, #tpu.memory_space<vmem_shared>>) target_semaphore(%run_scoped3A : memref<!tpu.dma_semaphore, #tpu.memory_space<semaphore_mem>>)
      %dma_wait3A_163 = arith.constant 0 : i32
      %dma_wait3A_164 = tpu.memref_slice %arg10[%mul3A_0, %dma_wait3A_163] : memref<10240x128xf32, #tpu.memory_space<vmem_shared>> -> memref<640x128xf32, #tpu.memory_space<vmem_shared>>
      %dma_wait3A_165 = arith.constant 0 : i32
      %dma_wait3A_166 = tpu.memref_slice %arg5[%mul3A_0, %dma_wait3A_165] : memref<10240x128xf32, #tpu.memory_space<hbm>> -> memref<640x128xf32, #tpu.memory_space<hbm>>
      tpu.wait_dma2 semaphore(%run_scoped3A : memref<!tpu.dma_semaphore, #tpu.memory_space<semaphore_mem>>) src(%dma_wait3A_166 : memref<640x128xf32, #tpu.memory_space<hbm>>) dst(%dma_wait3A_164 : memref<640x128xf32, #tpu.memory_space<vmem_shared>>)
      tpu.yield
    }) : () -> ()
    %eq3A = arith.constant 0 : i32
    %eq3A_1 = arith.cmpi eq, %arg0, %eq3A : i32
    %jit3A = arith.constant 120 : i32
    %jit3A_2 = arith.constant 40 : i32
    %select_n3A = arith.select %eq3A_1, %jit3A, %jit3A_2 : i32
    %eq3A_3 = arith.constant 0 : i32
    %eq3A_4 = arith.cmpi eq, %arg0, %eq3A_3 : i32
    %mul3A_5 = arith.constant 120 : i32
    %mul3A_6 = arith.muli %arg1, %mul3A_5 : i32
    %mul3A_7 = arith.constant 40 : i32
    %mul3A_8 = arith.muli %arg1, %mul3A_7 : i32
    %add3A = arith.constant 1920 : i32
    %add3A_9 = arith.addi %add3A, %mul3A_8 : i32
    %select_n3A_10 = arith.select %eq3A_4, %mul3A_6, %add3A_9 : i32
    %eq3A_11 = arith.constant 0 : i32
    %eq3A_12 = arith.cmpi eq, %arg0, %eq3A_11 : i32
    %convert_element_type3A = arith.extui %eq3A_12 : i1 to i32
    %cond3A = arith.constant 0 : i32
    %cond3A_13 = arith.cmpi ne, %convert_element_type3A, %cond3A : i32
    scf.if %cond3A_13 {
      %mul3A_159 = arith.constant 120 : i32
      %mul3A_160 = arith.muli %arg1, %mul3A_159 : i32
      "tpu.region"() ({
        %run_scoped3A = tpu.sem_alloc : memref<!tpu.dma_semaphore, #tpu.memory_space<semaphore_mem>>
        %dma_start3A_161 = arith.constant 0 : i32
        %dma_start3A_162 = arith.constant 0 : i32
        %dma_start3A_163 = tpu.memref_slice %arg8[%dma_start3A_161, %dma_start3A_162] : memref<120x128xi32, #tpu.memory_space<vmem>> -> memref<120x128xi32, #tpu.memory_space<vmem>>
        %dma_start3A_164 = arith.constant 0 : i32
        %dma_start3A_165 = tpu.memref_slice %arg4[%mul3A_160, %dma_start3A_164] : memref<2560x128xi32, #tpu.memory_space<hbm>> -> memref<120x128xi32, #tpu.memory_space<hbm>>
        %dma_start3A_166 = arith.constant 0 : i32
        %dma_start3A_167 = arith.constant 0 : i32
        %dma_start3A_168 = tpu.memref_slice %arg8[%dma_start3A_166, %dma_start3A_167] : memref<120x128xi32, #tpu.memory_space<vmem>> -> memref<120x128xi32, #tpu.memory_space<vmem>>
        %dma_start3A_169 = arith.constant 0 : i32
        %dma_start3A_170 = tpu.memref_slice %arg4[%mul3A_160, %dma_start3A_169] : memref<2560x128xi32, #tpu.memory_space<hbm>> -> memref<120x128xi32, #tpu.memory_space<hbm>>
        tpu.enqueue_dma source(%dma_start3A_170 : memref<120x128xi32, #tpu.memory_space<hbm>>) target(%dma_start3A_168 : memref<120x128xi32, #tpu.memory_space<vmem>>) target_semaphore(%run_scoped3A : memref<!tpu.dma_semaphore, #tpu.memory_space<semaphore_mem>>)
        %dma_wait3A_171 = arith.constant 0 : i32
        %dma_wait3A_172 = arith.constant 0 : i32
        %dma_wait3A_173 = tpu.memref_slice %arg8[%dma_wait3A_171, %dma_wait3A_172] : memref<120x128xi32, #tpu.memory_space<vmem>> -> memref<120x128xi32, #tpu.memory_space<vmem>>
        %dma_wait3A_174 = arith.constant 0 : i32
        %dma_wait3A_175 = tpu.memref_slice %arg4[%mul3A_160, %dma_wait3A_174] : memref<2560x128xi32, #tpu.memory_space<hbm>> -> memref<120x128xi32, #tpu.memory_space<hbm>>
        %dma_wait3A_176 = arith.constant 0 : i32
        %dma_wait3A_177 = arith.constant 0 : i32
        %dma_wait3A_178 = tpu.memref_slice %arg8[%dma_wait3A_176, %dma_wait3A_177] : memref<120x128xi32, #tpu.memory_space<vmem>> -> memref<120x128xi32, #tpu.memory_space<vmem>>
        %dma_wait3A_179 = arith.constant 0 : i32
        %dma_wait3A_180 = tpu.memref_slice %arg4[%mul3A_160, %dma_wait3A_179] : memref<2560x128xi32, #tpu.memory_space<hbm>> -> memref<120x128xi32, #tpu.memory_space<hbm>>
        tpu.wait_dma2 semaphore(%run_scoped3A : memref<!tpu.dma_semaphore, #tpu.memory_space<semaphore_mem>>) src(%dma_wait3A_180 : memref<120x128xi32, #tpu.memory_space<hbm>>) dst(%dma_wait3A_178 : memref<120x128xi32, #tpu.memory_space<vmem>>)
        tpu.yield
      }) : () -> ()
    } else {
    }
    %eq3A_14 = arith.constant 1 : i32
    %eq3A_15 = arith.cmpi eq, %arg0, %eq3A_14 : i32
    %convert_element_type3A_16 = arith.extui %eq3A_15 : i1 to i32
    %cond3A_17 = arith.constant 0 : i32
    %cond3A_18 = arith.cmpi ne, %convert_element_type3A_16, %cond3A_17 : i32
    scf.if %cond3A_18 {
      %mul3A_159 = arith.constant 40 : i32
      %mul3A_160 = arith.muli %arg1, %mul3A_159 : i32
      %add3A_161 = arith.constant 1920 : i32
      %add3A_162 = arith.addi %add3A_161, %mul3A_160 : i32
      "tpu.region"() ({
        %run_scoped3A = tpu.sem_alloc : memref<!tpu.dma_semaphore, #tpu.memory_space<semaphore_mem>>
        %dma_start3A_163 = arith.constant 0 : i32
        %dma_start3A_164 = arith.constant 0 : i32
        %dma_start3A_165 = tpu.memref_slice %arg8[%dma_start3A_163, %dma_start3A_164] : memref<120x128xi32, #tpu.memory_space<vmem>> -> memref<40x128xi32, #tpu.memory_space<vmem>>
        %dma_start3A_166 = arith.constant 0 : i32
        %dma_start3A_167 = tpu.memref_slice %arg4[%add3A_162, %dma_start3A_166] : memref<2560x128xi32, #tpu.memory_space<hbm>> -> memref<40x128xi32, #tpu.memory_space<hbm>>
        %dma_start3A_168 = arith.constant 0 : i32
        %dma_start3A_169 = arith.constant 0 : i32
        %dma_start3A_170 = tpu.memref_slice %arg8[%dma_start3A_168, %dma_start3A_169] : memref<120x128xi32, #tpu.memory_space<vmem>> -> memref<40x128xi32, #tpu.memory_space<vmem>>
        %dma_start3A_171 = arith.constant 0 : i32
        %dma_start3A_172 = tpu.memref_slice %arg4[%add3A_162, %dma_start3A_171] : memref<2560x128xi32, #tpu.memory_space<hbm>> -> memref<40x128xi32, #tpu.memory_space<hbm>>
        tpu.enqueue_dma source(%dma_start3A_172 : memref<40x128xi32, #tpu.memory_space<hbm>>) target(%dma_start3A_170 : memref<40x128xi32, #tpu.memory_space<vmem>>) target_semaphore(%run_scoped3A : memref<!tpu.dma_semaphore, #tpu.memory_space<semaphore_mem>>)
        %dma_wait3A_173 = arith.constant 0 : i32
        %dma_wait3A_174 = arith.constant 0 : i32
        %dma_wait3A_175 = tpu.memref_slice %arg8[%dma_wait3A_173, %dma_wait3A_174] : memref<120x128xi32, #tpu.memory_space<vmem>> -> memref<40x128xi32, #tpu.memory_space<vmem>>
        %dma_wait3A_176 = arith.constant 0 : i32
        %dma_wait3A_177 = tpu.memref_slice %arg4[%add3A_162, %dma_wait3A_176] : memref<2560x128xi32, #tpu.memory_space<hbm>> -> memref<40x128xi32, #tpu.memory_space<hbm>>
        %dma_wait3A_178 = arith.constant 0 : i32
        %dma_wait3A_179 = arith.constant 0 : i32
        %dma_wait3A_180 = tpu.memref_slice %arg8[%dma_wait3A_178, %dma_wait3A_179] : memref<120x128xi32, #tpu.memory_space<vmem>> -> memref<40x128xi32, #tpu.memory_space<vmem>>
        %dma_wait3A_181 = arith.constant 0 : i32
        %dma_wait3A_182 = tpu.memref_slice %arg4[%add3A_162, %dma_wait3A_181] : memref<2560x128xi32, #tpu.memory_space<hbm>> -> memref<40x128xi32, #tpu.memory_space<hbm>>
        tpu.wait_dma2 semaphore(%run_scoped3A : memref<!tpu.dma_semaphore, #tpu.memory_space<semaphore_mem>>) src(%dma_wait3A_182 : memref<40x128xi32, #tpu.memory_space<hbm>>) dst(%dma_wait3A_180 : memref<40x128xi32, #tpu.memory_space<vmem>>)
        tpu.yield
      }) : () -> ()
    } else {
    }
    %add3A_19 = arith.constant 0 : i32
    %add3A_20 = arith.addi %select_n3A_10, %add3A_19 : i32
    %dma_start3A = arith.constant 0 : i32
    %dma_start3A_21 = arith.constant 0 : i32
    %dma_start3A_22 = tpu.memref_slice %arg7[%dma_start3A, %dma_start3A_21] : memref<4x128xi32, #tpu.memory_space<vmem>> -> memref<1x128xi32, #tpu.memory_space<vmem>>
    %dma_start3A_23 = tpu.memref_squeeze %dma_start3A_22 : memref<1x128xi32, #tpu.memory_space<vmem>> -> memref<128xi32, #tpu.memory_space<vmem>>
    %dma_start3A_24 = arith.constant 0 : i32
    %dma_start3A_25 = tpu.memref_slice %arg3[%add3A_20, %dma_start3A_24] : memref<2560x128xi32, #tpu.memory_space<hbm>> -> memref<1x128xi32, #tpu.memory_space<hbm>>
    %dma_start3A_26 = tpu.memref_squeeze %dma_start3A_25 : memref<1x128xi32, #tpu.memory_space<hbm>> -> memref<128xi32, #tpu.memory_space<hbm>>
    %dma_start3A_27 = arith.constant 0 : i32
    %dma_start3A_28 = tpu.memref_slice %arg7[%dma_start3A, %dma_start3A_27] : memref<4x128xi32, #tpu.memory_space<vmem>> -> memref<1x128xi32, #tpu.memory_space<vmem>>
    %dma_start3A_29 = tpu.memref_squeeze %dma_start3A_28 : memref<1x128xi32, #tpu.memory_space<vmem>> -> memref<128xi32, #tpu.memory_space<vmem>>
    %dma_start3A_30 = arith.constant 0 : i32
    %dma_start3A_31 = tpu.memref_slice %arg3[%add3A_20, %dma_start3A_30] : memref<2560x128xi32, #tpu.memory_space<hbm>> -> memref<1x128xi32, #tpu.memory_space<hbm>>
    %dma_start3A_32 = tpu.memref_squeeze %dma_start3A_31 : memref<1x128xi32, #tpu.memory_space<hbm>> -> memref<128xi32, #tpu.memory_space<hbm>>
    tpu.enqueue_dma source(%dma_start3A_32 : memref<128xi32, #tpu.memory_space<hbm>>) target(%dma_start3A_29 : memref<128xi32, #tpu.memory_space<vmem>>) target_semaphore(%arg13 : memref<!tpu.dma_semaphore, #tpu.memory_space<semaphore_mem>>)
    %add3A_33 = arith.constant 1 : i32
    %add3A_34 = arith.addi %select_n3A_10, %add3A_33 : i32
    %dma_start3A_35 = arith.constant 1 : i32
    %dma_start3A_36 = arith.constant 0 : i32
    %dma_start3A_37 = tpu.memref_slice %arg7[%dma_start3A_35, %dma_start3A_36] : memref<4x128xi32, #tpu.memory_space<vmem>> -> memref<1x128xi32, #tpu.memory_space<vmem>>
    %dma_start3A_38 = tpu.memref_squeeze %dma_start3A_37 : memref<1x128xi32, #tpu.memory_space<vmem>> -> memref<128xi32, #tpu.memory_space<vmem>>
    %dma_start3A_39 = arith.constant 0 : i32
    %dma_start3A_40 = tpu.memref_slice %arg3[%add3A_34, %dma_start3A_39] : memref<2560x128xi32, #tpu.memory_space<hbm>> -> memref<1x128xi32, #tpu.memory_space<hbm>>
    %dma_start3A_41 = tpu.memref_squeeze %dma_start3A_40 : memref<1x128xi32, #tpu.memory_space<hbm>> -> memref<128xi32, #tpu.memory_space<hbm>>
    %dma_start3A_42 = arith.constant 0 : i32
    %dma_start3A_43 = tpu.memref_slice %arg7[%dma_start3A_35, %dma_start3A_42] : memref<4x128xi32, #tpu.memory_space<vmem>> -> memref<1x128xi32, #tpu.memory_space<vmem>>
    %dma_start3A_44 = tpu.memref_squeeze %dma_start3A_43 : memref<1x128xi32, #tpu.memory_space<vmem>> -> memref<128xi32, #tpu.memory_space<vmem>>
    %dma_start3A_45 = arith.constant 0 : i32
    %dma_start3A_46 = tpu.memref_slice %arg3[%add3A_34, %dma_start3A_45] : memref<2560x128xi32, #tpu.memory_space<hbm>> -> memref<1x128xi32, #tpu.memory_space<hbm>>
    %dma_start3A_47 = tpu.memref_squeeze %dma_start3A_46 : memref<1x128xi32, #tpu.memory_space<hbm>> -> memref<128xi32, #tpu.memory_space<hbm>>
    tpu.enqueue_dma source(%dma_start3A_47 : memref<128xi32, #tpu.memory_space<hbm>>) target(%dma_start3A_44 : memref<128xi32, #tpu.memory_space<vmem>>) target_semaphore(%arg14 : memref<!tpu.dma_semaphore, #tpu.memory_space<semaphore_mem>>)
    %add3A_48 = arith.constant 2 : i32
    %add3A_49 = arith.addi %select_n3A_10, %add3A_48 : i32
    %dma_start3A_50 = arith.constant 2 : i32
    %dma_start3A_51 = arith.constant 0 : i32
    %dma_start3A_52 = tpu.memref_slice %arg7[%dma_start3A_50, %dma_start3A_51] : memref<4x128xi32, #tpu.memory_space<vmem>> -> memref<1x128xi32, #tpu.memory_space<vmem>>
    %dma_start3A_53 = tpu.memref_squeeze %dma_start3A_52 : memref<1x128xi32, #tpu.memory_space<vmem>> -> memref<128xi32, #tpu.memory_space<vmem>>
    %dma_start3A_54 = arith.constant 0 : i32
    %dma_start3A_55 = tpu.memref_slice %arg3[%add3A_49, %dma_start3A_54] : memref<2560x128xi32, #tpu.memory_space<hbm>> -> memref<1x128xi32, #tpu.memory_space<hbm>>
    %dma_start3A_56 = tpu.memref_squeeze %dma_start3A_55 : memref<1x128xi32, #tpu.memory_space<hbm>> -> memref<128xi32, #tpu.memory_space<hbm>>
    %dma_start3A_57 = arith.constant 0 : i32
    %dma_start3A_58 = tpu.memref_slice %arg7[%dma_start3A_50, %dma_start3A_57] : memref<4x128xi32, #tpu.memory_space<vmem>> -> memref<1x128xi32, #tpu.memory_space<vmem>>
    %dma_start3A_59 = tpu.memref_squeeze %dma_start3A_58 : memref<1x128xi32, #tpu.memory_space<vmem>> -> memref<128xi32, #tpu.memory_space<vmem>>
    %dma_start3A_60 = arith.constant 0 : i32
    %dma_start3A_61 = tpu.memref_slice %arg3[%add3A_49, %dma_start3A_60] : memref<2560x128xi32, #tpu.memory_space<hbm>> -> memref<1x128xi32, #tpu.memory_space<hbm>>
    %dma_start3A_62 = tpu.memref_squeeze %dma_start3A_61 : memref<1x128xi32, #tpu.memory_space<hbm>> -> memref<128xi32, #tpu.memory_space<hbm>>
    tpu.enqueue_dma source(%dma_start3A_62 : memref<128xi32, #tpu.memory_space<hbm>>) target(%dma_start3A_59 : memref<128xi32, #tpu.memory_space<vmem>>) target_semaphore(%arg15 : memref<!tpu.dma_semaphore, #tpu.memory_space<semaphore_mem>>)
    %add3A_63 = arith.constant 3 : i32
    %add3A_64 = arith.addi %select_n3A_10, %add3A_63 : i32
    %dma_start3A_65 = arith.constant 3 : i32
    %dma_start3A_66 = arith.constant 0 : i32
    %dma_start3A_67 = tpu.memref_slice %arg7[%dma_start3A_65, %dma_start3A_66] : memref<4x128xi32, #tpu.memory_space<vmem>> -> memref<1x128xi32, #tpu.memory_space<vmem>>
    %dma_start3A_68 = tpu.memref_squeeze %dma_start3A_67 : memref<1x128xi32, #tpu.memory_space<vmem>> -> memref<128xi32, #tpu.memory_space<vmem>>
    %dma_start3A_69 = arith.constant 0 : i32
    %dma_start3A_70 = tpu.memref_slice %arg3[%add3A_64, %dma_start3A_69] : memref<2560x128xi32, #tpu.memory_space<hbm>> -> memref<1x128xi32, #tpu.memory_space<hbm>>
    %dma_start3A_71 = tpu.memref_squeeze %dma_start3A_70 : memref<1x128xi32, #tpu.memory_space<hbm>> -> memref<128xi32, #tpu.memory_space<hbm>>
    %dma_start3A_72 = arith.constant 0 : i32
    %dma_start3A_73 = tpu.memref_slice %arg7[%dma_start3A_65, %dma_start3A_72] : memref<4x128xi32, #tpu.memory_space<vmem>> -> memref<1x128xi32, #tpu.memory_space<vmem>>
    %dma_start3A_74 = tpu.memref_squeeze %dma_start3A_73 : memref<1x128xi32, #tpu.memory_space<vmem>> -> memref<128xi32, #tpu.memory_space<vmem>>
    %dma_start3A_75 = arith.constant 0 : i32
    %dma_start3A_76 = tpu.memref_slice %arg3[%add3A_64, %dma_start3A_75] : memref<2560x128xi32, #tpu.memory_space<hbm>> -> memref<1x128xi32, #tpu.memory_space<hbm>>
    %dma_start3A_77 = tpu.memref_squeeze %dma_start3A_76 : memref<1x128xi32, #tpu.memory_space<hbm>> -> memref<128xi32, #tpu.memory_space<hbm>>
    tpu.enqueue_dma source(%dma_start3A_77 : memref<128xi32, #tpu.memory_space<hbm>>) target(%dma_start3A_74 : memref<128xi32, #tpu.memory_space<vmem>>) target_semaphore(%arg16 : memref<!tpu.dma_semaphore, #tpu.memory_space<semaphore_mem>>)
    %barrier3A = arith.constant 0 : index
    tpu.barrier barrier_id(%barrier3A)
    %add3A_78 = arith.constant 0 : i32
    %add3A_79 = arith.addi %select_n3A_10, %add3A_78 : i32
    %dma_wait3A = arith.constant 0 : i32
    %dma_wait3A_80 = arith.constant 0 : i32
    %dma_wait3A_81 = tpu.memref_slice %arg7[%dma_wait3A, %dma_wait3A_80] : memref<4x128xi32, #tpu.memory_space<vmem>> -> memref<1x128xi32, #tpu.memory_space<vmem>>
    %dma_wait3A_82 = tpu.memref_squeeze %dma_wait3A_81 : memref<1x128xi32, #tpu.memory_space<vmem>> -> memref<128xi32, #tpu.memory_space<vmem>>
    %dma_wait3A_83 = arith.constant 0 : i32
    %dma_wait3A_84 = tpu.memref_slice %arg3[%add3A_79, %dma_wait3A_83] : memref<2560x128xi32, #tpu.memory_space<hbm>> -> memref<1x128xi32, #tpu.memory_space<hbm>>
    %dma_wait3A_85 = tpu.memref_squeeze %dma_wait3A_84 : memref<1x128xi32, #tpu.memory_space<hbm>> -> memref<128xi32, #tpu.memory_space<hbm>>
    %dma_wait3A_86 = arith.constant 0 : i32
    %dma_wait3A_87 = tpu.memref_slice %arg7[%dma_wait3A, %dma_wait3A_86] : memref<4x128xi32, #tpu.memory_space<vmem>> -> memref<1x128xi32, #tpu.memory_space<vmem>>
    %dma_wait3A_88 = tpu.memref_squeeze %dma_wait3A_87 : memref<1x128xi32, #tpu.memory_space<vmem>> -> memref<128xi32, #tpu.memory_space<vmem>>
    %dma_wait3A_89 = arith.constant 0 : i32
    %dma_wait3A_90 = tpu.memref_slice %arg3[%add3A_79, %dma_wait3A_89] : memref<2560x128xi32, #tpu.memory_space<hbm>> -> memref<1x128xi32, #tpu.memory_space<hbm>>
    %dma_wait3A_91 = tpu.memref_squeeze %dma_wait3A_90 : memref<1x128xi32, #tpu.memory_space<hbm>> -> memref<128xi32, #tpu.memory_space<hbm>>
    tpu.wait_dma2 semaphore(%arg13 : memref<!tpu.dma_semaphore, #tpu.memory_space<semaphore_mem>>) src(%dma_wait3A_91 : memref<128xi32, #tpu.memory_space<hbm>>) dst(%dma_wait3A_88 : memref<128xi32, #tpu.memory_space<vmem>>)
    %dma_start3A_92 = arith.constant 0 : i32
    %dma_start3A_93 = arith.constant 0 : i32
    %dma_start3A_94 = arith.constant 0 : i32
    %dma_start3A_95 = arith.constant 0 : i32
    %dma_start3A_96 = tpu.memref_slice %arg9[%dma_start3A_93, %dma_start3A_94, %dma_start3A_95] : memref<2x128x128xf32, #tpu.memory_space<vmem>> -> memref<1x128x128xf32, #tpu.memory_space<vmem>>
    %dma_start3A_97 = tpu.memref_squeeze %dma_start3A_96 : memref<1x128x128xf32, #tpu.memory_space<vmem>> -> memref<128x128xf32, #tpu.memory_space<vmem>>
    %dma_start3A_98 = arith.constant 0 : i32
    %dma_start3A_99 = tpu.memref_slice %arg7[%dma_start3A_92, %dma_start3A_98] : memref<4x128xi32, #tpu.memory_space<vmem>> -> memref<1x128xi32, #tpu.memory_space<vmem>>
    %dma_start3A_100 = tpu.memref_squeeze %dma_start3A_99 : memref<1x128xi32, #tpu.memory_space<vmem>> -> memref<128xi32, #tpu.memory_space<vmem>>
    %dma_start3A_101 = arith.constant 0 : i32
    %dma_start3A_102 = arith.constant 0 : i32
    %dma_start3A_103 = tpu.memref_slice %arg2[%dma_start3A_101, %dma_start3A_102] : memref<10240x128xf32, #tpu.memory_space<hbm>> -> memref<10240x128xf32, #tpu.memory_space<hbm>>
    tpu.enqueue_indirect_dma source(%dma_start3A_103 : memref<10240x128xf32, #tpu.memory_space<hbm>>) target(%dma_start3A_97 : memref<128x128xf32, #tpu.memory_space<vmem>>) offsets(%dma_start3A_100 : memref<128xi32, #tpu.memory_space<vmem>>) semaphore(%arg11 : memref<!tpu.dma_semaphore, #tpu.memory_space<semaphore_mem>>)
    %add3A_104 = arith.constant 1 : i32
    %add3A_105 = arith.addi %select_n3A_10, %add3A_104 : i32
    %dma_wait3A_106 = arith.constant 1 : i32
    %dma_wait3A_107 = arith.constant 0 : i32
    %dma_wait3A_108 = tpu.memref_slice %arg7[%dma_wait3A_106, %dma_wait3A_107] : memref<4x128xi32, #tpu.memory_space<vmem>> -> memref<1x128xi32, #tpu.memory_space<vmem>>
    %dma_wait3A_109 = tpu.memref_squeeze %dma_wait3A_108 : memref<1x128xi32, #tpu.memory_space<vmem>> -> memref<128xi32, #tpu.memory_space<vmem>>
    %dma_wait3A_110 = arith.constant 0 : i32
    %dma_wait3A_111 = tpu.memref_slice %arg3[%add3A_105, %dma_wait3A_110] : memref<2560x128xi32, #tpu.memory_space<hbm>> -> memref<1x128xi32, #tpu.memory_space<hbm>>
    %dma_wait3A_112 = tpu.memref_squeeze %dma_wait3A_111 : memref<1x128xi32, #tpu.memory_space<hbm>> -> memref<128xi32, #tpu.memory_space<hbm>>
    %dma_wait3A_113 = arith.constant 0 : i32
    %dma_wait3A_114 = tpu.memref_slice %arg7[%dma_wait3A_106, %dma_wait3A_113] : memref<4x128xi32, #tpu.memory_space<vmem>> -> memref<1x128xi32, #tpu.memory_space<vmem>>
    %dma_wait3A_115 = tpu.memref_squeeze %dma_wait3A_114 : memref<1x128xi32, #tpu.memory_space<vmem>> -> memref<128xi32, #tpu.memory_space<vmem>>
    %dma_wait3A_116 = arith.constant 0 : i32
    %dma_wait3A_117 = tpu.memref_slice %arg3[%add3A_105, %dma_wait3A_116] : memref<2560x128xi32, #tpu.memory_space<hbm>> -> memref<1x128xi32, #tpu.memory_space<hbm>>
    %dma_wait3A_118 = tpu.memref_squeeze %dma_wait3A_117 : memref<1x128xi32, #tpu.memory_space<hbm>> -> memref<128xi32, #tpu.memory_space<hbm>>
    tpu.wait_dma2 semaphore(%arg14 : memref<!tpu.dma_semaphore, #tpu.memory_space<semaphore_mem>>) src(%dma_wait3A_118 : memref<128xi32, #tpu.memory_space<hbm>>) dst(%dma_wait3A_115 : memref<128xi32, #tpu.memory_space<vmem>>)
    %dma_start3A_119 = arith.constant 1 : i32
    %dma_start3A_120 = arith.constant 1 : i32
    %dma_start3A_121 = arith.constant 0 : i32
    %dma_start3A_122 = arith.constant 0 : i32
    %dma_start3A_123 = tpu.memref_slice %arg9[%dma_start3A_120, %dma_start3A_121, %dma_start3A_122] : memref<2x128x128xf32, #tpu.memory_space<vmem>> -> memref<1x128x128xf32, #tpu.memory_space<vmem>>
    %dma_start3A_124 = tpu.memref_squeeze %dma_start3A_123 : memref<1x128x128xf32, #tpu.memory_space<vmem>> -> memref<128x128xf32, #tpu.memory_space<vmem>>
    %dma_start3A_125 = arith.constant 0 : i32
    %dma_start3A_126 = tpu.memref_slice %arg7[%dma_start3A_119, %dma_start3A_125] : memref<4x128xi32, #tpu.memory_space<vmem>> -> memref<1x128xi32, #tpu.memory_space<vmem>>
    %dma_start3A_127 = tpu.memref_squeeze %dma_start3A_126 : memref<1x128xi32, #tpu.memory_space<vmem>> -> memref<128xi32, #tpu.memory_space<vmem>>
    %dma_start3A_128 = arith.constant 0 : i32
    %dma_start3A_129 = arith.constant 0 : i32
    %dma_start3A_130 = tpu.memref_slice %arg2[%dma_start3A_128, %dma_start3A_129] : memref<10240x128xf32, #tpu.memory_space<hbm>> -> memref<10240x128xf32, #tpu.memory_space<hbm>>
    tpu.enqueue_indirect_dma source(%dma_start3A_130 : memref<10240x128xf32, #tpu.memory_space<hbm>>) target(%dma_start3A_124 : memref<128x128xf32, #tpu.memory_space<vmem>>) offsets(%dma_start3A_127 : memref<128xi32, #tpu.memory_space<vmem>>) semaphore(%arg12 : memref<!tpu.dma_semaphore, #tpu.memory_space<semaphore_mem>>)
    %jit3A_131 = arith.constant 4 : i32
    %div3A = arith.divsi %select_n3A, %jit3A_131 : i32
    %sign3A = arith.constant 0 : i32
    %sign3A_132 = arith.cmpi sgt, %select_n3A, %sign3A : i32
    %sign3A_133 = arith.extui %sign3A_132 : i1 to i32
    %sign3A_134 = arith.constant 0 : i32
    %sign3A_135 = arith.cmpi slt, %select_n3A, %sign3A_134 : i32
    %sign3A_136 = arith.extui %sign3A_135 : i1 to i32
    %sign3A_137 = arith.subi %sign3A_133, %sign3A_136 : i32
    %sign3A_138 = arith.constant 0 : i32
    %sign3A_139 = arith.cmpi sgt, %jit3A_131, %sign3A_138 : i32
    %sign3A_140 = arith.extui %sign3A_139 : i1 to i32
    %sign3A_141 = arith.constant 0 : i32
    %sign3A_142 = arith.cmpi slt, %jit3A_131, %sign3A_141 : i32
    %sign3A_143 = arith.extui %sign3A_142 : i1 to i32
    %sign3A_144 = arith.subi %sign3A_140, %sign3A_143 : i32
    %ne3A = arith.cmpi ne, %sign3A_137, %sign3A_144 : i32
    %rem3A = arith.remsi %select_n3A, %jit3A_131 : i32
    %ne3A_145 = arith.constant 0 : i32
    %ne3A_146 = arith.cmpi ne, %rem3A, %ne3A_145 : i32
    %and3A = arith.andi %ne3A, %ne3A_146 : i1
    %sub3A = arith.constant 1 : i32
    %sub3A_147 = arith.subi %div3A, %sub3A : i32
    %select_n3A_148 = arith.select %and3A, %sub3A_147, %div3A : i32
    %while3A = arith.constant 0 : i32
    %while3A_149 = arith.constant 0 : i32
    %while3A_150 = arith.subi %select_n3A_148, %while3A_149 : i32
    %while3A_151 = arith.addi %while3A_149, %while3A_150 : i32
    %while3A_152 = arith.constant 1 : i32
    %while3A_153 = arith.divsi %while3A_150, %while3A_152 : i32
    %while3A_154 = arith.muli %while3A_153, %while3A_152 : i32
    %while3A_155 = arith.addi %while3A_149, %while3A_154 : i32
    %while3A_156 = arith.constant 1 : i32
    scf.for %while3A_159 = %while3A_149 to %while3A_155 step %while3A_156  : i32 {
      %mul3A_160 = arith.constant 4 : i32
      %mul3A_161 = arith.muli %while3A_159, %mul3A_160 : i32
      %add3A_162 = arith.constant 0 : i32
      %add3A_163 = arith.addi %mul3A_161, %add3A_162 : i32
      %dma_wait3A_164 = arith.constant 0 : i32
      %dma_wait3A_165 = arith.constant 0 : i32
      %dma_wait3A_166 = arith.constant 0 : i32
      %dma_wait3A_167 = arith.constant 0 : i32
      %dma_wait3A_168 = tpu.memref_slice %arg9[%dma_wait3A_165, %dma_wait3A_166, %dma_wait3A_167] : memref<2x128x128xf32, #tpu.memory_space<vmem>> -> memref<1x128x128xf32, #tpu.memory_space<vmem>>
      %dma_wait3A_169 = tpu.memref_squeeze %dma_wait3A_168 : memref<1x128x128xf32, #tpu.memory_space<vmem>> -> memref<128x128xf32, #tpu.memory_space<vmem>>
      %dma_wait3A_170 = arith.constant 0 : i32
      %dma_wait3A_171 = tpu.memref_slice %arg7[%dma_wait3A_164, %dma_wait3A_170] : memref<4x128xi32, #tpu.memory_space<vmem>> -> memref<1x128xi32, #tpu.memory_space<vmem>>
      %dma_wait3A_172 = tpu.memref_squeeze %dma_wait3A_171 : memref<1x128xi32, #tpu.memory_space<vmem>> -> memref<128xi32, #tpu.memory_space<vmem>>
      %dma_wait3A_173 = arith.constant 0 : i32
      %dma_wait3A_174 = arith.constant 0 : i32
      %dma_wait3A_175 = tpu.memref_slice %arg2[%dma_wait3A_173, %dma_wait3A_174] : memref<10240x128xf32, #tpu.memory_space<hbm>> -> memref<10240x128xf32, #tpu.memory_space<hbm>>
      tpu.wait_indirect_dma semaphore(%arg11 : memref<!tpu.dma_semaphore, #tpu.memory_space<semaphore_mem>>) src(%dma_wait3A_175 : memref<10240x128xf32, #tpu.memory_space<hbm>>) dst(%dma_wait3A_169 : memref<128x128xf32, #tpu.memory_space<vmem>>)
      %run_scoped3A = arith.constant 0 : i32
      "tpu.region"() ({
        %run_scoped3A_268 = tpu.sem_alloc : memref<!tpu.dma_semaphore, #tpu.memory_space<semaphore_mem>>
        %dma_start3A_269 = arith.constant 0 : i32
        %dma_start3A_270 = arith.constant 0 : i32
        %dma_start3A_271 = tpu.memref_slice %arg9[%run_scoped3A, %dma_start3A_269, %dma_start3A_270] : memref<2x128x128xf32, #tpu.memory_space<vmem>> -> memref<1x128x128xf32, #tpu.memory_space<vmem>>
        %dma_start3A_272 = tpu.memref_squeeze %dma_start3A_271 : memref<1x128x128xf32, #tpu.memory_space<vmem>> -> memref<128x128xf32, #tpu.memory_space<vmem>>
        %dma_start3A_273 = arith.constant 0 : i32
        %dma_start3A_274 = tpu.memref_slice %arg8[%add3A_163, %dma_start3A_273] : memref<120x128xi32, #tpu.memory_space<vmem>> -> memref<1x128xi32, #tpu.memory_space<vmem>>
        %dma_start3A_275 = tpu.memref_squeeze %dma_start3A_274 : memref<1x128xi32, #tpu.memory_space<vmem>> -> memref<128xi32, #tpu.memory_space<vmem>>
        %dma_start3A_276 = arith.constant 0 : i32
        %dma_start3A_277 = arith.constant 0 : i32
        %dma_start3A_278 = tpu.memref_slice %arg10[%dma_start3A_276, %dma_start3A_277] : memref<10240x128xf32, #tpu.memory_space<vmem_shared>> -> memref<10240x128xf32, #tpu.memory_space<vmem_shared>>
        tpu.enqueue_indirect_dma source(%dma_start3A_272 : memref<128x128xf32, #tpu.memory_space<vmem>>) target(%dma_start3A_278 : memref<10240x128xf32, #tpu.memory_space<vmem_shared>>) offsets(%dma_start3A_275 : memref<128xi32, #tpu.memory_space<vmem>>) semaphore(%run_scoped3A_268 : memref<!tpu.dma_semaphore, #tpu.memory_space<semaphore_mem>>) {add = true}
        %dma_wait3A_279 = arith.constant 0 : i32
        %dma_wait3A_280 = arith.constant 0 : i32
        %dma_wait3A_281 = tpu.memref_slice %arg9[%run_scoped3A, %dma_wait3A_279, %dma_wait3A_280] : memref<2x128x128xf32, #tpu.memory_space<vmem>> -> memref<1x128x128xf32, #tpu.memory_space<vmem>>
        %dma_wait3A_282 = tpu.memref_squeeze %dma_wait3A_281 : memref<1x128x128xf32, #tpu.memory_space<vmem>> -> memref<128x128xf32, #tpu.memory_space<vmem>>
        %dma_wait3A_283 = arith.constant 0 : i32
        %dma_wait3A_284 = tpu.memref_slice %arg8[%add3A_163, %dma_wait3A_283] : memref<120x128xi32, #tpu.memory_space<vmem>> -> memref<1x128xi32, #tpu.memory_space<vmem>>
        %dma_wait3A_285 = tpu.memref_squeeze %dma_wait3A_284 : memref<1x128xi32, #tpu.memory_space<vmem>> -> memref<128xi32, #tpu.memory_space<vmem>>
        %dma_wait3A_286 = arith.constant 0 : i32
        %dma_wait3A_287 = arith.constant 0 : i32
        %dma_wait3A_288 = tpu.memref_slice %arg10[%dma_wait3A_286, %dma_wait3A_287] : memref<10240x128xf32, #tpu.memory_space<vmem_shared>> -> memref<10240x128xf32, #tpu.memory_space<vmem_shared>>
        tpu.wait_indirect_dma semaphore(%run_scoped3A_268 : memref<!tpu.dma_semaphore, #tpu.memory_space<semaphore_mem>>) src(%dma_wait3A_282 : memref<128x128xf32, #tpu.memory_space<vmem>>) dst(%dma_wait3A_288 : memref<10240x128xf32, #tpu.memory_space<vmem_shared>>)
        tpu.yield
      }) : () -> ()
      %add3A_176 = arith.constant 2 : i32
      %add3A_177 = arith.addi %add3A_163, %add3A_176 : i32
      %lt3A = arith.cmpi slt, %add3A_177, %select_n3A : i32
      %convert_element_type3A_178 = arith.extui %lt3A : i1 to i32
      %cond3A_179 = arith.constant 0 : i32
      %cond3A_180 = arith.cmpi ne, %convert_element_type3A_178, %cond3A_179 : i32
      scf.if %cond3A_180 {
        %add3A_268 = arith.addi %select_n3A_10, %add3A_163 : i32
        %add3A_269 = arith.constant 2 : i32
        %add3A_270 = arith.addi %add3A_268, %add3A_269 : i32
        %dma_wait3A_271 = arith.constant 2 : i32
        %dma_wait3A_272 = arith.constant 0 : i32
        %dma_wait3A_273 = tpu.memref_slice %arg7[%dma_wait3A_271, %dma_wait3A_272] : memref<4x128xi32, #tpu.memory_space<vmem>> -> memref<1x128xi32, #tpu.memory_space<vmem>>
        %dma_wait3A_274 = tpu.memref_squeeze %dma_wait3A_273 : memref<1x128xi32, #tpu.memory_space<vmem>> -> memref<128xi32, #tpu.memory_space<vmem>>
        %dma_wait3A_275 = arith.constant 0 : i32
        %dma_wait3A_276 = tpu.memref_slice %arg3[%add3A_270, %dma_wait3A_275] : memref<2560x128xi32, #tpu.memory_space<hbm>> -> memref<1x128xi32, #tpu.memory_space<hbm>>
        %dma_wait3A_277 = tpu.memref_squeeze %dma_wait3A_276 : memref<1x128xi32, #tpu.memory_space<hbm>> -> memref<128xi32, #tpu.memory_space<hbm>>
        %dma_wait3A_278 = arith.constant 0 : i32
        %dma_wait3A_279 = tpu.memref_slice %arg7[%dma_wait3A_271, %dma_wait3A_278] : memref<4x128xi32, #tpu.memory_space<vmem>> -> memref<1x128xi32, #tpu.memory_space<vmem>>
        %dma_wait3A_280 = tpu.memref_squeeze %dma_wait3A_279 : memref<1x128xi32, #tpu.memory_space<vmem>> -> memref<128xi32, #tpu.memory_space<vmem>>
        %dma_wait3A_281 = arith.constant 0 : i32
        %dma_wait3A_282 = tpu.memref_slice %arg3[%add3A_270, %dma_wait3A_281] : memref<2560x128xi32, #tpu.memory_space<hbm>> -> memref<1x128xi32, #tpu.memory_space<hbm>>
        %dma_wait3A_283 = tpu.memref_squeeze %dma_wait3A_282 : memref<1x128xi32, #tpu.memory_space<hbm>> -> memref<128xi32, #tpu.memory_space<hbm>>
        tpu.wait_dma2 semaphore(%arg15 : memref<!tpu.dma_semaphore, #tpu.memory_space<semaphore_mem>>) src(%dma_wait3A_283 : memref<128xi32, #tpu.memory_space<hbm>>) dst(%dma_wait3A_280 : memref<128xi32, #tpu.memory_space<vmem>>)
        %dma_start3A_284 = arith.constant 2 : i32
        %dma_start3A_285 = arith.constant 0 : i32
        %dma_start3A_286 = arith.constant 0 : i32
        %dma_start3A_287 = arith.constant 0 : i32
        %dma_start3A_288 = tpu.memref_slice %arg9[%dma_start3A_285, %dma_start3A_286, %dma_start3A_287] : memref<2x128x128xf32, #tpu.memory_space<vmem>> -> memref<1x128x128xf32, #tpu.memory_space<vmem>>
        %dma_start3A_289 = tpu.memref_squeeze %dma_start3A_288 : memref<1x128x128xf32, #tpu.memory_space<vmem>> -> memref<128x128xf32, #tpu.memory_space<vmem>>
        %dma_start3A_290 = arith.constant 0 : i32
        %dma_start3A_291 = tpu.memref_slice %arg7[%dma_start3A_284, %dma_start3A_290] : memref<4x128xi32, #tpu.memory_space<vmem>> -> memref<1x128xi32, #tpu.memory_space<vmem>>
        %dma_start3A_292 = tpu.memref_squeeze %dma_start3A_291 : memref<1x128xi32, #tpu.memory_space<vmem>> -> memref<128xi32, #tpu.memory_space<vmem>>
        %dma_start3A_293 = arith.constant 0 : i32
        %dma_start3A_294 = arith.constant 0 : i32
        %dma_start3A_295 = tpu.memref_slice %arg2[%dma_start3A_293, %dma_start3A_294] : memref<10240x128xf32, #tpu.memory_space<hbm>> -> memref<10240x128xf32, #tpu.memory_space<hbm>>
        tpu.enqueue_indirect_dma source(%dma_start3A_295 : memref<10240x128xf32, #tpu.memory_space<hbm>>) target(%dma_start3A_289 : memref<128x128xf32, #tpu.memory_space<vmem>>) offsets(%dma_start3A_292 : memref<128xi32, #tpu.memory_space<vmem>>) semaphore(%arg11 : memref<!tpu.dma_semaphore, #tpu.memory_space<semaphore_mem>>)
      } else {
      }
      %add3A_181 = arith.constant 4 : i32
      %add3A_182 = arith.addi %add3A_163, %add3A_181 : i32
      %lt3A_183 = arith.cmpi slt, %add3A_182, %select_n3A : i32
      %convert_element_type3A_184 = arith.extui %lt3A_183 : i1 to i32
      %cond3A_185 = arith.constant 0 : i32
      %cond3A_186 = arith.cmpi ne, %convert_element_type3A_184, %cond3A_185 : i32
      scf.if %cond3A_186 {
        %add3A_268 = arith.addi %select_n3A_10, %add3A_163 : i32
        %add3A_269 = arith.constant 4 : i32
        %add3A_270 = arith.addi %add3A_268, %add3A_269 : i32
        %dma_start3A_271 = arith.constant 0 : i32
        %dma_start3A_272 = arith.constant 0 : i32
        %dma_start3A_273 = tpu.memref_slice %arg7[%dma_start3A_271, %dma_start3A_272] : memref<4x128xi32, #tpu.memory_space<vmem>> -> memref<1x128xi32, #tpu.memory_space<vmem>>
        %dma_start3A_274 = tpu.memref_squeeze %dma_start3A_273 : memref<1x128xi32, #tpu.memory_space<vmem>> -> memref<128xi32, #tpu.memory_space<vmem>>
        %dma_start3A_275 = arith.constant 0 : i32
        %dma_start3A_276 = tpu.memref_slice %arg3[%add3A_270, %dma_start3A_275] : memref<2560x128xi32, #tpu.memory_space<hbm>> -> memref<1x128xi32, #tpu.memory_space<hbm>>
        %dma_start3A_277 = tpu.memref_squeeze %dma_start3A_276 : memref<1x128xi32, #tpu.memory_space<hbm>> -> memref<128xi32, #tpu.memory_space<hbm>>
        %dma_start3A_278 = arith.constant 0 : i32
        %dma_start3A_279 = tpu.memref_slice %arg7[%dma_start3A_271, %dma_start3A_278] : memref<4x128xi32, #tpu.memory_space<vmem>> -> memref<1x128xi32, #tpu.memory_space<vmem>>
        %dma_start3A_280 = tpu.memref_squeeze %dma_start3A_279 : memref<1x128xi32, #tpu.memory_space<vmem>> -> memref<128xi32, #tpu.memory_space<vmem>>
        %dma_start3A_281 = arith.constant 0 : i32
        %dma_start3A_282 = tpu.memref_slice %arg3[%add3A_270, %dma_start3A_281] : memref<2560x128xi32, #tpu.memory_space<hbm>> -> memref<1x128xi32, #tpu.memory_space<hbm>>
        %dma_start3A_283 = tpu.memref_squeeze %dma_start3A_282 : memref<1x128xi32, #tpu.memory_space<hbm>> -> memref<128xi32, #tpu.memory_space<hbm>>
        tpu.enqueue_dma source(%dma_start3A_283 : memref<128xi32, #tpu.memory_space<hbm>>) target(%dma_start3A_280 : memref<128xi32, #tpu.memory_space<vmem>>) target_semaphore(%arg13 : memref<!tpu.dma_semaphore, #tpu.memory_space<semaphore_mem>>)
      } else {
      }
      %add3A_187 = arith.constant 1 : i32
      %add3A_188 = arith.addi %mul3A_161, %add3A_187 : i32
      %dma_wait3A_189 = arith.constant 1 : i32
      %dma_wait3A_190 = arith.constant 1 : i32
      %dma_wait3A_191 = arith.constant 0 : i32
      %dma_wait3A_192 = arith.constant 0 : i32
      %dma_wait3A_193 = tpu.memref_slice %arg9[%dma_wait3A_190, %dma_wait3A_191, %dma_wait3A_192] : memref<2x128x128xf32, #tpu.memory_space<vmem>> -> memref<1x128x128xf32, #tpu.memory_space<vmem>>
      %dma_wait3A_194 = tpu.memref_squeeze %dma_wait3A_193 : memref<1x128x128xf32, #tpu.memory_space<vmem>> -> memref<128x128xf32, #tpu.memory_space<vmem>>
      %dma_wait3A_195 = arith.constant 0 : i32
      %dma_wait3A_196 = tpu.memref_slice %arg7[%dma_wait3A_189, %dma_wait3A_195] : memref<4x128xi32, #tpu.memory_space<vmem>> -> memref<1x128xi32, #tpu.memory_space<vmem>>
      %dma_wait3A_197 = tpu.memref_squeeze %dma_wait3A_196 : memref<1x128xi32, #tpu.memory_space<vmem>> -> memref<128xi32, #tpu.memory_space<vmem>>
      %dma_wait3A_198 = arith.constant 0 : i32
      %dma_wait3A_199 = arith.constant 0 : i32
      %dma_wait3A_200 = tpu.memref_slice %arg2[%dma_wait3A_198, %dma_wait3A_199] : memref<10240x128xf32, #tpu.memory_space<hbm>> -> memref<10240x128xf32, #tpu.memory_space<hbm>>
      tpu.wait_indirect_dma semaphore(%arg12 : memref<!tpu.dma_semaphore, #tpu.memory_space<semaphore_mem>>) src(%dma_wait3A_200 : memref<10240x128xf32, #tpu.memory_space<hbm>>) dst(%dma_wait3A_194 : memref<128x128xf32, #tpu.memory_space<vmem>>)
      %run_scoped3A_201 = arith.constant 1 : i32
      "tpu.region"() ({
        %run_scoped3A_268 = tpu.sem_alloc : memref<!tpu.dma_semaphore, #tpu.memory_space<semaphore_mem>>
        %dma_start3A_269 = arith.constant 0 : i32
        %dma_start3A_270 = arith.constant 0 : i32
        %dma_start3A_271 = tpu.memref_slice %arg9[%run_scoped3A_201, %dma_start3A_269, %dma_start3A_270] : memref<2x128x128xf32, #tpu.memory_space<vmem>> -> memref<1x128x128xf32, #tpu.memory_space<vmem>>
        %dma_start3A_272 = tpu.memref_squeeze %dma_start3A_271 : memref<1x128x128xf32, #tpu.memory_space<vmem>> -> memref<128x128xf32, #tpu.memory_space<vmem>>
        %dma_start3A_273 = arith.constant 0 : i32
        %dma_start3A_274 = tpu.memref_slice %arg8[%add3A_188, %dma_start3A_273] : memref<120x128xi32, #tpu.memory_space<vmem>> -> memref<1x128xi32, #tpu.memory_space<vmem>>
        %dma_start3A_275 = tpu.memref_squeeze %dma_start3A_274 : memref<1x128xi32, #tpu.memory_space<vmem>> -> memref<128xi32, #tpu.memory_space<vmem>>
        %dma_start3A_276 = arith.constant 0 : i32
        %dma_start3A_277 = arith.constant 0 : i32
        %dma_start3A_278 = tpu.memref_slice %arg10[%dma_start3A_276, %dma_start3A_277] : memref<10240x128xf32, #tpu.memory_space<vmem_shared>> -> memref<10240x128xf32, #tpu.memory_space<vmem_shared>>
        tpu.enqueue_indirect_dma source(%dma_start3A_272 : memref<128x128xf32, #tpu.memory_space<vmem>>) target(%dma_start3A_278 : memref<10240x128xf32, #tpu.memory_space<vmem_shared>>) offsets(%dma_start3A_275 : memref<128xi32, #tpu.memory_space<vmem>>) semaphore(%run_scoped3A_268 : memref<!tpu.dma_semaphore, #tpu.memory_space<semaphore_mem>>) {add = true}
        %dma_wait3A_279 = arith.constant 0 : i32
        %dma_wait3A_280 = arith.constant 0 : i32
        %dma_wait3A_281 = tpu.memref_slice %arg9[%run_scoped3A_201, %dma_wait3A_279, %dma_wait3A_280] : memref<2x128x128xf32, #tpu.memory_space<vmem>> -> memref<1x128x128xf32, #tpu.memory_space<vmem>>
        %dma_wait3A_282 = tpu.memref_squeeze %dma_wait3A_281 : memref<1x128x128xf32, #tpu.memory_space<vmem>> -> memref<128x128xf32, #tpu.memory_space<vmem>>
        %dma_wait3A_283 = arith.constant 0 : i32
        %dma_wait3A_284 = tpu.memref_slice %arg8[%add3A_188, %dma_wait3A_283] : memref<120x128xi32, #tpu.memory_space<vmem>> -> memref<1x128xi32, #tpu.memory_space<vmem>>
        %dma_wait3A_285 = tpu.memref_squeeze %dma_wait3A_284 : memref<1x128xi32, #tpu.memory_space<vmem>> -> memref<128xi32, #tpu.memory_space<vmem>>
        %dma_wait3A_286 = arith.constant 0 : i32
        %dma_wait3A_287 = arith.constant 0 : i32
        %dma_wait3A_288 = tpu.memref_slice %arg10[%dma_wait3A_286, %dma_wait3A_287] : memref<10240x128xf32, #tpu.memory_space<vmem_shared>> -> memref<10240x128xf32, #tpu.memory_space<vmem_shared>>
        tpu.wait_indirect_dma semaphore(%run_scoped3A_268 : memref<!tpu.dma_semaphore, #tpu.memory_space<semaphore_mem>>) src(%dma_wait3A_282 : memref<128x128xf32, #tpu.memory_space<vmem>>) dst(%dma_wait3A_288 : memref<10240x128xf32, #tpu.memory_space<vmem_shared>>)
        tpu.yield
      }) : () -> ()
      %add3A_202 = arith.constant 2 : i32
      %add3A_203 = arith.addi %add3A_188, %add3A_202 : i32
      %lt3A_204 = arith.cmpi slt, %add3A_203, %select_n3A : i32
      %convert_element_type3A_205 = arith.extui %lt3A_204 : i1 to i32
      %cond3A_206 = arith.constant 0 : i32
      %cond3A_207 = arith.cmpi ne, %convert_element_type3A_205, %cond3A_206 : i32
      scf.if %cond3A_207 {
        %add3A_268 = arith.addi %select_n3A_10, %add3A_188 : i32
        %add3A_269 = arith.constant 2 : i32
        %add3A_270 = arith.addi %add3A_268, %add3A_269 : i32
        %dma_wait3A_271 = arith.constant 3 : i32
        %dma_wait3A_272 = arith.constant 0 : i32
        %dma_wait3A_273 = tpu.memref_slice %arg7[%dma_wait3A_271, %dma_wait3A_272] : memref<4x128xi32, #tpu.memory_space<vmem>> -> memref<1x128xi32, #tpu.memory_space<vmem>>
        %dma_wait3A_274 = tpu.memref_squeeze %dma_wait3A_273 : memref<1x128xi32, #tpu.memory_space<vmem>> -> memref<128xi32, #tpu.memory_space<vmem>>
        %dma_wait3A_275 = arith.constant 0 : i32
        %dma_wait3A_276 = tpu.memref_slice %arg3[%add3A_270, %dma_wait3A_275] : memref<2560x128xi32, #tpu.memory_space<hbm>> -> memref<1x128xi32, #tpu.memory_space<hbm>>
        %dma_wait3A_277 = tpu.memref_squeeze %dma_wait3A_276 : memref<1x128xi32, #tpu.memory_space<hbm>> -> memref<128xi32, #tpu.memory_space<hbm>>
        %dma_wait3A_278 = arith.constant 0 : i32
        %dma_wait3A_279 = tpu.memref_slice %arg7[%dma_wait3A_271, %dma_wait3A_278] : memref<4x128xi32, #tpu.memory_space<vmem>> -> memref<1x128xi32, #tpu.memory_space<vmem>>
        %dma_wait3A_280 = tpu.memref_squeeze %dma_wait3A_279 : memref<1x128xi32, #tpu.memory_space<vmem>> -> memref<128xi32, #tpu.memory_space<vmem>>
        %dma_wait3A_281 = arith.constant 0 : i32
        %dma_wait3A_282 = tpu.memref_slice %arg3[%add3A_270, %dma_wait3A_281] : memref<2560x128xi32, #tpu.memory_space<hbm>> -> memref<1x128xi32, #tpu.memory_space<hbm>>
        %dma_wait3A_283 = tpu.memref_squeeze %dma_wait3A_282 : memref<1x128xi32, #tpu.memory_space<hbm>> -> memref<128xi32, #tpu.memory_space<hbm>>
        tpu.wait_dma2 semaphore(%arg16 : memref<!tpu.dma_semaphore, #tpu.memory_space<semaphore_mem>>) src(%dma_wait3A_283 : memref<128xi32, #tpu.memory_space<hbm>>) dst(%dma_wait3A_280 : memref<128xi32, #tpu.memory_space<vmem>>)
        %dma_start3A_284 = arith.constant 3 : i32
        %dma_start3A_285 = arith.constant 1 : i32
        %dma_start3A_286 = arith.constant 0 : i32
        %dma_start3A_287 = arith.constant 0 : i32
        %dma_start3A_288 = tpu.memref_slice %arg9[%dma_start3A_285, %dma_start3A_286, %dma_start3A_287] : memref<2x128x128xf32, #tpu.memory_space<vmem>> -> memref<1x128x128xf32, #tpu.memory_space<vmem>>
        %dma_start3A_289 = tpu.memref_squeeze %dma_start3A_288 : memref<1x128x128xf32, #tpu.memory_space<vmem>> -> memref<128x128xf32, #tpu.memory_space<vmem>>
        %dma_start3A_290 = arith.constant 0 : i32
        %dma_start3A_291 = tpu.memref_slice %arg7[%dma_start3A_284, %dma_start3A_290] : memref<4x128xi32, #tpu.memory_space<vmem>> -> memref<1x128xi32, #tpu.memory_space<vmem>>
        %dma_start3A_292 = tpu.memref_squeeze %dma_start3A_291 : memref<1x128xi32, #tpu.memory_space<vmem>> -> memref<128xi32, #tpu.memory_space<vmem>>
        %dma_start3A_293 = arith.constant 0 : i32
        %dma_start3A_294 = arith.constant 0 : i32
        %dma_start3A_295 = tpu.memref_slice %arg2[%dma_start3A_293, %dma_start3A_294] : memref<10240x128xf32, #tpu.memory_space<hbm>> -> memref<10240x128xf32, #tpu.memory_space<hbm>>
        tpu.enqueue_indirect_dma source(%dma_start3A_295 : memref<10240x128xf32, #tpu.memory_space<hbm>>) target(%dma_start3A_289 : memref<128x128xf32, #tpu.memory_space<vmem>>) offsets(%dma_start3A_292 : memref<128xi32, #tpu.memory_space<vmem>>) semaphore(%arg12 : memref<!tpu.dma_semaphore, #tpu.memory_space<semaphore_mem>>)
      } else {
      }
      %add3A_208 = arith.constant 4 : i32
      %add3A_209 = arith.addi %add3A_188, %add3A_208 : i32
      %lt3A_210 = arith.cmpi slt, %add3A_209, %select_n3A : i32
      %convert_element_type3A_211 = arith.extui %lt3A_210 : i1 to i32
      %cond3A_212 = arith.constant 0 : i32
      %cond3A_213 = arith.cmpi ne, %convert_element_type3A_211, %cond3A_212 : i32
      scf.if %cond3A_213 {
        %add3A_268 = arith.addi %select_n3A_10, %add3A_188 : i32
        %add3A_269 = arith.constant 4 : i32
        %add3A_270 = arith.addi %add3A_268, %add3A_269 : i32
        %dma_start3A_271 = arith.constant 1 : i32
        %dma_start3A_272 = arith.constant 0 : i32
        %dma_start3A_273 = tpu.memref_slice %arg7[%dma_start3A_271, %dma_start3A_272] : memref<4x128xi32, #tpu.memory_space<vmem>> -> memref<1x128xi32, #tpu.memory_space<vmem>>
        %dma_start3A_274 = tpu.memref_squeeze %dma_start3A_273 : memref<1x128xi32, #tpu.memory_space<vmem>> -> memref<128xi32, #tpu.memory_space<vmem>>
        %dma_start3A_275 = arith.constant 0 : i32
        %dma_start3A_276 = tpu.memref_slice %arg3[%add3A_270, %dma_start3A_275] : memref<2560x128xi32, #tpu.memory_space<hbm>> -> memref<1x128xi32, #tpu.memory_space<hbm>>
        %dma_start3A_277 = tpu.memref_squeeze %dma_start3A_276 : memref<1x128xi32, #tpu.memory_space<hbm>> -> memref<128xi32, #tpu.memory_space<hbm>>
        %dma_start3A_278 = arith.constant 0 : i32
        %dma_start3A_279 = tpu.memref_slice %arg7[%dma_start3A_271, %dma_start3A_278] : memref<4x128xi32, #tpu.memory_space<vmem>> -> memref<1x128xi32, #tpu.memory_space<vmem>>
        %dma_start3A_280 = tpu.memref_squeeze %dma_start3A_279 : memref<1x128xi32, #tpu.memory_space<vmem>> -> memref<128xi32, #tpu.memory_space<vmem>>
        %dma_start3A_281 = arith.constant 0 : i32
        %dma_start3A_282 = tpu.memref_slice %arg3[%add3A_270, %dma_start3A_281] : memref<2560x128xi32, #tpu.memory_space<hbm>> -> memref<1x128xi32, #tpu.memory_space<hbm>>
        %dma_start3A_283 = tpu.memref_squeeze %dma_start3A_282 : memref<1x128xi32, #tpu.memory_space<hbm>> -> memref<128xi32, #tpu.memory_space<hbm>>
        tpu.enqueue_dma source(%dma_start3A_283 : memref<128xi32, #tpu.memory_space<hbm>>) target(%dma_start3A_280 : memref<128xi32, #tpu.memory_space<vmem>>) target_semaphore(%arg14 : memref<!tpu.dma_semaphore, #tpu.memory_space<semaphore_mem>>)
      } else {
      }
      %add3A_214 = arith.constant 2 : i32
      %add3A_215 = arith.addi %mul3A_161, %add3A_214 : i32
      %dma_wait3A_216 = arith.constant 2 : i32
      %dma_wait3A_217 = arith.constant 0 : i32
      %dma_wait3A_218 = arith.constant 0 : i32
      %dma_wait3A_219 = arith.constant 0 : i32
      %dma_wait3A_220 = tpu.memref_slice %arg9[%dma_wait3A_217, %dma_wait3A_218, %dma_wait3A_219] : memref<2x128x128xf32, #tpu.memory_space<vmem>> -> memref<1x128x128xf32, #tpu.memory_space<vmem>>
      %dma_wait3A_221 = tpu.memref_squeeze %dma_wait3A_220 : memref<1x128x128xf32, #tpu.memory_space<vmem>> -> memref<128x128xf32, #tpu.memory_space<vmem>>
      %dma_wait3A_222 = arith.constant 0 : i32
      %dma_wait3A_223 = tpu.memref_slice %arg7[%dma_wait3A_216, %dma_wait3A_222] : memref<4x128xi32, #tpu.memory_space<vmem>> -> memref<1x128xi32, #tpu.memory_space<vmem>>
      %dma_wait3A_224 = tpu.memref_squeeze %dma_wait3A_223 : memref<1x128xi32, #tpu.memory_space<vmem>> -> memref<128xi32, #tpu.memory_space<vmem>>
      %dma_wait3A_225 = arith.constant 0 : i32
      %dma_wait3A_226 = arith.constant 0 : i32
      %dma_wait3A_227 = tpu.memref_slice %arg2[%dma_wait3A_225, %dma_wait3A_226] : memref<10240x128xf32, #tpu.memory_space<hbm>> -> memref<10240x128xf32, #tpu.memory_space<hbm>>
      tpu.wait_indirect_dma semaphore(%arg11 : memref<!tpu.dma_semaphore, #tpu.memory_space<semaphore_mem>>) src(%dma_wait3A_227 : memref<10240x128xf32, #tpu.memory_space<hbm>>) dst(%dma_wait3A_221 : memref<128x128xf32, #tpu.memory_space<vmem>>)
      %run_scoped3A_228 = arith.constant 0 : i32
      "tpu.region"() ({
        %run_scoped3A_268 = tpu.sem_alloc : memref<!tpu.dma_semaphore, #tpu.memory_space<semaphore_mem>>
        %dma_start3A_269 = arith.constant 0 : i32
        %dma_start3A_270 = arith.constant 0 : i32
        %dma_start3A_271 = tpu.memref_slice %arg9[%run_scoped3A_228, %dma_start3A_269, %dma_start3A_270] : memref<2x128x128xf32, #tpu.memory_space<vmem>> -> memref<1x128x128xf32, #tpu.memory_space<vmem>>
        %dma_start3A_272 = tpu.memref_squeeze %dma_start3A_271 : memref<1x128x128xf32, #tpu.memory_space<vmem>> -> memref<128x128xf32, #tpu.memory_space<vmem>>
        %dma_start3A_273 = arith.constant 0 : i32
        %dma_start3A_274 = tpu.memref_slice %arg8[%add3A_215, %dma_start3A_273] : memref<120x128xi32, #tpu.memory_space<vmem>> -> memref<1x128xi32, #tpu.memory_space<vmem>>
        %dma_start3A_275 = tpu.memref_squeeze %dma_start3A_274 : memref<1x128xi32, #tpu.memory_space<vmem>> -> memref<128xi32, #tpu.memory_space<vmem>>
        %dma_start3A_276 = arith.constant 0 : i32
        %dma_start3A_277 = arith.constant 0 : i32
        %dma_start3A_278 = tpu.memref_slice %arg10[%dma_start3A_276, %dma_start3A_277] : memref<10240x128xf32, #tpu.memory_space<vmem_shared>> -> memref<10240x128xf32, #tpu.memory_space<vmem_shared>>
        tpu.enqueue_indirect_dma source(%dma_start3A_272 : memref<128x128xf32, #tpu.memory_space<vmem>>) target(%dma_start3A_278 : memref<10240x128xf32, #tpu.memory_space<vmem_shared>>) offsets(%dma_start3A_275 : memref<128xi32, #tpu.memory_space<vmem>>) semaphore(%run_scoped3A_268 : memref<!tpu.dma_semaphore, #tpu.memory_space<semaphore_mem>>) {add = true}
        %dma_wait3A_279 = arith.constant 0 : i32
        %dma_wait3A_280 = arith.constant 0 : i32
        %dma_wait3A_281 = tpu.memref_slice %arg9[%run_scoped3A_228, %dma_wait3A_279, %dma_wait3A_280] : memref<2x128x128xf32, #tpu.memory_space<vmem>> -> memref<1x128x128xf32, #tpu.memory_space<vmem>>
        %dma_wait3A_282 = tpu.memref_squeeze %dma_wait3A_281 : memref<1x128x128xf32, #tpu.memory_space<vmem>> -> memref<128x128xf32, #tpu.memory_space<vmem>>
        %dma_wait3A_283 = arith.constant 0 : i32
        %dma_wait3A_284 = tpu.memref_slice %arg8[%add3A_215, %dma_wait3A_283] : memref<120x128xi32, #tpu.memory_space<vmem>> -> memref<1x128xi32, #tpu.memory_space<vmem>>
        %dma_wait3A_285 = tpu.memref_squeeze %dma_wait3A_284 : memref<1x128xi32, #tpu.memory_space<vmem>> -> memref<128xi32, #tpu.memory_space<vmem>>
        %dma_wait3A_286 = arith.constant 0 : i32
        %dma_wait3A_287 = arith.constant 0 : i32
        %dma_wait3A_288 = tpu.memref_slice %arg10[%dma_wait3A_286, %dma_wait3A_287] : memref<10240x128xf32, #tpu.memory_space<vmem_shared>> -> memref<10240x128xf32, #tpu.memory_space<vmem_shared>>
        tpu.wait_indirect_dma semaphore(%run_scoped3A_268 : memref<!tpu.dma_semaphore, #tpu.memory_space<semaphore_mem>>) src(%dma_wait3A_282 : memref<128x128xf32, #tpu.memory_space<vmem>>) dst(%dma_wait3A_288 : memref<10240x128xf32, #tpu.memory_space<vmem_shared>>)
        tpu.yield
      }) : () -> ()
      %add3A_229 = arith.constant 2 : i32
      %add3A_230 = arith.addi %add3A_215, %add3A_229 : i32
      %lt3A_231 = arith.cmpi slt, %add3A_230, %select_n3A : i32
      %convert_element_type3A_232 = arith.extui %lt3A_231 : i1 to i32
      %cond3A_233 = arith.constant 0 : i32
      %cond3A_234 = arith.cmpi ne, %convert_element_type3A_232, %cond3A_233 : i32
      scf.if %cond3A_234 {
        %add3A_268 = arith.addi %select_n3A_10, %add3A_215 : i32
        %add3A_269 = arith.constant 2 : i32
        %add3A_270 = arith.addi %add3A_268, %add3A_269 : i32
        %dma_wait3A_271 = arith.constant 0 : i32
        %dma_wait3A_272 = arith.constant 0 : i32
        %dma_wait3A_273 = tpu.memref_slice %arg7[%dma_wait3A_271, %dma_wait3A_272] : memref<4x128xi32, #tpu.memory_space<vmem>> -> memref<1x128xi32, #tpu.memory_space<vmem>>
        %dma_wait3A_274 = tpu.memref_squeeze %dma_wait3A_273 : memref<1x128xi32, #tpu.memory_space<vmem>> -> memref<128xi32, #tpu.memory_space<vmem>>
        %dma_wait3A_275 = arith.constant 0 : i32
        %dma_wait3A_276 = tpu.memref_slice %arg3[%add3A_270, %dma_wait3A_275] : memref<2560x128xi32, #tpu.memory_space<hbm>> -> memref<1x128xi32, #tpu.memory_space<hbm>>
        %dma_wait3A_277 = tpu.memref_squeeze %dma_wait3A_276 : memref<1x128xi32, #tpu.memory_space<hbm>> -> memref<128xi32, #tpu.memory_space<hbm>>
        %dma_wait3A_278 = arith.constant 0 : i32
        %dma_wait3A_279 = tpu.memref_slice %arg7[%dma_wait3A_271, %dma_wait3A_278] : memref<4x128xi32, #tpu.memory_space<vmem>> -> memref<1x128xi32, #tpu.memory_space<vmem>>
        %dma_wait3A_280 = tpu.memref_squeeze %dma_wait3A_279 : memref<1x128xi32, #tpu.memory_space<vmem>> -> memref<128xi32, #tpu.memory_space<vmem>>
        %dma_wait3A_281 = arith.constant 0 : i32
        %dma_wait3A_282 = tpu.memref_slice %arg3[%add3A_270, %dma_wait3A_281] : memref<2560x128xi32, #tpu.memory_space<hbm>> -> memref<1x128xi32, #tpu.memory_space<hbm>>
        %dma_wait3A_283 = tpu.memref_squeeze %dma_wait3A_282 : memref<1x128xi32, #tpu.memory_space<hbm>> -> memref<128xi32, #tpu.memory_space<hbm>>
        tpu.wait_dma2 semaphore(%arg13 : memref<!tpu.dma_semaphore, #tpu.memory_space<semaphore_mem>>) src(%dma_wait3A_283 : memref<128xi32, #tpu.memory_space<hbm>>) dst(%dma_wait3A_280 : memref<128xi32, #tpu.memory_space<vmem>>)
        %dma_start3A_284 = arith.constant 0 : i32
        %dma_start3A_285 = arith.constant 0 : i32
        %dma_start3A_286 = arith.constant 0 : i32
        %dma_start3A_287 = arith.constant 0 : i32
        %dma_start3A_288 = tpu.memref_slice %arg9[%dma_start3A_285, %dma_start3A_286, %dma_start3A_287] : memref<2x128x128xf32, #tpu.memory_space<vmem>> -> memref<1x128x128xf32, #tpu.memory_space<vmem>>
        %dma_start3A_289 = tpu.memref_squeeze %dma_start3A_288 : memref<1x128x128xf32, #tpu.memory_space<vmem>> -> memref<128x128xf32, #tpu.memory_space<vmem>>
        %dma_start3A_290 = arith.constant 0 : i32
        %dma_start3A_291 = tpu.memref_slice %arg7[%dma_start3A_284, %dma_start3A_290] : memref<4x128xi32, #tpu.memory_space<vmem>> -> memref<1x128xi32, #tpu.memory_space<vmem>>
        %dma_start3A_292 = tpu.memref_squeeze %dma_start3A_291 : memref<1x128xi32, #tpu.memory_space<vmem>> -> memref<128xi32, #tpu.memory_space<vmem>>
        %dma_start3A_293 = arith.constant 0 : i32
        %dma_start3A_294 = arith.constant 0 : i32
        %dma_start3A_295 = tpu.memref_slice %arg2[%dma_start3A_293, %dma_start3A_294] : memref<10240x128xf32, #tpu.memory_space<hbm>> -> memref<10240x128xf32, #tpu.memory_space<hbm>>
        tpu.enqueue_indirect_dma source(%dma_start3A_295 : memref<10240x128xf32, #tpu.memory_space<hbm>>) target(%dma_start3A_289 : memref<128x128xf32, #tpu.memory_space<vmem>>) offsets(%dma_start3A_292 : memref<128xi32, #tpu.memory_space<vmem>>) semaphore(%arg11 : memref<!tpu.dma_semaphore, #tpu.memory_space<semaphore_mem>>)
      } else {
      }
      %add3A_235 = arith.constant 4 : i32
      %add3A_236 = arith.addi %add3A_215, %add3A_235 : i32
      %lt3A_237 = arith.cmpi slt, %add3A_236, %select_n3A : i32
      %convert_element_type3A_238 = arith.extui %lt3A_237 : i1 to i32
      %cond3A_239 = arith.constant 0 : i32
      %cond3A_240 = arith.cmpi ne, %convert_element_type3A_238, %cond3A_239 : i32
      scf.if %cond3A_240 {
        %add3A_268 = arith.addi %select_n3A_10, %add3A_215 : i32
        %add3A_269 = arith.constant 4 : i32
        %add3A_270 = arith.addi %add3A_268, %add3A_269 : i32
        %dma_start3A_271 = arith.constant 2 : i32
        %dma_start3A_272 = arith.constant 0 : i32
        %dma_start3A_273 = tpu.memref_slice %arg7[%dma_start3A_271, %dma_start3A_272] : memref<4x128xi32, #tpu.memory_space<vmem>> -> memref<1x128xi32, #tpu.memory_space<vmem>>
        %dma_start3A_274 = tpu.memref_squeeze %dma_start3A_273 : memref<1x128xi32, #tpu.memory_space<vmem>> -> memref<128xi32, #tpu.memory_space<vmem>>
        %dma_start3A_275 = arith.constant 0 : i32
        %dma_start3A_276 = tpu.memref_slice %arg3[%add3A_270, %dma_start3A_275] : memref<2560x128xi32, #tpu.memory_space<hbm>> -> memref<1x128xi32, #tpu.memory_space<hbm>>
        %dma_start3A_277 = tpu.memref_squeeze %dma_start3A_276 : memref<1x128xi32, #tpu.memory_space<hbm>> -> memref<128xi32, #tpu.memory_space<hbm>>
        %dma_start3A_278 = arith.constant 0 : i32
        %dma_start3A_279 = tpu.memref_slice %arg7[%dma_start3A_271, %dma_start3A_278] : memref<4x128xi32, #tpu.memory_space<vmem>> -> memref<1x128xi32, #tpu.memory_space<vmem>>
        %dma_start3A_280 = tpu.memref_squeeze %dma_start3A_279 : memref<1x128xi32, #tpu.memory_space<vmem>> -> memref<128xi32, #tpu.memory_space<vmem>>
        %dma_start3A_281 = arith.constant 0 : i32
        %dma_start3A_282 = tpu.memref_slice %arg3[%add3A_270, %dma_start3A_281] : memref<2560x128xi32, #tpu.memory_space<hbm>> -> memref<1x128xi32, #tpu.memory_space<hbm>>
        %dma_start3A_283 = tpu.memref_squeeze %dma_start3A_282 : memref<1x128xi32, #tpu.memory_space<hbm>> -> memref<128xi32, #tpu.memory_space<hbm>>
        tpu.enqueue_dma source(%dma_start3A_283 : memref<128xi32, #tpu.memory_space<hbm>>) target(%dma_start3A_280 : memref<128xi32, #tpu.memory_space<vmem>>) target_semaphore(%arg15 : memref<!tpu.dma_semaphore, #tpu.memory_space<semaphore_mem>>)
      } else {
      }
      %add3A_241 = arith.constant 3 : i32
      %add3A_242 = arith.addi %mul3A_161, %add3A_241 : i32
      %dma_wait3A_243 = arith.constant 3 : i32
      %dma_wait3A_244 = arith.constant 1 : i32
      %dma_wait3A_245 = arith.constant 0 : i32
      %dma_wait3A_246 = arith.constant 0 : i32
      %dma_wait3A_247 = tpu.memref_slice %arg9[%dma_wait3A_244, %dma_wait3A_245, %dma_wait3A_246] : memref<2x128x128xf32, #tpu.memory_space<vmem>> -> memref<1x128x128xf32, #tpu.memory_space<vmem>>
      %dma_wait3A_248 = tpu.memref_squeeze %dma_wait3A_247 : memref<1x128x128xf32, #tpu.memory_space<vmem>> -> memref<128x128xf32, #tpu.memory_space<vmem>>
      %dma_wait3A_249 = arith.constant 0 : i32
      %dma_wait3A_250 = tpu.memref_slice %arg7[%dma_wait3A_243, %dma_wait3A_249] : memref<4x128xi32, #tpu.memory_space<vmem>> -> memref<1x128xi32, #tpu.memory_space<vmem>>
      %dma_wait3A_251 = tpu.memref_squeeze %dma_wait3A_250 : memref<1x128xi32, #tpu.memory_space<vmem>> -> memref<128xi32, #tpu.memory_space<vmem>>
      %dma_wait3A_252 = arith.constant 0 : i32
      %dma_wait3A_253 = arith.constant 0 : i32
      %dma_wait3A_254 = tpu.memref_slice %arg2[%dma_wait3A_252, %dma_wait3A_253] : memref<10240x128xf32, #tpu.memory_space<hbm>> -> memref<10240x128xf32, #tpu.memory_space<hbm>>
      tpu.wait_indirect_dma semaphore(%arg12 : memref<!tpu.dma_semaphore, #tpu.memory_space<semaphore_mem>>) src(%dma_wait3A_254 : memref<10240x128xf32, #tpu.memory_space<hbm>>) dst(%dma_wait3A_248 : memref<128x128xf32, #tpu.memory_space<vmem>>)
      %run_scoped3A_255 = arith.constant 1 : i32
      "tpu.region"() ({
        %run_scoped3A_268 = tpu.sem_alloc : memref<!tpu.dma_semaphore, #tpu.memory_space<semaphore_mem>>
        %dma_start3A_269 = arith.constant 0 : i32
        %dma_start3A_270 = arith.constant 0 : i32
        %dma_start3A_271 = tpu.memref_slice %arg9[%run_scoped3A_255, %dma_start3A_269, %dma_start3A_270] : memref<2x128x128xf32, #tpu.memory_space<vmem>> -> memref<1x128x128xf32, #tpu.memory_space<vmem>>
        %dma_start3A_272 = tpu.memref_squeeze %dma_start3A_271 : memref<1x128x128xf32, #tpu.memory_space<vmem>> -> memref<128x128xf32, #tpu.memory_space<vmem>>
        %dma_start3A_273 = arith.constant 0 : i32
        %dma_start3A_274 = tpu.memref_slice %arg8[%add3A_242, %dma_start3A_273] : memref<120x128xi32, #tpu.memory_space<vmem>> -> memref<1x128xi32, #tpu.memory_space<vmem>>
        %dma_start3A_275 = tpu.memref_squeeze %dma_start3A_274 : memref<1x128xi32, #tpu.memory_space<vmem>> -> memref<128xi32, #tpu.memory_space<vmem>>
        %dma_start3A_276 = arith.constant 0 : i32
        %dma_start3A_277 = arith.constant 0 : i32
        %dma_start3A_278 = tpu.memref_slice %arg10[%dma_start3A_276, %dma_start3A_277] : memref<10240x128xf32, #tpu.memory_space<vmem_shared>> -> memref<10240x128xf32, #tpu.memory_space<vmem_shared>>
        tpu.enqueue_indirect_dma source(%dma_start3A_272 : memref<128x128xf32, #tpu.memory_space<vmem>>) target(%dma_start3A_278 : memref<10240x128xf32, #tpu.memory_space<vmem_shared>>) offsets(%dma_start3A_275 : memref<128xi32, #tpu.memory_space<vmem>>) semaphore(%run_scoped3A_268 : memref<!tpu.dma_semaphore, #tpu.memory_space<semaphore_mem>>) {add = true}
        %dma_wait3A_279 = arith.constant 0 : i32
        %dma_wait3A_280 = arith.constant 0 : i32
        %dma_wait3A_281 = tpu.memref_slice %arg9[%run_scoped3A_255, %dma_wait3A_279, %dma_wait3A_280] : memref<2x128x128xf32, #tpu.memory_space<vmem>> -> memref<1x128x128xf32, #tpu.memory_space<vmem>>
        %dma_wait3A_282 = tpu.memref_squeeze %dma_wait3A_281 : memref<1x128x128xf32, #tpu.memory_space<vmem>> -> memref<128x128xf32, #tpu.memory_space<vmem>>
        %dma_wait3A_283 = arith.constant 0 : i32
        %dma_wait3A_284 = tpu.memref_slice %arg8[%add3A_242, %dma_wait3A_283] : memref<120x128xi32, #tpu.memory_space<vmem>> -> memref<1x128xi32, #tpu.memory_space<vmem>>
        %dma_wait3A_285 = tpu.memref_squeeze %dma_wait3A_284 : memref<1x128xi32, #tpu.memory_space<vmem>> -> memref<128xi32, #tpu.memory_space<vmem>>
        %dma_wait3A_286 = arith.constant 0 : i32
        %dma_wait3A_287 = arith.constant 0 : i32
        %dma_wait3A_288 = tpu.memref_slice %arg10[%dma_wait3A_286, %dma_wait3A_287] : memref<10240x128xf32, #tpu.memory_space<vmem_shared>> -> memref<10240x128xf32, #tpu.memory_space<vmem_shared>>
        tpu.wait_indirect_dma semaphore(%run_scoped3A_268 : memref<!tpu.dma_semaphore, #tpu.memory_space<semaphore_mem>>) src(%dma_wait3A_282 : memref<128x128xf32, #tpu.memory_space<vmem>>) dst(%dma_wait3A_288 : memref<10240x128xf32, #tpu.memory_space<vmem_shared>>)
        tpu.yield
      }) : () -> ()
      %add3A_256 = arith.constant 2 : i32
      %add3A_257 = arith.addi %add3A_242, %add3A_256 : i32
      %lt3A_258 = arith.cmpi slt, %add3A_257, %select_n3A : i32
      %convert_element_type3A_259 = arith.extui %lt3A_258 : i1 to i32
      %cond3A_260 = arith.constant 0 : i32
      %cond3A_261 = arith.cmpi ne, %convert_element_type3A_259, %cond3A_260 : i32
      scf.if %cond3A_261 {
        %add3A_268 = arith.addi %select_n3A_10, %add3A_242 : i32
        %add3A_269 = arith.constant 2 : i32
        %add3A_270 = arith.addi %add3A_268, %add3A_269 : i32
        %dma_wait3A_271 = arith.constant 1 : i32
        %dma_wait3A_272 = arith.constant 0 : i32
        %dma_wait3A_273 = tpu.memref_slice %arg7[%dma_wait3A_271, %dma_wait3A_272] : memref<4x128xi32, #tpu.memory_space<vmem>> -> memref<1x128xi32, #tpu.memory_space<vmem>>
        %dma_wait3A_274 = tpu.memref_squeeze %dma_wait3A_273 : memref<1x128xi32, #tpu.memory_space<vmem>> -> memref<128xi32, #tpu.memory_space<vmem>>
        %dma_wait3A_275 = arith.constant 0 : i32
        %dma_wait3A_276 = tpu.memref_slice %arg3[%add3A_270, %dma_wait3A_275] : memref<2560x128xi32, #tpu.memory_space<hbm>> -> memref<1x128xi32, #tpu.memory_space<hbm>>
        %dma_wait3A_277 = tpu.memref_squeeze %dma_wait3A_276 : memref<1x128xi32, #tpu.memory_space<hbm>> -> memref<128xi32, #tpu.memory_space<hbm>>
        %dma_wait3A_278 = arith.constant 0 : i32
        %dma_wait3A_279 = tpu.memref_slice %arg7[%dma_wait3A_271, %dma_wait3A_278] : memref<4x128xi32, #tpu.memory_space<vmem>> -> memref<1x128xi32, #tpu.memory_space<vmem>>
        %dma_wait3A_280 = tpu.memref_squeeze %dma_wait3A_279 : memref<1x128xi32, #tpu.memory_space<vmem>> -> memref<128xi32, #tpu.memory_space<vmem>>
        %dma_wait3A_281 = arith.constant 0 : i32
        %dma_wait3A_282 = tpu.memref_slice %arg3[%add3A_270, %dma_wait3A_281] : memref<2560x128xi32, #tpu.memory_space<hbm>> -> memref<1x128xi32, #tpu.memory_space<hbm>>
        %dma_wait3A_283 = tpu.memref_squeeze %dma_wait3A_282 : memref<1x128xi32, #tpu.memory_space<hbm>> -> memref<128xi32, #tpu.memory_space<hbm>>
        tpu.wait_dma2 semaphore(%arg14 : memref<!tpu.dma_semaphore, #tpu.memory_space<semaphore_mem>>) src(%dma_wait3A_283 : memref<128xi32, #tpu.memory_space<hbm>>) dst(%dma_wait3A_280 : memref<128xi32, #tpu.memory_space<vmem>>)
        %dma_start3A_284 = arith.constant 1 : i32
        %dma_start3A_285 = arith.constant 1 : i32
        %dma_start3A_286 = arith.constant 0 : i32
        %dma_start3A_287 = arith.constant 0 : i32
        %dma_start3A_288 = tpu.memref_slice %arg9[%dma_start3A_285, %dma_start3A_286, %dma_start3A_287] : memref<2x128x128xf32, #tpu.memory_space<vmem>> -> memref<1x128x128xf32, #tpu.memory_space<vmem>>
        %dma_start3A_289 = tpu.memref_squeeze %dma_start3A_288 : memref<1x128x128xf32, #tpu.memory_space<vmem>> -> memref<128x128xf32, #tpu.memory_space<vmem>>
        %dma_start3A_290 = arith.constant 0 : i32
        %dma_start3A_291 = tpu.memref_slice %arg7[%dma_start3A_284, %dma_start3A_290] : memref<4x128xi32, #tpu.memory_space<vmem>> -> memref<1x128xi32, #tpu.memory_space<vmem>>
        %dma_start3A_292 = tpu.memref_squeeze %dma_start3A_291 : memref<1x128xi32, #tpu.memory_space<vmem>> -> memref<128xi32, #tpu.memory_space<vmem>>
        %dma_start3A_293 = arith.constant 0 : i32
        %dma_start3A_294 = arith.constant 0 : i32
        %dma_start3A_295 = tpu.memref_slice %arg2[%dma_start3A_293, %dma_start3A_294] : memref<10240x128xf32, #tpu.memory_space<hbm>> -> memref<10240x128xf32, #tpu.memory_space<hbm>>
        tpu.enqueue_indirect_dma source(%dma_start3A_295 : memref<10240x128xf32, #tpu.memory_space<hbm>>) target(%dma_start3A_289 : memref<128x128xf32, #tpu.memory_space<vmem>>) offsets(%dma_start3A_292 : memref<128xi32, #tpu.memory_space<vmem>>) semaphore(%arg12 : memref<!tpu.dma_semaphore, #tpu.memory_space<semaphore_mem>>)
      } else {
      }
      %add3A_262 = arith.constant 4 : i32
      %add3A_263 = arith.addi %add3A_242, %add3A_262 : i32
      %lt3A_264 = arith.cmpi slt, %add3A_263, %select_n3A : i32
      %convert_element_type3A_265 = arith.extui %lt3A_264 : i1 to i32
      %cond3A_266 = arith.constant 0 : i32
      %cond3A_267 = arith.cmpi ne, %convert_element_type3A_265, %cond3A_266 : i32
      scf.if %cond3A_267 {
        %add3A_268 = arith.addi %select_n3A_10, %add3A_242 : i32
        %add3A_269 = arith.constant 4 : i32
        %add3A_270 = arith.addi %add3A_268, %add3A_269 : i32
        %dma_start3A_271 = arith.constant 3 : i32
        %dma_start3A_272 = arith.constant 0 : i32
        %dma_start3A_273 = tpu.memref_slice %arg7[%dma_start3A_271, %dma_start3A_272] : memref<4x128xi32, #tpu.memory_space<vmem>> -> memref<1x128xi32, #tpu.memory_space<vmem>>
        %dma_start3A_274 = tpu.memref_squeeze %dma_start3A_273 : memref<1x128xi32, #tpu.memory_space<vmem>> -> memref<128xi32, #tpu.memory_space<vmem>>
        %dma_start3A_275 = arith.constant 0 : i32
        %dma_start3A_276 = tpu.memref_slice %arg3[%add3A_270, %dma_start3A_275] : memref<2560x128xi32, #tpu.memory_space<hbm>> -> memref<1x128xi32, #tpu.memory_space<hbm>>
        %dma_start3A_277 = tpu.memref_squeeze %dma_start3A_276 : memref<1x128xi32, #tpu.memory_space<hbm>> -> memref<128xi32, #tpu.memory_space<hbm>>
        %dma_start3A_278 = arith.constant 0 : i32
        %dma_start3A_279 = tpu.memref_slice %arg7[%dma_start3A_271, %dma_start3A_278] : memref<4x128xi32, #tpu.memory_space<vmem>> -> memref<1x128xi32, #tpu.memory_space<vmem>>
        %dma_start3A_280 = tpu.memref_squeeze %dma_start3A_279 : memref<1x128xi32, #tpu.memory_space<vmem>> -> memref<128xi32, #tpu.memory_space<vmem>>
        %dma_start3A_281 = arith.constant 0 : i32
        %dma_start3A_282 = tpu.memref_slice %arg3[%add3A_270, %dma_start3A_281] : memref<2560x128xi32, #tpu.memory_space<hbm>> -> memref<1x128xi32, #tpu.memory_space<hbm>>
        %dma_start3A_283 = tpu.memref_squeeze %dma_start3A_282 : memref<1x128xi32, #tpu.memory_space<hbm>> -> memref<128xi32, #tpu.memory_space<hbm>>
        tpu.enqueue_dma source(%dma_start3A_283 : memref<128xi32, #tpu.memory_space<hbm>>) target(%dma_start3A_280 : memref<128xi32, #tpu.memory_space<vmem>>) target_semaphore(%arg16 : memref<!tpu.dma_semaphore, #tpu.memory_space<semaphore_mem>>)
      } else {
      }
    }
    %while3A_157 = arith.constant 1 : i32
    scf.for %while3A_159 = %while3A_155 to %while3A_151 step %while3A_157  : i32 {
      %mul3A_160 = arith.constant 4 : i32
      %mul3A_161 = arith.muli %while3A_159, %mul3A_160 : i32
      %add3A_162 = arith.constant 0 : i32
      %add3A_163 = arith.addi %mul3A_161, %add3A_162 : i32
      %dma_wait3A_164 = arith.constant 0 : i32
      %dma_wait3A_165 = arith.constant 0 : i32
      %dma_wait3A_166 = arith.constant 0 : i32
      %dma_wait3A_167 = arith.constant 0 : i32
      %dma_wait3A_168 = tpu.memref_slice %arg9[%dma_wait3A_165, %dma_wait3A_166, %dma_wait3A_167] : memref<2x128x128xf32, #tpu.memory_space<vmem>> -> memref<1x128x128xf32, #tpu.memory_space<vmem>>
      %dma_wait3A_169 = tpu.memref_squeeze %dma_wait3A_168 : memref<1x128x128xf32, #tpu.memory_space<vmem>> -> memref<128x128xf32, #tpu.memory_space<vmem>>
      %dma_wait3A_170 = arith.constant 0 : i32
      %dma_wait3A_171 = tpu.memref_slice %arg7[%dma_wait3A_164, %dma_wait3A_170] : memref<4x128xi32, #tpu.memory_space<vmem>> -> memref<1x128xi32, #tpu.memory_space<vmem>>
      %dma_wait3A_172 = tpu.memref_squeeze %dma_wait3A_171 : memref<1x128xi32, #tpu.memory_space<vmem>> -> memref<128xi32, #tpu.memory_space<vmem>>
      %dma_wait3A_173 = arith.constant 0 : i32
      %dma_wait3A_174 = arith.constant 0 : i32
      %dma_wait3A_175 = tpu.memref_slice %arg2[%dma_wait3A_173, %dma_wait3A_174] : memref<10240x128xf32, #tpu.memory_space<hbm>> -> memref<10240x128xf32, #tpu.memory_space<hbm>>
      tpu.wait_indirect_dma semaphore(%arg11 : memref<!tpu.dma_semaphore, #tpu.memory_space<semaphore_mem>>) src(%dma_wait3A_175 : memref<10240x128xf32, #tpu.memory_space<hbm>>) dst(%dma_wait3A_169 : memref<128x128xf32, #tpu.memory_space<vmem>>)
      %run_scoped3A = arith.constant 0 : i32
      "tpu.region"() ({
        %run_scoped3A_268 = tpu.sem_alloc : memref<!tpu.dma_semaphore, #tpu.memory_space<semaphore_mem>>
        %dma_start3A_269 = arith.constant 0 : i32
        %dma_start3A_270 = arith.constant 0 : i32
        %dma_start3A_271 = tpu.memref_slice %arg9[%run_scoped3A, %dma_start3A_269, %dma_start3A_270] : memref<2x128x128xf32, #tpu.memory_space<vmem>> -> memref<1x128x128xf32, #tpu.memory_space<vmem>>
        %dma_start3A_272 = tpu.memref_squeeze %dma_start3A_271 : memref<1x128x128xf32, #tpu.memory_space<vmem>> -> memref<128x128xf32, #tpu.memory_space<vmem>>
        %dma_start3A_273 = arith.constant 0 : i32
        %dma_start3A_274 = tpu.memref_slice %arg8[%add3A_163, %dma_start3A_273] : memref<120x128xi32, #tpu.memory_space<vmem>> -> memref<1x128xi32, #tpu.memory_space<vmem>>
        %dma_start3A_275 = tpu.memref_squeeze %dma_start3A_274 : memref<1x128xi32, #tpu.memory_space<vmem>> -> memref<128xi32, #tpu.memory_space<vmem>>
        %dma_start3A_276 = arith.constant 0 : i32
        %dma_start3A_277 = arith.constant 0 : i32
        %dma_start3A_278 = tpu.memref_slice %arg10[%dma_start3A_276, %dma_start3A_277] : memref<10240x128xf32, #tpu.memory_space<vmem_shared>> -> memref<10240x128xf32, #tpu.memory_space<vmem_shared>>
        tpu.enqueue_indirect_dma source(%dma_start3A_272 : memref<128x128xf32, #tpu.memory_space<vmem>>) target(%dma_start3A_278 : memref<10240x128xf32, #tpu.memory_space<vmem_shared>>) offsets(%dma_start3A_275 : memref<128xi32, #tpu.memory_space<vmem>>) semaphore(%run_scoped3A_268 : memref<!tpu.dma_semaphore, #tpu.memory_space<semaphore_mem>>) {add = true}
        %dma_wait3A_279 = arith.constant 0 : i32
        %dma_wait3A_280 = arith.constant 0 : i32
        %dma_wait3A_281 = tpu.memref_slice %arg9[%run_scoped3A, %dma_wait3A_279, %dma_wait3A_280] : memref<2x128x128xf32, #tpu.memory_space<vmem>> -> memref<1x128x128xf32, #tpu.memory_space<vmem>>
        %dma_wait3A_282 = tpu.memref_squeeze %dma_wait3A_281 : memref<1x128x128xf32, #tpu.memory_space<vmem>> -> memref<128x128xf32, #tpu.memory_space<vmem>>
        %dma_wait3A_283 = arith.constant 0 : i32
        %dma_wait3A_284 = tpu.memref_slice %arg8[%add3A_163, %dma_wait3A_283] : memref<120x128xi32, #tpu.memory_space<vmem>> -> memref<1x128xi32, #tpu.memory_space<vmem>>
        %dma_wait3A_285 = tpu.memref_squeeze %dma_wait3A_284 : memref<1x128xi32, #tpu.memory_space<vmem>> -> memref<128xi32, #tpu.memory_space<vmem>>
        %dma_wait3A_286 = arith.constant 0 : i32
        %dma_wait3A_287 = arith.constant 0 : i32
        %dma_wait3A_288 = tpu.memref_slice %arg10[%dma_wait3A_286, %dma_wait3A_287] : memref<10240x128xf32, #tpu.memory_space<vmem_shared>> -> memref<10240x128xf32, #tpu.memory_space<vmem_shared>>
        tpu.wait_indirect_dma semaphore(%run_scoped3A_268 : memref<!tpu.dma_semaphore, #tpu.memory_space<semaphore_mem>>) src(%dma_wait3A_282 : memref<128x128xf32, #tpu.memory_space<vmem>>) dst(%dma_wait3A_288 : memref<10240x128xf32, #tpu.memory_space<vmem_shared>>)
        tpu.yield
      }) : () -> ()
      %add3A_176 = arith.constant 2 : i32
      %add3A_177 = arith.addi %add3A_163, %add3A_176 : i32
      %lt3A = arith.cmpi slt, %add3A_177, %select_n3A : i32
      %convert_element_type3A_178 = arith.extui %lt3A : i1 to i32
      %cond3A_179 = arith.constant 0 : i32
      %cond3A_180 = arith.cmpi ne, %convert_element_type3A_178, %cond3A_179 : i32
      scf.if %cond3A_180 {
        %add3A_268 = arith.addi %select_n3A_10, %add3A_163 : i32
        %add3A_269 = arith.constant 2 : i32
        %add3A_270 = arith.addi %add3A_268, %add3A_269 : i32
        %dma_wait3A_271 = arith.constant 2 : i32
        %dma_wait3A_272 = arith.constant 0 : i32
        %dma_wait3A_273 = tpu.memref_slice %arg7[%dma_wait3A_271, %dma_wait3A_272] : memref<4x128xi32, #tpu.memory_space<vmem>> -> memref<1x128xi32, #tpu.memory_space<vmem>>
        %dma_wait3A_274 = tpu.memref_squeeze %dma_wait3A_273 : memref<1x128xi32, #tpu.memory_space<vmem>> -> memref<128xi32, #tpu.memory_space<vmem>>
        %dma_wait3A_275 = arith.constant 0 : i32
        %dma_wait3A_276 = tpu.memref_slice %arg3[%add3A_270, %dma_wait3A_275] : memref<2560x128xi32, #tpu.memory_space<hbm>> -> memref<1x128xi32, #tpu.memory_space<hbm>>
        %dma_wait3A_277 = tpu.memref_squeeze %dma_wait3A_276 : memref<1x128xi32, #tpu.memory_space<hbm>> -> memref<128xi32, #tpu.memory_space<hbm>>
        %dma_wait3A_278 = arith.constant 0 : i32
        %dma_wait3A_279 = tpu.memref_slice %arg7[%dma_wait3A_271, %dma_wait3A_278] : memref<4x128xi32, #tpu.memory_space<vmem>> -> memref<1x128xi32, #tpu.memory_space<vmem>>
        %dma_wait3A_280 = tpu.memref_squeeze %dma_wait3A_279 : memref<1x128xi32, #tpu.memory_space<vmem>> -> memref<128xi32, #tpu.memory_space<vmem>>
        %dma_wait3A_281 = arith.constant 0 : i32
        %dma_wait3A_282 = tpu.memref_slice %arg3[%add3A_270, %dma_wait3A_281] : memref<2560x128xi32, #tpu.memory_space<hbm>> -> memref<1x128xi32, #tpu.memory_space<hbm>>
        %dma_wait3A_283 = tpu.memref_squeeze %dma_wait3A_282 : memref<1x128xi32, #tpu.memory_space<hbm>> -> memref<128xi32, #tpu.memory_space<hbm>>
        tpu.wait_dma2 semaphore(%arg15 : memref<!tpu.dma_semaphore, #tpu.memory_space<semaphore_mem>>) src(%dma_wait3A_283 : memref<128xi32, #tpu.memory_space<hbm>>) dst(%dma_wait3A_280 : memref<128xi32, #tpu.memory_space<vmem>>)
        %dma_start3A_284 = arith.constant 2 : i32
        %dma_start3A_285 = arith.constant 0 : i32
        %dma_start3A_286 = arith.constant 0 : i32
        %dma_start3A_287 = arith.constant 0 : i32
        %dma_start3A_288 = tpu.memref_slice %arg9[%dma_start3A_285, %dma_start3A_286, %dma_start3A_287] : memref<2x128x128xf32, #tpu.memory_space<vmem>> -> memref<1x128x128xf32, #tpu.memory_space<vmem>>
        %dma_start3A_289 = tpu.memref_squeeze %dma_start3A_288 : memref<1x128x128xf32, #tpu.memory_space<vmem>> -> memref<128x128xf32, #tpu.memory_space<vmem>>
        %dma_start3A_290 = arith.constant 0 : i32
        %dma_start3A_291 = tpu.memref_slice %arg7[%dma_start3A_284, %dma_start3A_290] : memref<4x128xi32, #tpu.memory_space<vmem>> -> memref<1x128xi32, #tpu.memory_space<vmem>>
        %dma_start3A_292 = tpu.memref_squeeze %dma_start3A_291 : memref<1x128xi32, #tpu.memory_space<vmem>> -> memref<128xi32, #tpu.memory_space<vmem>>
        %dma_start3A_293 = arith.constant 0 : i32
        %dma_start3A_294 = arith.constant 0 : i32
        %dma_start3A_295 = tpu.memref_slice %arg2[%dma_start3A_293, %dma_start3A_294] : memref<10240x128xf32, #tpu.memory_space<hbm>> -> memref<10240x128xf32, #tpu.memory_space<hbm>>
        tpu.enqueue_indirect_dma source(%dma_start3A_295 : memref<10240x128xf32, #tpu.memory_space<hbm>>) target(%dma_start3A_289 : memref<128x128xf32, #tpu.memory_space<vmem>>) offsets(%dma_start3A_292 : memref<128xi32, #tpu.memory_space<vmem>>) semaphore(%arg11 : memref<!tpu.dma_semaphore, #tpu.memory_space<semaphore_mem>>)
      } else {
      }
      %add3A_181 = arith.constant 4 : i32
      %add3A_182 = arith.addi %add3A_163, %add3A_181 : i32
      %lt3A_183 = arith.cmpi slt, %add3A_182, %select_n3A : i32
      %convert_element_type3A_184 = arith.extui %lt3A_183 : i1 to i32
      %cond3A_185 = arith.constant 0 : i32
      %cond3A_186 = arith.cmpi ne, %convert_element_type3A_184, %cond3A_185 : i32
      scf.if %cond3A_186 {
        %add3A_268 = arith.addi %select_n3A_10, %add3A_163 : i32
        %add3A_269 = arith.constant 4 : i32
        %add3A_270 = arith.addi %add3A_268, %add3A_269 : i32
        %dma_start3A_271 = arith.constant 0 : i32
        %dma_start3A_272 = arith.constant 0 : i32
        %dma_start3A_273 = tpu.memref_slice %arg7[%dma_start3A_271, %dma_start3A_272] : memref<4x128xi32, #tpu.memory_space<vmem>> -> memref<1x128xi32, #tpu.memory_space<vmem>>
        %dma_start3A_274 = tpu.memref_squeeze %dma_start3A_273 : memref<1x128xi32, #tpu.memory_space<vmem>> -> memref<128xi32, #tpu.memory_space<vmem>>
        %dma_start3A_275 = arith.constant 0 : i32
        %dma_start3A_276 = tpu.memref_slice %arg3[%add3A_270, %dma_start3A_275] : memref<2560x128xi32, #tpu.memory_space<hbm>> -> memref<1x128xi32, #tpu.memory_space<hbm>>
        %dma_start3A_277 = tpu.memref_squeeze %dma_start3A_276 : memref<1x128xi32, #tpu.memory_space<hbm>> -> memref<128xi32, #tpu.memory_space<hbm>>
        %dma_start3A_278 = arith.constant 0 : i32
        %dma_start3A_279 = tpu.memref_slice %arg7[%dma_start3A_271, %dma_start3A_278] : memref<4x128xi32, #tpu.memory_space<vmem>> -> memref<1x128xi32, #tpu.memory_space<vmem>>
        %dma_start3A_280 = tpu.memref_squeeze %dma_start3A_279 : memref<1x128xi32, #tpu.memory_space<vmem>> -> memref<128xi32, #tpu.memory_space<vmem>>
        %dma_start3A_281 = arith.constant 0 : i32
        %dma_start3A_282 = tpu.memref_slice %arg3[%add3A_270, %dma_start3A_281] : memref<2560x128xi32, #tpu.memory_space<hbm>> -> memref<1x128xi32, #tpu.memory_space<hbm>>
        %dma_start3A_283 = tpu.memref_squeeze %dma_start3A_282 : memref<1x128xi32, #tpu.memory_space<hbm>> -> memref<128xi32, #tpu.memory_space<hbm>>
        tpu.enqueue_dma source(%dma_start3A_283 : memref<128xi32, #tpu.memory_space<hbm>>) target(%dma_start3A_280 : memref<128xi32, #tpu.memory_space<vmem>>) target_semaphore(%arg13 : memref<!tpu.dma_semaphore, #tpu.memory_space<semaphore_mem>>)
      } else {
      }
      %add3A_187 = arith.constant 1 : i32
      %add3A_188 = arith.addi %mul3A_161, %add3A_187 : i32
      %dma_wait3A_189 = arith.constant 1 : i32
      %dma_wait3A_190 = arith.constant 1 : i32
      %dma_wait3A_191 = arith.constant 0 : i32
      %dma_wait3A_192 = arith.constant 0 : i32
      %dma_wait3A_193 = tpu.memref_slice %arg9[%dma_wait3A_190, %dma_wait3A_191, %dma_wait3A_192] : memref<2x128x128xf32, #tpu.memory_space<vmem>> -> memref<1x128x128xf32, #tpu.memory_space<vmem>>
      %dma_wait3A_194 = tpu.memref_squeeze %dma_wait3A_193 : memref<1x128x128xf32, #tpu.memory_space<vmem>> -> memref<128x128xf32, #tpu.memory_space<vmem>>
      %dma_wait3A_195 = arith.constant 0 : i32
      %dma_wait3A_196 = tpu.memref_slice %arg7[%dma_wait3A_189, %dma_wait3A_195] : memref<4x128xi32, #tpu.memory_space<vmem>> -> memref<1x128xi32, #tpu.memory_space<vmem>>
      %dma_wait3A_197 = tpu.memref_squeeze %dma_wait3A_196 : memref<1x128xi32, #tpu.memory_space<vmem>> -> memref<128xi32, #tpu.memory_space<vmem>>
      %dma_wait3A_198 = arith.constant 0 : i32
      %dma_wait3A_199 = arith.constant 0 : i32
      %dma_wait3A_200 = tpu.memref_slice %arg2[%dma_wait3A_198, %dma_wait3A_199] : memref<10240x128xf32, #tpu.memory_space<hbm>> -> memref<10240x128xf32, #tpu.memory_space<hbm>>
      tpu.wait_indirect_dma semaphore(%arg12 : memref<!tpu.dma_semaphore, #tpu.memory_space<semaphore_mem>>) src(%dma_wait3A_200 : memref<10240x128xf32, #tpu.memory_space<hbm>>) dst(%dma_wait3A_194 : memref<128x128xf32, #tpu.memory_space<vmem>>)
      %run_scoped3A_201 = arith.constant 1 : i32
      "tpu.region"() ({
        %run_scoped3A_268 = tpu.sem_alloc : memref<!tpu.dma_semaphore, #tpu.memory_space<semaphore_mem>>
        %dma_start3A_269 = arith.constant 0 : i32
        %dma_start3A_270 = arith.constant 0 : i32
        %dma_start3A_271 = tpu.memref_slice %arg9[%run_scoped3A_201, %dma_start3A_269, %dma_start3A_270] : memref<2x128x128xf32, #tpu.memory_space<vmem>> -> memref<1x128x128xf32, #tpu.memory_space<vmem>>
        %dma_start3A_272 = tpu.memref_squeeze %dma_start3A_271 : memref<1x128x128xf32, #tpu.memory_space<vmem>> -> memref<128x128xf32, #tpu.memory_space<vmem>>
        %dma_start3A_273 = arith.constant 0 : i32
        %dma_start3A_274 = tpu.memref_slice %arg8[%add3A_188, %dma_start3A_273] : memref<120x128xi32, #tpu.memory_space<vmem>> -> memref<1x128xi32, #tpu.memory_space<vmem>>
        %dma_start3A_275 = tpu.memref_squeeze %dma_start3A_274 : memref<1x128xi32, #tpu.memory_space<vmem>> -> memref<128xi32, #tpu.memory_space<vmem>>
        %dma_start3A_276 = arith.constant 0 : i32
        %dma_start3A_277 = arith.constant 0 : i32
        %dma_start3A_278 = tpu.memref_slice %arg10[%dma_start3A_276, %dma_start3A_277] : memref<10240x128xf32, #tpu.memory_space<vmem_shared>> -> memref<10240x128xf32, #tpu.memory_space<vmem_shared>>
        tpu.enqueue_indirect_dma source(%dma_start3A_272 : memref<128x128xf32, #tpu.memory_space<vmem>>) target(%dma_start3A_278 : memref<10240x128xf32, #tpu.memory_space<vmem_shared>>) offsets(%dma_start3A_275 : memref<128xi32, #tpu.memory_space<vmem>>) semaphore(%run_scoped3A_268 : memref<!tpu.dma_semaphore, #tpu.memory_space<semaphore_mem>>) {add = true}
        %dma_wait3A_279 = arith.constant 0 : i32
        %dma_wait3A_280 = arith.constant 0 : i32
        %dma_wait3A_281 = tpu.memref_slice %arg9[%run_scoped3A_201, %dma_wait3A_279, %dma_wait3A_280] : memref<2x128x128xf32, #tpu.memory_space<vmem>> -> memref<1x128x128xf32, #tpu.memory_space<vmem>>
        %dma_wait3A_282 = tpu.memref_squeeze %dma_wait3A_281 : memref<1x128x128xf32, #tpu.memory_space<vmem>> -> memref<128x128xf32, #tpu.memory_space<vmem>>
        %dma_wait3A_283 = arith.constant 0 : i32
        %dma_wait3A_284 = tpu.memref_slice %arg8[%add3A_188, %dma_wait3A_283] : memref<120x128xi32, #tpu.memory_space<vmem>> -> memref<1x128xi32, #tpu.memory_space<vmem>>
        %dma_wait3A_285 = tpu.memref_squeeze %dma_wait3A_284 : memref<1x128xi32, #tpu.memory_space<vmem>> -> memref<128xi32, #tpu.memory_space<vmem>>
        %dma_wait3A_286 = arith.constant 0 : i32
        %dma_wait3A_287 = arith.constant 0 : i32
        %dma_wait3A_288 = tpu.memref_slice %arg10[%dma_wait3A_286, %dma_wait3A_287] : memref<10240x128xf32, #tpu.memory_space<vmem_shared>> -> memref<10240x128xf32, #tpu.memory_space<vmem_shared>>
        tpu.wait_indirect_dma semaphore(%run_scoped3A_268 : memref<!tpu.dma_semaphore, #tpu.memory_space<semaphore_mem>>) src(%dma_wait3A_282 : memref<128x128xf32, #tpu.memory_space<vmem>>) dst(%dma_wait3A_288 : memref<10240x128xf32, #tpu.memory_space<vmem_shared>>)
        tpu.yield
      }) : () -> ()
      %add3A_202 = arith.constant 2 : i32
      %add3A_203 = arith.addi %add3A_188, %add3A_202 : i32
      %lt3A_204 = arith.cmpi slt, %add3A_203, %select_n3A : i32
      %convert_element_type3A_205 = arith.extui %lt3A_204 : i1 to i32
      %cond3A_206 = arith.constant 0 : i32
      %cond3A_207 = arith.cmpi ne, %convert_element_type3A_205, %cond3A_206 : i32
      scf.if %cond3A_207 {
        %add3A_268 = arith.addi %select_n3A_10, %add3A_188 : i32
        %add3A_269 = arith.constant 2 : i32
        %add3A_270 = arith.addi %add3A_268, %add3A_269 : i32
        %dma_wait3A_271 = arith.constant 3 : i32
        %dma_wait3A_272 = arith.constant 0 : i32
        %dma_wait3A_273 = tpu.memref_slice %arg7[%dma_wait3A_271, %dma_wait3A_272] : memref<4x128xi32, #tpu.memory_space<vmem>> -> memref<1x128xi32, #tpu.memory_space<vmem>>
        %dma_wait3A_274 = tpu.memref_squeeze %dma_wait3A_273 : memref<1x128xi32, #tpu.memory_space<vmem>> -> memref<128xi32, #tpu.memory_space<vmem>>
        %dma_wait3A_275 = arith.constant 0 : i32
        %dma_wait3A_276 = tpu.memref_slice %arg3[%add3A_270, %dma_wait3A_275] : memref<2560x128xi32, #tpu.memory_space<hbm>> -> memref<1x128xi32, #tpu.memory_space<hbm>>
        %dma_wait3A_277 = tpu.memref_squeeze %dma_wait3A_276 : memref<1x128xi32, #tpu.memory_space<hbm>> -> memref<128xi32, #tpu.memory_space<hbm>>
        %dma_wait3A_278 = arith.constant 0 : i32
        %dma_wait3A_279 = tpu.memref_slice %arg7[%dma_wait3A_271, %dma_wait3A_278] : memref<4x128xi32, #tpu.memory_space<vmem>> -> memref<1x128xi32, #tpu.memory_space<vmem>>
        %dma_wait3A_280 = tpu.memref_squeeze %dma_wait3A_279 : memref<1x128xi32, #tpu.memory_space<vmem>> -> memref<128xi32, #tpu.memory_space<vmem>>
        %dma_wait3A_281 = arith.constant 0 : i32
        %dma_wait3A_282 = tpu.memref_slice %arg3[%add3A_270, %dma_wait3A_281] : memref<2560x128xi32, #tpu.memory_space<hbm>> -> memref<1x128xi32, #tpu.memory_space<hbm>>
        %dma_wait3A_283 = tpu.memref_squeeze %dma_wait3A_282 : memref<1x128xi32, #tpu.memory_space<hbm>> -> memref<128xi32, #tpu.memory_space<hbm>>
        tpu.wait_dma2 semaphore(%arg16 : memref<!tpu.dma_semaphore, #tpu.memory_space<semaphore_mem>>) src(%dma_wait3A_283 : memref<128xi32, #tpu.memory_space<hbm>>) dst(%dma_wait3A_280 : memref<128xi32, #tpu.memory_space<vmem>>)
        %dma_start3A_284 = arith.constant 3 : i32
        %dma_start3A_285 = arith.constant 1 : i32
        %dma_start3A_286 = arith.constant 0 : i32
        %dma_start3A_287 = arith.constant 0 : i32
        %dma_start3A_288 = tpu.memref_slice %arg9[%dma_start3A_285, %dma_start3A_286, %dma_start3A_287] : memref<2x128x128xf32, #tpu.memory_space<vmem>> -> memref<1x128x128xf32, #tpu.memory_space<vmem>>
        %dma_start3A_289 = tpu.memref_squeeze %dma_start3A_288 : memref<1x128x128xf32, #tpu.memory_space<vmem>> -> memref<128x128xf32, #tpu.memory_space<vmem>>
        %dma_start3A_290 = arith.constant 0 : i32
        %dma_start3A_291 = tpu.memref_slice %arg7[%dma_start3A_284, %dma_start3A_290] : memref<4x128xi32, #tpu.memory_space<vmem>> -> memref<1x128xi32, #tpu.memory_space<vmem>>
        %dma_start3A_292 = tpu.memref_squeeze %dma_start3A_291 : memref<1x128xi32, #tpu.memory_space<vmem>> -> memref<128xi32, #tpu.memory_space<vmem>>
        %dma_start3A_293 = arith.constant 0 : i32
        %dma_start3A_294 = arith.constant 0 : i32
        %dma_start3A_295 = tpu.memref_slice %arg2[%dma_start3A_293, %dma_start3A_294] : memref<10240x128xf32, #tpu.memory_space<hbm>> -> memref<10240x128xf32, #tpu.memory_space<hbm>>
        tpu.enqueue_indirect_dma source(%dma_start3A_295 : memref<10240x128xf32, #tpu.memory_space<hbm>>) target(%dma_start3A_289 : memref<128x128xf32, #tpu.memory_space<vmem>>) offsets(%dma_start3A_292 : memref<128xi32, #tpu.memory_space<vmem>>) semaphore(%arg12 : memref<!tpu.dma_semaphore, #tpu.memory_space<semaphore_mem>>)
      } else {
      }
      %add3A_208 = arith.constant 4 : i32
      %add3A_209 = arith.addi %add3A_188, %add3A_208 : i32
      %lt3A_210 = arith.cmpi slt, %add3A_209, %select_n3A : i32
      %convert_element_type3A_211 = arith.extui %lt3A_210 : i1 to i32
      %cond3A_212 = arith.constant 0 : i32
      %cond3A_213 = arith.cmpi ne, %convert_element_type3A_211, %cond3A_212 : i32
      scf.if %cond3A_213 {
        %add3A_268 = arith.addi %select_n3A_10, %add3A_188 : i32
        %add3A_269 = arith.constant 4 : i32
        %add3A_270 = arith.addi %add3A_268, %add3A_269 : i32
        %dma_start3A_271 = arith.constant 1 : i32
        %dma_start3A_272 = arith.constant 0 : i32
        %dma_start3A_273 = tpu.memref_slice %arg7[%dma_start3A_271, %dma_start3A_272] : memref<4x128xi32, #tpu.memory_space<vmem>> -> memref<1x128xi32, #tpu.memory_space<vmem>>
        %dma_start3A_274 = tpu.memref_squeeze %dma_start3A_273 : memref<1x128xi32, #tpu.memory_space<vmem>> -> memref<128xi32, #tpu.memory_space<vmem>>
        %dma_start3A_275 = arith.constant 0 : i32
        %dma_start3A_276 = tpu.memref_slice %arg3[%add3A_270, %dma_start3A_275] : memref<2560x128xi32, #tpu.memory_space<hbm>> -> memref<1x128xi32, #tpu.memory_space<hbm>>
        %dma_start3A_277 = tpu.memref_squeeze %dma_start3A_276 : memref<1x128xi32, #tpu.memory_space<hbm>> -> memref<128xi32, #tpu.memory_space<hbm>>
        %dma_start3A_278 = arith.constant 0 : i32
        %dma_start3A_279 = tpu.memref_slice %arg7[%dma_start3A_271, %dma_start3A_278] : memref<4x128xi32, #tpu.memory_space<vmem>> -> memref<1x128xi32, #tpu.memory_space<vmem>>
        %dma_start3A_280 = tpu.memref_squeeze %dma_start3A_279 : memref<1x128xi32, #tpu.memory_space<vmem>> -> memref<128xi32, #tpu.memory_space<vmem>>
        %dma_start3A_281 = arith.constant 0 : i32
        %dma_start3A_282 = tpu.memref_slice %arg3[%add3A_270, %dma_start3A_281] : memref<2560x128xi32, #tpu.memory_space<hbm>> -> memref<1x128xi32, #tpu.memory_space<hbm>>
        %dma_start3A_283 = tpu.memref_squeeze %dma_start3A_282 : memref<1x128xi32, #tpu.memory_space<hbm>> -> memref<128xi32, #tpu.memory_space<hbm>>
        tpu.enqueue_dma source(%dma_start3A_283 : memref<128xi32, #tpu.memory_space<hbm>>) target(%dma_start3A_280 : memref<128xi32, #tpu.memory_space<vmem>>) target_semaphore(%arg14 : memref<!tpu.dma_semaphore, #tpu.memory_space<semaphore_mem>>)
      } else {
      }
      %add3A_214 = arith.constant 2 : i32
      %add3A_215 = arith.addi %mul3A_161, %add3A_214 : i32
      %dma_wait3A_216 = arith.constant 2 : i32
      %dma_wait3A_217 = arith.constant 0 : i32
      %dma_wait3A_218 = arith.constant 0 : i32
      %dma_wait3A_219 = arith.constant 0 : i32
      %dma_wait3A_220 = tpu.memref_slice %arg9[%dma_wait3A_217, %dma_wait3A_218, %dma_wait3A_219] : memref<2x128x128xf32, #tpu.memory_space<vmem>> -> memref<1x128x128xf32, #tpu.memory_space<vmem>>
      %dma_wait3A_221 = tpu.memref_squeeze %dma_wait3A_220 : memref<1x128x128xf32, #tpu.memory_space<vmem>> -> memref<128x128xf32, #tpu.memory_space<vmem>>
      %dma_wait3A_222 = arith.constant 0 : i32
      %dma_wait3A_223 = tpu.memref_slice %arg7[%dma_wait3A_216, %dma_wait3A_222] : memref<4x128xi32, #tpu.memory_space<vmem>> -> memref<1x128xi32, #tpu.memory_space<vmem>>
      %dma_wait3A_224 = tpu.memref_squeeze %dma_wait3A_223 : memref<1x128xi32, #tpu.memory_space<vmem>> -> memref<128xi32, #tpu.memory_space<vmem>>
      %dma_wait3A_225 = arith.constant 0 : i32
      %dma_wait3A_226 = arith.constant 0 : i32
      %dma_wait3A_227 = tpu.memref_slice %arg2[%dma_wait3A_225, %dma_wait3A_226] : memref<10240x128xf32, #tpu.memory_space<hbm>> -> memref<10240x128xf32, #tpu.memory_space<hbm>>
      tpu.wait_indirect_dma semaphore(%arg11 : memref<!tpu.dma_semaphore, #tpu.memory_space<semaphore_mem>>) src(%dma_wait3A_227 : memref<10240x128xf32, #tpu.memory_space<hbm>>) dst(%dma_wait3A_221 : memref<128x128xf32, #tpu.memory_space<vmem>>)
      %run_scoped3A_228 = arith.constant 0 : i32
      "tpu.region"() ({
        %run_scoped3A_268 = tpu.sem_alloc : memref<!tpu.dma_semaphore, #tpu.memory_space<semaphore_mem>>
        %dma_start3A_269 = arith.constant 0 : i32
        %dma_start3A_270 = arith.constant 0 : i32
        %dma_start3A_271 = tpu.memref_slice %arg9[%run_scoped3A_228, %dma_start3A_269, %dma_start3A_270] : memref<2x128x128xf32, #tpu.memory_space<vmem>> -> memref<1x128x128xf32, #tpu.memory_space<vmem>>
        %dma_start3A_272 = tpu.memref_squeeze %dma_start3A_271 : memref<1x128x128xf32, #tpu.memory_space<vmem>> -> memref<128x128xf32, #tpu.memory_space<vmem>>
        %dma_start3A_273 = arith.constant 0 : i32
        %dma_start3A_274 = tpu.memref_slice %arg8[%add3A_215, %dma_start3A_273] : memref<120x128xi32, #tpu.memory_space<vmem>> -> memref<1x128xi32, #tpu.memory_space<vmem>>
        %dma_start3A_275 = tpu.memref_squeeze %dma_start3A_274 : memref<1x128xi32, #tpu.memory_space<vmem>> -> memref<128xi32, #tpu.memory_space<vmem>>
        %dma_start3A_276 = arith.constant 0 : i32
        %dma_start3A_277 = arith.constant 0 : i32
        %dma_start3A_278 = tpu.memref_slice %arg10[%dma_start3A_276, %dma_start3A_277] : memref<10240x128xf32, #tpu.memory_space<vmem_shared>> -> memref<10240x128xf32, #tpu.memory_space<vmem_shared>>
        tpu.enqueue_indirect_dma source(%dma_start3A_272 : memref<128x128xf32, #tpu.memory_space<vmem>>) target(%dma_start3A_278 : memref<10240x128xf32, #tpu.memory_space<vmem_shared>>) offsets(%dma_start3A_275 : memref<128xi32, #tpu.memory_space<vmem>>) semaphore(%run_scoped3A_268 : memref<!tpu.dma_semaphore, #tpu.memory_space<semaphore_mem>>) {add = true}
        %dma_wait3A_279 = arith.constant 0 : i32
        %dma_wait3A_280 = arith.constant 0 : i32
        %dma_wait3A_281 = tpu.memref_slice %arg9[%run_scoped3A_228, %dma_wait3A_279, %dma_wait3A_280] : memref<2x128x128xf32, #tpu.memory_space<vmem>> -> memref<1x128x128xf32, #tpu.memory_space<vmem>>
        %dma_wait3A_282 = tpu.memref_squeeze %dma_wait3A_281 : memref<1x128x128xf32, #tpu.memory_space<vmem>> -> memref<128x128xf32, #tpu.memory_space<vmem>>
        %dma_wait3A_283 = arith.constant 0 : i32
        %dma_wait3A_284 = tpu.memref_slice %arg8[%add3A_215, %dma_wait3A_283] : memref<120x128xi32, #tpu.memory_space<vmem>> -> memref<1x128xi32, #tpu.memory_space<vmem>>
        %dma_wait3A_285 = tpu.memref_squeeze %dma_wait3A_284 : memref<1x128xi32, #tpu.memory_space<vmem>> -> memref<128xi32, #tpu.memory_space<vmem>>
        %dma_wait3A_286 = arith.constant 0 : i32
        %dma_wait3A_287 = arith.constant 0 : i32
        %dma_wait3A_288 = tpu.memref_slice %arg10[%dma_wait3A_286, %dma_wait3A_287] : memref<10240x128xf32, #tpu.memory_space<vmem_shared>> -> memref<10240x128xf32, #tpu.memory_space<vmem_shared>>
        tpu.wait_indirect_dma semaphore(%run_scoped3A_268 : memref<!tpu.dma_semaphore, #tpu.memory_space<semaphore_mem>>) src(%dma_wait3A_282 : memref<128x128xf32, #tpu.memory_space<vmem>>) dst(%dma_wait3A_288 : memref<10240x128xf32, #tpu.memory_space<vmem_shared>>)
        tpu.yield
      }) : () -> ()
      %add3A_229 = arith.constant 2 : i32
      %add3A_230 = arith.addi %add3A_215, %add3A_229 : i32
      %lt3A_231 = arith.cmpi slt, %add3A_230, %select_n3A : i32
      %convert_element_type3A_232 = arith.extui %lt3A_231 : i1 to i32
      %cond3A_233 = arith.constant 0 : i32
      %cond3A_234 = arith.cmpi ne, %convert_element_type3A_232, %cond3A_233 : i32
      scf.if %cond3A_234 {
        %add3A_268 = arith.addi %select_n3A_10, %add3A_215 : i32
        %add3A_269 = arith.constant 2 : i32
        %add3A_270 = arith.addi %add3A_268, %add3A_269 : i32
        %dma_wait3A_271 = arith.constant 0 : i32
        %dma_wait3A_272 = arith.constant 0 : i32
        %dma_wait3A_273 = tpu.memref_slice %arg7[%dma_wait3A_271, %dma_wait3A_272] : memref<4x128xi32, #tpu.memory_space<vmem>> -> memref<1x128xi32, #tpu.memory_space<vmem>>
        %dma_wait3A_274 = tpu.memref_squeeze %dma_wait3A_273 : memref<1x128xi32, #tpu.memory_space<vmem>> -> memref<128xi32, #tpu.memory_space<vmem>>
        %dma_wait3A_275 = arith.constant 0 : i32
        %dma_wait3A_276 = tpu.memref_slice %arg3[%add3A_270, %dma_wait3A_275] : memref<2560x128xi32, #tpu.memory_space<hbm>> -> memref<1x128xi32, #tpu.memory_space<hbm>>
        %dma_wait3A_277 = tpu.memref_squeeze %dma_wait3A_276 : memref<1x128xi32, #tpu.memory_space<hbm>> -> memref<128xi32, #tpu.memory_space<hbm>>
        %dma_wait3A_278 = arith.constant 0 : i32
        %dma_wait3A_279 = tpu.memref_slice %arg7[%dma_wait3A_271, %dma_wait3A_278] : memref<4x128xi32, #tpu.memory_space<vmem>> -> memref<1x128xi32, #tpu.memory_space<vmem>>
        %dma_wait3A_280 = tpu.memref_squeeze %dma_wait3A_279 : memref<1x128xi32, #tpu.memory_space<vmem>> -> memref<128xi32, #tpu.memory_space<vmem>>
        %dma_wait3A_281 = arith.constant 0 : i32
        %dma_wait3A_282 = tpu.memref_slice %arg3[%add3A_270, %dma_wait3A_281] : memref<2560x128xi32, #tpu.memory_space<hbm>> -> memref<1x128xi32, #tpu.memory_space<hbm>>
        %dma_wait3A_283 = tpu.memref_squeeze %dma_wait3A_282 : memref<1x128xi32, #tpu.memory_space<hbm>> -> memref<128xi32, #tpu.memory_space<hbm>>
        tpu.wait_dma2 semaphore(%arg13 : memref<!tpu.dma_semaphore, #tpu.memory_space<semaphore_mem>>) src(%dma_wait3A_283 : memref<128xi32, #tpu.memory_space<hbm>>) dst(%dma_wait3A_280 : memref<128xi32, #tpu.memory_space<vmem>>)
        %dma_start3A_284 = arith.constant 0 : i32
        %dma_start3A_285 = arith.constant 0 : i32
        %dma_start3A_286 = arith.constant 0 : i32
        %dma_start3A_287 = arith.constant 0 : i32
        %dma_start3A_288 = tpu.memref_slice %arg9[%dma_start3A_285, %dma_start3A_286, %dma_start3A_287] : memref<2x128x128xf32, #tpu.memory_space<vmem>> -> memref<1x128x128xf32, #tpu.memory_space<vmem>>
        %dma_start3A_289 = tpu.memref_squeeze %dma_start3A_288 : memref<1x128x128xf32, #tpu.memory_space<vmem>> -> memref<128x128xf32, #tpu.memory_space<vmem>>
        %dma_start3A_290 = arith.constant 0 : i32
        %dma_start3A_291 = tpu.memref_slice %arg7[%dma_start3A_284, %dma_start3A_290] : memref<4x128xi32, #tpu.memory_space<vmem>> -> memref<1x128xi32, #tpu.memory_space<vmem>>
        %dma_start3A_292 = tpu.memref_squeeze %dma_start3A_291 : memref<1x128xi32, #tpu.memory_space<vmem>> -> memref<128xi32, #tpu.memory_space<vmem>>
        %dma_start3A_293 = arith.constant 0 : i32
        %dma_start3A_294 = arith.constant 0 : i32
        %dma_start3A_295 = tpu.memref_slice %arg2[%dma_start3A_293, %dma_start3A_294] : memref<10240x128xf32, #tpu.memory_space<hbm>> -> memref<10240x128xf32, #tpu.memory_space<hbm>>
        tpu.enqueue_indirect_dma source(%dma_start3A_295 : memref<10240x128xf32, #tpu.memory_space<hbm>>) target(%dma_start3A_289 : memref<128x128xf32, #tpu.memory_space<vmem>>) offsets(%dma_start3A_292 : memref<128xi32, #tpu.memory_space<vmem>>) semaphore(%arg11 : memref<!tpu.dma_semaphore, #tpu.memory_space<semaphore_mem>>)
      } else {
      }
      %add3A_235 = arith.constant 4 : i32
      %add3A_236 = arith.addi %add3A_215, %add3A_235 : i32
      %lt3A_237 = arith.cmpi slt, %add3A_236, %select_n3A : i32
      %convert_element_type3A_238 = arith.extui %lt3A_237 : i1 to i32
      %cond3A_239 = arith.constant 0 : i32
      %cond3A_240 = arith.cmpi ne, %convert_element_type3A_238, %cond3A_239 : i32
      scf.if %cond3A_240 {
        %add3A_268 = arith.addi %select_n3A_10, %add3A_215 : i32
        %add3A_269 = arith.constant 4 : i32
        %add3A_270 = arith.addi %add3A_268, %add3A_269 : i32
        %dma_start3A_271 = arith.constant 2 : i32
        %dma_start3A_272 = arith.constant 0 : i32
        %dma_start3A_273 = tpu.memref_slice %arg7[%dma_start3A_271, %dma_start3A_272] : memref<4x128xi32, #tpu.memory_space<vmem>> -> memref<1x128xi32, #tpu.memory_space<vmem>>
        %dma_start3A_274 = tpu.memref_squeeze %dma_start3A_273 : memref<1x128xi32, #tpu.memory_space<vmem>> -> memref<128xi32, #tpu.memory_space<vmem>>
        %dma_start3A_275 = arith.constant 0 : i32
        %dma_start3A_276 = tpu.memref_slice %arg3[%add3A_270, %dma_start3A_275] : memref<2560x128xi32, #tpu.memory_space<hbm>> -> memref<1x128xi32, #tpu.memory_space<hbm>>
        %dma_start3A_277 = tpu.memref_squeeze %dma_start3A_276 : memref<1x128xi32, #tpu.memory_space<hbm>> -> memref<128xi32, #tpu.memory_space<hbm>>
        %dma_start3A_278 = arith.constant 0 : i32
        %dma_start3A_279 = tpu.memref_slice %arg7[%dma_start3A_271, %dma_start3A_278] : memref<4x128xi32, #tpu.memory_space<vmem>> -> memref<1x128xi32, #tpu.memory_space<vmem>>
        %dma_start3A_280 = tpu.memref_squeeze %dma_start3A_279 : memref<1x128xi32, #tpu.memory_space<vmem>> -> memref<128xi32, #tpu.memory_space<vmem>>
        %dma_start3A_281 = arith.constant 0 : i32
        %dma_start3A_282 = tpu.memref_slice %arg3[%add3A_270, %dma_start3A_281] : memref<2560x128xi32, #tpu.memory_space<hbm>> -> memref<1x128xi32, #tpu.memory_space<hbm>>
        %dma_start3A_283 = tpu.memref_squeeze %dma_start3A_282 : memref<1x128xi32, #tpu.memory_space<hbm>> -> memref<128xi32, #tpu.memory_space<hbm>>
        tpu.enqueue_dma source(%dma_start3A_283 : memref<128xi32, #tpu.memory_space<hbm>>) target(%dma_start3A_280 : memref<128xi32, #tpu.memory_space<vmem>>) target_semaphore(%arg15 : memref<!tpu.dma_semaphore, #tpu.memory_space<semaphore_mem>>)
      } else {
      }
      %add3A_241 = arith.constant 3 : i32
      %add3A_242 = arith.addi %mul3A_161, %add3A_241 : i32
      %dma_wait3A_243 = arith.constant 3 : i32
      %dma_wait3A_244 = arith.constant 1 : i32
      %dma_wait3A_245 = arith.constant 0 : i32
      %dma_wait3A_246 = arith.constant 0 : i32
      %dma_wait3A_247 = tpu.memref_slice %arg9[%dma_wait3A_244, %dma_wait3A_245, %dma_wait3A_246] : memref<2x128x128xf32, #tpu.memory_space<vmem>> -> memref<1x128x128xf32, #tpu.memory_space<vmem>>
      %dma_wait3A_248 = tpu.memref_squeeze %dma_wait3A_247 : memref<1x128x128xf32, #tpu.memory_space<vmem>> -> memref<128x128xf32, #tpu.memory_space<vmem>>
      %dma_wait3A_249 = arith.constant 0 : i32
      %dma_wait3A_250 = tpu.memref_slice %arg7[%dma_wait3A_243, %dma_wait3A_249] : memref<4x128xi32, #tpu.memory_space<vmem>> -> memref<1x128xi32, #tpu.memory_space<vmem>>
      %dma_wait3A_251 = tpu.memref_squeeze %dma_wait3A_250 : memref<1x128xi32, #tpu.memory_space<vmem>> -> memref<128xi32, #tpu.memory_space<vmem>>
      %dma_wait3A_252 = arith.constant 0 : i32
      %dma_wait3A_253 = arith.constant 0 : i32
      %dma_wait3A_254 = tpu.memref_slice %arg2[%dma_wait3A_252, %dma_wait3A_253] : memref<10240x128xf32, #tpu.memory_space<hbm>> -> memref<10240x128xf32, #tpu.memory_space<hbm>>
      tpu.wait_indirect_dma semaphore(%arg12 : memref<!tpu.dma_semaphore, #tpu.memory_space<semaphore_mem>>) src(%dma_wait3A_254 : memref<10240x128xf32, #tpu.memory_space<hbm>>) dst(%dma_wait3A_248 : memref<128x128xf32, #tpu.memory_space<vmem>>)
      %run_scoped3A_255 = arith.constant 1 : i32
      "tpu.region"() ({
        %run_scoped3A_268 = tpu.sem_alloc : memref<!tpu.dma_semaphore, #tpu.memory_space<semaphore_mem>>
        %dma_start3A_269 = arith.constant 0 : i32
        %dma_start3A_270 = arith.constant 0 : i32
        %dma_start3A_271 = tpu.memref_slice %arg9[%run_scoped3A_255, %dma_start3A_269, %dma_start3A_270] : memref<2x128x128xf32, #tpu.memory_space<vmem>> -> memref<1x128x128xf32, #tpu.memory_space<vmem>>
        %dma_start3A_272 = tpu.memref_squeeze %dma_start3A_271 : memref<1x128x128xf32, #tpu.memory_space<vmem>> -> memref<128x128xf32, #tpu.memory_space<vmem>>
        %dma_start3A_273 = arith.constant 0 : i32
        %dma_start3A_274 = tpu.memref_slice %arg8[%add3A_242, %dma_start3A_273] : memref<120x128xi32, #tpu.memory_space<vmem>> -> memref<1x128xi32, #tpu.memory_space<vmem>>
        %dma_start3A_275 = tpu.memref_squeeze %dma_start3A_274 : memref<1x128xi32, #tpu.memory_space<vmem>> -> memref<128xi32, #tpu.memory_space<vmem>>
        %dma_start3A_276 = arith.constant 0 : i32
        %dma_start3A_277 = arith.constant 0 : i32
        %dma_start3A_278 = tpu.memref_slice %arg10[%dma_start3A_276, %dma_start3A_277] : memref<10240x128xf32, #tpu.memory_space<vmem_shared>> -> memref<10240x128xf32, #tpu.memory_space<vmem_shared>>
        tpu.enqueue_indirect_dma source(%dma_start3A_272 : memref<128x128xf32, #tpu.memory_space<vmem>>) target(%dma_start3A_278 : memref<10240x128xf32, #tpu.memory_space<vmem_shared>>) offsets(%dma_start3A_275 : memref<128xi32, #tpu.memory_space<vmem>>) semaphore(%run_scoped3A_268 : memref<!tpu.dma_semaphore, #tpu.memory_space<semaphore_mem>>) {add = true}
        %dma_wait3A_279 = arith.constant 0 : i32
        %dma_wait3A_280 = arith.constant 0 : i32
        %dma_wait3A_281 = tpu.memref_slice %arg9[%run_scoped3A_255, %dma_wait3A_279, %dma_wait3A_280] : memref<2x128x128xf32, #tpu.memory_space<vmem>> -> memref<1x128x128xf32, #tpu.memory_space<vmem>>
        %dma_wait3A_282 = tpu.memref_squeeze %dma_wait3A_281 : memref<1x128x128xf32, #tpu.memory_space<vmem>> -> memref<128x128xf32, #tpu.memory_space<vmem>>
        %dma_wait3A_283 = arith.constant 0 : i32
        %dma_wait3A_284 = tpu.memref_slice %arg8[%add3A_242, %dma_wait3A_283] : memref<120x128xi32, #tpu.memory_space<vmem>> -> memref<1x128xi32, #tpu.memory_space<vmem>>
        %dma_wait3A_285 = tpu.memref_squeeze %dma_wait3A_284 : memref<1x128xi32, #tpu.memory_space<vmem>> -> memref<128xi32, #tpu.memory_space<vmem>>
        %dma_wait3A_286 = arith.constant 0 : i32
        %dma_wait3A_287 = arith.constant 0 : i32
        %dma_wait3A_288 = tpu.memref_slice %arg10[%dma_wait3A_286, %dma_wait3A_287] : memref<10240x128xf32, #tpu.memory_space<vmem_shared>> -> memref<10240x128xf32, #tpu.memory_space<vmem_shared>>
        tpu.wait_indirect_dma semaphore(%run_scoped3A_268 : memref<!tpu.dma_semaphore, #tpu.memory_space<semaphore_mem>>) src(%dma_wait3A_282 : memref<128x128xf32, #tpu.memory_space<vmem>>) dst(%dma_wait3A_288 : memref<10240x128xf32, #tpu.memory_space<vmem_shared>>)
        tpu.yield
      }) : () -> ()
      %add3A_256 = arith.constant 2 : i32
      %add3A_257 = arith.addi %add3A_242, %add3A_256 : i32
      %lt3A_258 = arith.cmpi slt, %add3A_257, %select_n3A : i32
      %convert_element_type3A_259 = arith.extui %lt3A_258 : i1 to i32
      %cond3A_260 = arith.constant 0 : i32
      %cond3A_261 = arith.cmpi ne, %convert_element_type3A_259, %cond3A_260 : i32
      scf.if %cond3A_261 {
        %add3A_268 = arith.addi %select_n3A_10, %add3A_242 : i32
        %add3A_269 = arith.constant 2 : i32
        %add3A_270 = arith.addi %add3A_268, %add3A_269 : i32
        %dma_wait3A_271 = arith.constant 1 : i32
        %dma_wait3A_272 = arith.constant 0 : i32
        %dma_wait3A_273 = tpu.memref_slice %arg7[%dma_wait3A_271, %dma_wait3A_272] : memref<4x128xi32, #tpu.memory_space<vmem>> -> memref<1x128xi32, #tpu.memory_space<vmem>>
        %dma_wait3A_274 = tpu.memref_squeeze %dma_wait3A_273 : memref<1x128xi32, #tpu.memory_space<vmem>> -> memref<128xi32, #tpu.memory_space<vmem>>
        %dma_wait3A_275 = arith.constant 0 : i32
        %dma_wait3A_276 = tpu.memref_slice %arg3[%add3A_270, %dma_wait3A_275] : memref<2560x128xi32, #tpu.memory_space<hbm>> -> memref<1x128xi32, #tpu.memory_space<hbm>>
        %dma_wait3A_277 = tpu.memref_squeeze %dma_wait3A_276 : memref<1x128xi32, #tpu.memory_space<hbm>> -> memref<128xi32, #tpu.memory_space<hbm>>
        %dma_wait3A_278 = arith.constant 0 : i32
        %dma_wait3A_279 = tpu.memref_slice %arg7[%dma_wait3A_271, %dma_wait3A_278] : memref<4x128xi32, #tpu.memory_space<vmem>> -> memref<1x128xi32, #tpu.memory_space<vmem>>
        %dma_wait3A_280 = tpu.memref_squeeze %dma_wait3A_279 : memref<1x128xi32, #tpu.memory_space<vmem>> -> memref<128xi32, #tpu.memory_space<vmem>>
        %dma_wait3A_281 = arith.constant 0 : i32
        %dma_wait3A_282 = tpu.memref_slice %arg3[%add3A_270, %dma_wait3A_281] : memref<2560x128xi32, #tpu.memory_space<hbm>> -> memref<1x128xi32, #tpu.memory_space<hbm>>
        %dma_wait3A_283 = tpu.memref_squeeze %dma_wait3A_282 : memref<1x128xi32, #tpu.memory_space<hbm>> -> memref<128xi32, #tpu.memory_space<hbm>>
        tpu.wait_dma2 semaphore(%arg14 : memref<!tpu.dma_semaphore, #tpu.memory_space<semaphore_mem>>) src(%dma_wait3A_283 : memref<128xi32, #tpu.memory_space<hbm>>) dst(%dma_wait3A_280 : memref<128xi32, #tpu.memory_space<vmem>>)
        %dma_start3A_284 = arith.constant 1 : i32
        %dma_start3A_285 = arith.constant 1 : i32
        %dma_start3A_286 = arith.constant 0 : i32
        %dma_start3A_287 = arith.constant 0 : i32
        %dma_start3A_288 = tpu.memref_slice %arg9[%dma_start3A_285, %dma_start3A_286, %dma_start3A_287] : memref<2x128x128xf32, #tpu.memory_space<vmem>> -> memref<1x128x128xf32, #tpu.memory_space<vmem>>
        %dma_start3A_289 = tpu.memref_squeeze %dma_start3A_288 : memref<1x128x128xf32, #tpu.memory_space<vmem>> -> memref<128x128xf32, #tpu.memory_space<vmem>>
        %dma_start3A_290 = arith.constant 0 : i32
        %dma_start3A_291 = tpu.memref_slice %arg7[%dma_start3A_284, %dma_start3A_290] : memref<4x128xi32, #tpu.memory_space<vmem>> -> memref<1x128xi32, #tpu.memory_space<vmem>>
        %dma_start3A_292 = tpu.memref_squeeze %dma_start3A_291 : memref<1x128xi32, #tpu.memory_space<vmem>> -> memref<128xi32, #tpu.memory_space<vmem>>
        %dma_start3A_293 = arith.constant 0 : i32
        %dma_start3A_294 = arith.constant 0 : i32
        %dma_start3A_295 = tpu.memref_slice %arg2[%dma_start3A_293, %dma_start3A_294] : memref<10240x128xf32, #tpu.memory_space<hbm>> -> memref<10240x128xf32, #tpu.memory_space<hbm>>
        tpu.enqueue_indirect_dma source(%dma_start3A_295 : memref<10240x128xf32, #tpu.memory_space<hbm>>) target(%dma_start3A_289 : memref<128x128xf32, #tpu.memory_space<vmem>>) offsets(%dma_start3A_292 : memref<128xi32, #tpu.memory_space<vmem>>) semaphore(%arg12 : memref<!tpu.dma_semaphore, #tpu.memory_space<semaphore_mem>>)
      } else {
      }
      %add3A_262 = arith.constant 4 : i32
      %add3A_263 = arith.addi %add3A_242, %add3A_262 : i32
      %lt3A_264 = arith.cmpi slt, %add3A_263, %select_n3A : i32
      %convert_element_type3A_265 = arith.extui %lt3A_264 : i1 to i32
      %cond3A_266 = arith.constant 0 : i32
      %cond3A_267 = arith.cmpi ne, %convert_element_type3A_265, %cond3A_266 : i32
      scf.if %cond3A_267 {
        %add3A_268 = arith.addi %select_n3A_10, %add3A_242 : i32
        %add3A_269 = arith.constant 4 : i32
        %add3A_270 = arith.addi %add3A_268, %add3A_269 : i32
        %dma_start3A_271 = arith.constant 3 : i32
        %dma_start3A_272 = arith.constant 0 : i32
        %dma_start3A_273 = tpu.memref_slice %arg7[%dma_start3A_271, %dma_start3A_272] : memref<4x128xi32, #tpu.memory_space<vmem>> -> memref<1x128xi32, #tpu.memory_space<vmem>>
        %dma_start3A_274 = tpu.memref_squeeze %dma_start3A_273 : memref<1x128xi32, #tpu.memory_space<vmem>> -> memref<128xi32, #tpu.memory_space<vmem>>
        %dma_start3A_275 = arith.constant 0 : i32
        %dma_start3A_276 = tpu.memref_slice %arg3[%add3A_270, %dma_start3A_275] : memref<2560x128xi32, #tpu.memory_space<hbm>> -> memref<1x128xi32, #tpu.memory_space<hbm>>
        %dma_start3A_277 = tpu.memref_squeeze %dma_start3A_276 : memref<1x128xi32, #tpu.memory_space<hbm>> -> memref<128xi32, #tpu.memory_space<hbm>>
        %dma_start3A_278 = arith.constant 0 : i32
        %dma_start3A_279 = tpu.memref_slice %arg7[%dma_start3A_271, %dma_start3A_278] : memref<4x128xi32, #tpu.memory_space<vmem>> -> memref<1x128xi32, #tpu.memory_space<vmem>>
        %dma_start3A_280 = tpu.memref_squeeze %dma_start3A_279 : memref<1x128xi32, #tpu.memory_space<vmem>> -> memref<128xi32, #tpu.memory_space<vmem>>
        %dma_start3A_281 = arith.constant 0 : i32
        %dma_start3A_282 = tpu.memref_slice %arg3[%add3A_270, %dma_start3A_281] : memref<2560x128xi32, #tpu.memory_space<hbm>> -> memref<1x128xi32, #tpu.memory_space<hbm>>
        %dma_start3A_283 = tpu.memref_squeeze %dma_start3A_282 : memref<1x128xi32, #tpu.memory_space<hbm>> -> memref<128xi32, #tpu.memory_space<hbm>>
        tpu.enqueue_dma source(%dma_start3A_283 : memref<128xi32, #tpu.memory_space<hbm>>) target(%dma_start3A_280 : memref<128xi32, #tpu.memory_space<vmem>>) target_semaphore(%arg16 : memref<!tpu.dma_semaphore, #tpu.memory_space<semaphore_mem>>)
      } else {
      }
    }
    %barrier3A_158 = arith.constant 0 : index
    tpu.barrier barrier_id(%barrier3A_158)
    "tpu.region"() ({
      %run_scoped3A = tpu.sem_alloc : memref<!tpu.dma_semaphore, #tpu.memory_space<semaphore_mem>>
      %dma_start3A_159 = arith.constant 0 : i32
      %dma_start3A_160 = tpu.memref_slice %arg6[%arg0, %mul3A_0, %dma_start3A_159] : memref<2x10240x128xf32, #tpu.memory_space<hbm>> -> memref<1x640x128xf32, #tpu.memory_space<hbm>>
      %dma_start3A_161 = tpu.memref_squeeze %dma_start3A_160 : memref<1x640x128xf32, #tpu.memory_space<hbm>> -> memref<640x128xf32, #tpu.memory_space<hbm>>
      %dma_start3A_162 = arith.constant 0 : i32
      %dma_start3A_163 = tpu.memref_slice %arg10[%mul3A_0, %dma_start3A_162] : memref<10240x128xf32, #tpu.memory_space<vmem_shared>> -> memref<640x128xf32, #tpu.memory_space<vmem_shared>>
      tpu.enqueue_dma source(%dma_start3A_163 : memref<640x128xf32, #tpu.memory_space<vmem_shared>>) target(%dma_start3A_161 : memref<640x128xf32, #tpu.memory_space<hbm>>) target_semaphore(%run_scoped3A : memref<!tpu.dma_semaphore, #tpu.memory_space<semaphore_mem>>)
      %dma_wait3A_164 = arith.constant 0 : i32
      %dma_wait3A_165 = tpu.memref_slice %arg6[%arg0, %mul3A_0, %dma_wait3A_164] : memref<2x10240x128xf32, #tpu.memory_space<hbm>> -> memref<1x640x128xf32, #tpu.memory_space<hbm>>
      %dma_wait3A_166 = tpu.memref_squeeze %dma_wait3A_165 : memref<1x640x128xf32, #tpu.memory_space<hbm>> -> memref<640x128xf32, #tpu.memory_space<hbm>>
      %dma_wait3A_167 = arith.constant 0 : i32
      %dma_wait3A_168 = tpu.memref_slice %arg10[%mul3A_0, %dma_wait3A_167] : memref<10240x128xf32, #tpu.memory_space<vmem_shared>> -> memref<640x128xf32, #tpu.memory_space<vmem_shared>>
      tpu.wait_dma2 semaphore(%run_scoped3A : memref<!tpu.dma_semaphore, #tpu.memory_space<semaphore_mem>>) src(%dma_wait3A_168 : memref<640x128xf32, #tpu.memory_space<vmem_shared>>) dst(%dma_wait3A_166 : memref<640x128xf32, #tpu.memory_space<hbm>>)
      tpu.yield
    }) : () -> ()
    return
  }
}

#map = affine_map<(d0, d1) -> (0, 0)>
#map1 = affine_map<(d0, d1) -> (0)>
module attributes {stable_mosaic.version = 14 : i64} {
  func.func @deg_kernel(%arg0: i32, %arg1: i32, %arg2: memref<2560x128xi32, #tpu.memory_space<hbm>>, %arg3: memref<2560x128xi32, #tpu.memory_space<hbm>>, %arg4: memref<10240xf32, #tpu.memory_space<hbm>>, %arg5: memref<2x20480xf32, #tpu.memory_space<hbm>>, %arg6: memref<80x128xi32, #tpu.memory_space<vmem>>, %arg7: memref<80x128xi32, #tpu.memory_space<vmem>>, %arg8: memref<128xf32, #tpu.memory_space<vmem>>, %arg9: memref<10240xf32, #tpu.memory_space<vmem_shared>>, %arg10: memref<10240xf32, #tpu.memory_space<vmem_shared>>) attributes {dimension_semantics = [#tpu.dimension_semantics<core_parallel>, #tpu.dimension_semantics<subcore_parallel>], iteration_bounds = array<i64: 2, 16>, scalar_prefetch = 0 : i64, scratch_operands = 5 : i64, tpu.core_type = #tpu.core_type<sc_vector_subcore>, window_params = [{transform_indices = #map}, {transform_indices = #map}, {transform_indices = #map1}, {transform_indices = #map}]} {
    %mul3A = arith.constant 2 : i32
    %mul3A_0 = arith.muli %arg1, %mul3A : i32
    %add3A = arith.addi %mul3A_0, %arg0 : i32
    %broadcast_in_dim3A = arith.constant 1.000000e+00 : f32
    %broadcast_in_dim3A_1 = vector.broadcast %broadcast_in_dim3A : f32 to vector<16xf32>
    %swap3A = arith.constant 0 : index
    %swap3A_2 = tpu.vector_load %arg8[%swap3A] {strides = array<i32>} : memref<128xf32, #tpu.memory_space<vmem>>, vector<16xf32>,
    %swap3A_3 = vector.shape_cast %swap3A_2 : vector<16xf32> to vector<16xf32>
    %swap3A_4 = vector.shape_cast %broadcast_in_dim3A_1 : vector<16xf32> to vector<16xf32>
    tpu.vector_store %arg8[%swap3A], %swap3A_4 {strides = array<i32>} : memref<128xf32, #tpu.memory_space<vmem>>, vector<16xf32>,
    %broadcast_in_dim3A_5 = arith.constant 1.000000e+00 : f32
    %broadcast_in_dim3A_6 = vector.broadcast %broadcast_in_dim3A_5 : f32 to vector<16xf32>
    %swap3A_7 = arith.constant 16 : index
    %swap3A_8 = tpu.vector_load %arg8[%swap3A_7] {strides = array<i32>} : memref<128xf32, #tpu.memory_space<vmem>>, vector<16xf32>,
    %swap3A_9 = vector.shape_cast %swap3A_8 : vector<16xf32> to vector<16xf32>
    %swap3A_10 = vector.shape_cast %broadcast_in_dim3A_6 : vector<16xf32> to vector<16xf32>
    tpu.vector_store %arg8[%swap3A_7], %swap3A_10 {strides = array<i32>} : memref<128xf32, #tpu.memory_space<vmem>>, vector<16xf32>,
    %broadcast_in_dim3A_11 = arith.constant 1.000000e+00 : f32
    %broadcast_in_dim3A_12 = vector.broadcast %broadcast_in_dim3A_11 : f32 to vector<16xf32>
    %swap3A_13 = arith.constant 32 : index
    %swap3A_14 = tpu.vector_load %arg8[%swap3A_13] {strides = array<i32>} : memref<128xf32, #tpu.memory_space<vmem>>, vector<16xf32>,
    %swap3A_15 = vector.shape_cast %swap3A_14 : vector<16xf32> to vector<16xf32>
    %swap3A_16 = vector.shape_cast %broadcast_in_dim3A_12 : vector<16xf32> to vector<16xf32>
    tpu.vector_store %arg8[%swap3A_13], %swap3A_16 {strides = array<i32>} : memref<128xf32, #tpu.memory_space<vmem>>, vector<16xf32>,
    %broadcast_in_dim3A_17 = arith.constant 1.000000e+00 : f32
    %broadcast_in_dim3A_18 = vector.broadcast %broadcast_in_dim3A_17 : f32 to vector<16xf32>
    %swap3A_19 = arith.constant 48 : index
    %swap3A_20 = tpu.vector_load %arg8[%swap3A_19] {strides = array<i32>} : memref<128xf32, #tpu.memory_space<vmem>>, vector<16xf32>,
    %swap3A_21 = vector.shape_cast %swap3A_20 : vector<16xf32> to vector<16xf32>
    %swap3A_22 = vector.shape_cast %broadcast_in_dim3A_18 : vector<16xf32> to vector<16xf32>
    tpu.vector_store %arg8[%swap3A_19], %swap3A_22 {strides = array<i32>} : memref<128xf32, #tpu.memory_space<vmem>>, vector<16xf32>,
    %broadcast_in_dim3A_23 = arith.constant 1.000000e+00 : f32
    %broadcast_in_dim3A_24 = vector.broadcast %broadcast_in_dim3A_23 : f32 to vector<16xf32>
    %swap3A_25 = arith.constant 64 : index
    %swap3A_26 = tpu.vector_load %arg8[%swap3A_25] {strides = array<i32>} : memref<128xf32, #tpu.memory_space<vmem>>, vector<16xf32>,
    %swap3A_27 = vector.shape_cast %swap3A_26 : vector<16xf32> to vector<16xf32>
    %swap3A_28 = vector.shape_cast %broadcast_in_dim3A_24 : vector<16xf32> to vector<16xf32>
    tpu.vector_store %arg8[%swap3A_25], %swap3A_28 {strides = array<i32>} : memref<128xf32, #tpu.memory_space<vmem>>, vector<16xf32>,
    %broadcast_in_dim3A_29 = arith.constant 1.000000e+00 : f32
    %broadcast_in_dim3A_30 = vector.broadcast %broadcast_in_dim3A_29 : f32 to vector<16xf32>
    %swap3A_31 = arith.constant 80 : index
    %swap3A_32 = tpu.vector_load %arg8[%swap3A_31] {strides = array<i32>} : memref<128xf32, #tpu.memory_space<vmem>>, vector<16xf32>,
    %swap3A_33 = vector.shape_cast %swap3A_32 : vector<16xf32> to vector<16xf32>
    %swap3A_34 = vector.shape_cast %broadcast_in_dim3A_30 : vector<16xf32> to vector<16xf32>
    tpu.vector_store %arg8[%swap3A_31], %swap3A_34 {strides = array<i32>} : memref<128xf32, #tpu.memory_space<vmem>>, vector<16xf32>,
    %broadcast_in_dim3A_35 = arith.constant 1.000000e+00 : f32
    %broadcast_in_dim3A_36 = vector.broadcast %broadcast_in_dim3A_35 : f32 to vector<16xf32>
    %swap3A_37 = arith.constant 96 : index
    %swap3A_38 = tpu.vector_load %arg8[%swap3A_37] {strides = array<i32>} : memref<128xf32, #tpu.memory_space<vmem>>, vector<16xf32>,
    %swap3A_39 = vector.shape_cast %swap3A_38 : vector<16xf32> to vector<16xf32>
    %swap3A_40 = vector.shape_cast %broadcast_in_dim3A_36 : vector<16xf32> to vector<16xf32>
    tpu.vector_store %arg8[%swap3A_37], %swap3A_40 {strides = array<i32>} : memref<128xf32, #tpu.memory_space<vmem>>, vector<16xf32>,
    %broadcast_in_dim3A_41 = arith.constant 1.000000e+00 : f32
    %broadcast_in_dim3A_42 = vector.broadcast %broadcast_in_dim3A_41 : f32 to vector<16xf32>
    %swap3A_43 = arith.constant 112 : index
    %swap3A_44 = tpu.vector_load %arg8[%swap3A_43] {strides = array<i32>} : memref<128xf32, #tpu.memory_space<vmem>>, vector<16xf32>,
    %swap3A_45 = vector.shape_cast %swap3A_44 : vector<16xf32> to vector<16xf32>
    %swap3A_46 = vector.shape_cast %broadcast_in_dim3A_42 : vector<16xf32> to vector<16xf32>
    tpu.vector_store %arg8[%swap3A_43], %swap3A_46 {strides = array<i32>} : memref<128xf32, #tpu.memory_space<vmem>>, vector<16xf32>,
    %mul3A_47 = arith.constant 640 : i32
    %mul3A_48 = arith.muli %arg1, %mul3A_47 : i32
    "tpu.region"() ({
      %run_scoped3A = tpu.sem_alloc : memref<!tpu.dma_semaphore, #tpu.memory_space<semaphore_mem>>
      %dma_start3A = tpu.memref_slice %arg9[%mul3A_48] : memref<10240xf32, #tpu.memory_space<vmem_shared>> -> memref<640xf32, #tpu.memory_space<vmem_shared>>
      %dma_start3A_59 = tpu.memref_slice %arg4[%mul3A_48] : memref<10240xf32, #tpu.memory_space<hbm>> -> memref<640xf32, #tpu.memory_space<hbm>>
      tpu.enqueue_dma source(%dma_start3A_59 : memref<640xf32, #tpu.memory_space<hbm>>) target(%dma_start3A : memref<640xf32, #tpu.memory_space<vmem_shared>>) target_semaphore(%run_scoped3A : memref<!tpu.dma_semaphore, #tpu.memory_space<semaphore_mem>>)
      %dma_wait3A = tpu.memref_slice %arg9[%mul3A_48] : memref<10240xf32, #tpu.memory_space<vmem_shared>> -> memref<640xf32, #tpu.memory_space<vmem_shared>>
      %dma_wait3A_60 = tpu.memref_slice %arg4[%mul3A_48] : memref<10240xf32, #tpu.memory_space<hbm>> -> memref<640xf32, #tpu.memory_space<hbm>>
      tpu.wait_dma2 semaphore(%run_scoped3A : memref<!tpu.dma_semaphore, #tpu.memory_space<semaphore_mem>>) src(%dma_wait3A_60 : memref<640xf32, #tpu.memory_space<hbm>>) dst(%dma_wait3A : memref<640xf32, #tpu.memory_space<vmem_shared>>)
      tpu.yield
    }) : () -> ()
    "tpu.region"() ({
      %run_scoped3A = tpu.sem_alloc : memref<!tpu.dma_semaphore, #tpu.memory_space<semaphore_mem>>
      %dma_start3A = tpu.memref_slice %arg10[%mul3A_48] : memref<10240xf32, #tpu.memory_space<vmem_shared>> -> memref<640xf32, #tpu.memory_space<vmem_shared>>
      %dma_start3A_59 = tpu.memref_slice %arg4[%mul3A_48] : memref<10240xf32, #tpu.memory_space<hbm>> -> memref<640xf32, #tpu.memory_space<hbm>>
      tpu.enqueue_dma source(%dma_start3A_59 : memref<640xf32, #tpu.memory_space<hbm>>) target(%dma_start3A : memref<640xf32, #tpu.memory_space<vmem_shared>>) target_semaphore(%run_scoped3A : memref<!tpu.dma_semaphore, #tpu.memory_space<semaphore_mem>>)
      %dma_wait3A = tpu.memref_slice %arg10[%mul3A_48] : memref<10240xf32, #tpu.memory_space<vmem_shared>> -> memref<640xf32, #tpu.memory_space<vmem_shared>>
      %dma_wait3A_60 = tpu.memref_slice %arg4[%mul3A_48] : memref<10240xf32, #tpu.memory_space<hbm>> -> memref<640xf32, #tpu.memory_space<hbm>>
      tpu.wait_dma2 semaphore(%run_scoped3A : memref<!tpu.dma_semaphore, #tpu.memory_space<semaphore_mem>>) src(%dma_wait3A_60 : memref<640xf32, #tpu.memory_space<hbm>>) dst(%dma_wait3A : memref<640xf32, #tpu.memory_space<vmem_shared>>)
      tpu.yield
    }) : () -> ()
    %mul3A_49 = arith.constant 80 : i32
    %mul3A_50 = arith.muli %add3A, %mul3A_49 : i32
    "tpu.region"() ({
      %run_scoped3A = tpu.sem_alloc : memref<!tpu.dma_semaphore, #tpu.memory_space<semaphore_mem>>
      %dma_start3A = arith.constant 0 : i32
      %dma_start3A_59 = tpu.memref_slice %arg2[%mul3A_50, %dma_start3A] : memref<2560x128xi32, #tpu.memory_space<hbm>> -> memref<80x128xi32, #tpu.memory_space<hbm>>
      %dma_start3A_60 = arith.constant 0 : i32
      %dma_start3A_61 = tpu.memref_slice %arg2[%mul3A_50, %dma_start3A_60] : memref<2560x128xi32, #tpu.memory_space<hbm>> -> memref<80x128xi32, #tpu.memory_space<hbm>>
      tpu.enqueue_dma source(%dma_start3A_61 : memref<80x128xi32, #tpu.memory_space<hbm>>) target(%arg6 : memref<80x128xi32, #tpu.memory_space<vmem>>) target_semaphore(%run_scoped3A : memref<!tpu.dma_semaphore, #tpu.memory_space<semaphore_mem>>)
      %dma_wait3A = arith.constant 0 : i32
      %dma_wait3A_62 = tpu.memref_slice %arg2[%mul3A_50, %dma_wait3A] : memref<2560x128xi32, #tpu.memory_space<hbm>> -> memref<80x128xi32, #tpu.memory_space<hbm>>
      %dma_wait3A_63 = arith.constant 0 : i32
      %dma_wait3A_64 = tpu.memref_slice %arg2[%mul3A_50, %dma_wait3A_63] : memref<2560x128xi32, #tpu.memory_space<hbm>> -> memref<80x128xi32, #tpu.memory_space<hbm>>
      tpu.wait_dma2 semaphore(%run_scoped3A : memref<!tpu.dma_semaphore, #tpu.memory_space<semaphore_mem>>) src(%dma_wait3A_64 : memref<80x128xi32, #tpu.memory_space<hbm>>) dst(%arg6 : memref<80x128xi32, #tpu.memory_space<vmem>>)
      tpu.yield
    }) : () -> ()
    "tpu.region"() ({
      %run_scoped3A = tpu.sem_alloc : memref<!tpu.dma_semaphore, #tpu.memory_space<semaphore_mem>>
      %dma_start3A = arith.constant 0 : i32
      %dma_start3A_59 = tpu.memref_slice %arg3[%mul3A_50, %dma_start3A] : memref<2560x128xi32, #tpu.memory_space<hbm>> -> memref<80x128xi32, #tpu.memory_space<hbm>>
      %dma_start3A_60 = arith.constant 0 : i32
      %dma_start3A_61 = tpu.memref_slice %arg3[%mul3A_50, %dma_start3A_60] : memref<2560x128xi32, #tpu.memory_space<hbm>> -> memref<80x128xi32, #tpu.memory_space<hbm>>
      tpu.enqueue_dma source(%dma_start3A_61 : memref<80x128xi32, #tpu.memory_space<hbm>>) target(%arg7 : memref<80x128xi32, #tpu.memory_space<vmem>>) target_semaphore(%run_scoped3A : memref<!tpu.dma_semaphore, #tpu.memory_space<semaphore_mem>>)
      %dma_wait3A = arith.constant 0 : i32
      %dma_wait3A_62 = tpu.memref_slice %arg3[%mul3A_50, %dma_wait3A] : memref<2560x128xi32, #tpu.memory_space<hbm>> -> memref<80x128xi32, #tpu.memory_space<hbm>>
      %dma_wait3A_63 = arith.constant 0 : i32
      %dma_wait3A_64 = tpu.memref_slice %arg3[%mul3A_50, %dma_wait3A_63] : memref<2560x128xi32, #tpu.memory_space<hbm>> -> memref<80x128xi32, #tpu.memory_space<hbm>>
      tpu.wait_dma2 semaphore(%run_scoped3A : memref<!tpu.dma_semaphore, #tpu.memory_space<semaphore_mem>>) src(%dma_wait3A_64 : memref<80x128xi32, #tpu.memory_space<hbm>>) dst(%arg7 : memref<80x128xi32, #tpu.memory_space<vmem>>)
      tpu.yield
    }) : () -> ()
    %barrier3A = arith.constant 0 : index
    tpu.barrier barrier_id(%barrier3A)
    %scan3A = arith.constant 0 : i32
    %scan3A_51 = arith.constant 0 : i32
    %scan3A_52 = arith.constant 80 : i32
    %scan3A_53 = arith.addi %scan3A_51, %scan3A_52 : i32
    %scan3A_54 = arith.constant 1 : i32
    scf.for %scan3A_59 = %scan3A_51 to %scan3A_53 step %scan3A_54  : i32 {
      "tpu.region"() ({
        %run_scoped3A = tpu.sem_alloc : memref<!tpu.dma_semaphore, #tpu.memory_space<semaphore_mem>>
        %dma_start3A = arith.constant 0 : i32
        %dma_start3A_60 = tpu.memref_slice %arg6[%scan3A_59, %dma_start3A] : memref<80x128xi32, #tpu.memory_space<vmem>> -> memref<1x128xi32, #tpu.memory_space<vmem>>
        %dma_start3A_61 = tpu.memref_squeeze %dma_start3A_60 : memref<1x128xi32, #tpu.memory_space<vmem>> -> memref<128xi32, #tpu.memory_space<vmem>>
        %dma_start3A_62 = arith.constant 0 : i32
        %dma_start3A_63 = tpu.memref_slice %arg9[%dma_start3A_62] : memref<10240xf32, #tpu.memory_space<vmem_shared>> -> memref<10240xf32, #tpu.memory_space<vmem_shared>>
        tpu.enqueue_indirect_dma source(%arg8 : memref<128xf32, #tpu.memory_space<vmem>>) target(%dma_start3A_63 : memref<10240xf32, #tpu.memory_space<vmem_shared>>) offsets(%dma_start3A_61 : memref<128xi32, #tpu.memory_space<vmem>>) semaphore(%run_scoped3A : memref<!tpu.dma_semaphore, #tpu.memory_space<semaphore_mem>>) {add = true}
        %dma_wait3A = arith.constant 0 : i32
        %dma_wait3A_64 = tpu.memref_slice %arg6[%scan3A_59, %dma_wait3A] : memref<80x128xi32, #tpu.memory_space<vmem>> -> memref<1x128xi32, #tpu.memory_space<vmem>>
        %dma_wait3A_65 = tpu.memref_squeeze %dma_wait3A_64 : memref<1x128xi32, #tpu.memory_space<vmem>> -> memref<128xi32, #tpu.memory_space<vmem>>
        %dma_wait3A_66 = arith.constant 0 : i32
        %dma_wait3A_67 = tpu.memref_slice %arg9[%dma_wait3A_66] : memref<10240xf32, #tpu.memory_space<vmem_shared>> -> memref<10240xf32, #tpu.memory_space<vmem_shared>>
        tpu.wait_indirect_dma semaphore(%run_scoped3A : memref<!tpu.dma_semaphore, #tpu.memory_space<semaphore_mem>>) src(%arg8 : memref<128xf32, #tpu.memory_space<vmem>>) dst(%dma_wait3A_67 : memref<10240xf32, #tpu.memory_space<vmem_shared>>)
        tpu.yield
      }) : () -> ()
      "tpu.region"() ({
        %run_scoped3A = tpu.sem_alloc : memref<!tpu.dma_semaphore, #tpu.memory_space<semaphore_mem>>
        %dma_start3A = arith.constant 0 : i32
        %dma_start3A_60 = tpu.memref_slice %arg7[%scan3A_59, %dma_start3A] : memref<80x128xi32, #tpu.memory_space<vmem>> -> memref<1x128xi32, #tpu.memory_space<vmem>>
        %dma_start3A_61 = tpu.memref_squeeze %dma_start3A_60 : memref<1x128xi32, #tpu.memory_space<vmem>> -> memref<128xi32, #tpu.memory_space<vmem>>
        %dma_start3A_62 = arith.constant 0 : i32
        %dma_start3A_63 = tpu.memref_slice %arg10[%dma_start3A_62] : memref<10240xf32, #tpu.memory_space<vmem_shared>> -> memref<10240xf32, #tpu.memory_space<vmem_shared>>
        tpu.enqueue_indirect_dma source(%arg8 : memref<128xf32, #tpu.memory_space<vmem>>) target(%dma_start3A_63 : memref<10240xf32, #tpu.memory_space<vmem_shared>>) offsets(%dma_start3A_61 : memref<128xi32, #tpu.memory_space<vmem>>) semaphore(%run_scoped3A : memref<!tpu.dma_semaphore, #tpu.memory_space<semaphore_mem>>) {add = true}
        %dma_wait3A = arith.constant 0 : i32
        %dma_wait3A_64 = tpu.memref_slice %arg7[%scan3A_59, %dma_wait3A] : memref<80x128xi32, #tpu.memory_space<vmem>> -> memref<1x128xi32, #tpu.memory_space<vmem>>
        %dma_wait3A_65 = tpu.memref_squeeze %dma_wait3A_64 : memref<1x128xi32, #tpu.memory_space<vmem>> -> memref<128xi32, #tpu.memory_space<vmem>>
        %dma_wait3A_66 = arith.constant 0 : i32
        %dma_wait3A_67 = tpu.memref_slice %arg10[%dma_wait3A_66] : memref<10240xf32, #tpu.memory_space<vmem_shared>> -> memref<10240xf32, #tpu.memory_space<vmem_shared>>
        tpu.wait_indirect_dma semaphore(%run_scoped3A : memref<!tpu.dma_semaphore, #tpu.memory_space<semaphore_mem>>) src(%arg8 : memref<128xf32, #tpu.memory_space<vmem>>) dst(%dma_wait3A_67 : memref<10240xf32, #tpu.memory_space<vmem_shared>>)
        tpu.yield
      }) : () -> ()
    }
    %scan3A_55 = arith.constant 80 : i32
    %barrier3A_56 = arith.constant 0 : index
    tpu.barrier barrier_id(%barrier3A_56)
    "tpu.region"() ({
      %run_scoped3A = tpu.sem_alloc : memref<!tpu.dma_semaphore, #tpu.memory_space<semaphore_mem>>
      %dma_start3A = tpu.memref_slice %arg5[%arg0, %mul3A_48] : memref<2x20480xf32, #tpu.memory_space<hbm>> -> memref<1x640xf32, #tpu.memory_space<hbm>>
      %dma_start3A_59 = tpu.memref_squeeze %dma_start3A : memref<1x640xf32, #tpu.memory_space<hbm>> -> memref<640xf32, #tpu.memory_space<hbm>>
      %dma_start3A_60 = tpu.memref_slice %arg9[%mul3A_48] : memref<10240xf32, #tpu.memory_space<vmem_shared>> -> memref<640xf32, #tpu.memory_space<vmem_shared>>
      tpu.enqueue_dma source(%dma_start3A_60 : memref<640xf32, #tpu.memory_space<vmem_shared>>) target(%dma_start3A_59 : memref<640xf32, #tpu.memory_space<hbm>>) target_semaphore(%run_scoped3A : memref<!tpu.dma_semaphore, #tpu.memory_space<semaphore_mem>>)
      %dma_wait3A = tpu.memref_slice %arg5[%arg0, %mul3A_48] : memref<2x20480xf32, #tpu.memory_space<hbm>> -> memref<1x640xf32, #tpu.memory_space<hbm>>
      %dma_wait3A_61 = tpu.memref_squeeze %dma_wait3A : memref<1x640xf32, #tpu.memory_space<hbm>> -> memref<640xf32, #tpu.memory_space<hbm>>
      %dma_wait3A_62 = tpu.memref_slice %arg9[%mul3A_48] : memref<10240xf32, #tpu.memory_space<vmem_shared>> -> memref<640xf32, #tpu.memory_space<vmem_shared>>
      tpu.wait_dma2 semaphore(%run_scoped3A : memref<!tpu.dma_semaphore, #tpu.memory_space<semaphore_mem>>) src(%dma_wait3A_62 : memref<640xf32, #tpu.memory_space<vmem_shared>>) dst(%dma_wait3A_61 : memref<640xf32, #tpu.memory_space<hbm>>)
      tpu.yield
    }) : () -> ()
    %add3A_57 = arith.constant 10240 : i32
    %add3A_58 = arith.addi %add3A_57, %mul3A_48 : i32
    "tpu.region"() ({
      %run_scoped3A = tpu.sem_alloc : memref<!tpu.dma_semaphore, #tpu.memory_space<semaphore_mem>>
      %dma_start3A = tpu.memref_slice %arg5[%arg0, %add3A_58] : memref<2x20480xf32, #tpu.memory_space<hbm>> -> memref<1x640xf32, #tpu.memory_space<hbm>>
      %dma_start3A_59 = tpu.memref_squeeze %dma_start3A : memref<1x640xf32, #tpu.memory_space<hbm>> -> memref<640xf32, #tpu.memory_space<hbm>>
      %dma_start3A_60 = tpu.memref_slice %arg10[%mul3A_48] : memref<10240xf32, #tpu.memory_space<vmem_shared>> -> memref<640xf32, #tpu.memory_space<vmem_shared>>
      tpu.enqueue_dma source(%dma_start3A_60 : memref<640xf32, #tpu.memory_space<vmem_shared>>) target(%dma_start3A_59 : memref<640xf32, #tpu.memory_space<hbm>>) target_semaphore(%run_scoped3A : memref<!tpu.dma_semaphore, #tpu.memory_space<semaphore_mem>>)
      %dma_wait3A = tpu.memref_slice %arg5[%arg0, %add3A_58] : memref<2x20480xf32, #tpu.memory_space<hbm>> -> memref<1x640xf32, #tpu.memory_space<hbm>>
      %dma_wait3A_61 = tpu.memref_squeeze %dma_wait3A : memref<1x640xf32, #tpu.memory_space<hbm>> -> memref<640xf32, #tpu.memory_space<hbm>>
      %dma_wait3A_62 = tpu.memref_slice %arg10[%mul3A_48] : memref<10240xf32, #tpu.memory_space<vmem_shared>> -> memref<640xf32, #tpu.memory_space<vmem_shared>>
      tpu.wait_dma2 semaphore(%run_scoped3A : memref<!tpu.dma_semaphore, #tpu.memory_space<semaphore_mem>>) src(%dma_wait3A_62 : memref<640xf32, #tpu.memory_space<vmem_shared>>) dst(%dma_wait3A_61 : memref<640xf32, #tpu.memory_space<hbm>>)
      tpu.yield
    }) : () -> ()
    return
  }
}

module attributes {stable_mosaic.version = 14 : i64} {
  func.func @body(%arg0: memref<10000x128xf32, #tpu.memory_space<vmem>>, %arg1: memref<4x10240xf32, #tpu.memory_space<vmem>>, %arg2: memref<10240x128xf32, #tpu.memory_space<vmem>>, %arg3: memref<10240x1xf32, #tpu.memory_space<vmem>>, %arg4: memref<10240x1xf32, #tpu.memory_space<vmem>>) attributes {dimension_semantics = [], scalar_prefetch = 0 : i64, scratch_operands = 0 : i64, tpu.core_type = #tpu.core_type<tc>} {
    %get3A = arith.constant 0 : index
    %get3A_0 = arith.constant 0 : index
    %get3A_1 = vector.load %arg1[%get3A, %get3A_0] : memref<4x10240xf32, #tpu.memory_space<vmem>>, vector<4x10240xf32>
    %slice3A = vector.extract_strided_slice %get3A_1 {offsets = [0, 0], sizes = [1, 10000], strides = [1, 1]} : vector<4x10240xf32> to vector<1x10000xf32>
    %squeeze3A = vector.shape_cast %slice3A : vector<1x10000xf32> to vector<10000xf32>
    %slice3A_2 = vector.extract_strided_slice %get3A_1 {offsets = [2, 0], sizes = [1, 10000], strides = [1, 1]} : vector<4x10240xf32> to vector<1x10000xf32>
    %squeeze3A_3 = vector.shape_cast %slice3A_2 : vector<1x10000xf32> to vector<10000xf32>
    %add3A = arith.addf %squeeze3A, %squeeze3A_3 : vector<10000xf32>
    %slice3A_4 = vector.extract_strided_slice %get3A_1 {offsets = [1, 0], sizes = [1, 10000], strides = [1, 1]} : vector<4x10240xf32> to vector<1x10000xf32>
    %squeeze3A_5 = vector.shape_cast %slice3A_4 : vector<1x10000xf32> to vector<10000xf32>
    %slice3A_6 = vector.extract_strided_slice %get3A_1 {offsets = [3, 0], sizes = [1, 10000], strides = [1, 1]} : vector<4x10240xf32> to vector<1x10000xf32>
    %squeeze3A_7 = vector.shape_cast %slice3A_6 : vector<1x10000xf32> to vector<10000xf32>
    %add3A_8 = arith.addf %squeeze3A_5, %squeeze3A_7 : vector<10000xf32>
    %gt3A = arith.constant 0.000000e+00 : f32
    %gt3A_9 = vector.broadcast %gt3A : f32 to vector<10000xf32>
    %gt3A_10 = arith.cmpf ogt, %add3A, %gt3A_9 : vector<10000xf32>
    %max3A = arith.constant 9.99999996E-13 : f32
    %max3A_11 = vector.broadcast %max3A : f32 to vector<10000xf32>
    %max3A_12 = arith.maximumf %add3A, %max3A_11 : vector<10000xf32>
    %rsqrt3A = math.rsqrt %max3A_12 : vector<10000xf32>
    %jit3A = arith.constant 0.000000e+00 : f32
    %broadcast_in_dim3A = vector.broadcast %jit3A : f32 to vector<10000xf32>
    %select_n3A = arith.select %gt3A_10, %rsqrt3A, %broadcast_in_dim3A : vector<10000xi1>, vector<10000xf32>
    %gt3A_13 = arith.constant 0.000000e+00 : f32
    %gt3A_14 = vector.broadcast %gt3A_13 : f32 to vector<10000xf32>
    %gt3A_15 = arith.cmpf ogt, %add3A_8, %gt3A_14 : vector<10000xf32>
    %max3A_16 = arith.constant 9.99999996E-13 : f32
    %max3A_17 = vector.broadcast %max3A_16 : f32 to vector<10000xf32>
    %max3A_18 = arith.maximumf %add3A_8, %max3A_17 : vector<10000xf32>
    %rsqrt3A_19 = math.rsqrt %max3A_18 : vector<10000xf32>
    %jit3A_20 = arith.constant 0.000000e+00 : f32
    %broadcast_in_dim3A_21 = vector.broadcast %jit3A_20 : f32 to vector<10000xf32>
    %select_n3A_22 = arith.select %gt3A_15, %rsqrt3A_19, %broadcast_in_dim3A_21 : vector<10000xi1>, vector<10000xf32>
    %get3A_23 = arith.constant 0 : index
    %get3A_24 = arith.constant 0 : index
    %get3A_25 = vector.load %arg0[%get3A_23, %get3A_24] : memref<10000x128xf32, #tpu.memory_space<vmem>>, vector<10000x128xf32>
    %broadcast_in_dim3A_26 = vector.shape_cast %select_n3A : vector<10000xf32> to vector<10000x1xf32>
    %mul3A = vector.broadcast %broadcast_in_dim3A_26 : vector<10000x1xf32> to vector<10000x128xf32>
    %mul3A_27 = arith.mulf %get3A_25, %mul3A : vector<10000x128xf32>
    %swap3A = arith.constant 0 : index
    %swap3A_28 = arith.constant 0 : index
    %swap3A_29 = vector.load %arg2[%swap3A, %swap3A_28] : memref<10240x128xf32, #tpu.memory_space<vmem>>, vector<10000x128xf32>
    tpu.vector_store %arg2[%swap3A, %swap3A_28], %mul3A_27 {strides = array<i32>} : memref<10240x128xf32, #tpu.memory_space<vmem>>, vector<10000x128xf32>,
    %broadcast_in_dim3A_30 = arith.constant 0.000000e+00 : f32
    %broadcast_in_dim3A_31 = vector.broadcast %broadcast_in_dim3A_30 : f32 to vector<240x128xf32>
    %swap3A_32 = arith.constant 10000 : index
    %swap3A_33 = arith.constant 0 : index
    %swap3A_34 = vector.load %arg2[%swap3A_32, %swap3A_33] : memref<10240x128xf32, #tpu.memory_space<vmem>>, vector<240x128xf32>
    tpu.vector_store %arg2[%swap3A_32, %swap3A_33], %broadcast_in_dim3A_31 {strides = array<i32>} : memref<10240x128xf32, #tpu.memory_space<vmem>>, vector<240x128xf32>,
    %broadcast_in_dim3A_35 = vector.shape_cast %select_n3A : vector<10000xf32> to vector<10000x1xf32>
    %swap3A_36 = arith.constant 0 : index
    %swap3A_37 = arith.constant 0 : index
    %swap3A_38 = vector.load %arg3[%swap3A_36, %swap3A_37] : memref<10240x1xf32, #tpu.memory_space<vmem>>, vector<10000x1xf32>
    tpu.vector_store %arg3[%swap3A_36, %swap3A_37], %broadcast_in_dim3A_35 {strides = array<i32>} : memref<10240x1xf32, #tpu.memory_space<vmem>>, vector<10000x1xf32>,
    %broadcast_in_dim3A_39 = arith.constant 0.000000e+00 : f32
    %broadcast_in_dim3A_40 = vector.broadcast %broadcast_in_dim3A_39 : f32 to vector<240x1xf32>
    %swap3A_41 = arith.constant 10000 : index
    %swap3A_42 = arith.constant 0 : index
    %swap3A_43 = vector.load %arg3[%swap3A_41, %swap3A_42] : memref<10240x1xf32, #tpu.memory_space<vmem>>, vector<240x1xf32>
    tpu.vector_store %arg3[%swap3A_41, %swap3A_42], %broadcast_in_dim3A_40 {strides = array<i32>} : memref<10240x1xf32, #tpu.memory_space<vmem>>, vector<240x1xf32>,
    %broadcast_in_dim3A_44 = vector.shape_cast %select_n3A_22 : vector<10000xf32> to vector<10000x1xf32>
    %swap3A_45 = arith.constant 0 : index
    %swap3A_46 = arith.constant 0 : index
    %swap3A_47 = vector.load %arg4[%swap3A_45, %swap3A_46] : memref<10240x1xf32, #tpu.memory_space<vmem>>, vector<10000x1xf32>
    tpu.vector_store %arg4[%swap3A_45, %swap3A_46], %broadcast_in_dim3A_44 {strides = array<i32>} : memref<10240x1xf32, #tpu.memory_space<vmem>>, vector<10000x1xf32>,
    %broadcast_in_dim3A_48 = arith.constant 0.000000e+00 : f32
    %broadcast_in_dim3A_49 = vector.broadcast %broadcast_in_dim3A_48 : f32 to vector<240x1xf32>
    %swap3A_50 = arith.constant 10000 : index
    %swap3A_51 = arith.constant 0 : index
    %swap3A_52 = vector.load %arg4[%swap3A_50, %swap3A_51] : memref<10240x1xf32, #tpu.memory_space<vmem>>, vector<240x1xf32>
    tpu.vector_store %arg4[%swap3A_50, %swap3A_51], %broadcast_in_dim3A_49 {strides = array<i32>} : memref<10240x1xf32, #tpu.memory_space<vmem>>, vector<240x1xf32>,
    return
  }
}

module attributes {stable_mosaic.version = 14 : i64} {
  func.func @body(%arg0: i32, %arg1: memref<2x1024x128xf32, #tpu.memory_space<vmem>>, %arg2: memref<1024x1xf32, #tpu.memory_space<vmem>>, %arg3: memref<1024x1xf32, #tpu.memory_space<vmem>>, %arg4: memref<128x256xf32, #tpu.memory_space<vmem>>, %arg5: memref<1x256xf32, #tpu.memory_space<vmem>>, %arg6: memref<256x40xf32, #tpu.memory_space<vmem>>, %arg7: memref<1024x40xf32, #tpu.memory_space<vmem>>) attributes {dimension_semantics = [#tpu.dimension_semantics<arbitrary>], iteration_bounds = array<i64: 10>, scalar_prefetch = 0 : i64, scratch_operands = 0 : i64, tpu.core_type = #tpu.core_type<tc>, window_params = [{transform_indices = @transform_0, window_bounds = array<i64: 2, 1024, 128>}, {transform_indices = @transform_1, window_bounds = array<i64: 1024, 1>}, {transform_indices = @transform_2, window_bounds = array<i64: 1024, 1>}, {pipeline_mode = #tpu.pipeline_mode<synchronous>, transform_indices = @transform_3, window_bounds = array<i64: 128, 256>}, {pipeline_mode = #tpu.pipeline_mode<synchronous>, transform_indices = @transform_4, window_bounds = array<i64: 1, 256>}, {pipeline_mode = #tpu.pipeline_mode<synchronous>, transform_indices = @transform_5, window_bounds = array<i64: 256, 40>}, {transform_indices = @transform_6, window_bounds = array<i64: 1024, 40>}]} {
    %get3A = arith.constant 0 : index
    %get3A_0 = arith.constant 0 : index
    %get3A_1 = arith.constant 0 : index
    %get3A_2 = vector.load %arg1[%get3A, %get3A_0, %get3A_1] : memref<2x1024x128xf32, #tpu.memory_space<vmem>>, vector<1x1024x128xf32>
    %get3A_3 = vector.shape_cast %get3A_2 : vector<1x1024x128xf32> to vector<1024x128xf32>
    %get3A_4 = arith.constant 1 : index
    %get3A_5 = arith.constant 0 : index
    %get3A_6 = arith.constant 0 : index
    %get3A_7 = vector.load %arg1[%get3A_4, %get3A_5, %get3A_6] : memref<2x1024x128xf32, #tpu.memory_space<vmem>>, vector<1x1024x128xf32>
    %get3A_8 = vector.shape_cast %get3A_7 : vector<1x1024x128xf32> to vector<1024x128xf32>
    %add3A = arith.addf %get3A_3, %get3A_8 : vector<1024x128xf32>
    %get3A_9 = arith.constant 0 : index
    %get3A_10 = arith.constant 0 : index
    %get3A_11 = vector.load %arg3[%get3A_9, %get3A_10] : memref<1024x1xf32, #tpu.memory_space<vmem>>, vector<1024x1xf32>
    %mul3A = vector.broadcast %get3A_11 : vector<1024x1xf32> to vector<1024x128xf32>
    %mul3A_12 = arith.mulf %add3A, %mul3A : vector<1024x128xf32>
    %get3A_13 = arith.constant 0 : index
    %get3A_14 = arith.constant 0 : index
    %get3A_15 = vector.load %arg4[%get3A_13, %get3A_14] : memref<128x256xf32, #tpu.memory_space<vmem>>, vector<128x256xf32>
    %dot_general3A = arith.constant dense<0.000000e+00> : vector<1024x256xf32>
    %dot_general3A_16 = tpu.matmul %mul3A_12, %get3A_15, %dot_general3A {dimension_numbers = #tpu.dot_dimension_numbers<[1], [0], [0], [1], [0, 0, 1, 1], [], []>, transpose_lhs_hint = false} : vector<1024x128xf32>, vector<128x256xf32>, vector<1024x256xf32> -> vector<1024x256xf32>
    %get3A_17 = arith.constant 0 : index
    %get3A_18 = arith.constant 0 : index
    %get3A_19 = vector.load %arg5[%get3A_17, %get3A_18] : memref<1x256xf32, #tpu.memory_space<vmem>>, vector<1x256xf32>
    %add3A_20 = vector.broadcast %get3A_19 : vector<1x256xf32> to vector<1024x256xf32>
    %add3A_21 = arith.addf %dot_general3A_16, %add3A_20 : vector<1024x256xf32>
    %max3A = arith.constant 0.000000e+00 : f32
    %max3A_22 = vector.broadcast %max3A : f32 to vector<1024x256xf32>
    %max3A_23 = arith.maximumf %add3A_21, %max3A_22 : vector<1024x256xf32>
    %get3A_24 = arith.constant 0 : index
    %get3A_25 = arith.constant 0 : index
    %get3A_26 = vector.load %arg2[%get3A_24, %get3A_25] : memref<1024x1xf32, #tpu.memory_space<vmem>>, vector<1024x1xf32>
    %mul3A_27 = vector.broadcast %get3A_26 : vector<1024x1xf32> to vector<1024x256xf32>
    %mul3A_28 = arith.mulf %max3A_23, %mul3A_27 : vector<1024x256xf32>
    %get3A_29 = arith.constant 0 : index
    %get3A_30 = arith.constant 0 : index
    %get3A_31 = vector.load %arg6[%get3A_29, %get3A_30] : memref<256x40xf32, #tpu.memory_space<vmem>>, vector<256x40xf32>
    %dot_general3A_32 = arith.constant dense<0.000000e+00> : vector<1024x40xf32>
    %dot_general3A_33 = tpu.matmul %mul3A_28, %get3A_31, %dot_general3A_32 {dimension_numbers = #tpu.dot_dimension_numbers<[1], [0], [0], [1], [0, 0, 1, 1], [], []>, transpose_lhs_hint = false} : vector<1024x256xf32>, vector<256x40xf32>, vector<1024x40xf32> -> vector<1024x40xf32>
    %swap3A = arith.constant 0 : index
    %swap3A_34 = arith.constant 0 : index
    %swap3A_35 = vector.load %arg7[%swap3A, %swap3A_34] : memref<1024x40xf32, #tpu.memory_space<vmem>>, vector<1024x40xf32>
    tpu.vector_store %arg7[%swap3A, %swap3A_34], %dot_general3A_33 {strides = array<i32>} : memref<1024x40xf32, #tpu.memory_space<vmem>>, vector<1024x40xf32>,
    return
  }
  func.func @transform_0(%arg0: i32) -> (i32, i32, i32) {
    %c0_i32 = arith.constant 0 : i32
    %c0_i32_0 = arith.constant 0 : i32
    %c0_i32_1 = arith.constant 0 : i32
    return %c0_i32, %arg0, %c0_i32_0 : i32, i32, i32
  }
  func.func @transform_1(%arg0: i32) -> (i32, i32) {
    %c0_i32 = arith.constant 0 : i32
    %c0_i32_0 = arith.constant 0 : i32
    return %arg0, %c0_i32 : i32, i32
  }
  func.func @transform_2(%arg0: i32) -> (i32, i32) {
    %c0_i32 = arith.constant 0 : i32
    %c0_i32_0 = arith.constant 0 : i32
    return %arg0, %c0_i32 : i32, i32
  }
  func.func @transform_3(%arg0: i32) -> (i32, i32) {
    %c0_i32 = arith.constant 0 : i32
    %c0_i32_0 = arith.constant 0 : i32
    %c0_i32_1 = arith.constant 0 : i32
    return %c0_i32, %c0_i32_0 : i32, i32
  }
  func.func @transform_4(%arg0: i32) -> (i32, i32) {
    %c0_i32 = arith.constant 0 : i32
    %c0_i32_0 = arith.constant 0 : i32
    %c0_i32_1 = arith.constant 0 : i32
    return %c0_i32, %c0_i32_0 : i32, i32
  }
  func.func @transform_5(%arg0: i32) -> (i32, i32) {
    %c0_i32 = arith.constant 0 : i32
    %c0_i32_0 = arith.constant 0 : i32
    %c0_i32_1 = arith.constant 0 : i32
    return %c0_i32, %c0_i32_0 : i32, i32
  }
  func.func @transform_6(%arg0: i32) -> (i32, i32) {
    %c0_i32 = arith.constant 0 : i32
    %c0_i32_0 = arith.constant 0 : i32
    return %arg0, %c0_i32 : i32, i32
  }
}

module attributes {stable_mosaic.version = 14 : i64} {
  func.func @body(%arg0: i32, %arg1: memref<2x1000x40xf32, #tpu.memory_space<vmem>>, %arg2: memref<1000x1xf32, #tpu.memory_space<vmem>>, %arg3: memref<1x40xf32, #tpu.memory_space<vmem>>, %arg4: memref<1000x40xf32, #tpu.memory_space<vmem>>) attributes {dimension_semantics = [#tpu.dimension_semantics<arbitrary>], iteration_bounds = array<i64: 10>, scalar_prefetch = 0 : i64, scratch_operands = 0 : i64, tpu.core_type = #tpu.core_type<tc>, window_params = [{transform_indices = @transform_0, window_bounds = array<i64: 2, 1000, 40>}, {transform_indices = @transform_1, window_bounds = array<i64: 1000, 1>}, {pipeline_mode = #tpu.pipeline_mode<synchronous>, transform_indices = @transform_2, window_bounds = array<i64: 1, 40>}, {transform_indices = @transform_3, window_bounds = array<i64: 1000, 40>}]} {
    %get3A = arith.constant 0 : index
    %get3A_0 = arith.constant 0 : index
    %get3A_1 = arith.constant 0 : index
    %get3A_2 = vector.load %arg1[%get3A, %get3A_0, %get3A_1] : memref<2x1000x40xf32, #tpu.memory_space<vmem>>, vector<1x1000x40xf32>
    %get3A_3 = vector.shape_cast %get3A_2 : vector<1x1000x40xf32> to vector<1000x40xf32>
    %get3A_4 = arith.constant 1 : index
    %get3A_5 = arith.constant 0 : index
    %get3A_6 = arith.constant 0 : index
    %get3A_7 = vector.load %arg1[%get3A_4, %get3A_5, %get3A_6] : memref<2x1000x40xf32, #tpu.memory_space<vmem>>, vector<1x1000x40xf32>
    %get3A_8 = vector.shape_cast %get3A_7 : vector<1x1000x40xf32> to vector<1000x40xf32>
    %add3A = arith.addf %get3A_3, %get3A_8 : vector<1000x40xf32>
    %get3A_9 = arith.constant 0 : index
    %get3A_10 = arith.constant 0 : index
    %get3A_11 = vector.load %arg2[%get3A_9, %get3A_10] : memref<1000x1xf32, #tpu.memory_space<vmem>>, vector<1000x1xf32>
    %mul3A = vector.broadcast %get3A_11 : vector<1000x1xf32> to vector<1000x40xf32>
    %mul3A_12 = arith.mulf %add3A, %mul3A : vector<1000x40xf32>
    %get3A_13 = arith.constant 0 : index
    %get3A_14 = arith.constant 0 : index
    %get3A_15 = vector.load %arg3[%get3A_13, %get3A_14] : memref<1x40xf32, #tpu.memory_space<vmem>>, vector<1x40xf32>
    %add3A_16 = vector.broadcast %get3A_15 : vector<1x40xf32> to vector<1000x40xf32>
    %add3A_17 = arith.addf %mul3A_12, %add3A_16 : vector<1000x40xf32>
    %swap3A = arith.constant 0 : index
    %swap3A_18 = arith.constant 0 : index
    %swap3A_19 = vector.load %arg4[%swap3A, %swap3A_18] : memref<1000x40xf32, #tpu.memory_space<vmem>>, vector<1000x40xf32>
    tpu.vector_store %arg4[%swap3A, %swap3A_18], %add3A_17 {strides = array<i32>} : memref<1000x40xf32, #tpu.memory_space<vmem>>, vector<1000x40xf32>,
    return
  }
  func.func @transform_0(%arg0: i32) -> (i32, i32, i32) {
    %c0_i32 = arith.constant 0 : i32
    %c0_i32_0 = arith.constant 0 : i32
    %c0_i32_1 = arith.constant 0 : i32
    return %c0_i32, %arg0, %c0_i32_0 : i32, i32, i32
  }
  func.func @transform_1(%arg0: i32) -> (i32, i32) {
    %c0_i32 = arith.constant 0 : i32
    %c0_i32_0 = arith.constant 0 : i32
    return %arg0, %c0_i32 : i32, i32
  }
  func.func @transform_2(%arg0: i32) -> (i32, i32) {
    %c0_i32 = arith.constant 0 : i32
    %c0_i32_0 = arith.constant 0 : i32
    %c0_i32_1 = arith.constant 0 : i32
    return %c0_i32, %c0_i32_0 : i32, i32
  }
  func.func @transform_3(%arg0: i32) -> (i32, i32) {
    %c0_i32 = arith.constant 0 : i32
    %c0_i32_0 = arith.constant 0 : i32
    return %arg0, %c0_i32 : i32, i32
  }
}

</mosaic_0001>

<sc_bundles>
// kernel: kernel.11.cloned.1.call-start
scs
__scs_entry_jumppad:
0x0: {  	(pc) =	sbr.rel $0x88, $3  }
0x1: {  	(tag) =	ssettag $0x0;
	lr =	simm.s32 $0x1  }
0x2: {  	[smem:$0x3F9B] =	sst lr;
	_ =	strace $0xD0000000  }
0x3: {  	_ = 	snop  }
0x4: {  	_ = 	snop  }
0x5: {  	_ = 	snop  }
0x6: {  	_ = 	snop  }
0x7: {  	_ = 	snop  }
__scs_overlays_trampoline_lowered:
0x8: {  	[smem:$0x3FAA] =	sst s0  }
0x9: {  	[smem:$0x3FAB] =	sst s1  }
0xa: {  	[smem:$0x3FAC] =	sst s2  }
0xb: {  	[smem:$0x3FAD] =	sst s3  }
0xc: {  	[smem:$0x3FAE] =	sst s4  }
0xd: {  	[smem:$0x3FAF] =	sst s5  }
0xe: {  	[smem:$0x3FB0] =	sst s6  }
0xf: {  	[smem:$0x3FB1] =	sst s7  }
0x10: {  	[smem:$0x3FB2] =	sst s8  }
0x11: {  	[smem:$0x3FB3] =	sst s9;
	s0 =	simm.s32 @!p0 $0x0  }
0x12: {  	s1 =	sld [smem:$0x3F99];
	s0 =	simm.s32 @p0 $0x1  }
0x13: {  	[smem:$0x3FB4] =	sst s0;
	s0 =	simm.s32 @!p1 $0x0  }
0x14: {  	s2 =	sld [smem:$0x3F98];
	s0 =	simm.s32 @p1 $0x1  }
0x15: {  	[smem:$0x3FB5] =	sst s0;
	s0 =	simm.s32 @!p2 $0x0  }
0x16: {  	s3 =	sld [smem:$0x3FDB];
	s0 =	simm.s32 @p2 $0x1  }
0x17: {  	s4 =	simm.s32 $0x1BF5;
	[smem:$0x3FB7] =	sst s0  }
0x18: {  	s0 =	sld [smem:$0x3F9A];
	_ =	swait.ge [sflag:s4], $0x0  }
0x19: {  	s7 =	sld [smem:$0x3F9B]  }
0x1a: {  	s8 =	sadd.s32 $0xFFFFE003, lr  }
0x1b: {  	s9 =	sadd.s32 $0xFFFFFEF7, lr;
	s5 =	simm.s32 $0xFFFFFFFF;
	p2 =	slt.u32 s8, $0xFFFFF086  }
0x1c: {  	p1 =	slt.u32 s9, $0xF7A;
	s5 =	simm.s32 @!p2 $0x0  }
0x1d: {  	s5 =	simm.s32 @p1 $0x1;
	p0 =	seq.s32 s7, s2  }
0x1e: {  	s7 =	smul.u32 @!p0 $0xF7A, s2;
	p2 =	seq.s32 @!p0 s5, $0x0  }
0x1f: {  	s9 =	smul.u32 $0xF7A, s1;
	s8 =	simm.s32 @!p0 $0x1BF5;
	p2 =	por !p2, p0  }
0x20: {  	[sflag:s8] =	ssyncset.s32 @!p0 $0xFFFFF086;
	s6 =	sadd.s32 @!p0 s3, s7;
	s7 =	simm.s32 @!p0 $0x108  }
0x21: {  	s3 =	sadd.s32 s3, s9;
	s6 =	sadd.s32 @!p0 $0x88, s6;
	s7 =	simm.s32 @p2 $0x1082  }
0x22: {  	[simem:s7], [sflag:s8] =	dma.local @!p0 [hbm:s6], $0xF7A  }
0x23: {  	s9 =	sor.u32 $0xD0000000, s2;
	s6 =	simm.s32 $0x108;
	_ =	swait.ge @!p0 [sflag:s8], $0x0  }
0x24: {  	s3 =	sadd.s32 $0x88, s3;
	s6 =	simm.s32 @!p1 $0x1082;
	[sflag:s4] =	ssyncset.s32 $0xFFFFF086  }
0x25: {  	[simem:s6], [sflag:s4] =	dma.local [hbm:s3], $0xF7A  }
0x26: {  	[smem:$0x3F9B] =	sst s1;
	(tag) =	ssettag s2;
	_ =	strace s9  }
0x27: {  	s1 =	sld [smem:$0x3FAB]  }
0x28: {  	s2 =	sld [smem:$0x3FAC]  }
0x29: {  	s4 =	sld [smem:$0x3FAE]  }
0x2a: {  	p0 =	seq.s32 s5, $0x0;
	s5 =	sld [smem:$0x3FAF]  }
0x2b: {  	s6 =	sld [smem:$0x3FB0]  }
0x2c: {  	s7 =	sld [smem:$0x3FB1]  }
0x2d: {  	s3 =	simm.s32 $0x108;
	s8 =	sld [smem:$0x3FB2]  }
0x2e: {  	s3 =	simm.s32 @!p0 $0x1082;
	s9 =	sld [smem:$0x3FB3]  }
0x2f: {  	lr =	sadd.s32 s0, s3;
	s0 =	sld [smem:$0x3FAA]  }
0x30: {  	s3 =	sld [smem:$0x3FAD]  }
0x31: {  	[smem:$0x3FB6] =	sst s10  }
0x32: {  	s10 =	sld [smem:$0x3FB4];
	_ =	sdelay $0x3  }
0x33: {  	p0 =	seq.s32 s10, $0x1;
	s10 =	sld [smem:$0x3FB6];
	_ =	sdelay $0x3  }
0x34: {  	[smem:$0x3FB6] =	sst s10  }
0x35: {  	s10 =	sld [smem:$0x3FB5];
	_ =	sdelay $0x3  }
0x36: {  	p1 =	seq.s32 s10, $0x1;
	s10 =	sld [smem:$0x3FB6];
	_ =	sdelay $0x3  }
0x37: {  	[smem:$0x3FB6] =	sst s10  }
0x38: {  	s10 =	sld [smem:$0x3FB7]  }
0x39: {  	_ = 	snop;
	(pc) =	sbr.ind lr, $3  }
0x3a: {  	_ = 	snop  }
0x3b: {  	_ = 	snop  }
0x3c: {  	p2 =	seq.s32 s10, $0x1;
	s10 =	sld [smem:$0x3FB6]  }
0x3d: {  	_ =	shalt  }
0x3e: {  	_ =	shalt  }
0x3f: {  	_ =	shalt  }
0x40: {  	_ =	shalt  }
0x41: {  	_ =	shalt  }
0x42: {  	_ =	shalt  }
0x43: {  	_ =	shalt  }
0x44: {  	_ =	shalt  }
0x45: {  	_ =	shalt  }
0x46: {  	_ =	shalt  }
0x47: {  	_ =	shalt  }
0x48: {  	_ =	shalt  }
0x49: {  	_ =	shalt  }
0x4a: {  	_ =	shalt  }
0x4b: {  	_ =	shalt  }
0x4c: {  	_ =	shalt  }
0x4d: {  	_ =	shalt  }
0x4e: {  	_ =	shalt  }
0x4f: {  	_ =	shalt  }
0x50: {  	_ =	shalt  }
0x51: {  	_ =	shalt  }
0x52: {  	_ =	shalt  }
0x53: {  	_ =	shalt  }
0x54: {  	_ =	shalt  }
0x55: {  	_ =	shalt  }
0x56: {  	_ =	shalt  }
0x57: {  	_ =	shalt  }
0x58: {  	_ =	shalt  }
0x59: {  	_ =	shalt  }
0x5a: {  	_ =	shalt  }
0x5b: {  	_ =	shalt  }
0x5c: {  	_ =	shalt  }
0x5d: {  	_ =	shalt  }
0x5e: {  	_ =	shalt  }
0x5f: {  	_ =	shalt  }
0x60: {  	_ =	shalt  }
0x61: {  	_ =	shalt  }
0x62: {  	_ =	shalt  }
0x63: {  	_ =	shalt  }
0x64: {  	_ =	shalt  }
0x65: {  	_ =	shalt  }
0x66: {  	_ =	shalt  }
0x67: {  	_ =	shalt  }
0x68: {  	_ =	shalt  }
0x69: {  	_ =	shalt  }
0x6a: {  	_ =	shalt  }
0x6b: {  	_ =	shalt  }
0x6c: {  	_ =	shalt  }
0x6d: {  	_ =	shalt  }
0x6e: {  	_ =	shalt  }
0x6f: {  	_ =	shalt  }
0x70: {  	_ =	shalt  }
0x71: {  	_ =	shalt  }
0x72: {  	_ =	shalt  }
0x73: {  	_ =	shalt  }
0x74: {  	_ =	shalt  }
0x75: {  	_ =	shalt  }
0x76: {  	_ =	shalt  }
0x77: {  	_ =	shalt  }
0x78: {  	_ =	shalt  }
0x79: {  	_ =	shalt  }
0x7a: {  	_ =	shalt  }
0x7b: {  	_ =	shalt  }
0x7c: {  	_ =	shalt  }
0x7d: {  	_ =	shalt  }
0x7e: {  	_ =	shalt  }
0x7f: {  	_ =	shalt  }
0x80: {  	_ =	shalt  }
0x81: {  	_ =	shalt  }
0x82: {  	_ =	shalt  }
0x83: {  	_ =	shalt  }
0x84: {  	_ =	shalt  }
0x85: {  	_ =	shalt  }
0x86: {  	_ =	shalt  }
0x87: {  	_ =	shalt  }
.Lfunc_end0:
.L_simem_size_0:
called_computation.1_lowered:
.L_overlay_start_0:
0x88: {  	s2 =	sld [smem:$0x3FD9]  }
0x89: {  	s3 =	sld [smem:$0x3FFE];
	_ =	sdelay $0x1  }
0x8a: {  	s1 =	srdreg.scid  }
0x8b: {  	s0 =	sand.u32 $0x1, s1  }
0x8c: {  	s17 =	sshll.u32 s0, $0xA;
	s2 =	sadd.s32 s3, s2  }
0x8d: {  	s2 =	sadd.s32 s2, s17  }
0x8e: {  	[smem:$0x3FC2] =	sst s2  }
0x8f: {  	_ = 	snop  }
0x90: {  	s2 =	sld [smem:$0x3FD0];
	(tm) =	ssettm $0x1  }
0x91: {  	s18 =	sld [smem:$0x3FFB];
	_ =	sdelay $0x3  }
0x92: {  	_ =	strace s18  }
0x93: {  	s3 =	sld [smem:$0x3FFC];
	_ =	sdelay $0x3  }
0x94: {  	_ =	strace s3  }
0x95: {  	s3 =	sld [smem:$0x3FFD];
	_ =	sdelay $0x3  }
0x96: {  	_ =	strace s3  }
0x97: {  	_ =	strace $0x8FFFFFFF  }
0x98: {  	s19 =	sld [smem:$0x3FDB];
	_ =	sdelay $0x1  }
0x99: {  	s4 =	simm.s32 $_scs_section_size  }
0x9a: {  	s5 =	simm.s32 $_size__tile_overlayer_lowered;
	s6 =	simm.s32 $_tile_overlayer_lowered  }
0x9b: {  	s22 =	simm.s32 $0x1BFF;
	s21 =	sshll.u32 s6, $0x1;
	s3 =	sadd.s32 s4, s19  }
0x9c: {  	s7 =	simm.s32 $0x0;
	s20 =	sshll.u32 s5, $0x1;
	s5 =	sadd.s32 s21, s3  }
0x9d: {  	[timem:s7], [sflag:s22] =	dma.local [hbm:s5], s20  }
0x9e: {  	_ =	swait.ge [sflag:s22], s20  }
0x9f: {  	s4 =	ssub.s32 $0x0, s20;
	[sflag:s22] =	ssyncset.done $0x0  }
0xa0: {  	[sflag:s22] =	ssyncadd.s32 s4;
	_ =	sdelay $0x1  }
0xa1: {  	s23 =	simm.s32 $0x1B8B  }
0xa2: {  	_ =	swait.ge [sflag:s23], $0x1  }
0xa3: {  	[sflag:s23] =	ssyncset.done $0x0  }
0xa4: {  	s25 =	simm.s32 $0x1B8E;
	s24 =	sld [smem:$0x3FFE];
	[sflag:s23] =	ssyncadd.s32 $0xFFFFFFFF  }
0xa5: {  	s26 =	simm.s32 $execute0_lowered;
	[smem:$0x3FD2] =	sst s25  }
0xa6: {  	s5 =	sshll.u32 s26, $0x1;
	_ =	strace $0x80000049;
	[dreg:$0x1] =	wrdreg $0xFFFFFFFF  }
0xa7: {  	s28 =	simm.s32 $_size_execute0_lowered;
	s3 =	sadd.s32 s3, s5;
	[dreg:$0x0] =	wrdreg $0x0  }
0xa8: {  	s5 =	sshll.u32 s28, $0x1;
	[dreg:$0x2] =	wrdreg s3  }
0xa9: {  	[dreg:$0x3] =	wrdreg s5  }
0xaa: {  	[dreg:$0x4] =	wrdreg $0xC0  }
0xab: {  	_ =	task [dreg:s7], $0x5FFFF  }
0xac: {  	[dreg:$0x1] =	wrdreg $0xFFFFFFFF  }
0xad: {  	[dreg:$0x0] =	wrdreg $0x60  }
0xae: {  	[dreg:$0x2] =	wrdreg s24  }
0xaf: {  	[dreg:$0x3] =	wrdreg s2  }
0xb0: {  	[dreg:$0x4] =	wrdreg $0xBE000  }
0xb1: {  	[dreg:$0x5] =	wrdreg $0x9  }
0xb2: {  	_ =	task.clear_ibuf [dreg:s7], $0x6FFFF;
	_ =	strace $0x90000049  }
0xb3: {  	s29 =	simm.s32 $0x9;
	_ =	strace $0x8000004B  }
0xb4: {  	_ =	swait.ge [sflag:s29], $0x1  }
0xb5: {  	[sflag:s29] =	ssyncadd.s32 $0xFFFFFFFF  }
0xb6: {  	_ =	strace $0x9000004B  }
0xb7: {  	_ =	sfence  }
0xb8: {  	s30 =	sld [smem:$0x0];
	_ =	sdelay $0x2  }
0xb9: {  	s31 =	sshll.u32 s1, $0xD;
	s1 =	sshrl.u32 s1, $0x2  }
0xba: {  	s3 =	sand.u32 $0x4000, s31;
	s1 =	sadd.s32 s1, s30  }
0xbb: {  	s0 =	sor.u32 s3, s0;
	s1 =	sshll.u32 s1, $0x11  }
0xbc: {  	s0 =	sor.u32 s1, s0  }
0xbd: {  	s0 =	sadd.s32 $0x8F2B, s0  }
0xbe: {  	[sflag:s0] =	ssyncadd.remote.s32 $0x1  }
0xbf: {  	_ =	sfence.sel $0xFFFF  }
0xc0: {  	[dreg:$0x0] =	wrdreg $0xFFFFFFFF;
	(pc) =	sbr.abs _section_cstart, $3  }
0xc1: {  	[dreg:$0x1] =	wrdreg $0xFFFFFFFF  }
0xc2: {  	_ =	task.clear_ibuf [dreg:s7], $0x2FFFF;
	_ =	strace $0x9FFFFFFF  }
0xc3: {  	(tm) =	ssettm $0x7FFFFFFF  }
tec
execute0_lowered:
.L_overlay_start_1:
0x0: {  	(tag) =	ssettag $0x1  }
0x1: {  	s0 =	rddreg [dreg:$0x0]  }
0x2: {  	s1 =	rddreg [dreg:$0x1]  }
0x3: {  	s11 =	stileid.u32;
	s2 =	rddreg [dreg:$0x2]  }
0x4: {  	s4 =	srdreg.scid;
	s3 =	smul.u32 $0x28, s11  }
0x5: {  	s19 =	simm.s32 $0x80;
	s17 =	sand.u32 $0x1, s4;
	s4 =	smul.u32 $0x78, s11  }
0x6: {  	s28 =	simm.s32 $0x2;
	s29 =	simm.s32 $0x0;
	s6 =	smul.u32 $0x14000, s11  }
0x7: {  	s21 =	sshll.u32 s11, $0x6;
	s22 =	smul.u32 $0x780, s11;
	p0 =	seq.s32 s17, $0x0  }
0x8: {  	s7 =	smul.u32 $0x140000, s17;
	s9 =	ssub.s32 $0x2, s17;
	s8 =	sadd.s32 $0x780, s3  }
0x9: {  	s3 =	simm.s32 $0x0;
	s20 =	sshrl.u32 s6, $0x3;
	s10 =	sshrl.u32 s9, $0x1  }
0xa: {  	s18 =	sadd.s32 s6, s2;
	s5 =	smov.u32 s8;
	[smem:$0x7FF] =	sst s3  }
0xb: {  	s7 =	sadd.s32 s6, s7;
	s15 =	ssub.s32 s9, s10;
	s6 =	sor.u32 $0x1C07, s21  }
0xc: {  	s8 =	sshll.u32 s8, $0x4;
	s5 =	smov.u32 @p0 s4;
	_ =	strace $0x8000004A  }
0xd: {  	s4 =	sadd.s32 $0xC200, s0;
	s7 =	sshrl.u32 s7, $0x3;
	s23 =	sadd.s32 s1, s8  }
0xe: {  	s1 =	sadd.s32 s1, s22;
	s15 =	smax.u32 s15, $0x1;
	[dreg:$0xa] =	wrdreg s23  }
0xf: {  	s22 =	simm.s32 $0x3;
	s5 =	sshll.u32 s5, $0x4;
	[dreg:$0xb] =	wrdreg s1  }
0x10: {  	s23 =	simm.s32 $0x3E00;
	s16 =	sadd.s32 s5, s0;
	s5 =	sadd.s32 s20, s0  }
0x11: {  	s0 =	sadd.s32 s7, s0;
	s7 =	simm.s32 $0x78;
	s5 =	sadd.s32 $0x34200, s5  }
0x12: {  	s7 =	simm.s32 @!p0 $0x28;
	s10 =	sadd.s32 $0x2200, s16;
	s11 =	sadd.s32 $0x2210, s16  }
0x13: {  	s12 =	sadd.s32 $0x2220, s16;
	[dreg:$0x9] =	wrdreg s5;
	s24 =	sadd.s32 $0xFFFFFFFC, s7  }
0x14: {  	s13 =	sadd.s32 $0x2230, s16;
	s25 =	sadd.s32 $0xFFFFFFFB, s7;
	[dreg:$0x4] =	wrdreg s24  }
0x15: {  	s14 =	sadd.s32 $0x5C200, s0;
	s26 =	sadd.s32 $0xFFFFFFFA, s7;
	[dreg:$0x5] =	wrdreg s25  }
0x16: {  	s16 =	sadd.s32 $0x2270, s16;
	s30 =	sadd.s32 $0xFFFFFFF9, s7;
	[dreg:$0x6] =	wrdreg s26  }
0x17: {  	p0 =	sne.s32 s17, $0x0;
	s31 =	sshll.u32 s7, $0x9;
	[dreg:$0x7] =	wrdreg s30  }
0x18: {  	s17 =	sshrl.u32 s18, $0x3;
	s18 =	simm.s32 $0x7;
	[dreg:$0x8] =	wrdreg s31  }
0x19: {  	s24 =	simm.s32 $0x4;
	s25 =	simm.s32 $0x7E00;
	s26 =	simm.s32 $0x1  }
.LBB2_1:
0x1a: {  	s0 =	rddreg [dreg:$0x9]  }
0x1b: {  	[spmem:s17], [sflag:s6] =	dma.local [hbm:s0], $0x2800  }
0x1c: {  	_ =	swait.ge [sflag:s18], $0x2800  }
0x1d: {  	s1 =	simm.s32 @p0 $0x200;
	[sflag:s18] =	ssyncset.done $0x0  }
0x1e: {  	s0 =	simm.s32 @p0 $0x0;
	s5 =	rddreg [dreg:$0xa];
	[sflag:s18] =	ssyncadd.s32 $0xFFFFD800  }
0x1f: {  	[tilespmem:s1], [sflag:$0x7] =	stream.linear.gather @p0 [hbm4b:s5+s0], $0x1400, $0x38;
	[tilespmem:$0x1FE00] =	vst v63  }
0x20: {  	s0 =	simm.s32 @p0 $0x7  }
0x21: {  	_ =	swait.ge @p0 [sflag:s0], $0x1400  }
0x22: {  	s1 =	simm.s32 @!p0 $0x200;
	[sflag:s0] =	ssyncset.done @p0 $0x0  }
0x23: {  	s5 =	rddreg [dreg:$0xb];
	[sflag:s0] =	ssyncadd.s32 @p0 $0xFFFFEC00;
	s0 =	simm.s32 @!p0 $0x0  }
0x24: {  	[tilespmem:s1], [sflag:$0x7] =	stream.linear.gather @!p0 [hbm4b:s5+s0], $0x3C00, $0x38;
	[tilespmem:$0x1FE00] =	vst v63  }
0x25: {  	s0 =	simm.s32 @!p0 $0x7  }
0x26: {  	_ =	swait.ge @!p0 [sflag:s0], $0x3C00  }
0x27: {  	[sflag:s0] =	ssyncset.done @!p0 $0x0  }
0x28: {  	[sflag:s0] =	ssyncadd.s32 @!p0 $0xFFFFC400  }
0x29: {  	[tilespmem:s3], [sflag:$0x3] =	stream.linear.gather [hbm4b:s10+s3], $0x80, $0x38;
	[tilespmem:$0x1FE00] =	vst v63  }
0x2a: {  	_ = 	snop  }
0x2b: {  	[tilespmem:s19], [sflag:$0x4] =	stream.linear.gather [hbm4b:s11+s3], $0x80, $0x38;
	[tilespmem:$0x1FE00] =	vst v63  }
0x2c: {  	s20 =	simm.s32 $0x100  }
0x2d: {  	[tilespmem:s20], [sflag:$0x5] =	stream.linear.gather [hbm4b:s12+s3], $0x80, $0x38;
	[tilespmem:$0x1FE00] =	vst v63  }
0x2e: {  	s21 =	simm.s32 $0x180  }
0x2f: {  	[tilespmem:s21], [sflag:$0x6] =	stream.linear.gather [hbm4b:s13+s3], $0x80, $0x38;
	[tilespmem:$0x1FE00] =	vst v63  }
0x30: {  	[bflag:$0x0] =	sbarrier.arrive $0xFFFF  }
0x31: {  	_ =	swait.ge [sflag:s22], $0x80  }
0x32: {  	[sflag:s22] =	ssyncset.done $0x0  }
0x33: {  	[sflag:s22] =	ssyncadd.s32 $0xFFFFFF80  }
0x34: {  	[tilespmem:s23], [sflag:$0x1] =	stream.indirect.gather [hbm4b:s4+s19], $0x80, s3, s19, $0xb8;
	[tilespmem:$0x1FE00] =	vst v63  }
0x35: {  	_ =	swait.ge [sflag:s24], $0x80  }
0x36: {  	s30 =	smov.u32 s16;
	[sflag:s24] =	ssyncset.done $0x0  }
0x37: {  	s31 =	simm.s32 $0x0;
	s1 =	simm.s32 $0x0;
	[sflag:s24] =	ssyncadd.s32 $0xFFFFFF80  }
0x38: {  	[tilespmem:s25], [sflag:$0x2] =	stream.indirect.gather [hbm4b:s4+s19], $0x80, s19, s19, $0xb8;
	[tilespmem:$0x1FE00] =	vst v63  }
.LBB2_2:
0x39: {  	_ =	swait.ge [sflag:s26], $0x4000  }
0x3a: {  	s0 =	sshra.s32 s1, $0x2;
	[sflag:s26] =	ssyncset.done $0x0  }
0x3b: {  	s20 =	sadd.s32 $0x200, s0;
	[sflag:s26] =	ssyncadd.s32 $0xFFFFC000  }
0x3c: {  	[spmem:s2] =	stream.indirect.scatter.add.f32 [tilespmem:s23], [sflag:$0x7], $0x80, s20, s19, $0xb8;
	[tilespmem:$0x1FE00] =	vst v63  }
0x3d: {  	s8 =	sadd.s32 $0x2, s31;
	_ =	swait.ge [sflag:s18], $0x4000  }
0x3e: {  	p1 =	sge.u32 s8, s7;
	[sflag:s18] =	ssyncset.done $0x0  }
0x3f: {  	s20 =	simm.s32 @!p1 $0x5;
	[sflag:s18] =	ssyncadd.s32 $0xFFFFC000  }
0x40: {  	_ =	swait.ge @!p1 [sflag:s20], $0x80  }
0x41: {  	s21 =	simm.s32 @!p1 $0x80;
	s5 =	simm.s32 @!p1 $0x100;
	[sflag:s20] =	ssyncset.done @!p1 $0x0  }
0x42: {  	s8 =	simm.s32 @!p1 $0x3E00;
	s9 =	rddreg [dreg:$0x4];
	[sflag:s20] =	ssyncadd.s32 @!p1 $0xFFFFFF80  }
0x43: {  	[tilespmem:s8], [sflag:$0x1] =	stream.indirect.gather @!p1 [hbm4b:s4+s21], $0x80, s5, s21, $0xb8;
	[tilespmem:$0x1FE00] =	vst v63  }
0x44: {  	p1 =	sge.u32 s31, s9  }
0x45: {  	s5 =	sadd.s32 @!p1 $0xFFFFFFD0, s30;
	s8 =	simm.s32 @!p1 $0x0  }
0x46: {  	[tilespmem:s8], [sflag:$0x3] =	stream.linear.gather @!p1 [hbm4b:s5+s8], $0x80, $0x38;
	[tilespmem:$0x1FE00] =	vst v63  }
0x47: {  	_ =	swait.ge [sflag:s28], $0x4000  }
0x48: {  	[sflag:s28] =	ssyncset.done $0x0  }
0x49: {  	s9 =	sadd.s32 $0x280, s0;
	[sflag:s28] =	ssyncadd.s32 $0xFFFFC000  }
0x4a: {  	[spmem:s2] =	stream.indirect.scatter.add.f32 [tilespmem:s25], [sflag:$0x7], $0x80, s9, s19, $0xb8;
	[tilespmem:$0x1FE00] =	vst v63  }
0x4b: {  	s20 =	sadd.s32 $0x3, s31;
	_ =	swait.ge [sflag:s18], $0x4000  }
0x4c: {  	p2 =	sge.u32 s20, s7;
	[sflag:s18] =	ssyncset.done $0x0  }
0x4d: {  	s5 =	simm.s32 @!p2 $0x6;
	[sflag:s18] =	ssyncadd.s32 $0xFFFFC000  }
0x4e: {  	_ =	swait.ge @!p2 [sflag:s5], $0x80  }
0x4f: {  	s20 =	simm.s32 @!p2 $0x80;
	s21 =	simm.s32 @!p2 $0x180;
	[sflag:s5] =	ssyncset.done @!p2 $0x0  }
0x50: {  	s9 =	simm.s32 @!p2 $0x7E00;
	[sflag:s5] =	ssyncadd.s32 @!p2 $0xFFFFFF80;
	s5 =	rddreg [dreg:$0x5]  }
0x51: {  	[tilespmem:s9], [sflag:$0x2] =	stream.indirect.gather @!p2 [hbm4b:s4+s20], $0x80, s21, s20, $0xb8;
	[tilespmem:$0x1FE00] =	vst v63  }
0x52: {  	p2 =	sge.u32 s31, s5  }
0x53: {  	s5 =	sadd.s32 @!p2 $0xFFFFFFE0, s30;
	s9 =	simm.s32 @!p2 $0x0;
	s20 =	simm.s32 @!p2 $0x80  }
0x54: {  	[tilespmem:s20], [sflag:$0x4] =	stream.linear.gather @!p2 [hbm4b:s5+s9], $0x80, $0x38;
	[tilespmem:$0x1FE00] =	vst v63  }
0x55: {  	_ =	swait.ge [sflag:s26], $0x4000  }
0x56: {  	[sflag:s26] =	ssyncset.done $0x0  }
0x57: {  	s21 =	sadd.s32 $0x300, s0;
	[sflag:s26] =	ssyncadd.s32 $0xFFFFC000  }
0x58: {  	[spmem:s2] =	stream.indirect.scatter.add.f32 [tilespmem:s23], [sflag:$0x7], $0x80, s21, s19, $0xb8;
	[tilespmem:$0x1FE00] =	vst v63  }
0x59: {  	_ =	swait.ge [sflag:s18], $0x4000  }
0x5a: {  	[sflag:s18] =	ssyncset.done $0x0  }
0x5b: {  	s5 =	simm.s32 @!p1 $0x3;
	[sflag:s18] =	ssyncadd.s32 $0xFFFFC000  }
0x5c: {  	_ =	swait.ge @!p1 [sflag:s5], $0x80  }
0x5d: {  	s21 =	simm.s32 @!p1 $0x3E00;
	[sflag:s5] =	ssyncset.done @!p1 $0x0  }
0x5e: {  	s9 =	rddreg [dreg:$0x6];
	[sflag:s5] =	ssyncadd.s32 @!p1 $0xFFFFFF80;
	s5 =	simm.s32 @!p1 $0x80  }
0x5f: {  	[tilespmem:s21], [sflag:$0x1] =	stream.indirect.gather @!p1 [hbm4b:s4+s5], $0x80, s8, s5, $0xb8;
	[tilespmem:$0x1FE00] =	vst v63  }
0x60: {  	p1 =	sge.u32 s31, s9  }
0x61: {  	s5 =	sadd.s32 @!p1 $0xFFFFFFF0, s30;
	s8 =	simm.s32 @!p1 $0x0;
	s9 =	simm.s32 @!p1 $0x100  }
0x62: {  	[tilespmem:s9], [sflag:$0x5] =	stream.linear.gather @!p1 [hbm4b:s5+s8], $0x80, $0x38;
	[tilespmem:$0x1FE00] =	vst v63  }
0x63: {  	_ =	swait.ge [sflag:s28], $0x4000  }
0x64: {  	[sflag:s28] =	ssyncset.done $0x0  }
0x65: {  	s0 =	sadd.s32 $0x380, s0;
	[sflag:s28] =	ssyncadd.s32 $0xFFFFC000  }
0x66: {  	[spmem:s2] =	stream.indirect.scatter.add.f32 [tilespmem:s25], [sflag:$0x7], $0x80, s0, s19, $0xb8;
	[tilespmem:$0x1FE00] =	vst v63  }
0x67: {  	_ =	swait.ge [sflag:s18], $0x4000  }
0x68: {  	[sflag:s18] =	ssyncset.done $0x0  }
0x69: {  	s0 =	simm.s32 @!p2 $0x4;
	[sflag:s18] =	ssyncadd.s32 $0xFFFFC000  }
0x6a: {  	_ =	swait.ge @!p2 [sflag:s0], $0x80  }
0x6b: {  	s1 =	sadd.s32 $0x800, s1;
	[sflag:s0] =	ssyncset.done @!p2 $0x0;
	s9 =	rddreg [dreg:$0x7]  }
0x6c: {  	[sflag:s0] =	ssyncadd.s32 @!p2 $0xFFFFFF80;
	s0 =	simm.s32 @!p2 $0x7E00;
	p1 =	sge.u32 s31, s9  }
0x6d: {  	[tilespmem:s0], [sflag:$0x2] =	stream.indirect.gather @!p2 [hbm4b:s4+s20], $0x80, s20, s20, $0xb8;
	[tilespmem:$0x1FE00] =	vst v63  }
0x6e: {  	s21 =	rddreg [dreg:$0x8];
	s0 =	simm.s32 @!p1 $0x0;
	s5 =	simm.s32 @!p1 $0x180  }
0x6f: {  	[tilespmem:s5], [sflag:$0x6] =	stream.linear.gather @!p1 [hbm4b:s30+s0], $0x80, $0x38;
	[tilespmem:$0x1FE00] =	vst v63  }
0x70: {  	p1 =	sne.s32 s21, s1  }
.Ltmp0:
0x71: {  	_ = 	snop;
	(pc) =	sbr.rel @p1 .LBB2_2-.Ltmp0, $2  }
0x72: {  	_ =	sdelay $0x2  }
0x73: {  	s31 =	sadd.s32 $0x4, s31;
	s30 =	sadd.s32 $0x40, s30  }
0x74: {  	s29 =	sadd.s32 $0x1, s29  }
0x75: {  	p1 =	sne.s32 s29, s15  }
.Ltmp1:
0x76: {  	[bflag:$0x0] =	sbarrier.arrive $0xFFFF;
	(pc) =	sbr.rel @p1 .LBB2_1-.Ltmp1, $4  }
0x77: {  	[hbm:s14], [sflag:s6] =	dma.local [spmem:s17], $0x2800  }
0x78: {  	_ =	swait.ge [sflag:s18], $0x2800  }
0x79: {  	[sflag:s18] =	ssyncset.done $0x0  }
0x7a: {  	[sflag:s18] =	ssyncadd.s32 $0xFFFFD800  }
0x7b: {  	_ =	sfence.sel $0x180000  }
0x7c: {  	[bflag:$0x0] =	sbarrier.arrive $0xFFFF  }
0x7d: {  	_ =	strace $0x9000004A  }
0x7e: {  	s0 =	stileid.u32;
	[bflag:$0x2] =	sbarrier.arrive $0xFFFF  }
0x7f: {  	p0 =	sne.s32 s0, $0x0;
	s0 =	rddreg [dreg:$0x3]  }
0x80: {  	s0 =	sadd.s32 @!p0 $0x100000, s0  }
0x81: {  	[sflag:s0] =	ssyncadd.tile.s32 @!p0 $0x1;
	_ =	shalt  }
.Lfunc_end2:
_tile_overlayer_lowered:
.L_overlay_start_2:
0x82: {  	(tag) =	ssettag $0x2  }
0x83: {  	s0 =	rddreg [dreg:$0x0];
	s2 =	stileid.u32  }
0x84: {  	s1 =	rddreg [dreg:$0x1];
	p0 =	sne.s32 s2, $0x0  }
0x85: {  	s3 =	rddreg [dreg:$0x2];
	[bflag:$0x3] =	sbarrier.arrive $0xFFFF;
	s2 =	simm.s32 @!p0 $0x1C07  }
0x86: {  	[timem:s3], [sflag:s2] =	dma.local @!p0 [hbm:s0], s1  }
0x87: {  	s0 =	simm.s32 @!p0 $0x7  }
0x88: {  	_ =	swait.ge @!p0 [sflag:s0], s1  }
0x89: {  	s1 =	ssub.s32 @!p0 $0x0, s1;
	[sflag:s0] =	ssyncset.done @!p0 $0x0  }
0x8a: {  	[sflag:s0] =	ssyncadd.s32 @!p0 s1  }
0x8b: {  	[bflag:$0x3] =	sbarrier.arrive $0xFFFF  }
0x8c: {  	_ =	shalt  }

// kernel: kernel.14.cloned.1.call-start
scs
__scs_entry_jumppad:
0x0: {  	(pc) =	sbr.rel $0x88, $3  }
0x1: {  	(tag) =	ssettag $0x0;
	lr =	simm.s32 $0x1  }
0x2: {  	[smem:$0x3F9B] =	sst lr;
	_ =	strace $0xD0000000  }
0x3: {  	_ = 	snop  }
0x4: {  	_ = 	snop  }
0x5: {  	_ = 	snop  }
0x6: {  	_ = 	snop  }
0x7: {  	_ = 	snop  }
__scs_overlays_trampoline_lowered:
0x8: {  	[smem:$0x3FAA] =	sst s0  }
0x9: {  	[smem:$0x3FAB] =	sst s1  }
0xa: {  	[smem:$0x3FAC] =	sst s2  }
0xb: {  	[smem:$0x3FAD] =	sst s3  }
0xc: {  	[smem:$0x3FAE] =	sst s4  }
0xd: {  	[smem:$0x3FAF] =	sst s5  }
0xe: {  	[smem:$0x3FB0] =	sst s6  }
0xf: {  	[smem:$0x3FB1] =	sst s7  }
0x10: {  	[smem:$0x3FB2] =	sst s8  }
0x11: {  	[smem:$0x3FB3] =	sst s9;
	s0 =	simm.s32 @!p0 $0x0  }
0x12: {  	s1 =	sld [smem:$0x3F99];
	s0 =	simm.s32 @p0 $0x1  }
0x13: {  	[smem:$0x3FB4] =	sst s0;
	s0 =	simm.s32 @!p1 $0x0  }
0x14: {  	s2 =	sld [smem:$0x3F98];
	s0 =	simm.s32 @p1 $0x1  }
0x15: {  	[smem:$0x3FB5] =	sst s0;
	s0 =	simm.s32 @!p2 $0x0  }
0x16: {  	s3 =	sld [smem:$0x3FDB];
	s0 =	simm.s32 @p2 $0x1  }
0x17: {  	s4 =	simm.s32 $0x1BF5;
	[smem:$0x3FB7] =	sst s0  }
0x18: {  	s0 =	sld [smem:$0x3F9A];
	_ =	swait.ge [sflag:s4], $0x0  }
0x19: {  	s7 =	sld [smem:$0x3F9B]  }
0x1a: {  	s8 =	sadd.s32 $0xFFFFE003, lr  }
0x1b: {  	s9 =	sadd.s32 $0xFFFFFEF7, lr;
	s5 =	simm.s32 $0xFFFFFFFF;
	p2 =	slt.u32 s8, $0xFFFFF086  }
0x1c: {  	p1 =	slt.u32 s9, $0xF7A;
	s5 =	simm.s32 @!p2 $0x0  }
0x1d: {  	s5 =	simm.s32 @p1 $0x1;
	p0 =	seq.s32 s7, s2  }
0x1e: {  	s7 =	smul.u32 @!p0 $0xF7A, s2;
	p2 =	seq.s32 @!p0 s5, $0x0  }
0x1f: {  	s9 =	smul.u32 $0xF7A, s1;
	s8 =	simm.s32 @!p0 $0x1BF5;
	p2 =	por !p2, p0  }
0x20: {  	[sflag:s8] =	ssyncset.s32 @!p0 $0xFFFFF086;
	s6 =	sadd.s32 @!p0 s3, s7;
	s7 =	simm.s32 @!p0 $0x108  }
0x21: {  	s3 =	sadd.s32 s3, s9;
	s6 =	sadd.s32 @!p0 $0x88, s6;
	s7 =	simm.s32 @p2 $0x1082  }
0x22: {  	[simem:s7], [sflag:s8] =	dma.local @!p0 [hbm:s6], $0xF7A  }
0x23: {  	s9 =	sor.u32 $0xD0000000, s2;
	s6 =	simm.s32 $0x108;
	_ =	swait.ge @!p0 [sflag:s8], $0x0  }
0x24: {  	s3 =	sadd.s32 $0x88, s3;
	s6 =	simm.s32 @!p1 $0x1082;
	[sflag:s4] =	ssyncset.s32 $0xFFFFF086  }
0x25: {  	[simem:s6], [sflag:s4] =	dma.local [hbm:s3], $0xF7A  }
0x26: {  	[smem:$0x3F9B] =	sst s1;
	(tag) =	ssettag s2;
	_ =	strace s9  }
0x27: {  	s1 =	sld [smem:$0x3FAB]  }
0x28: {  	s2 =	sld [smem:$0x3FAC]  }
0x29: {  	s4 =	sld [smem:$0x3FAE]  }
0x2a: {  	p0 =	seq.s32 s5, $0x0;
	s5 =	sld [smem:$0x3FAF]  }
0x2b: {  	s6 =	sld [smem:$0x3FB0]  }
0x2c: {  	s7 =	sld [smem:$0x3FB1]  }
0x2d: {  	s3 =	simm.s32 $0x108;
	s8 =	sld [smem:$0x3FB2]  }
0x2e: {  	s3 =	simm.s32 @!p0 $0x1082;
	s9 =	sld [smem:$0x3FB3]  }
0x2f: {  	lr =	sadd.s32 s0, s3;
	s0 =	sld [smem:$0x3FAA]  }
0x30: {  	s3 =	sld [smem:$0x3FAD]  }
0x31: {  	[smem:$0x3FB6] =	sst s10  }
0x32: {  	s10 =	sld [smem:$0x3FB4];
	_ =	sdelay $0x3  }
0x33: {  	p0 =	seq.s32 s10, $0x1;
	s10 =	sld [smem:$0x3FB6];
	_ =	sdelay $0x3  }
0x34: {  	[smem:$0x3FB6] =	sst s10  }
0x35: {  	s10 =	sld [smem:$0x3FB5];
	_ =	sdelay $0x3  }
0x36: {  	p1 =	seq.s32 s10, $0x1;
	s10 =	sld [smem:$0x3FB6];
	_ =	sdelay $0x3  }
0x37: {  	[smem:$0x3FB6] =	sst s10  }
0x38: {  	s10 =	sld [smem:$0x3FB7]  }
0x39: {  	_ = 	snop;
	(pc) =	sbr.ind lr, $3  }
0x3a: {  	_ = 	snop  }
0x3b: {  	_ = 	snop  }
0x3c: {  	p2 =	seq.s32 s10, $0x1;
	s10 =	sld [smem:$0x3FB6]  }
0x3d: {  	_ =	shalt  }
0x3e: {  	_ =	shalt  }
0x3f: {  	_ =	shalt  }
0x40: {  	_ =	shalt  }
0x41: {  	_ =	shalt  }
0x42: {  	_ =	shalt  }
0x43: {  	_ =	shalt  }
0x44: {  	_ =	shalt  }
0x45: {  	_ =	shalt  }
0x46: {  	_ =	shalt  }
0x47: {  	_ =	shalt  }
0x48: {  	_ =	shalt  }
0x49: {  	_ =	shalt  }
0x4a: {  	_ =	shalt  }
0x4b: {  	_ =	shalt  }
0x4c: {  	_ =	shalt  }
0x4d: {  	_ =	shalt  }
0x4e: {  	_ =	shalt  }
0x4f: {  	_ =	shalt  }
0x50: {  	_ =	shalt  }
0x51: {  	_ =	shalt  }
0x52: {  	_ =	shalt  }
0x53: {  	_ =	shalt  }
0x54: {  	_ =	shalt  }
0x55: {  	_ =	shalt  }
0x56: {  	_ =	shalt  }
0x57: {  	_ =	shalt  }
0x58: {  	_ =	shalt  }
0x59: {  	_ =	shalt  }
0x5a: {  	_ =	shalt  }
0x5b: {  	_ =	shalt  }
0x5c: {  	_ =	shalt  }
0x5d: {  	_ =	shalt  }
0x5e: {  	_ =	shalt  }
0x5f: {  	_ =	shalt  }
0x60: {  	_ =	shalt  }
0x61: {  	_ =	shalt  }
0x62: {  	_ =	shalt  }
0x63: {  	_ =	shalt  }
0x64: {  	_ =	shalt  }
0x65: {  	_ =	shalt  }
0x66: {  	_ =	shalt  }
0x67: {  	_ =	shalt  }
0x68: {  	_ =	shalt  }
0x69: {  	_ =	shalt  }
0x6a: {  	_ =	shalt  }
0x6b: {  	_ =	shalt  }
0x6c: {  	_ =	shalt  }
0x6d: {  	_ =	shalt  }
0x6e: {  	_ =	shalt  }
0x6f: {  	_ =	shalt  }
0x70: {  	_ =	shalt  }
0x71: {  	_ =	shalt  }
0x72: {  	_ =	shalt  }
0x73: {  	_ =	shalt  }
0x74: {  	_ =	shalt  }
0x75: {  	_ =	shalt  }
0x76: {  	_ =	shalt  }
0x77: {  	_ =	shalt  }
0x78: {  	_ =	shalt  }
0x79: {  	_ =	shalt  }
0x7a: {  	_ =	shalt  }
0x7b: {  	_ =	shalt  }
0x7c: {  	_ =	shalt  }
0x7d: {  	_ =	shalt  }
0x7e: {  	_ =	shalt  }
0x7f: {  	_ =	shalt  }
0x80: {  	_ =	shalt  }
0x81: {  	_ =	shalt  }
0x82: {  	_ =	shalt  }
0x83: {  	_ =	shalt  }
0x84: {  	_ =	shalt  }
0x85: {  	_ =	shalt  }
0x86: {  	_ =	shalt  }
0x87: {  	_ =	shalt  }
.Lfunc_end0:
.L_simem_size_0:
called_computation.2_lowered:
.L_overlay_start_0:
0x88: {  	s2 =	sld [smem:$0x3FD9]  }
0x89: {  	s3 =	sld [smem:$0x3FFE];
	_ =	sdelay $0x1  }
0x8a: {  	s1 =	srdreg.scid  }
0x8b: {  	s0 =	sand.u32 $0x1, s1  }
0x8c: {  	s17 =	sshll.u32 s0, $0xA;
	s2 =	sadd.s32 s3, s2  }
0x8d: {  	s2 =	sadd.s32 s2, s17  }
0x8e: {  	[smem:$0x3FC2] =	sst s2  }
0x8f: {  	_ = 	snop  }
0x90: {  	s2 =	sld [smem:$0x3FD0];
	(tm) =	ssettm $0x1  }
0x91: {  	s18 =	sld [smem:$0x3FFB];
	_ =	sdelay $0x3  }
0x92: {  	_ =	strace s18  }
0x93: {  	s3 =	sld [smem:$0x3FFC];
	_ =	sdelay $0x3  }
0x94: {  	_ =	strace s3  }
0x95: {  	s3 =	sld [smem:$0x3FFD];
	_ =	sdelay $0x3  }
0x96: {  	_ =	strace s3  }
0x97: {  	_ =	strace $0x8FFFFFFF  }
0x98: {  	s19 =	sld [smem:$0x3FDB];
	_ =	sdelay $0x1  }
0x99: {  	s4 =	simm.s32 $_scs_section_size  }
0x9a: {  	s5 =	simm.s32 $_size__tile_overlayer_lowered;
	s6 =	simm.s32 $_tile_overlayer_lowered  }
0x9b: {  	s22 =	simm.s32 $0x1BFF;
	s21 =	sshll.u32 s6, $0x1;
	s3 =	sadd.s32 s4, s19  }
0x9c: {  	s7 =	simm.s32 $0x0;
	s20 =	sshll.u32 s5, $0x1;
	s5 =	sadd.s32 s21, s3  }
0x9d: {  	[timem:s7], [sflag:s22] =	dma.local [hbm:s5], s20  }
0x9e: {  	_ =	swait.ge [sflag:s22], s20  }
0x9f: {  	s4 =	ssub.s32 $0x0, s20;
	[sflag:s22] =	ssyncset.done $0x0  }
0xa0: {  	[sflag:s22] =	ssyncadd.s32 s4;
	_ =	sdelay $0x1  }
0xa1: {  	s23 =	simm.s32 $0x1B8B  }
0xa2: {  	_ =	swait.ge [sflag:s23], $0x1  }
0xa3: {  	[sflag:s23] =	ssyncset.done $0x0  }
0xa4: {  	s25 =	simm.s32 $0x1B8E;
	s24 =	sld [smem:$0x3FFE];
	[sflag:s23] =	ssyncadd.s32 $0xFFFFFFFF  }
0xa5: {  	s26 =	simm.s32 $execute0_lowered;
	[smem:$0x3FD2] =	sst s25  }
0xa6: {  	s5 =	sshll.u32 s26, $0x1;
	_ =	strace $0x8000004C;
	[dreg:$0x1] =	wrdreg $0xFFFFFFFF  }
0xa7: {  	s28 =	simm.s32 $_size_execute0_lowered;
	s3 =	sadd.s32 s3, s5;
	[dreg:$0x0] =	wrdreg $0x0  }
0xa8: {  	s5 =	sshll.u32 s28, $0x1;
	[dreg:$0x2] =	wrdreg s3  }
0xa9: {  	[dreg:$0x3] =	wrdreg s5  }
0xaa: {  	[dreg:$0x4] =	wrdreg $0xC0  }
0xab: {  	_ =	task [dreg:s7], $0x5FFFF  }
0xac: {  	[dreg:$0x1] =	wrdreg $0xFFFFFFFF  }
0xad: {  	[dreg:$0x0] =	wrdreg $0x60  }
0xae: {  	[dreg:$0x2] =	wrdreg s24  }
0xaf: {  	[dreg:$0x3] =	wrdreg s2  }
0xb0: {  	[dreg:$0x4] =	wrdreg $0x62000  }
0xb1: {  	[dreg:$0x5] =	wrdreg $0x9  }
0xb2: {  	_ =	task.clear_ibuf [dreg:s7], $0x6FFFF;
	_ =	strace $0x9000004C  }
0xb3: {  	s29 =	simm.s32 $0x9;
	_ =	strace $0x8000004E  }
0xb4: {  	_ =	swait.ge [sflag:s29], $0x1  }
0xb5: {  	[sflag:s29] =	ssyncadd.s32 $0xFFFFFFFF  }
0xb6: {  	_ =	strace $0x9000004E  }
0xb7: {  	_ =	sfence  }
0xb8: {  	s30 =	sld [smem:$0x0];
	_ =	sdelay $0x2  }
0xb9: {  	s31 =	sshll.u32 s1, $0xD;
	s1 =	sshrl.u32 s1, $0x2  }
0xba: {  	s3 =	sand.u32 $0x4000, s31;
	s1 =	sadd.s32 s1, s30  }
0xbb: {  	s0 =	sor.u32 s3, s0;
	s1 =	sshll.u32 s1, $0x11  }
0xbc: {  	s0 =	sor.u32 s1, s0  }
0xbd: {  	s0 =	sadd.s32 $0x8F2B, s0  }
0xbe: {  	[sflag:s0] =	ssyncadd.remote.s32 $0x1  }
0xbf: {  	_ =	sfence.sel $0xFFFF  }
0xc0: {  	[dreg:$0x0] =	wrdreg $0xFFFFFFFF;
	(pc) =	sbr.abs _section_cstart, $3  }
0xc1: {  	[dreg:$0x1] =	wrdreg $0xFFFFFFFF  }
0xc2: {  	_ =	task.clear_ibuf [dreg:s7], $0x2FFFF;
	_ =	strace $0x9FFFFFFF  }
0xc3: {  	(tm) =	ssettm $0x7FFFFFFF  }
tec
execute0_lowered:
.L_overlay_start_1:
0x0: {  	(tag) =	ssettag $0x1  }
0x1: {  	s0 =	rddreg [dreg:$0x0]  }
0x2: {  	s1 =	rddreg [dreg:$0x1]  }
0x3: {  	s11 =	stileid.u32;
	s2 =	rddreg [dreg:$0x2]  }
0x4: {  	s4 =	srdreg.scid;
	s3 =	smul.u32 $0x30, s11  }
0x5: {  	s19 =	simm.s32 $0x80;
	s17 =	sand.u32 $0x1, s4;
	s4 =	smul.u32 $0x70, s11  }
0x6: {  	s28 =	simm.s32 $0x2;
	s29 =	simm.s32 $0x0;
	s6 =	smul.u32 $0x6400, s11  }
0x7: {  	s21 =	sshll.u32 s11, $0x6;
	s22 =	smul.u32 $0x700, s11;
	p0 =	seq.s32 s17, $0x0  }
0x8: {  	s7 =	smul.u32 $0x64000, s17;
	s9 =	ssub.s32 $0x2, s17;
	s8 =	sadd.s32 $0x700, s3  }
0x9: {  	s3 =	simm.s32 $0x0;
	s20 =	sshrl.u32 s6, $0x3;
	s10 =	sshrl.u32 s9, $0x1  }
0xa: {  	s18 =	sadd.s32 s6, s2;
	s5 =	smov.u32 s8;
	[smem:$0x7FF] =	sst s3  }
0xb: {  	s7 =	sadd.s32 s6, s7;
	s15 =	ssub.s32 s9, s10;
	s6 =	sor.u32 $0x1C07, s21  }
0xc: {  	s8 =	sshll.u32 s8, $0x4;
	s5 =	smov.u32 @p0 s4;
	_ =	strace $0x8000004D  }
0xd: {  	s4 =	sadd.s32 $0xC200, s0;
	s7 =	sshrl.u32 s7, $0x3;
	s23 =	sadd.s32 s1, s8  }
0xe: {  	s1 =	sadd.s32 s1, s22;
	s15 =	smax.u32 s15, $0x1;
	[dreg:$0xa] =	wrdreg s23  }
0xf: {  	s22 =	simm.s32 $0x3;
	s5 =	sshll.u32 s5, $0x4;
	[dreg:$0xb] =	wrdreg s1  }
0x10: {  	s23 =	simm.s32 $0x3A00;
	s16 =	sadd.s32 s5, s0;
	s5 =	sadd.s32 s20, s0  }
0x11: {  	s0 =	sadd.s32 s7, s0;
	s7 =	simm.s32 $0x70;
	s5 =	sadd.s32 $0x18A00, s5  }
0x12: {  	s7 =	simm.s32 @!p0 $0x30;
	s10 =	sadd.s32 $0x2200, s16;
	s11 =	sadd.s32 $0x2210, s16  }
0x13: {  	s12 =	sadd.s32 $0x2220, s16;
	[dreg:$0x9] =	wrdreg s5;
	s24 =	sadd.s32 $0xFFFFFFFC, s7  }
0x14: {  	s13 =	sadd.s32 $0x2230, s16;
	s25 =	sadd.s32 $0xFFFFFFFB, s7;
	[dreg:$0x4] =	wrdreg s24  }
0x15: {  	s14 =	sadd.s32 $0x25200, s0;
	s26 =	sadd.s32 $0xFFFFFFFA, s7;
	[dreg:$0x5] =	wrdreg s25  }
0x16: {  	s16 =	sadd.s32 $0x2270, s16;
	s30 =	sadd.s32 $0xFFFFFFF9, s7;
	[dreg:$0x6] =	wrdreg s26  }
0x17: {  	p0 =	sne.s32 s17, $0x0;
	s31 =	sshll.u32 s7, $0x9;
	[dreg:$0x7] =	wrdreg s30  }
0x18: {  	s17 =	sshrl.u32 s18, $0x3;
	s18 =	simm.s32 $0x7;
	[dreg:$0x8] =	wrdreg s31  }
0x19: {  	s24 =	simm.s32 $0x4;
	s25 =	simm.s32 $0x4E00;
	s26 =	simm.s32 $0x1  }
.LBB2_1:
0x1a: {  	s0 =	rddreg [dreg:$0x9]  }
0x1b: {  	[spmem:s17], [sflag:s6] =	dma.local [hbm:s0], $0xC80  }
0x1c: {  	_ =	swait.ge [sflag:s18], $0xC80  }
0x1d: {  	s1 =	simm.s32 @p0 $0x200;
	[sflag:s18] =	ssyncset.done $0x0  }
0x1e: {  	s0 =	simm.s32 @p0 $0x0;
	s5 =	rddreg [dreg:$0xa];
	[sflag:s18] =	ssyncadd.s32 $0xFFFFF380  }
0x1f: {  	[tilespmem:s1], [sflag:$0x7] =	stream.linear.gather @p0 [hbm4b:s5+s0], $0x1800, $0x38;
	[tilespmem:$0xC600] =	vst v63  }
0x20: {  	s0 =	simm.s32 @p0 $0x7  }
0x21: {  	_ =	swait.ge @p0 [sflag:s0], $0x1800  }
0x22: {  	s1 =	simm.s32 @!p0 $0x200;
	[sflag:s0] =	ssyncset.done @p0 $0x0  }
0x23: {  	s5 =	rddreg [dreg:$0xb];
	[sflag:s0] =	ssyncadd.s32 @p0 $0xFFFFE800;
	s0 =	simm.s32 @!p0 $0x0  }
0x24: {  	[tilespmem:s1], [sflag:$0x7] =	stream.linear.gather @!p0 [hbm4b:s5+s0], $0x3800, $0x38;
	[tilespmem:$0xC600] =	vst v63  }
0x25: {  	s0 =	simm.s32 @!p0 $0x7  }
0x26: {  	_ =	swait.ge @!p0 [sflag:s0], $0x3800  }
0x27: {  	[sflag:s0] =	ssyncset.done @!p0 $0x0  }
0x28: {  	[sflag:s0] =	ssyncadd.s32 @!p0 $0xFFFFC800  }
0x29: {  	[tilespmem:s3], [sflag:$0x3] =	stream.linear.gather [hbm4b:s10+s3], $0x80, $0x38;
	[tilespmem:$0xC600] =	vst v63  }
0x2a: {  	_ = 	snop  }
0x2b: {  	[tilespmem:s19], [sflag:$0x4] =	stream.linear.gather [hbm4b:s11+s3], $0x80, $0x38;
	[tilespmem:$0xC600] =	vst v63  }
0x2c: {  	s20 =	simm.s32 $0x100  }
0x2d: {  	[tilespmem:s20], [sflag:$0x5] =	stream.linear.gather [hbm4b:s12+s3], $0x80, $0x38;
	[tilespmem:$0xC600] =	vst v63  }
0x2e: {  	s21 =	simm.s32 $0x180  }
0x2f: {  	[tilespmem:s21], [sflag:$0x6] =	stream.linear.gather [hbm4b:s13+s3], $0x80, $0x38;
	[tilespmem:$0xC600] =	vst v63  }
0x30: {  	[bflag:$0x0] =	sbarrier.arrive $0xFFFF  }
0x31: {  	_ =	swait.ge [sflag:s22], $0x80  }
0x32: {  	[sflag:s22] =	ssyncset.done $0x0  }
0x33: {  	[sflag:s22] =	ssyncadd.s32 $0xFFFFFF80  }
0x34: {  	[tilespmem:s23], [sflag:$0x1] =	stream.indirect.gather [hbm4b:s4+s19], $0x28, s3, s19, $0xb8;
	[tilespmem:$0xC600] =	vst v63  }
0x35: {  	_ =	swait.ge [sflag:s24], $0x80  }
0x36: {  	s30 =	smov.u32 s16;
	[sflag:s24] =	ssyncset.done $0x0  }
0x37: {  	s31 =	simm.s32 $0x0;
	s1 =	simm.s32 $0x0;
	[sflag:s24] =	ssyncadd.s32 $0xFFFFFF80  }
0x38: {  	[tilespmem:s25], [sflag:$0x2] =	stream.indirect.gather [hbm4b:s4+s19], $0x28, s19, s19, $0xb8;
	[tilespmem:$0xC600] =	vst v63  }
.LBB2_2:
0x39: {  	_ =	swait.ge [sflag:s26], $0x1400  }
0x3a: {  	s0 =	sshra.s32 s1, $0x2;
	[sflag:s26] =	ssyncset.done $0x0  }
0x3b: {  	s20 =	sadd.s32 $0x200, s0;
	[sflag:s26] =	ssyncadd.s32 $0xFFFFEC00  }
0x3c: {  	[spmem:s2] =	stream.indirect.scatter.add.f32 [tilespmem:s23], [sflag:$0x7], $0x28, s20, s19, $0xb8;
	[tilespmem:$0xC600] =	vst v63  }
0x3d: {  	s8 =	sadd.s32 $0x2, s31;
	_ =	swait.ge [sflag:s18], $0x1400  }
0x3e: {  	p1 =	sge.u32 s8, s7;
	[sflag:s18] =	ssyncset.done $0x0  }
0x3f: {  	s20 =	simm.s32 @!p1 $0x5;
	[sflag:s18] =	ssyncadd.s32 $0xFFFFEC00  }
0x40: {  	_ =	swait.ge @!p1 [sflag:s20], $0x80  }
0x41: {  	s21 =	simm.s32 @!p1 $0x80;
	s5 =	simm.s32 @!p1 $0x100;
	[sflag:s20] =	ssyncset.done @!p1 $0x0  }
0x42: {  	s8 =	simm.s32 @!p1 $0x3A00;
	s9 =	rddreg [dreg:$0x4];
	[sflag:s20] =	ssyncadd.s32 @!p1 $0xFFFFFF80  }
0x43: {  	[tilespmem:s8], [sflag:$0x1] =	stream.indirect.gather @!p1 [hbm4b:s4+s21], $0x28, s5, s21, $0xb8;
	[tilespmem:$0xC600] =	vst v63  }
0x44: {  	p1 =	sge.u32 s31, s9  }
0x45: {  	s5 =	sadd.s32 @!p1 $0xFFFFFFD0, s30;
	s8 =	simm.s32 @!p1 $0x0  }
0x46: {  	[tilespmem:s8], [sflag:$0x3] =	stream.linear.gather @!p1 [hbm4b:s5+s8], $0x80, $0x38;
	[tilespmem:$0xC600] =	vst v63  }
0x47: {  	_ =	swait.ge [sflag:s28], $0x1400  }
0x48: {  	[sflag:s28] =	ssyncset.done $0x0  }
0x49: {  	s9 =	sadd.s32 $0x280, s0;
	[sflag:s28] =	ssyncadd.s32 $0xFFFFEC00  }
0x4a: {  	[spmem:s2] =	stream.indirect.scatter.add.f32 [tilespmem:s25], [sflag:$0x7], $0x28, s9, s19, $0xb8;
	[tilespmem:$0xC600] =	vst v63  }
0x4b: {  	s20 =	sadd.s32 $0x3, s31;
	_ =	swait.ge [sflag:s18], $0x1400  }
0x4c: {  	p2 =	sge.u32 s20, s7;
	[sflag:s18] =	ssyncset.done $0x0  }
0x4d: {  	s5 =	simm.s32 @!p2 $0x6;
	[sflag:s18] =	ssyncadd.s32 $0xFFFFEC00  }
0x4e: {  	_ =	swait.ge @!p2 [sflag:s5], $0x80  }
0x4f: {  	s20 =	simm.s32 @!p2 $0x80;
	s21 =	simm.s32 @!p2 $0x180;
	[sflag:s5] =	ssyncset.done @!p2 $0x0  }
0x50: {  	s9 =	simm.s32 @!p2 $0x4E00;
	[sflag:s5] =	ssyncadd.s32 @!p2 $0xFFFFFF80;
	s5 =	rddreg [dreg:$0x5]  }
0x51: {  	[tilespmem:s9], [sflag:$0x2] =	stream.indirect.gather @!p2 [hbm4b:s4+s20], $0x28, s21, s20, $0xb8;
	[tilespmem:$0xC600] =	vst v63  }
0x52: {  	p2 =	sge.u32 s31, s5  }
0x53: {  	s5 =	sadd.s32 @!p2 $0xFFFFFFE0, s30;
	s9 =	simm.s32 @!p2 $0x0;
	s20 =	simm.s32 @!p2 $0x80  }
0x54: {  	[tilespmem:s20], [sflag:$0x4] =	stream.linear.gather @!p2 [hbm4b:s5+s9], $0x80, $0x38;
	[tilespmem:$0xC600] =	vst v63  }
0x55: {  	_ =	swait.ge [sflag:s26], $0x1400  }
0x56: {  	[sflag:s26] =	ssyncset.done $0x0  }
0x57: {  	s21 =	sadd.s32 $0x300, s0;
	[sflag:s26] =	ssyncadd.s32 $0xFFFFEC00  }
0x58: {  	[spmem:s2] =	stream.indirect.scatter.add.f32 [tilespmem:s23], [sflag:$0x7], $0x28, s21, s19, $0xb8;
	[tilespmem:$0xC600] =	vst v63  }
0x59: {  	_ =	swait.ge [sflag:s18], $0x1400  }
0x5a: {  	[sflag:s18] =	ssyncset.done $0x0  }
0x5b: {  	s5 =	simm.s32 @!p1 $0x3;
	[sflag:s18] =	ssyncadd.s32 $0xFFFFEC00  }
0x5c: {  	_ =	swait.ge @!p1 [sflag:s5], $0x80  }
0x5d: {  	s21 =	simm.s32 @!p1 $0x3A00;
	[sflag:s5] =	ssyncset.done @!p1 $0x0  }
0x5e: {  	s9 =	rddreg [dreg:$0x6];
	[sflag:s5] =	ssyncadd.s32 @!p1 $0xFFFFFF80;
	s5 =	simm.s32 @!p1 $0x80  }
0x5f: {  	[tilespmem:s21], [sflag:$0x1] =	stream.indirect.gather @!p1 [hbm4b:s4+s5], $0x28, s8, s5, $0xb8;
	[tilespmem:$0xC600] =	vst v63  }
0x60: {  	p1 =	sge.u32 s31, s9  }
0x61: {  	s5 =	sadd.s32 @!p1 $0xFFFFFFF0, s30;
	s8 =	simm.s32 @!p1 $0x0;
	s9 =	simm.s32 @!p1 $0x100  }
0x62: {  	[tilespmem:s9], [sflag:$0x5] =	stream.linear.gather @!p1 [hbm4b:s5+s8], $0x80, $0x38;
	[tilespmem:$0xC600] =	vst v63  }
0x63: {  	_ =	swait.ge [sflag:s28], $0x1400  }
0x64: {  	[sflag:s28] =	ssyncset.done $0x0  }
0x65: {  	s0 =	sadd.s32 $0x380, s0;
	[sflag:s28] =	ssyncadd.s32 $0xFFFFEC00  }
0x66: {  	[spmem:s2] =	stream.indirect.scatter.add.f32 [tilespmem:s25], [sflag:$0x7], $0x28, s0, s19, $0xb8;
	[tilespmem:$0xC600] =	vst v63  }
0x67: {  	_ =	swait.ge [sflag:s18], $0x1400  }
0x68: {  	[sflag:s18] =	ssyncset.done $0x0  }
0x69: {  	s0 =	simm.s32 @!p2 $0x4;
	[sflag:s18] =	ssyncadd.s32 $0xFFFFEC00  }
0x6a: {  	_ =	swait.ge @!p2 [sflag:s0], $0x80  }
0x6b: {  	s1 =	sadd.s32 $0x800, s1;
	[sflag:s0] =	ssyncset.done @!p2 $0x0;
	s9 =	rddreg [dreg:$0x7]  }
0x6c: {  	[sflag:s0] =	ssyncadd.s32 @!p2 $0xFFFFFF80;
	s0 =	simm.s32 @!p2 $0x4E00;
	p1 =	sge.u32 s31, s9  }
0x6d: {  	[tilespmem:s0], [sflag:$0x2] =	stream.indirect.gather @!p2 [hbm4b:s4+s20], $0x28, s20, s20, $0xb8;
	[tilespmem:$0xC600] =	vst v63  }
0x6e: {  	s21 =	rddreg [dreg:$0x8];
	s0 =	simm.s32 @!p1 $0x0;
	s5 =	simm.s32 @!p1 $0x180  }
0x6f: {  	[tilespmem:s5], [sflag:$0x6] =	stream.linear.gather @!p1 [hbm4b:s30+s0], $0x80, $0x38;
	[tilespmem:$0xC600] =	vst v63  }
0x70: {  	p1 =	sne.s32 s21, s1  }
.Ltmp0:
0x71: {  	_ = 	snop;
	(pc) =	sbr.rel @p1 .LBB2_2-.Ltmp0, $2  }
0x72: {  	_ =	sdelay $0x2  }
0x73: {  	s31 =	sadd.s32 $0x4, s31;
	s30 =	sadd.s32 $0x40, s30  }
0x74: {  	s29 =	sadd.s32 $0x1, s29  }
0x75: {  	p1 =	sne.s32 s29, s15  }
.Ltmp1:
0x76: {  	[bflag:$0x0] =	sbarrier.arrive $0xFFFF;
	(pc) =	sbr.rel @p1 .LBB2_1-.Ltmp1, $4  }
0x77: {  	[hbm:s14], [sflag:s6] =	dma.local [spmem:s17], $0xC80  }
0x78: {  	_ =	swait.ge [sflag:s18], $0xC80  }
0x79: {  	[sflag:s18] =	ssyncset.done $0x0  }
0x7a: {  	[sflag:s18] =	ssyncadd.s32 $0xFFFFF380  }
0x7b: {  	_ =	sfence.sel $0x180000  }
0x7c: {  	[bflag:$0x0] =	sbarrier.arrive $0xFFFF  }
0x7d: {  	_ =	strace $0x9000004D  }
0x7e: {  	s0 =	stileid.u32;
	[bflag:$0x2] =	sbarrier.arrive $0xFFFF  }
0x7f: {  	p0 =	sne.s32 s0, $0x0;
	s0 =	rddreg [dreg:$0x3]  }
0x80: {  	s0 =	sadd.s32 @!p0 $0x100000, s0  }
0x81: {  	[sflag:s0] =	ssyncadd.tile.s32 @!p0 $0x1;
	_ =	shalt  }
.Lfunc_end2:
_tile_overlayer_lowered:
.L_overlay_start_2:
0x82: {  	(tag) =	ssettag $0x2  }
0x83: {  	s0 =	rddreg [dreg:$0x0];
	s2 =	stileid.u32  }
0x84: {  	s1 =	rddreg [dreg:$0x1];
	p0 =	sne.s32 s2, $0x0  }
0x85: {  	s3 =	rddreg [dreg:$0x2];
	[bflag:$0x3] =	sbarrier.arrive $0xFFFF;
	s2 =	simm.s32 @!p0 $0x1C07  }
0x86: {  	[timem:s3], [sflag:s2] =	dma.local @!p0 [hbm:s0], s1  }
0x87: {  	s0 =	simm.s32 @!p0 $0x7  }
0x88: {  	_ =	swait.ge @!p0 [sflag:s0], s1  }
0x89: {  	s1 =	ssub.s32 @!p0 $0x0, s1;
	[sflag:s0] =	ssyncset.done @!p0 $0x0  }
0x8a: {  	[sflag:s0] =	ssyncadd.s32 @!p0 s1  }
0x8b: {  	[bflag:$0x3] =	sbarrier.arrive $0xFFFF  }
0x8c: {  	_ =	shalt  }

// kernel: kernel.8.cloned.1.call-start
scs
__scs_entry_jumppad:
0x0: {  	(pc) =	sbr.rel $0x88, $3  }
0x1: {  	(tag) =	ssettag $0x0;
	lr =	simm.s32 $0x1  }
0x2: {  	[smem:$0x3F9B] =	sst lr;
	_ =	strace $0xD0000000  }
0x3: {  	_ = 	snop  }
0x4: {  	_ = 	snop  }
0x5: {  	_ = 	snop  }
0x6: {  	_ = 	snop  }
0x7: {  	_ = 	snop  }
__scs_overlays_trampoline_lowered:
0x8: {  	[smem:$0x3FAA] =	sst s0  }
0x9: {  	[smem:$0x3FAB] =	sst s1  }
0xa: {  	[smem:$0x3FAC] =	sst s2  }
0xb: {  	[smem:$0x3FAD] =	sst s3  }
0xc: {  	[smem:$0x3FAE] =	sst s4  }
0xd: {  	[smem:$0x3FAF] =	sst s5  }
0xe: {  	[smem:$0x3FB0] =	sst s6  }
0xf: {  	[smem:$0x3FB1] =	sst s7  }
0x10: {  	[smem:$0x3FB2] =	sst s8  }
0x11: {  	[smem:$0x3FB3] =	sst s9;
	s0 =	simm.s32 @!p0 $0x0  }
0x12: {  	s1 =	sld [smem:$0x3F99];
	s0 =	simm.s32 @p0 $0x1  }
0x13: {  	[smem:$0x3FB4] =	sst s0;
	s0 =	simm.s32 @!p1 $0x0  }
0x14: {  	s2 =	sld [smem:$0x3F98];
	s0 =	simm.s32 @p1 $0x1  }
0x15: {  	[smem:$0x3FB5] =	sst s0;
	s0 =	simm.s32 @!p2 $0x0  }
0x16: {  	s3 =	sld [smem:$0x3FDB];
	s0 =	simm.s32 @p2 $0x1  }
0x17: {  	s4 =	simm.s32 $0x1BF5;
	[smem:$0x3FB7] =	sst s0  }
0x18: {  	s0 =	sld [smem:$0x3F9A];
	_ =	swait.ge [sflag:s4], $0x0  }
0x19: {  	s7 =	sld [smem:$0x3F9B]  }
0x1a: {  	s8 =	sadd.s32 $0xFFFFE003, lr  }
0x1b: {  	s9 =	sadd.s32 $0xFFFFFEF7, lr;
	s5 =	simm.s32 $0xFFFFFFFF;
	p2 =	slt.u32 s8, $0xFFFFF086  }
0x1c: {  	p1 =	slt.u32 s9, $0xF7A;
	s5 =	simm.s32 @!p2 $0x0  }
0x1d: {  	s5 =	simm.s32 @p1 $0x1;
	p0 =	seq.s32 s7, s2  }
0x1e: {  	s7 =	smul.u32 @!p0 $0xF7A, s2;
	p2 =	seq.s32 @!p0 s5, $0x0  }
0x1f: {  	s9 =	smul.u32 $0xF7A, s1;
	s8 =	simm.s32 @!p0 $0x1BF5;
	p2 =	por !p2, p0  }
0x20: {  	[sflag:s8] =	ssyncset.s32 @!p0 $0xFFFFF086;
	s6 =	sadd.s32 @!p0 s3, s7;
	s7 =	simm.s32 @!p0 $0x108  }
0x21: {  	s3 =	sadd.s32 s3, s9;
	s6 =	sadd.s32 @!p0 $0x88, s6;
	s7 =	simm.s32 @p2 $0x1082  }
0x22: {  	[simem:s7], [sflag:s8] =	dma.local @!p0 [hbm:s6], $0xF7A  }
0x23: {  	s9 =	sor.u32 $0xD0000000, s2;
	s6 =	simm.s32 $0x108;
	_ =	swait.ge @!p0 [sflag:s8], $0x0  }
0x24: {  	s3 =	sadd.s32 $0x88, s3;
	s6 =	simm.s32 @!p1 $0x1082;
	[sflag:s4] =	ssyncset.s32 $0xFFFFF086  }
0x25: {  	[simem:s6], [sflag:s4] =	dma.local [hbm:s3], $0xF7A  }
0x26: {  	[smem:$0x3F9B] =	sst s1;
	(tag) =	ssettag s2;
	_ =	strace s9  }
0x27: {  	s1 =	sld [smem:$0x3FAB]  }
0x28: {  	s2 =	sld [smem:$0x3FAC]  }
0x29: {  	s4 =	sld [smem:$0x3FAE]  }
0x2a: {  	p0 =	seq.s32 s5, $0x0;
	s5 =	sld [smem:$0x3FAF]  }
0x2b: {  	s6 =	sld [smem:$0x3FB0]  }
0x2c: {  	s7 =	sld [smem:$0x3FB1]  }
0x2d: {  	s3 =	simm.s32 $0x108;
	s8 =	sld [smem:$0x3FB2]  }
0x2e: {  	s3 =	simm.s32 @!p0 $0x1082;
	s9 =	sld [smem:$0x3FB3]  }
0x2f: {  	lr =	sadd.s32 s0, s3;
	s0 =	sld [smem:$0x3FAA]  }
0x30: {  	s3 =	sld [smem:$0x3FAD]  }
0x31: {  	[smem:$0x3FB6] =	sst s10  }
0x32: {  	s10 =	sld [smem:$0x3FB4];
	_ =	sdelay $0x3  }
0x33: {  	p0 =	seq.s32 s10, $0x1;
	s10 =	sld [smem:$0x3FB6];
	_ =	sdelay $0x3  }
0x34: {  	[smem:$0x3FB6] =	sst s10  }
0x35: {  	s10 =	sld [smem:$0x3FB5];
	_ =	sdelay $0x3  }
0x36: {  	p1 =	seq.s32 s10, $0x1;
	s10 =	sld [smem:$0x3FB6];
	_ =	sdelay $0x3  }
0x37: {  	[smem:$0x3FB6] =	sst s10  }
0x38: {  	s10 =	sld [smem:$0x3FB7]  }
0x39: {  	_ = 	snop;
	(pc) =	sbr.ind lr, $3  }
0x3a: {  	_ = 	snop  }
0x3b: {  	_ = 	snop  }
0x3c: {  	p2 =	seq.s32 s10, $0x1;
	s10 =	sld [smem:$0x3FB6]  }
0x3d: {  	_ =	shalt  }
0x3e: {  	_ =	shalt  }
0x3f: {  	_ =	shalt  }
0x40: {  	_ =	shalt  }
0x41: {  	_ =	shalt  }
0x42: {  	_ =	shalt  }
0x43: {  	_ =	shalt  }
0x44: {  	_ =	shalt  }
0x45: {  	_ =	shalt  }
0x46: {  	_ =	shalt  }
0x47: {  	_ =	shalt  }
0x48: {  	_ =	shalt  }
0x49: {  	_ =	shalt  }
0x4a: {  	_ =	shalt  }
0x4b: {  	_ =	shalt  }
0x4c: {  	_ =	shalt  }
0x4d: {  	_ =	shalt  }
0x4e: {  	_ =	shalt  }
0x4f: {  	_ =	shalt  }
0x50: {  	_ =	shalt  }
0x51: {  	_ =	shalt  }
0x52: {  	_ =	shalt  }
0x53: {  	_ =	shalt  }
0x54: {  	_ =	shalt  }
0x55: {  	_ =	shalt  }
0x56: {  	_ =	shalt  }
0x57: {  	_ =	shalt  }
0x58: {  	_ =	shalt  }
0x59: {  	_ =	shalt  }
0x5a: {  	_ =	shalt  }
0x5b: {  	_ =	shalt  }
0x5c: {  	_ =	shalt  }
0x5d: {  	_ =	shalt  }
0x5e: {  	_ =	shalt  }
0x5f: {  	_ =	shalt  }
0x60: {  	_ =	shalt  }
0x61: {  	_ =	shalt  }
0x62: {  	_ =	shalt  }
0x63: {  	_ =	shalt  }
0x64: {  	_ =	shalt  }
0x65: {  	_ =	shalt  }
0x66: {  	_ =	shalt  }
0x67: {  	_ =	shalt  }
0x68: {  	_ =	shalt  }
0x69: {  	_ =	shalt  }
0x6a: {  	_ =	shalt  }
0x6b: {  	_ =	shalt  }
0x6c: {  	_ =	shalt  }
0x6d: {  	_ =	shalt  }
0x6e: {  	_ =	shalt  }
0x6f: {  	_ =	shalt  }
0x70: {  	_ =	shalt  }
0x71: {  	_ =	shalt  }
0x72: {  	_ =	shalt  }
0x73: {  	_ =	shalt  }
0x74: {  	_ =	shalt  }
0x75: {  	_ =	shalt  }
0x76: {  	_ =	shalt  }
0x77: {  	_ =	shalt  }
0x78: {  	_ =	shalt  }
0x79: {  	_ =	shalt  }
0x7a: {  	_ =	shalt  }
0x7b: {  	_ =	shalt  }
0x7c: {  	_ =	shalt  }
0x7d: {  	_ =	shalt  }
0x7e: {  	_ =	shalt  }
0x7f: {  	_ =	shalt  }
0x80: {  	_ =	shalt  }
0x81: {  	_ =	shalt  }
0x82: {  	_ =	shalt  }
0x83: {  	_ =	shalt  }
0x84: {  	_ =	shalt  }
0x85: {  	_ =	shalt  }
0x86: {  	_ =	shalt  }
0x87: {  	_ =	shalt  }
.Lfunc_end0:
.L_simem_size_0:
called_computation_lowered:
.L_overlay_start_0:
0x88: {  	s2 =	sld [smem:$0x3FD9]  }
0x89: {  	s3 =	sld [smem:$0x3FFE];
	_ =	sdelay $0x1  }
0x8a: {  	s1 =	srdreg.scid  }
0x8b: {  	s0 =	sand.u32 $0x1, s1  }
0x8c: {  	s17 =	sshll.u32 s0, $0xA;
	s2 =	sadd.s32 s3, s2  }
0x8d: {  	s2 =	sadd.s32 s2, s17  }
0x8e: {  	[smem:$0x3FC2] =	sst s2  }
0x8f: {  	_ = 	snop  }
0x90: {  	s2 =	sld [smem:$0x3FD0];
	(tm) =	ssettm $0x1  }
0x91: {  	s18 =	sld [smem:$0x3FFB];
	_ =	sdelay $0x3  }
0x92: {  	_ =	strace s18  }
0x93: {  	s3 =	sld [smem:$0x3FFC];
	_ =	sdelay $0x3  }
0x94: {  	_ =	strace s3  }
0x95: {  	s3 =	sld [smem:$0x3FFD];
	_ =	sdelay $0x3  }
0x96: {  	_ =	strace s3  }
0x97: {  	_ =	strace $0x8FFFFFFF  }
0x98: {  	s19 =	sld [smem:$0x3FDB];
	_ =	sdelay $0x1  }
0x99: {  	s4 =	simm.s32 $_scs_section_size  }
0x9a: {  	s5 =	simm.s32 $_size__tile_overlayer_lowered;
	s6 =	simm.s32 $_tile_overlayer_lowered  }
0x9b: {  	s22 =	simm.s32 $0x1BFF;
	s21 =	sshll.u32 s6, $0x1;
	s3 =	sadd.s32 s4, s19  }
0x9c: {  	s7 =	simm.s32 $0x0;
	s20 =	sshll.u32 s5, $0x1;
	s5 =	sadd.s32 s21, s3  }
0x9d: {  	[timem:s7], [sflag:s22] =	dma.local [hbm:s5], s20  }
0x9e: {  	_ =	swait.ge [sflag:s22], s20  }
0x9f: {  	s4 =	ssub.s32 $0x0, s20;
	[sflag:s22] =	ssyncset.done $0x0  }
0xa0: {  	[sflag:s22] =	ssyncadd.s32 s4;
	_ =	sdelay $0x1  }
0xa1: {  	s23 =	simm.s32 $0x1B8B  }
0xa2: {  	_ =	swait.ge [sflag:s23], $0x1  }
0xa3: {  	[sflag:s23] =	ssyncset.done $0x0  }
0xa4: {  	s25 =	simm.s32 $0x1B8E;
	s24 =	sld [smem:$0x3FFE];
	[sflag:s23] =	ssyncadd.s32 $0xFFFFFFFF  }
0xa5: {  	s26 =	simm.s32 $execute0_lowered;
	[smem:$0x3FD2] =	sst s25  }
0xa6: {  	s5 =	sshll.u32 s26, $0x1;
	_ =	strace $0x80000046;
	[dreg:$0x1] =	wrdreg $0xFFFFFFFF  }
0xa7: {  	s28 =	simm.s32 $_size_execute0_lowered;
	s3 =	sadd.s32 s3, s5;
	[dreg:$0x0] =	wrdreg $0x0  }
0xa8: {  	s5 =	sshll.u32 s28, $0x1;
	[dreg:$0x2] =	wrdreg s3  }
0xa9: {  	[dreg:$0x3] =	wrdreg s5  }
0xaa: {  	[dreg:$0x4] =	wrdreg $0xC0  }
0xab: {  	_ =	task [dreg:s7], $0x5FFFF  }
0xac: {  	[dreg:$0x1] =	wrdreg $0xFFFFFFFF  }
0xad: {  	[dreg:$0x0] =	wrdreg $0x60  }
0xae: {  	[dreg:$0x2] =	wrdreg s24  }
0xaf: {  	[dreg:$0x3] =	wrdreg s2  }
0xb0: {  	[dreg:$0x4] =	wrdreg $0x50800  }
0xb1: {  	[dreg:$0x5] =	wrdreg $0x53000  }
0xb2: {  	[dreg:$0x6] =	wrdreg $0x9  }
0xb3: {  	_ =	task.clear_ibuf [dreg:s7], $0x7FFFF;
	_ =	strace $0x90000046  }
0xb4: {  	s29 =	simm.s32 $0x9;
	_ =	strace $0x80000048  }
0xb5: {  	_ =	swait.ge [sflag:s29], $0x1  }
0xb6: {  	[sflag:s29] =	ssyncadd.s32 $0xFFFFFFFF  }
0xb7: {  	_ =	strace $0x90000048  }
0xb8: {  	_ =	sfence  }
0xb9: {  	s30 =	sld [smem:$0x0];
	_ =	sdelay $0x2  }
0xba: {  	s31 =	sshll.u32 s1, $0xD;
	s1 =	sshrl.u32 s1, $0x2  }
0xbb: {  	s3 =	sand.u32 $0x4000, s31;
	s1 =	sadd.s32 s1, s30  }
0xbc: {  	s0 =	sor.u32 s3, s0;
	s1 =	sshll.u32 s1, $0x11  }
0xbd: {  	s0 =	sor.u32 s1, s0  }
0xbe: {  	s0 =	sadd.s32 $0x8F2B, s0  }
0xbf: {  	[sflag:s0] =	ssyncadd.remote.s32 $0x1  }
0xc0: {  	_ =	sfence.sel $0xFFFF  }
0xc1: {  	[dreg:$0x0] =	wrdreg $0xFFFFFFFF;
	(pc) =	sbr.abs _section_cstart, $3  }
0xc2: {  	[dreg:$0x1] =	wrdreg $0xFFFFFFFF  }
0xc3: {  	_ =	task.clear_ibuf [dreg:s7], $0x2FFFF;
	_ =	strace $0x9FFFFFFF  }
0xc4: {  	(tm) =	ssettm $0x7FFFFFFF  }
0xc5: {  	_ =	shalt  }
tec
execute0_lowered:
.L_overlay_start_1:
0x0: {  	(tag) =	ssettag $0x1  }
0x1: {  	s5 =	rddreg [dreg:$0x0]  }
0x2: {  	s8 =	rddreg [dreg:$0x1]  }
0x3: {  	s2 =	rddreg [dreg:$0x2]  }
0x4: {  	s3 =	rddreg [dreg:$0x3];
	s4 =	srdreg.scid  }
0x5: {  	s1 =	stileid.u32;
	s0 =	rddreg [dreg:$0x4];
	s18 =	simm.s32 $0x20  }
0x6: {  	s19 =	simm.s32 $0x10;
	s20 =	simm.s32 $0x0;
	s6 =	sand.u32 $0x1, s4  }
0x7: {  	s7 =	sshll.u32 s1, $0x1;
	s4 =	simm.s32 $0x0;
	s9 =	smul.u32 $0x280, s1  }
0x8: {  	s14 =	sadd.s32 $0xC800, s5;
	s26 =	smul.u32 $0x500, s1;
	s16 =	sshll.u32 s1, $0x6  }
0x9: {  	s7 =	sor.u32 s6, s7;
	[smem:$0x7FF] =	sst s4;
	s11 =	ssub.s32 $0x2, s6  }
0xa: {  	s17 =	sshll.u32 s6, $0x7;
	s6 =	sor.u32 $0x1C01, s16;
	s16 =	simm.s32 $0x80  }
0xb: {  	s10 =	smul.u32 $0x500, s7;
	_ =	strace $0x80000047;
	s25 =	sshrl.u32 s9, $0x3  }
0xc: {  	s13 =	sshrl.u32 s11, $0x1;
	s15 =	sadd.s32 s9, s2;
	s28 =	sadd.s32 s9, s3  }
0xd: {  	s7 =	sadd.s32 s25, s5;
	s11 =	ssub.s32 s11, s13;
	s13 =	sor.u32 s17, s26  }
0xe: {  	s17 =	simm.s32 $0x5000;
	s12 =	sadd.s32 s10, s5;
	s5 =	sadd.s32 $0xC200, s7  }
0xf: {  	s29 =	sadd.s32 $0x5000, s13;
	s8 =	sadd.s32 s8, s10;
	s30 =	sshrl.u32 s13, $0x3  }
0x10: {  	s11 =	smax.u32 s11, $0x1;
	s13 =	simm.s32 $0x1;
	s7 =	sadd.s32 $0x2200, s12  }
0x11: {  	s31 =	sshrl.u32 s29, $0x3;
	s9 =	sadd.s32 s14, s30;
	s12 =	sshrl.u32 s15, $0x3  }
0x12: {  	v0 =	vimm.f32 $1.000000000e+00;
	s15 =	simm.s32 $0x2800;
	s10 =	sadd.s32 s14, s31;
	s14 =	sshrl.u32 s28, $0x3  }
.LBB2_1:
0x13: {  	[tilespmem:$0x5000] =	vst v0  }
0x14: {  	[tilespmem:$0x5010] =	vst v0  }
0x15: {  	[tilespmem:$0x5020] =	vst v0  }
0x16: {  	[tilespmem:$0x5030] =	vst v0  }
0x17: {  	[tilespmem:$0x5040] =	vst v0  }
0x18: {  	[tilespmem:$0x5050] =	vst v0  }
0x19: {  	[tilespmem:$0x5060] =	vst v0  }
0x1a: {  	[tilespmem:$0x5070] =	vst v0  }
0x1b: {  	[spmem:s12], [sflag:s6] =	dma.local [hbm:s5], $0x50  }
0x1c: {  	_ =	swait.ge [sflag:s13], $0x50  }
0x1d: {  	[sflag:s13] =	ssyncset.done $0x0  }
0x1e: {  	[sflag:s13] =	ssyncadd.s32 $0xFFFFFFB0  }
0x1f: {  	[spmem:s14], [sflag:s6] =	dma.local [hbm:s5], $0x50  }
0x20: {  	_ =	swait.ge [sflag:s13], $0x50  }
0x21: {  	[sflag:s13] =	ssyncset.done $0x0  }
0x22: {  	[sflag:s13] =	ssyncadd.s32 $0xFFFFFFB0  }
0x23: {  	[tilespmem:s4], [sflag:$0x1] =	stream.linear.gather [hbm4b:s7+s4], $0x2800, $0x38;
	[tilespmem:$0x5580] =	vst v63  }
0x24: {  	_ =	swait.ge [sflag:s13], $0x2800  }
0x25: {  	[sflag:s13] =	ssyncset.done $0x0  }
0x26: {  	[sflag:s13] =	ssyncadd.s32 $0xFFFFD800  }
0x27: {  	[tilespmem:s15], [sflag:$0x1] =	stream.linear.gather [hbm4b:s8+s4], $0x2800, $0x38;
	[tilespmem:$0x5580] =	vst v63  }
0x28: {  	_ =	swait.ge [sflag:s13], $0x2800  }
0x29: {  	[sflag:s13] =	ssyncset.done $0x0  }
0x2a: {  	[sflag:s13] =	ssyncadd.s32 $0xFFFFD800  }
0x2b: {  	s21 =	simm.s32 $0x0;
	[bflag:$0x0] =	sbarrier.arrive $0xFFFF  }
0x2c: {  	[spmem:s2] =	stream.indirect.scatter.add.f32 [tilespmem:s17], [sflag:$0x1], $0x1, s21, s16, $0xb8;
	[tilespmem:$0x5580] =	vst v63  }
0x2d: {  	_ =	swait.ge [sflag:s13], $0x80  }
0x2e: {  	[sflag:s13] =	ssyncset.done $0x0  }
0x2f: {  	s31 =	simm.s32 $0x2800;
	[sflag:s13] =	ssyncadd.s32 $0xFFFFFF80  }
0x30: {  	[spmem:s3] =	stream.indirect.scatter.add.f32 [tilespmem:s17], [sflag:$0x1], $0x1, s31, s16, $0xb8;
	[tilespmem:$0x5580] =	vst v63  }
0x31: {  	_ =	swait.ge [sflag:s13], $0x80  }
0x32: {  	s22 =	simm.s32 $0x400;
	s21 =	simm.s32 $0x200;
	[sflag:s13] =	ssyncset.done $0x0  }
.LBB2_2:
0x33: {  	s23 =	sshra.s32 s21, $0x2  }
0x34: {  	[sflag:s13] =	ssyncadd.s32 $0xFFFFFF80;
	s21 =	smov.u32 s22;
	s24 =	sadd.s32 $0x200, s22  }
0x35: {  	[spmem:s2] =	stream.indirect.scatter.add.f32 [tilespmem:s17], [sflag:$0x1], $0x1, s23, s16, $0xb8;
	[tilespmem:$0x5580] =	vst v63  }
0x36: {  	p0 =	sne.s32 s22, $0x9E00;
	_ =	swait.ge [sflag:s13], $0x80  }
.Ltmp0:
0x37: {  	[sflag:s13] =	ssyncset.done $0x0;
	(pc) =	sbr.rel @p0 .LBB2_2-.Ltmp0, $4  }
0x38: {  	s22 =	sadd.s32 $0x2800, s23;
	[sflag:s13] =	ssyncadd.s32 $0xFFFFFF80  }
0x39: {  	[spmem:s3] =	stream.indirect.scatter.add.f32 [tilespmem:s17], [sflag:$0x1], $0x1, s22, s16, $0xb8;
	[tilespmem:$0x5580] =	vst v63  }
0x3a: {  	_ =	swait.ge [sflag:s13], $0x80  }
0x3b: {  	s22 =	smov.u32 s24;
	[sflag:s13] =	ssyncset.done $0x0  }
0x3c: {  	s21 =	sshra.s32 s21, $0x2;
	[sflag:s13] =	ssyncadd.s32 $0xFFFFFF80  }
0x3d: {  	[spmem:s2] =	stream.indirect.scatter.add.f32 [tilespmem:s17], [sflag:$0x1], $0x1, s21, s16, $0xb8;
	[tilespmem:$0x5580] =	vst v63  }
0x3e: {  	_ =	swait.ge [sflag:s13], $0x80  }
0x3f: {  	[sflag:s13] =	ssyncset.done $0x0  }
0x40: {  	s21 =	sadd.s32 $0x2800, s21;
	[sflag:s13] =	ssyncadd.s32 $0xFFFFFF80  }
0x41: {  	[spmem:s3] =	stream.indirect.scatter.add.f32 [tilespmem:s17], [sflag:$0x1], $0x1, s21, s16, $0xb8;
	[tilespmem:$0x5580] =	vst v63  }
0x42: {  	_ =	swait.ge [sflag:s13], $0x80  }
0x43: {  	[sflag:s13] =	ssyncset.done $0x0  }
0x44: {  	[sflag:s13] =	ssyncadd.s32 $0xFFFFFF80  }
0x45: {  	[bflag:$0x0] =	sbarrier.arrive $0xFFFF  }
0x46: {  	[hbm:s9@s18], [sflag:s6] =	dma.strided [spmem:s12@s19], $0x50, s13, $0x10   }
0x47: {  	s20 =	sadd.s32 $0x1, s20;
	_ =	swait.ge [sflag:s13], $0x50  }
0x48: {  	p0 =	sne.s32 s20, s11;
	[sflag:s13] =	ssyncset.done $0x0  }
.Ltmp1:
0x49: {  	[sflag:s13] =	ssyncadd.s32 $0xFFFFFFB0;
	(pc) =	sbr.rel @p0 .LBB2_1-.Ltmp1, $4  }
0x4a: {  	[hbm:s10@s18], [sflag:s6] =	dma.strided [spmem:s14@s19], $0x50, s13, $0x10   }
0x4b: {  	_ =	swait.ge [sflag:s13], $0x50  }
0x4c: {  	[sflag:s13] =	ssyncset.done $0x0  }
0x4d: {  	[sflag:s13] =	ssyncadd.s32 $0xFFFFFFB0  }
0x4e: {  	_ =	sfence.sel $0x180000  }
0x4f: {  	[bflag:$0x0] =	sbarrier.arrive $0xFFFF  }
0x50: {  	p0 =	sne.s32 s1, $0x0;
	_ =	strace $0x90000047  }
0x51: {  	s0 =	sadd.s32 @!p0 $0x100000, s0;
	[bflag:$0x2] =	sbarrier.arrive $0xFFFF  }
0x52: {  	[sflag:s0] =	ssyncadd.tile.s32 @!p0 $0x1;
	_ =	shalt  }
.Lfunc_end2:
_tile_overlayer_lowered:
.L_overlay_start_2:
0x53: {  	(tag) =	ssettag $0x2  }
0x54: {  	s0 =	rddreg [dreg:$0x0];
	s2 =	stileid.u32  }
0x55: {  	s1 =	rddreg [dreg:$0x1];
	p0 =	sne.s32 s2, $0x0  }
0x56: {  	s3 =	rddreg [dreg:$0x2];
	[bflag:$0x3] =	sbarrier.arrive $0xFFFF;
	s2 =	simm.s32 @!p0 $0x1C01  }
0x57: {  	[timem:s3], [sflag:s2] =	dma.local @!p0 [hbm:s0], s1  }
0x58: {  	s0 =	simm.s32 @!p0 $0x1  }
0x59: {  	_ =	swait.ge @!p0 [sflag:s0], s1  }
0x5a: {  	s1 =	ssub.s32 @!p0 $0x0, s1;
	[sflag:s0] =	ssyncset.done @!p0 $0x0  }
0x5b: {  	[sflag:s0] =	ssyncadd.s32 @!p0 s1  }
0x5c: {  	[bflag:$0x3] =	sbarrier.arrive $0xFFFF  }
0x5d: {  	_ =	shalt  }

</sc_bundles>
